<compile_context>
chip_gen: v7x
topology: tpu7x:2x2x1
jax: 0.10.2.dev20260603
libtpu: 0.0.44.dev20260713+nightly
codegen_flags: <defaults>
</compile_context>

<pallas_src>
import functools
import math

import jax
import jax.numpy as jnp
from jax import lax
from jax.experimental import pallas as pl
from jax.experimental.pallas import tpu as pltpu
from jax.experimental.pallas import tpu_sc as plsc

VOCAB = 1000000
D = 64
B = 4096
L = 200
N = B * L
DPAD = 128

NC = 2
NS = 16
NW = NC * NS
CHUNK = 128
N_CHUNKS = L
NBUF = 4
TPITCH = 133

SCALE = math.sqrt(D)


TBLK = 4096


def _tpose_body(t_ref, o_ref):
    t = t_ref[...].T
    o_ref[...] = jnp.concatenate([t, t], axis=1)


def _table_pad_transpose(table_t):
    return pl.pallas_call(
        _tpose_body,
        grid=((VOCAB + TBLK - 1) // TBLK,),
        in_specs=[pl.BlockSpec((D, TBLK), lambda i: (0, i))],
        out_specs=pl.BlockSpec((TBLK, DPAD), lambda i: (i, 0)),
        out_shape=jax.ShapeDtypeStruct((VOCAB, DPAD), jnp.float32),
    )(table_t)



_mesh = plsc.VectorSubcoreMesh(core_axis_name="c", subcore_axis_name="s")


@functools.partial(
    pl.kernel,
    mesh=_mesh,
    out_type=jax.ShapeDtypeStruct((L, D // 8, B // CHUNK, 8, CHUNK), jnp.float32),
    scratch_types=[
        pltpu.VMEM((L, CHUNK), jnp.int32),
        pltpu.VMEM((NBUF, CHUNK, DPAD), jnp.float32),
        pltpu.VMEM((NBUF, D // 8, 8, TPITCH), jnp.float32),
    ]
    + [pltpu.SemaphoreType.DMA] * (2 * NBUF),
    compiler_params=pltpu.CompilerParams(
        use_tc_tiling_on_sc=False, needs_layout_passes=False
    ),
)
def _emb_lookup(xt_hbm, table_hbm, out_hbm, idx_v, rows_v, tpose_v, *sems):
    gsems = sems[:NBUF]
    osems = sems[NBUF:]
    wid = lax.axis_index("s") * NC + lax.axis_index("c")
    b0 = wid * CHUNK

    pltpu.sync_copy(xt_hbm.at[:, pl.ds(b0, CHUNK)], idx_v)

    def g_copy(c, b):
        return pltpu.make_async_copy(
            table_hbm.at[idx_v.at[c]],
            rows_v.at[b],
            gsems[b],
        )

    def w_copy(c, b):
        return pltpu.make_async_copy(
            tpose_v.at[b, :, :, pl.ds(0, CHUNK)],
            out_hbm.at[c, :, wid],
            osems[b],
        )

    iota = lax.broadcasted_iota(jnp.int32, (16,), 0)
    dts = [dg * 2 + iota // 8 for dg in range(4)]
    dsv = iota % 8

    def transpose_scale(b):
        @plsc.parallel_loop(0, CHUNK, 1, unroll=4)
        def _t(r):
            rvec = jnp.full((16,), r, jnp.int32)
            for dg in range(4):
                vals = rows_v[b, r, pl.ds(dg * 16, 16)] * jnp.float32(SCALE)
                plsc.store_scatter(tpose_v.at[b], [dts[dg], dsv, rvec], vals)

    def step(c, par, fire, drain_wb):
        b = par
        nb = (par + NBUF - 1) % NBUF
        g_copy(c, b).wait()
        transpose_scale(b)
        w_copy(c, b).start()
        if fire:
            if drain_wb:
                w_copy(c - 1, nb).wait()
            g_copy(c + NBUF - 1, nb).start()

    for c0 in range(NBUF - 1):
        g_copy(c0, c0).start()

    step(0, 0, fire=True, drain_wb=False)
    for par in range(1, NBUF):
        step(par, par, fire=True, drain_wb=True)

    def outer(go, carry):
        for par in range(NBUF):
            step(go * NBUF + par, par, fire=True, drain_wb=True)
        return carry

    lax.fori_loop(1, N_CHUNKS // NBUF - 1, outer, 0)

    for par in range(NBUF):
        c = (N_CHUNKS - NBUF) + par
        step(c, par, fire=(par == 0), drain_wb=(par == 0))

    for par in range(NBUF):
        w_copy(N_CHUNKS - NBUF + par, par).wait()


def kernel(x, table):
    tpad = _table_pad_transpose(table.T)
    out5 = _emb_lookup(x.T.astype(jnp.int32), tpad)
    return out5.transpose(2, 4, 0, 1, 3).reshape(B, L, D)

# --- scband reference (transcript-rebuilt; emitter-appended) ---
"""Pipeline reference for scband-embedding-25872882992053 (READ-ONLY COPY).

The authoritative reference and input builder live on the scoring server;
editing this copy changes nothing except your own understanding.
"""

import jax, jax.numpy as jnp
import numpy as np
import math

VOCAB = 1000000
D_MODEL = 64
B = 4096
L = 200

def setup_inputs(seed: int = 0) -> dict:
    key = jax.random.key(seed)
    k1, k2 = jax.random.split(key)
    x = jax.random.randint(k1, (B, L), 0, VOCAB, dtype=jnp.int64 if jax.config.jax_enable_x64 else jnp.int32)
    table = jax.random.normal(k2, (VOCAB, D_MODEL), dtype=jnp.float32)
    return {"x": x, "table": table}

def reference(x, table):
    # Embedding lookup followed by scale by sqrt(d_model)
    emb = jnp.take(table, x, axis=0)
    return emb * math.sqrt(D_MODEL)

if __name__ == "__main__":
    import jax
    _d = setup_inputs()
    print(jax.jit(kernel)(*tuple(_d.values())))

</pallas_src>

<mosaic_0001>
#map = affine_map<(d0, d1) -> (0, 0)>
#map1 = affine_map<(d0, d1) -> (0, 0, 0, 0, 0)>
module attributes {stable_mosaic.version = 14 : i64} {
  func.func @_emb_lookup(%arg0: i32, %arg1: i32, %arg2: memref<200x4096xi32, #tpu.memory_space<hbm>>, %arg3: memref<1000000x128xf32, #tpu.memory_space<hbm>>, %arg4: memref<200x8x32x8x128xf32, #tpu.memory_space<hbm>>, %arg5: memref<200x128xi32, #tpu.memory_space<vmem>>, %arg6: memref<4x128x128xf32, #tpu.memory_space<vmem>>, %arg7: memref<4x8x8x133xf32, #tpu.memory_space<vmem>>, %arg8: memref<!tpu.dma_semaphore, #tpu.memory_space<semaphore_mem>>, %arg9: memref<!tpu.dma_semaphore, #tpu.memory_space<semaphore_mem>>, %arg10: memref<!tpu.dma_semaphore, #tpu.memory_space<semaphore_mem>>, %arg11: memref<!tpu.dma_semaphore, #tpu.memory_space<semaphore_mem>>, %arg12: memref<!tpu.dma_semaphore, #tpu.memory_space<semaphore_mem>>, %arg13: memref<!tpu.dma_semaphore, #tpu.memory_space<semaphore_mem>>, %arg14: memref<!tpu.dma_semaphore, #tpu.memory_space<semaphore_mem>>, %arg15: memref<!tpu.dma_semaphore, #tpu.memory_space<semaphore_mem>>) attributes {dimension_semantics = [#tpu.dimension_semantics<core_parallel>, #tpu.dimension_semantics<subcore_parallel>], iteration_bounds = array<i64: 2, 16>, scalar_prefetch = 0 : i64, scratch_operands = 11 : i64, tpu.core_type = #tpu.core_type<sc_vector_subcore>, window_params = [{transform_indices = #map}, {transform_indices = #map}, {transform_indices = #map1}]} {
    %mul3A = arith.constant 2 : i32
    %mul3A_0 = arith.muli %arg1, %mul3A : i32
    %add3A = arith.addi %mul3A_0, %arg0 : i32
    %mul3A_1 = arith.constant 128 : i32
    %mul3A_2 = arith.muli %add3A, %mul3A_1 : i32
    "tpu.region"() ({
      %run_scoped3A = tpu.sem_alloc : memref<!tpu.dma_semaphore, #tpu.memory_space<semaphore_mem>>
      %dma_start3A_721 = arith.constant 0 : i32
      %dma_start3A_722 = tpu.memref_slice %arg2[%dma_start3A_721, %mul3A_2] : memref<200x4096xi32, #tpu.memory_space<hbm>> -> memref<200x128xi32, #tpu.memory_space<hbm>>
      %dma_start3A_723 = arith.constant 0 : i32
      %dma_start3A_724 = tpu.memref_slice %arg2[%dma_start3A_723, %mul3A_2] : memref<200x4096xi32, #tpu.memory_space<hbm>> -> memref<200x128xi32, #tpu.memory_space<hbm>>
      tpu.enqueue_dma source(%dma_start3A_724 : memref<200x128xi32, #tpu.memory_space<hbm>>) target(%arg5 : memref<200x128xi32, #tpu.memory_space<vmem>>) target_semaphore(%run_scoped3A : memref<!tpu.dma_semaphore, #tpu.memory_space<semaphore_mem>>)
      %dma_wait3A_725 = arith.constant 0 : i32
      %dma_wait3A_726 = tpu.memref_slice %arg2[%dma_wait3A_725, %mul3A_2] : memref<200x4096xi32, #tpu.memory_space<hbm>> -> memref<200x128xi32, #tpu.memory_space<hbm>>
      %dma_wait3A_727 = arith.constant 0 : i32
      %dma_wait3A_728 = tpu.memref_slice %arg2[%dma_wait3A_727, %mul3A_2] : memref<200x4096xi32, #tpu.memory_space<hbm>> -> memref<200x128xi32, #tpu.memory_space<hbm>>
      tpu.wait_dma2 semaphore(%run_scoped3A : memref<!tpu.dma_semaphore, #tpu.memory_space<semaphore_mem>>) src(%dma_wait3A_728 : memref<200x128xi32, #tpu.memory_space<hbm>>) dst(%arg5 : memref<200x128xi32, #tpu.memory_space<vmem>>)
      tpu.yield
    }) : () -> ()
    %iota3A = tpu.iota {dimensions = array<i32: 0>} : vector<16xi32>
    %jit3A = arith.constant 8 : i32
    %div3A = vector.broadcast %jit3A : i32 to vector<16xi32>
    %div3A_3 = arith.divsi %iota3A, %div3A : vector<16xi32>
    %sign3A = arith.constant 0 : i32
    %sign3A_4 = vector.broadcast %sign3A : i32 to vector<16xi32>
    %sign3A_5 = arith.cmpi sgt, %iota3A, %sign3A_4 : vector<16xi32>
    %sign3A_6 = arith.extui %sign3A_5 : vector<16xi1> to vector<16xi32>
    %sign3A_7 = arith.constant 0 : i32
    %sign3A_8 = vector.broadcast %sign3A_7 : i32 to vector<16xi32>
    %sign3A_9 = arith.cmpi slt, %iota3A, %sign3A_8 : vector<16xi32>
    %sign3A_10 = arith.extui %sign3A_9 : vector<16xi1> to vector<16xi32>
    %sign3A_11 = arith.subi %sign3A_6, %sign3A_10 : vector<16xi32>
    %sign3A_12 = arith.constant 0 : i32
    %sign3A_13 = arith.cmpi sgt, %jit3A, %sign3A_12 : i32
    %sign3A_14 = arith.extui %sign3A_13 : i1 to i32
    %sign3A_15 = arith.constant 0 : i32
    %sign3A_16 = arith.cmpi slt, %jit3A, %sign3A_15 : i32
    %sign3A_17 = arith.extui %sign3A_16 : i1 to i32
    %sign3A_18 = arith.subi %sign3A_14, %sign3A_17 : i32
    %ne3A = vector.broadcast %sign3A_18 : i32 to vector<16xi32>
    %ne3A_19 = arith.cmpi ne, %sign3A_11, %ne3A : vector<16xi32>
    %rem3A = vector.broadcast %jit3A : i32 to vector<16xi32>
    %rem3A_20 = arith.remsi %iota3A, %rem3A : vector<16xi32>
    %ne3A_21 = arith.constant 0 : i32
    %ne3A_22 = vector.broadcast %ne3A_21 : i32 to vector<16xi32>
    %ne3A_23 = arith.cmpi ne, %rem3A_20, %ne3A_22 : vector<16xi32>
    %and3A = arith.andi %ne3A_19, %ne3A_23 : vector<16xi1>
    %sub3A = arith.constant 1 : i32
    %sub3A_24 = vector.broadcast %sub3A : i32 to vector<16xi32>
    %sub3A_25 = arith.subi %div3A_3, %sub3A_24 : vector<16xi32>
    %select_n3A = arith.select %and3A, %sub3A_25, %div3A_3 : vector<16xi1>, vector<16xi32>
    %add3A_26 = arith.constant 0 : i32
    %add3A_27 = vector.broadcast %add3A_26 : i32 to vector<16xi32>
    %add3A_28 = arith.addi %add3A_27, %select_n3A : vector<16xi32>
    %jit3A_29 = arith.constant 8 : i32
    %div3A_30 = vector.broadcast %jit3A_29 : i32 to vector<16xi32>
    %div3A_31 = arith.divsi %iota3A, %div3A_30 : vector<16xi32>
    %sign3A_32 = arith.constant 0 : i32
    %sign3A_33 = vector.broadcast %sign3A_32 : i32 to vector<16xi32>
    %sign3A_34 = arith.cmpi sgt, %iota3A, %sign3A_33 : vector<16xi32>
    %sign3A_35 = arith.extui %sign3A_34 : vector<16xi1> to vector<16xi32>
    %sign3A_36 = arith.constant 0 : i32
    %sign3A_37 = vector.broadcast %sign3A_36 : i32 to vector<16xi32>
    %sign3A_38 = arith.cmpi slt, %iota3A, %sign3A_37 : vector<16xi32>
    %sign3A_39 = arith.extui %sign3A_38 : vector<16xi1> to vector<16xi32>
    %sign3A_40 = arith.subi %sign3A_35, %sign3A_39 : vector<16xi32>
    %sign3A_41 = arith.constant 0 : i32
    %sign3A_42 = arith.cmpi sgt, %jit3A_29, %sign3A_41 : i32
    %sign3A_43 = arith.extui %sign3A_42 : i1 to i32
    %sign3A_44 = arith.constant 0 : i32
    %sign3A_45 = arith.cmpi slt, %jit3A_29, %sign3A_44 : i32
    %sign3A_46 = arith.extui %sign3A_45 : i1 to i32
    %sign3A_47 = arith.subi %sign3A_43, %sign3A_46 : i32
    %ne3A_48 = vector.broadcast %sign3A_47 : i32 to vector<16xi32>
    %ne3A_49 = arith.cmpi ne, %sign3A_40, %ne3A_48 : vector<16xi32>
    %rem3A_50 = vector.broadcast %jit3A_29 : i32 to vector<16xi32>
    %rem3A_51 = arith.remsi %iota3A, %rem3A_50 : vector<16xi32>
    %ne3A_52 = arith.constant 0 : i32
    %ne3A_53 = vector.broadcast %ne3A_52 : i32 to vector<16xi32>
    %ne3A_54 = arith.cmpi ne, %rem3A_51, %ne3A_53 : vector<16xi32>
    %and3A_55 = arith.andi %ne3A_49, %ne3A_54 : vector<16xi1>
    %sub3A_56 = arith.constant 1 : i32
    %sub3A_57 = vector.broadcast %sub3A_56 : i32 to vector<16xi32>
    %sub3A_58 = arith.subi %div3A_31, %sub3A_57 : vector<16xi32>
    %select_n3A_59 = arith.select %and3A_55, %sub3A_58, %div3A_31 : vector<16xi1>, vector<16xi32>
    %add3A_60 = arith.constant 2 : i32
    %add3A_61 = vector.broadcast %add3A_60 : i32 to vector<16xi32>
    %add3A_62 = arith.addi %add3A_61, %select_n3A_59 : vector<16xi32>
    %jit3A_63 = arith.constant 8 : i32
    %div3A_64 = vector.broadcast %jit3A_63 : i32 to vector<16xi32>
    %div3A_65 = arith.divsi %iota3A, %div3A_64 : vector<16xi32>
    %sign3A_66 = arith.constant 0 : i32
    %sign3A_67 = vector.broadcast %sign3A_66 : i32 to vector<16xi32>
    %sign3A_68 = arith.cmpi sgt, %iota3A, %sign3A_67 : vector<16xi32>
    %sign3A_69 = arith.extui %sign3A_68 : vector<16xi1> to vector<16xi32>
    %sign3A_70 = arith.constant 0 : i32
    %sign3A_71 = vector.broadcast %sign3A_70 : i32 to vector<16xi32>
    %sign3A_72 = arith.cmpi slt, %iota3A, %sign3A_71 : vector<16xi32>
    %sign3A_73 = arith.extui %sign3A_72 : vector<16xi1> to vector<16xi32>
    %sign3A_74 = arith.subi %sign3A_69, %sign3A_73 : vector<16xi32>
    %sign3A_75 = arith.constant 0 : i32
    %sign3A_76 = arith.cmpi sgt, %jit3A_63, %sign3A_75 : i32
    %sign3A_77 = arith.extui %sign3A_76 : i1 to i32
    %sign3A_78 = arith.constant 0 : i32
    %sign3A_79 = arith.cmpi slt, %jit3A_63, %sign3A_78 : i32
    %sign3A_80 = arith.extui %sign3A_79 : i1 to i32
    %sign3A_81 = arith.subi %sign3A_77, %sign3A_80 : i32
    %ne3A_82 = vector.broadcast %sign3A_81 : i32 to vector<16xi32>
    %ne3A_83 = arith.cmpi ne, %sign3A_74, %ne3A_82 : vector<16xi32>
    %rem3A_84 = vector.broadcast %jit3A_63 : i32 to vector<16xi32>
    %rem3A_85 = arith.remsi %iota3A, %rem3A_84 : vector<16xi32>
    %ne3A_86 = arith.constant 0 : i32
    %ne3A_87 = vector.broadcast %ne3A_86 : i32 to vector<16xi32>
    %ne3A_88 = arith.cmpi ne, %rem3A_85, %ne3A_87 : vector<16xi32>
    %and3A_89 = arith.andi %ne3A_83, %ne3A_88 : vector<16xi1>
    %sub3A_90 = arith.constant 1 : i32
    %sub3A_91 = vector.broadcast %sub3A_90 : i32 to vector<16xi32>
    %sub3A_92 = arith.subi %div3A_65, %sub3A_91 : vector<16xi32>
    %select_n3A_93 = arith.select %and3A_89, %sub3A_92, %div3A_65 : vector<16xi1>, vector<16xi32>
    %add3A_94 = arith.constant 4 : i32
    %add3A_95 = vector.broadcast %add3A_94 : i32 to vector<16xi32>
    %add3A_96 = arith.addi %add3A_95, %select_n3A_93 : vector<16xi32>
    %jit3A_97 = arith.constant 8 : i32
    %div3A_98 = vector.broadcast %jit3A_97 : i32 to vector<16xi32>
    %div3A_99 = arith.divsi %iota3A, %div3A_98 : vector<16xi32>
    %sign3A_100 = arith.constant 0 : i32
    %sign3A_101 = vector.broadcast %sign3A_100 : i32 to vector<16xi32>
    %sign3A_102 = arith.cmpi sgt, %iota3A, %sign3A_101 : vector<16xi32>
    %sign3A_103 = arith.extui %sign3A_102 : vector<16xi1> to vector<16xi32>
    %sign3A_104 = arith.constant 0 : i32
    %sign3A_105 = vector.broadcast %sign3A_104 : i32 to vector<16xi32>
    %sign3A_106 = arith.cmpi slt, %iota3A, %sign3A_105 : vector<16xi32>
    %sign3A_107 = arith.extui %sign3A_106 : vector<16xi1> to vector<16xi32>
    %sign3A_108 = arith.subi %sign3A_103, %sign3A_107 : vector<16xi32>
    %sign3A_109 = arith.constant 0 : i32
    %sign3A_110 = arith.cmpi sgt, %jit3A_97, %sign3A_109 : i32
    %sign3A_111 = arith.extui %sign3A_110 : i1 to i32
    %sign3A_112 = arith.constant 0 : i32
    %sign3A_113 = arith.cmpi slt, %jit3A_97, %sign3A_112 : i32
    %sign3A_114 = arith.extui %sign3A_113 : i1 to i32
    %sign3A_115 = arith.subi %sign3A_111, %sign3A_114 : i32
    %ne3A_116 = vector.broadcast %sign3A_115 : i32 to vector<16xi32>
    %ne3A_117 = arith.cmpi ne, %sign3A_108, %ne3A_116 : vector<16xi32>
    %rem3A_118 = vector.broadcast %jit3A_97 : i32 to vector<16xi32>
    %rem3A_119 = arith.remsi %iota3A, %rem3A_118 : vector<16xi32>
    %ne3A_120 = arith.constant 0 : i32
    %ne3A_121 = vector.broadcast %ne3A_120 : i32 to vector<16xi32>
    %ne3A_122 = arith.cmpi ne, %rem3A_119, %ne3A_121 : vector<16xi32>
    %and3A_123 = arith.andi %ne3A_117, %ne3A_122 : vector<16xi1>
    %sub3A_124 = arith.constant 1 : i32
    %sub3A_125 = vector.broadcast %sub3A_124 : i32 to vector<16xi32>
    %sub3A_126 = arith.subi %div3A_99, %sub3A_125 : vector<16xi32>
    %select_n3A_127 = arith.select %and3A_123, %sub3A_126, %div3A_99 : vector<16xi1>, vector<16xi32>
    %add3A_128 = arith.constant 6 : i32
    %add3A_129 = vector.broadcast %add3A_128 : i32 to vector<16xi32>
    %add3A_130 = arith.addi %add3A_129, %select_n3A_127 : vector<16xi32>
    %jit3A_131 = arith.constant 8 : i32
    %eq3A = arith.constant 0 : i32
    %eq3A_132 = arith.cmpi eq, %jit3A_131, %eq3A : i32
    %jit3A_133 = arith.constant 1 : i32
    %select_n3A_134 = arith.select %eq3A_132, %jit3A_133, %jit3A_131 : i32
    %rem3A_135 = vector.broadcast %select_n3A_134 : i32 to vector<16xi32>
    %rem3A_136 = arith.remsi %iota3A, %rem3A_135 : vector<16xi32>
    %ne3A_137 = arith.constant 0 : i32
    %ne3A_138 = vector.broadcast %ne3A_137 : i32 to vector<16xi32>
    %ne3A_139 = arith.cmpi ne, %rem3A_136, %ne3A_138 : vector<16xi32>
    %lt3A = arith.constant 0 : i32
    %lt3A_140 = vector.broadcast %lt3A : i32 to vector<16xi32>
    %lt3A_141 = arith.cmpi slt, %rem3A_136, %lt3A_140 : vector<16xi32>
    %lt3A_142 = arith.constant 0 : i32
    %lt3A_143 = arith.cmpi slt, %select_n3A_134, %lt3A_142 : i32
    %ne3A_144 = vector.broadcast %lt3A_143 : i1 to vector<16xi1>
    %ne3A_145 = vector.broadcast %ne3A_144 : vector<16xi1> to vector<16xi1>
    %ne3A_146 = arith.xori %lt3A_141, %ne3A_145 : vector<16xi1>
    %and3A_147 = arith.andi %ne3A_146, %ne3A_139 : vector<16xi1>
    %add3A_148 = vector.broadcast %select_n3A_134 : i32 to vector<16xi32>
    %add3A_149 = arith.addi %rem3A_136, %add3A_148 : vector<16xi32>
    %select_n3A_150 = arith.select %and3A_147, %add3A_149, %rem3A_136 : vector<16xi1>, vector<16xi32>
    %dma_start3A = arith.constant 0 : i32
    %dma_start3A_151 = arith.constant 0 : i32
    %dma_start3A_152 = arith.constant 0 : i32
    %dma_start3A_153 = arith.constant 0 : i32
    %dma_start3A_154 = tpu.memref_slice %arg6[%dma_start3A_151, %dma_start3A_152, %dma_start3A_153] : memref<4x128x128xf32, #tpu.memory_space<vmem>> -> memref<1x128x128xf32, #tpu.memory_space<vmem>>
    %dma_start3A_155 = tpu.memref_squeeze %dma_start3A_154 : memref<1x128x128xf32, #tpu.memory_space<vmem>> -> memref<128x128xf32, #tpu.memory_space<vmem>>
    %dma_start3A_156 = arith.constant 0 : i32
    %dma_start3A_157 = tpu.memref_slice %arg5[%dma_start3A, %dma_start3A_156] : memref<200x128xi32, #tpu.memory_space<vmem>> -> memref<1x128xi32, #tpu.memory_space<vmem>>
    %dma_start3A_158 = tpu.memref_squeeze %dma_start3A_157 : memref<1x128xi32, #tpu.memory_space<vmem>> -> memref<128xi32, #tpu.memory_space<vmem>>
    %dma_start3A_159 = arith.constant 0 : i32
    %dma_start3A_160 = arith.constant 0 : i32
    %dma_start3A_161 = tpu.memref_slice %arg3[%dma_start3A_159, %dma_start3A_160] : memref<1000000x128xf32, #tpu.memory_space<hbm>> -> memref<1000000x128xf32, #tpu.memory_space<hbm>>
    tpu.enqueue_indirect_dma source(%dma_start3A_161 : memref<1000000x128xf32, #tpu.memory_space<hbm>>) target(%dma_start3A_155 : memref<128x128xf32, #tpu.memory_space<vmem>>) offsets(%dma_start3A_158 : memref<128xi32, #tpu.memory_space<vmem>>) semaphore(%arg8 : memref<!tpu.dma_semaphore, #tpu.memory_space<semaphore_mem>>)
    %dma_start3A_162 = arith.constant 1 : i32
    %dma_start3A_163 = arith.constant 1 : i32
    %dma_start3A_164 = arith.constant 0 : i32
    %dma_start3A_165 = arith.constant 0 : i32
    %dma_start3A_166 = tpu.memref_slice %arg6[%dma_start3A_163, %dma_start3A_164, %dma_start3A_165] : memref<4x128x128xf32, #tpu.memory_space<vmem>> -> memref<1x128x128xf32, #tpu.memory_space<vmem>>
    %dma_start3A_167 = tpu.memref_squeeze %dma_start3A_166 : memref<1x128x128xf32, #tpu.memory_space<vmem>> -> memref<128x128xf32, #tpu.memory_space<vmem>>
    %dma_start3A_168 = arith.constant 0 : i32
    %dma_start3A_169 = tpu.memref_slice %arg5[%dma_start3A_162, %dma_start3A_168] : memref<200x128xi32, #tpu.memory_space<vmem>> -> memref<1x128xi32, #tpu.memory_space<vmem>>
    %dma_start3A_170 = tpu.memref_squeeze %dma_start3A_169 : memref<1x128xi32, #tpu.memory_space<vmem>> -> memref<128xi32, #tpu.memory_space<vmem>>
    %dma_start3A_171 = arith.constant 0 : i32
    %dma_start3A_172 = arith.constant 0 : i32
    %dma_start3A_173 = tpu.memref_slice %arg3[%dma_start3A_171, %dma_start3A_172] : memref<1000000x128xf32, #tpu.memory_space<hbm>> -> memref<1000000x128xf32, #tpu.memory_space<hbm>>
    tpu.enqueue_indirect_dma source(%dma_start3A_173 : memref<1000000x128xf32, #tpu.memory_space<hbm>>) target(%dma_start3A_167 : memref<128x128xf32, #tpu.memory_space<vmem>>) offsets(%dma_start3A_170 : memref<128xi32, #tpu.memory_space<vmem>>) semaphore(%arg9 : memref<!tpu.dma_semaphore, #tpu.memory_space<semaphore_mem>>)
    %dma_start3A_174 = arith.constant 2 : i32
    %dma_start3A_175 = arith.constant 2 : i32
    %dma_start3A_176 = arith.constant 0 : i32
    %dma_start3A_177 = arith.constant 0 : i32
    %dma_start3A_178 = tpu.memref_slice %arg6[%dma_start3A_175, %dma_start3A_176, %dma_start3A_177] : memref<4x128x128xf32, #tpu.memory_space<vmem>> -> memref<1x128x128xf32, #tpu.memory_space<vmem>>
    %dma_start3A_179 = tpu.memref_squeeze %dma_start3A_178 : memref<1x128x128xf32, #tpu.memory_space<vmem>> -> memref<128x128xf32, #tpu.memory_space<vmem>>
    %dma_start3A_180 = arith.constant 0 : i32
    %dma_start3A_181 = tpu.memref_slice %arg5[%dma_start3A_174, %dma_start3A_180] : memref<200x128xi32, #tpu.memory_space<vmem>> -> memref<1x128xi32, #tpu.memory_space<vmem>>
    %dma_start3A_182 = tpu.memref_squeeze %dma_start3A_181 : memref<1x128xi32, #tpu.memory_space<vmem>> -> memref<128xi32, #tpu.memory_space<vmem>>
    %dma_start3A_183 = arith.constant 0 : i32
    %dma_start3A_184 = arith.constant 0 : i32
    %dma_start3A_185 = tpu.memref_slice %arg3[%dma_start3A_183, %dma_start3A_184] : memref<1000000x128xf32, #tpu.memory_space<hbm>> -> memref<1000000x128xf32, #tpu.memory_space<hbm>>
    tpu.enqueue_indirect_dma source(%dma_start3A_185 : memref<1000000x128xf32, #tpu.memory_space<hbm>>) target(%dma_start3A_179 : memref<128x128xf32, #tpu.memory_space<vmem>>) offsets(%dma_start3A_182 : memref<128xi32, #tpu.memory_space<vmem>>) semaphore(%arg10 : memref<!tpu.dma_semaphore, #tpu.memory_space<semaphore_mem>>)
    %dma_wait3A = arith.constant 0 : i32
    %dma_wait3A_186 = arith.constant 0 : i32
    %dma_wait3A_187 = arith.constant 0 : i32
    %dma_wait3A_188 = arith.constant 0 : i32
    %dma_wait3A_189 = tpu.memref_slice %arg6[%dma_wait3A_186, %dma_wait3A_187, %dma_wait3A_188] : memref<4x128x128xf32, #tpu.memory_space<vmem>> -> memref<1x128x128xf32, #tpu.memory_space<vmem>>
    %dma_wait3A_190 = tpu.memref_squeeze %dma_wait3A_189 : memref<1x128x128xf32, #tpu.memory_space<vmem>> -> memref<128x128xf32, #tpu.memory_space<vmem>>
    %dma_wait3A_191 = arith.constant 0 : i32
    %dma_wait3A_192 = tpu.memref_slice %arg5[%dma_wait3A, %dma_wait3A_191] : memref<200x128xi32, #tpu.memory_space<vmem>> -> memref<1x128xi32, #tpu.memory_space<vmem>>
    %dma_wait3A_193 = tpu.memref_squeeze %dma_wait3A_192 : memref<1x128xi32, #tpu.memory_space<vmem>> -> memref<128xi32, #tpu.memory_space<vmem>>
    %dma_wait3A_194 = arith.constant 0 : i32
    %dma_wait3A_195 = arith.constant 0 : i32
    %dma_wait3A_196 = tpu.memref_slice %arg3[%dma_wait3A_194, %dma_wait3A_195] : memref<1000000x128xf32, #tpu.memory_space<hbm>> -> memref<1000000x128xf32, #tpu.memory_space<hbm>>
    tpu.wait_indirect_dma semaphore(%arg8 : memref<!tpu.dma_semaphore, #tpu.memory_space<semaphore_mem>>) src(%dma_wait3A_196 : memref<1000000x128xf32, #tpu.memory_space<hbm>>) dst(%dma_wait3A_190 : memref<128x128xf32, #tpu.memory_space<vmem>>)
    %parallel_loop3A = arith.constant 0 : i32
    %parallel_loop3A_197 = arith.constant 128 : i32
    %parallel_loop3A_198 = arith.constant 1 : i32
    scf.for %parallel_loop3A_721 = %parallel_loop3A to %parallel_loop3A_197 step %parallel_loop3A_198  : i32 {
      %parallel_loop3A_722 = vector.broadcast %parallel_loop3A_721 : i32 to vector<16xi32>
      %parallel_loop3A_723 = arith.constant 0 : i32
      %parallel_loop3A_724 = arith.index_cast %parallel_loop3A_723 : i32 to index
      %parallel_loop3A_725 = arith.index_cast %parallel_loop3A_721 : i32 to index
      %parallel_loop3A_726 = arith.constant 0 : index
      %parallel_loop3A_727 = tpu.vector_load %arg6[%parallel_loop3A_724, %parallel_loop3A_725, %parallel_loop3A_726] {strides = array<i32>} : memref<4x128x128xf32, #tpu.memory_space<vmem>>, vector<16xf32>,
      %parallel_loop3A_728 = arith.constant 8.000000e+00 : f32
      %parallel_loop3A_729 = vector.broadcast %parallel_loop3A_728 : f32 to vector<16xf32>
      %parallel_loop3A_730 = arith.mulf %parallel_loop3A_727, %parallel_loop3A_729 : vector<16xf32>
      %parallel_loop3A_731 = arith.constant 0 : i32
      %parallel_loop3A_732 = arith.constant 0 : i32
      %parallel_loop3A_733 = arith.constant 0 : i32
      %parallel_loop3A_734 = arith.constant 0 : i32
      %parallel_loop3A_735 = tpu.memref_slice %arg7[%parallel_loop3A_731, %parallel_loop3A_732, %parallel_loop3A_733, %parallel_loop3A_734] : memref<4x8x8x133xf32, #tpu.memory_space<vmem>> -> memref<1x8x8x133xf32, #tpu.memory_space<vmem>>
      %parallel_loop3A_736 = tpu.memref_squeeze %parallel_loop3A_735 : memref<1x8x8x133xf32, #tpu.memory_space<vmem>> -> memref<8x8x133xf32, #tpu.memory_space<vmem>>
      tpu.vector_store_idx %parallel_loop3A_736[%add3A_28, %select_n3A_150, %parallel_loop3A_722], %parallel_loop3A_730 : memref<8x8x133xf32, #tpu.memory_space<vmem>>[vector<16xi32>, vector<16xi32>, vector<16xi32>], vector<16xf32>,
      %parallel_loop3A_737 = arith.constant 0 : i32
      %parallel_loop3A_738 = arith.index_cast %parallel_loop3A_737 : i32 to index
      %parallel_loop3A_739 = arith.index_cast %parallel_loop3A_721 : i32 to index
      %parallel_loop3A_740 = arith.constant 16 : index
      %parallel_loop3A_741 = tpu.vector_load %arg6[%parallel_loop3A_738, %parallel_loop3A_739, %parallel_loop3A_740] {strides = array<i32>} : memref<4x128x128xf32, #tpu.memory_space<vmem>>, vector<16xf32>,
      %parallel_loop3A_742 = arith.constant 8.000000e+00 : f32
      %parallel_loop3A_743 = vector.broadcast %parallel_loop3A_742 : f32 to vector<16xf32>
      %parallel_loop3A_744 = arith.mulf %parallel_loop3A_741, %parallel_loop3A_743 : vector<16xf32>
      %parallel_loop3A_745 = arith.constant 0 : i32
      %parallel_loop3A_746 = arith.constant 0 : i32
      %parallel_loop3A_747 = arith.constant 0 : i32
      %parallel_loop3A_748 = arith.constant 0 : i32
      %parallel_loop3A_749 = tpu.memref_slice %arg7[%parallel_loop3A_745, %parallel_loop3A_746, %parallel_loop3A_747, %parallel_loop3A_748] : memref<4x8x8x133xf32, #tpu.memory_space<vmem>> -> memref<1x8x8x133xf32, #tpu.memory_space<vmem>>
      %parallel_loop3A_750 = tpu.memref_squeeze %parallel_loop3A_749 : memref<1x8x8x133xf32, #tpu.memory_space<vmem>> -> memref<8x8x133xf32, #tpu.memory_space<vmem>>
      tpu.vector_store_idx %parallel_loop3A_750[%add3A_62, %select_n3A_150, %parallel_loop3A_722], %parallel_loop3A_744 : memref<8x8x133xf32, #tpu.memory_space<vmem>>[vector<16xi32>, vector<16xi32>, vector<16xi32>], vector<16xf32>,
      %parallel_loop3A_751 = arith.constant 0 : i32
      %parallel_loop3A_752 = arith.index_cast %parallel_loop3A_751 : i32 to index
      %parallel_loop3A_753 = arith.index_cast %parallel_loop3A_721 : i32 to index
      %parallel_loop3A_754 = arith.constant 32 : index
      %parallel_loop3A_755 = tpu.vector_load %arg6[%parallel_loop3A_752, %parallel_loop3A_753, %parallel_loop3A_754] {strides = array<i32>} : memref<4x128x128xf32, #tpu.memory_space<vmem>>, vector<16xf32>,
      %parallel_loop3A_756 = arith.constant 8.000000e+00 : f32
      %parallel_loop3A_757 = vector.broadcast %parallel_loop3A_756 : f32 to vector<16xf32>
      %parallel_loop3A_758 = arith.mulf %parallel_loop3A_755, %parallel_loop3A_757 : vector<16xf32>
      %parallel_loop3A_759 = arith.constant 0 : i32
      %parallel_loop3A_760 = arith.constant 0 : i32
      %parallel_loop3A_761 = arith.constant 0 : i32
      %parallel_loop3A_762 = arith.constant 0 : i32
      %parallel_loop3A_763 = tpu.memref_slice %arg7[%parallel_loop3A_759, %parallel_loop3A_760, %parallel_loop3A_761, %parallel_loop3A_762] : memref<4x8x8x133xf32, #tpu.memory_space<vmem>> -> memref<1x8x8x133xf32, #tpu.memory_space<vmem>>
      %parallel_loop3A_764 = tpu.memref_squeeze %parallel_loop3A_763 : memref<1x8x8x133xf32, #tpu.memory_space<vmem>> -> memref<8x8x133xf32, #tpu.memory_space<vmem>>
      tpu.vector_store_idx %parallel_loop3A_764[%add3A_96, %select_n3A_150, %parallel_loop3A_722], %parallel_loop3A_758 : memref<8x8x133xf32, #tpu.memory_space<vmem>>[vector<16xi32>, vector<16xi32>, vector<16xi32>], vector<16xf32>,
      %parallel_loop3A_765 = arith.constant 0 : i32
      %parallel_loop3A_766 = arith.index_cast %parallel_loop3A_765 : i32 to index
      %parallel_loop3A_767 = arith.index_cast %parallel_loop3A_721 : i32 to index
      %parallel_loop3A_768 = arith.constant 48 : index
      %parallel_loop3A_769 = tpu.vector_load %arg6[%parallel_loop3A_766, %parallel_loop3A_767, %parallel_loop3A_768] {strides = array<i32>} : memref<4x128x128xf32, #tpu.memory_space<vmem>>, vector<16xf32>,
      %parallel_loop3A_770 = arith.constant 8.000000e+00 : f32
      %parallel_loop3A_771 = vector.broadcast %parallel_loop3A_770 : f32 to vector<16xf32>
      %parallel_loop3A_772 = arith.mulf %parallel_loop3A_769, %parallel_loop3A_771 : vector<16xf32>
      %parallel_loop3A_773 = arith.constant 0 : i32
      %parallel_loop3A_774 = arith.constant 0 : i32
      %parallel_loop3A_775 = arith.constant 0 : i32
      %parallel_loop3A_776 = arith.constant 0 : i32
      %parallel_loop3A_777 = tpu.memref_slice %arg7[%parallel_loop3A_773, %parallel_loop3A_774, %parallel_loop3A_775, %parallel_loop3A_776] : memref<4x8x8x133xf32, #tpu.memory_space<vmem>> -> memref<1x8x8x133xf32, #tpu.memory_space<vmem>>
      %parallel_loop3A_778 = tpu.memref_squeeze %parallel_loop3A_777 : memref<1x8x8x133xf32, #tpu.memory_space<vmem>> -> memref<8x8x133xf32, #tpu.memory_space<vmem>>
      tpu.vector_store_idx %parallel_loop3A_778[%add3A_130, %select_n3A_150, %parallel_loop3A_722], %parallel_loop3A_772 : memref<8x8x133xf32, #tpu.memory_space<vmem>>[vector<16xi32>, vector<16xi32>, vector<16xi32>], vector<16xf32>,
    } {sc.loop_unroll_factor = 4 : i64, sc.parallel_access}
    %dma_start3A_199 = arith.constant 0 : i32
    %dma_start3A_200 = arith.constant 0 : i32
    %dma_start3A_201 = arith.constant 0 : i32
    %dma_start3A_202 = arith.constant 0 : i32
    %dma_start3A_203 = arith.constant 0 : i32
    %dma_start3A_204 = tpu.memref_slice %arg7[%dma_start3A_199, %dma_start3A_201, %dma_start3A_202, %dma_start3A_203] : memref<4x8x8x133xf32, #tpu.memory_space<vmem>> -> memref<1x8x8x128xf32, #tpu.memory_space<vmem>>
    %dma_start3A_205 = tpu.memref_squeeze %dma_start3A_204 : memref<1x8x8x128xf32, #tpu.memory_space<vmem>> -> memref<8x8x128xf32, #tpu.memory_space<vmem>>
    %dma_start3A_206 = arith.constant 0 : i32
    %dma_start3A_207 = arith.constant 0 : i32
    %dma_start3A_208 = arith.constant 0 : i32
    %dma_start3A_209 = tpu.memref_slice %arg4[%dma_start3A_200, %dma_start3A_206, %add3A, %dma_start3A_207, %dma_start3A_208] : memref<200x8x32x8x128xf32, #tpu.memory_space<hbm>> -> memref<1x8x1x8x128xf32, #tpu.memory_space<hbm>>
    %dma_start3A_210 = tpu.memref_squeeze %dma_start3A_209 : memref<1x8x1x8x128xf32, #tpu.memory_space<hbm>> -> memref<8x8x128xf32, #tpu.memory_space<hbm>>
    %dma_start3A_211 = arith.constant 0 : i32
    %dma_start3A_212 = arith.constant 0 : i32
    %dma_start3A_213 = arith.constant 0 : i32
    %dma_start3A_214 = tpu.memref_slice %arg4[%dma_start3A_200, %dma_start3A_211, %add3A, %dma_start3A_212, %dma_start3A_213] : memref<200x8x32x8x128xf32, #tpu.memory_space<hbm>> -> memref<1x8x1x8x128xf32, #tpu.memory_space<hbm>>
    %dma_start3A_215 = tpu.memref_squeeze %dma_start3A_214 : memref<1x8x1x8x128xf32, #tpu.memory_space<hbm>> -> memref<8x8x128xf32, #tpu.memory_space<hbm>>
    %dma_start3A_216 = arith.constant 0 : i32
    %dma_start3A_217 = arith.constant 0 : i32
    %dma_start3A_218 = arith.constant 0 : i32
    %dma_start3A_219 = tpu.memref_slice %arg7[%dma_start3A_199, %dma_start3A_216, %dma_start3A_217, %dma_start3A_218] : memref<4x8x8x133xf32, #tpu.memory_space<vmem>> -> memref<1x8x8x128xf32, #tpu.memory_space<vmem>>
    %dma_start3A_220 = tpu.memref_squeeze %dma_start3A_219 : memref<1x8x8x128xf32, #tpu.memory_space<vmem>> -> memref<8x8x128xf32, #tpu.memory_space<vmem>>
    tpu.enqueue_dma source(%dma_start3A_220 : memref<8x8x128xf32, #tpu.memory_space<vmem>>) target(%dma_start3A_215 : memref<8x8x128xf32, #tpu.memory_space<hbm>>) target_semaphore(%arg12 : memref<!tpu.dma_semaphore, #tpu.memory_space<semaphore_mem>>)
    %dma_start3A_221 = arith.constant 3 : i32
    %dma_start3A_222 = arith.constant 3 : i32
    %dma_start3A_223 = arith.constant 0 : i32
    %dma_start3A_224 = arith.constant 0 : i32
    %dma_start3A_225 = tpu.memref_slice %arg6[%dma_start3A_222, %dma_start3A_223, %dma_start3A_224] : memref<4x128x128xf32, #tpu.memory_space<vmem>> -> memref<1x128x128xf32, #tpu.memory_space<vmem>>
    %dma_start3A_226 = tpu.memref_squeeze %dma_start3A_225 : memref<1x128x128xf32, #tpu.memory_space<vmem>> -> memref<128x128xf32, #tpu.memory_space<vmem>>
    %dma_start3A_227 = arith.constant 0 : i32
    %dma_start3A_228 = tpu.memref_slice %arg5[%dma_start3A_221, %dma_start3A_227] : memref<200x128xi32, #tpu.memory_space<vmem>> -> memref<1x128xi32, #tpu.memory_space<vmem>>
    %dma_start3A_229 = tpu.memref_squeeze %dma_start3A_228 : memref<1x128xi32, #tpu.memory_space<vmem>> -> memref<128xi32, #tpu.memory_space<vmem>>
    %dma_start3A_230 = arith.constant 0 : i32
    %dma_start3A_231 = arith.constant 0 : i32
    %dma_start3A_232 = tpu.memref_slice %arg3[%dma_start3A_230, %dma_start3A_231] : memref<1000000x128xf32, #tpu.memory_space<hbm>> -> memref<1000000x128xf32, #tpu.memory_space<hbm>>
    tpu.enqueue_indirect_dma source(%dma_start3A_232 : memref<1000000x128xf32, #tpu.memory_space<hbm>>) target(%dma_start3A_226 : memref<128x128xf32, #tpu.memory_space<vmem>>) offsets(%dma_start3A_229 : memref<128xi32, #tpu.memory_space<vmem>>) semaphore(%arg11 : memref<!tpu.dma_semaphore, #tpu.memory_space<semaphore_mem>>)
    %dma_wait3A_233 = arith.constant 1 : i32
    %dma_wait3A_234 = arith.constant 1 : i32
    %dma_wait3A_235 = arith.constant 0 : i32
    %dma_wait3A_236 = arith.constant 0 : i32
    %dma_wait3A_237 = tpu.memref_slice %arg6[%dma_wait3A_234, %dma_wait3A_235, %dma_wait3A_236] : memref<4x128x128xf32, #tpu.memory_space<vmem>> -> memref<1x128x128xf32, #tpu.memory_space<vmem>>
    %dma_wait3A_238 = tpu.memref_squeeze %dma_wait3A_237 : memref<1x128x128xf32, #tpu.memory_space<vmem>> -> memref<128x128xf32, #tpu.memory_space<vmem>>
    %dma_wait3A_239 = arith.constant 0 : i32
    %dma_wait3A_240 = tpu.memref_slice %arg5[%dma_wait3A_233, %dma_wait3A_239] : memref<200x128xi32, #tpu.memory_space<vmem>> -> memref<1x128xi32, #tpu.memory_space<vmem>>
    %dma_wait3A_241 = tpu.memref_squeeze %dma_wait3A_240 : memref<1x128xi32, #tpu.memory_space<vmem>> -> memref<128xi32, #tpu.memory_space<vmem>>
    %dma_wait3A_242 = arith.constant 0 : i32
    %dma_wait3A_243 = arith.constant 0 : i32
    %dma_wait3A_244 = tpu.memref_slice %arg3[%dma_wait3A_242, %dma_wait3A_243] : memref<1000000x128xf32, #tpu.memory_space<hbm>> -> memref<1000000x128xf32, #tpu.memory_space<hbm>>
    tpu.wait_indirect_dma semaphore(%arg9 : memref<!tpu.dma_semaphore, #tpu.memory_space<semaphore_mem>>) src(%dma_wait3A_244 : memref<1000000x128xf32, #tpu.memory_space<hbm>>) dst(%dma_wait3A_238 : memref<128x128xf32, #tpu.memory_space<vmem>>)
    %parallel_loop3A_245 = arith.constant 0 : i32
    %parallel_loop3A_246 = arith.constant 128 : i32
    %parallel_loop3A_247 = arith.constant 1 : i32
    scf.for %parallel_loop3A_721 = %parallel_loop3A_245 to %parallel_loop3A_246 step %parallel_loop3A_247  : i32 {
      %parallel_loop3A_722 = vector.broadcast %parallel_loop3A_721 : i32 to vector<16xi32>
      %parallel_loop3A_723 = arith.constant 1 : i32
      %parallel_loop3A_724 = arith.index_cast %parallel_loop3A_723 : i32 to index
      %parallel_loop3A_725 = arith.index_cast %parallel_loop3A_721 : i32 to index
      %parallel_loop3A_726 = arith.constant 0 : index
      %parallel_loop3A_727 = tpu.vector_load %arg6[%parallel_loop3A_724, %parallel_loop3A_725, %parallel_loop3A_726] {strides = array<i32>} : memref<4x128x128xf32, #tpu.memory_space<vmem>>, vector<16xf32>,
      %parallel_loop3A_728 = arith.constant 8.000000e+00 : f32
      %parallel_loop3A_729 = vector.broadcast %parallel_loop3A_728 : f32 to vector<16xf32>
      %parallel_loop3A_730 = arith.mulf %parallel_loop3A_727, %parallel_loop3A_729 : vector<16xf32>
      %parallel_loop3A_731 = arith.constant 1 : i32
      %parallel_loop3A_732 = arith.constant 0 : i32
      %parallel_loop3A_733 = arith.constant 0 : i32
      %parallel_loop3A_734 = arith.constant 0 : i32
      %parallel_loop3A_735 = tpu.memref_slice %arg7[%parallel_loop3A_731, %parallel_loop3A_732, %parallel_loop3A_733, %parallel_loop3A_734] : memref<4x8x8x133xf32, #tpu.memory_space<vmem>> -> memref<1x8x8x133xf32, #tpu.memory_space<vmem>>
      %parallel_loop3A_736 = tpu.memref_squeeze %parallel_loop3A_735 : memref<1x8x8x133xf32, #tpu.memory_space<vmem>> -> memref<8x8x133xf32, #tpu.memory_space<vmem>>
      tpu.vector_store_idx %parallel_loop3A_736[%add3A_28, %select_n3A_150, %parallel_loop3A_722], %parallel_loop3A_730 : memref<8x8x133xf32, #tpu.memory_space<vmem>>[vector<16xi32>, vector<16xi32>, vector<16xi32>], vector<16xf32>,
      %parallel_loop3A_737 = arith.constant 1 : i32
      %parallel_loop3A_738 = arith.index_cast %parallel_loop3A_737 : i32 to index
      %parallel_loop3A_739 = arith.index_cast %parallel_loop3A_721 : i32 to index
      %parallel_loop3A_740 = arith.constant 16 : index
      %parallel_loop3A_741 = tpu.vector_load %arg6[%parallel_loop3A_738, %parallel_loop3A_739, %parallel_loop3A_740] {strides = array<i32>} : memref<4x128x128xf32, #tpu.memory_space<vmem>>, vector<16xf32>,
      %parallel_loop3A_742 = arith.constant 8.000000e+00 : f32
      %parallel_loop3A_743 = vector.broadcast %parallel_loop3A_742 : f32 to vector<16xf32>
      %parallel_loop3A_744 = arith.mulf %parallel_loop3A_741, %parallel_loop3A_743 : vector<16xf32>
      %parallel_loop3A_745 = arith.constant 1 : i32
      %parallel_loop3A_746 = arith.constant 0 : i32
      %parallel_loop3A_747 = arith.constant 0 : i32
      %parallel_loop3A_748 = arith.constant 0 : i32
      %parallel_loop3A_749 = tpu.memref_slice %arg7[%parallel_loop3A_745, %parallel_loop3A_746, %parallel_loop3A_747, %parallel_loop3A_748] : memref<4x8x8x133xf32, #tpu.memory_space<vmem>> -> memref<1x8x8x133xf32, #tpu.memory_space<vmem>>
      %parallel_loop3A_750 = tpu.memref_squeeze %parallel_loop3A_749 : memref<1x8x8x133xf32, #tpu.memory_space<vmem>> -> memref<8x8x133xf32, #tpu.memory_space<vmem>>
      tpu.vector_store_idx %parallel_loop3A_750[%add3A_62, %select_n3A_150, %parallel_loop3A_722], %parallel_loop3A_744 : memref<8x8x133xf32, #tpu.memory_space<vmem>>[vector<16xi32>, vector<16xi32>, vector<16xi32>], vector<16xf32>,
      %parallel_loop3A_751 = arith.constant 1 : i32
      %parallel_loop3A_752 = arith.index_cast %parallel_loop3A_751 : i32 to index
      %parallel_loop3A_753 = arith.index_cast %parallel_loop3A_721 : i32 to index
      %parallel_loop3A_754 = arith.constant 32 : index
      %parallel_loop3A_755 = tpu.vector_load %arg6[%parallel_loop3A_752, %parallel_loop3A_753, %parallel_loop3A_754] {strides = array<i32>} : memref<4x128x128xf32, #tpu.memory_space<vmem>>, vector<16xf32>,
      %parallel_loop3A_756 = arith.constant 8.000000e+00 : f32
      %parallel_loop3A_757 = vector.broadcast %parallel_loop3A_756 : f32 to vector<16xf32>
      %parallel_loop3A_758 = arith.mulf %parallel_loop3A_755, %parallel_loop3A_757 : vector<16xf32>
      %parallel_loop3A_759 = arith.constant 1 : i32
      %parallel_loop3A_760 = arith.constant 0 : i32
      %parallel_loop3A_761 = arith.constant 0 : i32
      %parallel_loop3A_762 = arith.constant 0 : i32
      %parallel_loop3A_763 = tpu.memref_slice %arg7[%parallel_loop3A_759, %parallel_loop3A_760, %parallel_loop3A_761, %parallel_loop3A_762] : memref<4x8x8x133xf32, #tpu.memory_space<vmem>> -> memref<1x8x8x133xf32, #tpu.memory_space<vmem>>
      %parallel_loop3A_764 = tpu.memref_squeeze %parallel_loop3A_763 : memref<1x8x8x133xf32, #tpu.memory_space<vmem>> -> memref<8x8x133xf32, #tpu.memory_space<vmem>>
      tpu.vector_store_idx %parallel_loop3A_764[%add3A_96, %select_n3A_150, %parallel_loop3A_722], %parallel_loop3A_758 : memref<8x8x133xf32, #tpu.memory_space<vmem>>[vector<16xi32>, vector<16xi32>, vector<16xi32>], vector<16xf32>,
      %parallel_loop3A_765 = arith.constant 1 : i32
      %parallel_loop3A_766 = arith.index_cast %parallel_loop3A_765 : i32 to index
      %parallel_loop3A_767 = arith.index_cast %parallel_loop3A_721 : i32 to index
      %parallel_loop3A_768 = arith.constant 48 : index
      %parallel_loop3A_769 = tpu.vector_load %arg6[%parallel_loop3A_766, %parallel_loop3A_767, %parallel_loop3A_768] {strides = array<i32>} : memref<4x128x128xf32, #tpu.memory_space<vmem>>, vector<16xf32>,
      %parallel_loop3A_770 = arith.constant 8.000000e+00 : f32
      %parallel_loop3A_771 = vector.broadcast %parallel_loop3A_770 : f32 to vector<16xf32>
      %parallel_loop3A_772 = arith.mulf %parallel_loop3A_769, %parallel_loop3A_771 : vector<16xf32>
      %parallel_loop3A_773 = arith.constant 1 : i32
      %parallel_loop3A_774 = arith.constant 0 : i32
      %parallel_loop3A_775 = arith.constant 0 : i32
      %parallel_loop3A_776 = arith.constant 0 : i32
      %parallel_loop3A_777 = tpu.memref_slice %arg7[%parallel_loop3A_773, %parallel_loop3A_774, %parallel_loop3A_775, %parallel_loop3A_776] : memref<4x8x8x133xf32, #tpu.memory_space<vmem>> -> memref<1x8x8x133xf32, #tpu.memory_space<vmem>>
      %parallel_loop3A_778 = tpu.memref_squeeze %parallel_loop3A_777 : memref<1x8x8x133xf32, #tpu.memory_space<vmem>> -> memref<8x8x133xf32, #tpu.memory_space<vmem>>
      tpu.vector_store_idx %parallel_loop3A_778[%add3A_130, %select_n3A_150, %parallel_loop3A_722], %parallel_loop3A_772 : memref<8x8x133xf32, #tpu.memory_space<vmem>>[vector<16xi32>, vector<16xi32>, vector<16xi32>], vector<16xf32>,
    } {sc.loop_unroll_factor = 4 : i64, sc.parallel_access}
    %dma_start3A_248 = arith.constant 1 : i32
    %dma_start3A_249 = arith.constant 1 : i32
    %dma_start3A_250 = arith.constant 0 : i32
    %dma_start3A_251 = arith.constant 0 : i32
    %dma_start3A_252 = arith.constant 0 : i32
    %dma_start3A_253 = tpu.memref_slice %arg7[%dma_start3A_248, %dma_start3A_250, %dma_start3A_251, %dma_start3A_252] : memref<4x8x8x133xf32, #tpu.memory_space<vmem>> -> memref<1x8x8x128xf32, #tpu.memory_space<vmem>>
    %dma_start3A_254 = tpu.memref_squeeze %dma_start3A_253 : memref<1x8x8x128xf32, #tpu.memory_space<vmem>> -> memref<8x8x128xf32, #tpu.memory_space<vmem>>
    %dma_start3A_255 = arith.constant 0 : i32
    %dma_start3A_256 = arith.constant 0 : i32
    %dma_start3A_257 = arith.constant 0 : i32
    %dma_start3A_258 = tpu.memref_slice %arg4[%dma_start3A_249, %dma_start3A_255, %add3A, %dma_start3A_256, %dma_start3A_257] : memref<200x8x32x8x128xf32, #tpu.memory_space<hbm>> -> memref<1x8x1x8x128xf32, #tpu.memory_space<hbm>>
    %dma_start3A_259 = tpu.memref_squeeze %dma_start3A_258 : memref<1x8x1x8x128xf32, #tpu.memory_space<hbm>> -> memref<8x8x128xf32, #tpu.memory_space<hbm>>
    %dma_start3A_260 = arith.constant 0 : i32
    %dma_start3A_261 = arith.constant 0 : i32
    %dma_start3A_262 = arith.constant 0 : i32
    %dma_start3A_263 = tpu.memref_slice %arg4[%dma_start3A_249, %dma_start3A_260, %add3A, %dma_start3A_261, %dma_start3A_262] : memref<200x8x32x8x128xf32, #tpu.memory_space<hbm>> -> memref<1x8x1x8x128xf32, #tpu.memory_space<hbm>>
    %dma_start3A_264 = tpu.memref_squeeze %dma_start3A_263 : memref<1x8x1x8x128xf32, #tpu.memory_space<hbm>> -> memref<8x8x128xf32, #tpu.memory_space<hbm>>
    %dma_start3A_265 = arith.constant 0 : i32
    %dma_start3A_266 = arith.constant 0 : i32
    %dma_start3A_267 = arith.constant 0 : i32
    %dma_start3A_268 = tpu.memref_slice %arg7[%dma_start3A_248, %dma_start3A_265, %dma_start3A_266, %dma_start3A_267] : memref<4x8x8x133xf32, #tpu.memory_space<vmem>> -> memref<1x8x8x128xf32, #tpu.memory_space<vmem>>
    %dma_start3A_269 = tpu.memref_squeeze %dma_start3A_268 : memref<1x8x8x128xf32, #tpu.memory_space<vmem>> -> memref<8x8x128xf32, #tpu.memory_space<vmem>>
    tpu.enqueue_dma source(%dma_start3A_269 : memref<8x8x128xf32, #tpu.memory_space<vmem>>) target(%dma_start3A_264 : memref<8x8x128xf32, #tpu.memory_space<hbm>>) target_semaphore(%arg13 : memref<!tpu.dma_semaphore, #tpu.memory_space<semaphore_mem>>)
    %dma_wait3A_270 = arith.constant 0 : i32
    %dma_wait3A_271 = arith.constant 0 : i32
    %dma_wait3A_272 = arith.constant 0 : i32
    %dma_wait3A_273 = arith.constant 0 : i32
    %dma_wait3A_274 = arith.constant 0 : i32
    %dma_wait3A_275 = tpu.memref_slice %arg7[%dma_wait3A_270, %dma_wait3A_272, %dma_wait3A_273, %dma_wait3A_274] : memref<4x8x8x133xf32, #tpu.memory_space<vmem>> -> memref<1x8x8x128xf32, #tpu.memory_space<vmem>>
    %dma_wait3A_276 = tpu.memref_squeeze %dma_wait3A_275 : memref<1x8x8x128xf32, #tpu.memory_space<vmem>> -> memref<8x8x128xf32, #tpu.memory_space<vmem>>
    %dma_wait3A_277 = arith.constant 0 : i32
    %dma_wait3A_278 = arith.constant 0 : i32
    %dma_wait3A_279 = arith.constant 0 : i32
    %dma_wait3A_280 = tpu.memref_slice %arg4[%dma_wait3A_271, %dma_wait3A_277, %add3A, %dma_wait3A_278, %dma_wait3A_279] : memref<200x8x32x8x128xf32, #tpu.memory_space<hbm>> -> memref<1x8x1x8x128xf32, #tpu.memory_space<hbm>>
    %dma_wait3A_281 = tpu.memref_squeeze %dma_wait3A_280 : memref<1x8x1x8x128xf32, #tpu.memory_space<hbm>> -> memref<8x8x128xf32, #tpu.memory_space<hbm>>
    %dma_wait3A_282 = arith.constant 0 : i32
    %dma_wait3A_283 = arith.constant 0 : i32
    %dma_wait3A_284 = arith.constant 0 : i32
    %dma_wait3A_285 = tpu.memref_slice %arg4[%dma_wait3A_271, %dma_wait3A_282, %add3A, %dma_wait3A_283, %dma_wait3A_284] : memref<200x8x32x8x128xf32, #tpu.memory_space<hbm>> -> memref<1x8x1x8x128xf32, #tpu.memory_space<hbm>>
    %dma_wait3A_286 = tpu.memref_squeeze %dma_wait3A_285 : memref<1x8x1x8x128xf32, #tpu.memory_space<hbm>> -> memref<8x8x128xf32, #tpu.memory_space<hbm>>
    %dma_wait3A_287 = arith.constant 0 : i32
    %dma_wait3A_288 = arith.constant 0 : i32
    %dma_wait3A_289 = arith.constant 0 : i32
    %dma_wait3A_290 = tpu.memref_slice %arg7[%dma_wait3A_270, %dma_wait3A_287, %dma_wait3A_288, %dma_wait3A_289] : memref<4x8x8x133xf32, #tpu.memory_space<vmem>> -> memref<1x8x8x128xf32, #tpu.memory_space<vmem>>
    %dma_wait3A_291 = tpu.memref_squeeze %dma_wait3A_290 : memref<1x8x8x128xf32, #tpu.memory_space<vmem>> -> memref<8x8x128xf32, #tpu.memory_space<vmem>>
    tpu.wait_dma2 semaphore(%arg12 : memref<!tpu.dma_semaphore, #tpu.memory_space<semaphore_mem>>) src(%dma_wait3A_291 : memref<8x8x128xf32, #tpu.memory_space<vmem>>) dst(%dma_wait3A_286 : memref<8x8x128xf32, #tpu.memory_space<hbm>>)
    %dma_start3A_292 = arith.constant 4 : i32
    %dma_start3A_293 = arith.constant 0 : i32
    %dma_start3A_294 = arith.constant 0 : i32
    %dma_start3A_295 = arith.constant 0 : i32
    %dma_start3A_296 = tpu.memref_slice %arg6[%dma_start3A_293, %dma_start3A_294, %dma_start3A_295] : memref<4x128x128xf32, #tpu.memory_space<vmem>> -> memref<1x128x128xf32, #tpu.memory_space<vmem>>
    %dma_start3A_297 = tpu.memref_squeeze %dma_start3A_296 : memref<1x128x128xf32, #tpu.memory_space<vmem>> -> memref<128x128xf32, #tpu.memory_space<vmem>>
    %dma_start3A_298 = arith.constant 0 : i32
    %dma_start3A_299 = tpu.memref_slice %arg5[%dma_start3A_292, %dma_start3A_298] : memref<200x128xi32, #tpu.memory_space<vmem>> -> memref<1x128xi32, #tpu.memory_space<vmem>>
    %dma_start3A_300 = tpu.memref_squeeze %dma_start3A_299 : memref<1x128xi32, #tpu.memory_space<vmem>> -> memref<128xi32, #tpu.memory_space<vmem>>
    %dma_start3A_301 = arith.constant 0 : i32
    %dma_start3A_302 = arith.constant 0 : i32
    %dma_start3A_303 = tpu.memref_slice %arg3[%dma_start3A_301, %dma_start3A_302] : memref<1000000x128xf32, #tpu.memory_space<hbm>> -> memref<1000000x128xf32, #tpu.memory_space<hbm>>
    tpu.enqueue_indirect_dma source(%dma_start3A_303 : memref<1000000x128xf32, #tpu.memory_space<hbm>>) target(%dma_start3A_297 : memref<128x128xf32, #tpu.memory_space<vmem>>) offsets(%dma_start3A_300 : memref<128xi32, #tpu.memory_space<vmem>>) semaphore(%arg8 : memref<!tpu.dma_semaphore, #tpu.memory_space<semaphore_mem>>)
    %dma_wait3A_304 = arith.constant 2 : i32
    %dma_wait3A_305 = arith.constant 2 : i32
    %dma_wait3A_306 = arith.constant 0 : i32
    %dma_wait3A_307 = arith.constant 0 : i32
    %dma_wait3A_308 = tpu.memref_slice %arg6[%dma_wait3A_305, %dma_wait3A_306, %dma_wait3A_307] : memref<4x128x128xf32, #tpu.memory_space<vmem>> -> memref<1x128x128xf32, #tpu.memory_space<vmem>>
    %dma_wait3A_309 = tpu.memref_squeeze %dma_wait3A_308 : memref<1x128x128xf32, #tpu.memory_space<vmem>> -> memref<128x128xf32, #tpu.memory_space<vmem>>
    %dma_wait3A_310 = arith.constant 0 : i32
    %dma_wait3A_311 = tpu.memref_slice %arg5[%dma_wait3A_304, %dma_wait3A_310] : memref<200x128xi32, #tpu.memory_space<vmem>> -> memref<1x128xi32, #tpu.memory_space<vmem>>
    %dma_wait3A_312 = tpu.memref_squeeze %dma_wait3A_311 : memref<1x128xi32, #tpu.memory_space<vmem>> -> memref<128xi32, #tpu.memory_space<vmem>>
    %dma_wait3A_313 = arith.constant 0 : i32
    %dma_wait3A_314 = arith.constant 0 : i32
    %dma_wait3A_315 = tpu.memref_slice %arg3[%dma_wait3A_313, %dma_wait3A_314] : memref<1000000x128xf32, #tpu.memory_space<hbm>> -> memref<1000000x128xf32, #tpu.memory_space<hbm>>
    tpu.wait_indirect_dma semaphore(%arg10 : memref<!tpu.dma_semaphore, #tpu.memory_space<semaphore_mem>>) src(%dma_wait3A_315 : memref<1000000x128xf32, #tpu.memory_space<hbm>>) dst(%dma_wait3A_309 : memref<128x128xf32, #tpu.memory_space<vmem>>)
    %parallel_loop3A_316 = arith.constant 0 : i32
    %parallel_loop3A_317 = arith.constant 128 : i32
    %parallel_loop3A_318 = arith.constant 1 : i32
    scf.for %parallel_loop3A_721 = %parallel_loop3A_316 to %parallel_loop3A_317 step %parallel_loop3A_318  : i32 {
      %parallel_loop3A_722 = vector.broadcast %parallel_loop3A_721 : i32 to vector<16xi32>
      %parallel_loop3A_723 = arith.constant 2 : i32
      %parallel_loop3A_724 = arith.index_cast %parallel_loop3A_723 : i32 to index
      %parallel_loop3A_725 = arith.index_cast %parallel_loop3A_721 : i32 to index
      %parallel_loop3A_726 = arith.constant 0 : index
      %parallel_loop3A_727 = tpu.vector_load %arg6[%parallel_loop3A_724, %parallel_loop3A_725, %parallel_loop3A_726] {strides = array<i32>} : memref<4x128x128xf32, #tpu.memory_space<vmem>>, vector<16xf32>,
      %parallel_loop3A_728 = arith.constant 8.000000e+00 : f32
      %parallel_loop3A_729 = vector.broadcast %parallel_loop3A_728 : f32 to vector<16xf32>
      %parallel_loop3A_730 = arith.mulf %parallel_loop3A_727, %parallel_loop3A_729 : vector<16xf32>
      %parallel_loop3A_731 = arith.constant 2 : i32
      %parallel_loop3A_732 = arith.constant 0 : i32
      %parallel_loop3A_733 = arith.constant 0 : i32
      %parallel_loop3A_734 = arith.constant 0 : i32
      %parallel_loop3A_735 = tpu.memref_slice %arg7[%parallel_loop3A_731, %parallel_loop3A_732, %parallel_loop3A_733, %parallel_loop3A_734] : memref<4x8x8x133xf32, #tpu.memory_space<vmem>> -> memref<1x8x8x133xf32, #tpu.memory_space<vmem>>
      %parallel_loop3A_736 = tpu.memref_squeeze %parallel_loop3A_735 : memref<1x8x8x133xf32, #tpu.memory_space<vmem>> -> memref<8x8x133xf32, #tpu.memory_space<vmem>>
      tpu.vector_store_idx %parallel_loop3A_736[%add3A_28, %select_n3A_150, %parallel_loop3A_722], %parallel_loop3A_730 : memref<8x8x133xf32, #tpu.memory_space<vmem>>[vector<16xi32>, vector<16xi32>, vector<16xi32>], vector<16xf32>,
      %parallel_loop3A_737 = arith.constant 2 : i32
      %parallel_loop3A_738 = arith.index_cast %parallel_loop3A_737 : i32 to index
      %parallel_loop3A_739 = arith.index_cast %parallel_loop3A_721 : i32 to index
      %parallel_loop3A_740 = arith.constant 16 : index
      %parallel_loop3A_741 = tpu.vector_load %arg6[%parallel_loop3A_738, %parallel_loop3A_739, %parallel_loop3A_740] {strides = array<i32>} : memref<4x128x128xf32, #tpu.memory_space<vmem>>, vector<16xf32>,
      %parallel_loop3A_742 = arith.constant 8.000000e+00 : f32
      %parallel_loop3A_743 = vector.broadcast %parallel_loop3A_742 : f32 to vector<16xf32>
      %parallel_loop3A_744 = arith.mulf %parallel_loop3A_741, %parallel_loop3A_743 : vector<16xf32>
      %parallel_loop3A_745 = arith.constant 2 : i32
      %parallel_loop3A_746 = arith.constant 0 : i32
      %parallel_loop3A_747 = arith.constant 0 : i32
      %parallel_loop3A_748 = arith.constant 0 : i32
      %parallel_loop3A_749 = tpu.memref_slice %arg7[%parallel_loop3A_745, %parallel_loop3A_746, %parallel_loop3A_747, %parallel_loop3A_748] : memref<4x8x8x133xf32, #tpu.memory_space<vmem>> -> memref<1x8x8x133xf32, #tpu.memory_space<vmem>>
      %parallel_loop3A_750 = tpu.memref_squeeze %parallel_loop3A_749 : memref<1x8x8x133xf32, #tpu.memory_space<vmem>> -> memref<8x8x133xf32, #tpu.memory_space<vmem>>
      tpu.vector_store_idx %parallel_loop3A_750[%add3A_62, %select_n3A_150, %parallel_loop3A_722], %parallel_loop3A_744 : memref<8x8x133xf32, #tpu.memory_space<vmem>>[vector<16xi32>, vector<16xi32>, vector<16xi32>], vector<16xf32>,
      %parallel_loop3A_751 = arith.constant 2 : i32
      %parallel_loop3A_752 = arith.index_cast %parallel_loop3A_751 : i32 to index
      %parallel_loop3A_753 = arith.index_cast %parallel_loop3A_721 : i32 to index
      %parallel_loop3A_754 = arith.constant 32 : index
      %parallel_loop3A_755 = tpu.vector_load %arg6[%parallel_loop3A_752, %parallel_loop3A_753, %parallel_loop3A_754] {strides = array<i32>} : memref<4x128x128xf32, #tpu.memory_space<vmem>>, vector<16xf32>,
      %parallel_loop3A_756 = arith.constant 8.000000e+00 : f32
      %parallel_loop3A_757 = vector.broadcast %parallel_loop3A_756 : f32 to vector<16xf32>
      %parallel_loop3A_758 = arith.mulf %parallel_loop3A_755, %parallel_loop3A_757 : vector<16xf32>
      %parallel_loop3A_759 = arith.constant 2 : i32
      %parallel_loop3A_760 = arith.constant 0 : i32
      %parallel_loop3A_761 = arith.constant 0 : i32
      %parallel_loop3A_762 = arith.constant 0 : i32
      %parallel_loop3A_763 = tpu.memref_slice %arg7[%parallel_loop3A_759, %parallel_loop3A_760, %parallel_loop3A_761, %parallel_loop3A_762] : memref<4x8x8x133xf32, #tpu.memory_space<vmem>> -> memref<1x8x8x133xf32, #tpu.memory_space<vmem>>
      %parallel_loop3A_764 = tpu.memref_squeeze %parallel_loop3A_763 : memref<1x8x8x133xf32, #tpu.memory_space<vmem>> -> memref<8x8x133xf32, #tpu.memory_space<vmem>>
      tpu.vector_store_idx %parallel_loop3A_764[%add3A_96, %select_n3A_150, %parallel_loop3A_722], %parallel_loop3A_758 : memref<8x8x133xf32, #tpu.memory_space<vmem>>[vector<16xi32>, vector<16xi32>, vector<16xi32>], vector<16xf32>,
      %parallel_loop3A_765 = arith.constant 2 : i32
      %parallel_loop3A_766 = arith.index_cast %parallel_loop3A_765 : i32 to index
      %parallel_loop3A_767 = arith.index_cast %parallel_loop3A_721 : i32 to index
      %parallel_loop3A_768 = arith.constant 48 : index
      %parallel_loop3A_769 = tpu.vector_load %arg6[%parallel_loop3A_766, %parallel_loop3A_767, %parallel_loop3A_768] {strides = array<i32>} : memref<4x128x128xf32, #tpu.memory_space<vmem>>, vector<16xf32>,
      %parallel_loop3A_770 = arith.constant 8.000000e+00 : f32
      %parallel_loop3A_771 = vector.broadcast %parallel_loop3A_770 : f32 to vector<16xf32>
      %parallel_loop3A_772 = arith.mulf %parallel_loop3A_769, %parallel_loop3A_771 : vector<16xf32>
      %parallel_loop3A_773 = arith.constant 2 : i32
      %parallel_loop3A_774 = arith.constant 0 : i32
      %parallel_loop3A_775 = arith.constant 0 : i32
      %parallel_loop3A_776 = arith.constant 0 : i32
      %parallel_loop3A_777 = tpu.memref_slice %arg7[%parallel_loop3A_773, %parallel_loop3A_774, %parallel_loop3A_775, %parallel_loop3A_776] : memref<4x8x8x133xf32, #tpu.memory_space<vmem>> -> memref<1x8x8x133xf32, #tpu.memory_space<vmem>>
      %parallel_loop3A_778 = tpu.memref_squeeze %parallel_loop3A_777 : memref<1x8x8x133xf32, #tpu.memory_space<vmem>> -> memref<8x8x133xf32, #tpu.memory_space<vmem>>
      tpu.vector_store_idx %parallel_loop3A_778[%add3A_130, %select_n3A_150, %parallel_loop3A_722], %parallel_loop3A_772 : memref<8x8x133xf32, #tpu.memory_space<vmem>>[vector<16xi32>, vector<16xi32>, vector<16xi32>], vector<16xf32>,
    } {sc.loop_unroll_factor = 4 : i64, sc.parallel_access}
    %dma_start3A_319 = arith.constant 2 : i32
    %dma_start3A_320 = arith.constant 2 : i32
    %dma_start3A_321 = arith.constant 0 : i32
    %dma_start3A_322 = arith.constant 0 : i32
    %dma_start3A_323 = arith.constant 0 : i32
    %dma_start3A_324 = tpu.memref_slice %arg7[%dma_start3A_319, %dma_start3A_321, %dma_start3A_322, %dma_start3A_323] : memref<4x8x8x133xf32, #tpu.memory_space<vmem>> -> memref<1x8x8x128xf32, #tpu.memory_space<vmem>>
    %dma_start3A_325 = tpu.memref_squeeze %dma_start3A_324 : memref<1x8x8x128xf32, #tpu.memory_space<vmem>> -> memref<8x8x128xf32, #tpu.memory_space<vmem>>
    %dma_start3A_326 = arith.constant 0 : i32
    %dma_start3A_327 = arith.constant 0 : i32
    %dma_start3A_328 = arith.constant 0 : i32
    %dma_start3A_329 = tpu.memref_slice %arg4[%dma_start3A_320, %dma_start3A_326, %add3A, %dma_start3A_327, %dma_start3A_328] : memref<200x8x32x8x128xf32, #tpu.memory_space<hbm>> -> memref<1x8x1x8x128xf32, #tpu.memory_space<hbm>>
    %dma_start3A_330 = tpu.memref_squeeze %dma_start3A_329 : memref<1x8x1x8x128xf32, #tpu.memory_space<hbm>> -> memref<8x8x128xf32, #tpu.memory_space<hbm>>
    %dma_start3A_331 = arith.constant 0 : i32
    %dma_start3A_332 = arith.constant 0 : i32
    %dma_start3A_333 = arith.constant 0 : i32
    %dma_start3A_334 = tpu.memref_slice %arg4[%dma_start3A_320, %dma_start3A_331, %add3A, %dma_start3A_332, %dma_start3A_333] : memref<200x8x32x8x128xf32, #tpu.memory_space<hbm>> -> memref<1x8x1x8x128xf32, #tpu.memory_space<hbm>>
    %dma_start3A_335 = tpu.memref_squeeze %dma_start3A_334 : memref<1x8x1x8x128xf32, #tpu.memory_space<hbm>> -> memref<8x8x128xf32, #tpu.memory_space<hbm>>
    %dma_start3A_336 = arith.constant 0 : i32
    %dma_start3A_337 = arith.constant 0 : i32
    %dma_start3A_338 = arith.constant 0 : i32
    %dma_start3A_339 = tpu.memref_slice %arg7[%dma_start3A_319, %dma_start3A_336, %dma_start3A_337, %dma_start3A_338] : memref<4x8x8x133xf32, #tpu.memory_space<vmem>> -> memref<1x8x8x128xf32, #tpu.memory_space<vmem>>
    %dma_start3A_340 = tpu.memref_squeeze %dma_start3A_339 : memref<1x8x8x128xf32, #tpu.memory_space<vmem>> -> memref<8x8x128xf32, #tpu.memory_space<vmem>>
    tpu.enqueue_dma source(%dma_start3A_340 : memref<8x8x128xf32, #tpu.memory_space<vmem>>) target(%dma_start3A_335 : memref<8x8x128xf32, #tpu.memory_space<hbm>>) target_semaphore(%arg14 : memref<!tpu.dma_semaphore, #tpu.memory_space<semaphore_mem>>)
    %dma_wait3A_341 = arith.constant 1 : i32
    %dma_wait3A_342 = arith.constant 1 : i32
    %dma_wait3A_343 = arith.constant 0 : i32
    %dma_wait3A_344 = arith.constant 0 : i32
    %dma_wait3A_345 = arith.constant 0 : i32
    %dma_wait3A_346 = tpu.memref_slice %arg7[%dma_wait3A_341, %dma_wait3A_343, %dma_wait3A_344, %dma_wait3A_345] : memref<4x8x8x133xf32, #tpu.memory_space<vmem>> -> memref<1x8x8x128xf32, #tpu.memory_space<vmem>>
    %dma_wait3A_347 = tpu.memref_squeeze %dma_wait3A_346 : memref<1x8x8x128xf32, #tpu.memory_space<vmem>> -> memref<8x8x128xf32, #tpu.memory_space<vmem>>
    %dma_wait3A_348 = arith.constant 0 : i32
    %dma_wait3A_349 = arith.constant 0 : i32
    %dma_wait3A_350 = arith.constant 0 : i32
    %dma_wait3A_351 = tpu.memref_slice %arg4[%dma_wait3A_342, %dma_wait3A_348, %add3A, %dma_wait3A_349, %dma_wait3A_350] : memref<200x8x32x8x128xf32, #tpu.memory_space<hbm>> -> memref<1x8x1x8x128xf32, #tpu.memory_space<hbm>>
    %dma_wait3A_352 = tpu.memref_squeeze %dma_wait3A_351 : memref<1x8x1x8x128xf32, #tpu.memory_space<hbm>> -> memref<8x8x128xf32, #tpu.memory_space<hbm>>
    %dma_wait3A_353 = arith.constant 0 : i32
    %dma_wait3A_354 = arith.constant 0 : i32
    %dma_wait3A_355 = arith.constant 0 : i32
    %dma_wait3A_356 = tpu.memref_slice %arg4[%dma_wait3A_342, %dma_wait3A_353, %add3A, %dma_wait3A_354, %dma_wait3A_355] : memref<200x8x32x8x128xf32, #tpu.memory_space<hbm>> -> memref<1x8x1x8x128xf32, #tpu.memory_space<hbm>>
    %dma_wait3A_357 = tpu.memref_squeeze %dma_wait3A_356 : memref<1x8x1x8x128xf32, #tpu.memory_space<hbm>> -> memref<8x8x128xf32, #tpu.memory_space<hbm>>
    %dma_wait3A_358 = arith.constant 0 : i32
    %dma_wait3A_359 = arith.constant 0 : i32
    %dma_wait3A_360 = arith.constant 0 : i32
    %dma_wait3A_361 = tpu.memref_slice %arg7[%dma_wait3A_341, %dma_wait3A_358, %dma_wait3A_359, %dma_wait3A_360] : memref<4x8x8x133xf32, #tpu.memory_space<vmem>> -> memref<1x8x8x128xf32, #tpu.memory_space<vmem>>
    %dma_wait3A_362 = tpu.memref_squeeze %dma_wait3A_361 : memref<1x8x8x128xf32, #tpu.memory_space<vmem>> -> memref<8x8x128xf32, #tpu.memory_space<vmem>>
    tpu.wait_dma2 semaphore(%arg13 : memref<!tpu.dma_semaphore, #tpu.memory_space<semaphore_mem>>) src(%dma_wait3A_362 : memref<8x8x128xf32, #tpu.memory_space<vmem>>) dst(%dma_wait3A_357 : memref<8x8x128xf32, #tpu.memory_space<hbm>>)
    %dma_start3A_363 = arith.constant 5 : i32
    %dma_start3A_364 = arith.constant 1 : i32
    %dma_start3A_365 = arith.constant 0 : i32
    %dma_start3A_366 = arith.constant 0 : i32
    %dma_start3A_367 = tpu.memref_slice %arg6[%dma_start3A_364, %dma_start3A_365, %dma_start3A_366] : memref<4x128x128xf32, #tpu.memory_space<vmem>> -> memref<1x128x128xf32, #tpu.memory_space<vmem>>
    %dma_start3A_368 = tpu.memref_squeeze %dma_start3A_367 : memref<1x128x128xf32, #tpu.memory_space<vmem>> -> memref<128x128xf32, #tpu.memory_space<vmem>>
    %dma_start3A_369 = arith.constant 0 : i32
    %dma_start3A_370 = tpu.memref_slice %arg5[%dma_start3A_363, %dma_start3A_369] : memref<200x128xi32, #tpu.memory_space<vmem>> -> memref<1x128xi32, #tpu.memory_space<vmem>>
    %dma_start3A_371 = tpu.memref_squeeze %dma_start3A_370 : memref<1x128xi32, #tpu.memory_space<vmem>> -> memref<128xi32, #tpu.memory_space<vmem>>
    %dma_start3A_372 = arith.constant 0 : i32
    %dma_start3A_373 = arith.constant 0 : i32
    %dma_start3A_374 = tpu.memref_slice %arg3[%dma_start3A_372, %dma_start3A_373] : memref<1000000x128xf32, #tpu.memory_space<hbm>> -> memref<1000000x128xf32, #tpu.memory_space<hbm>>
    tpu.enqueue_indirect_dma source(%dma_start3A_374 : memref<1000000x128xf32, #tpu.memory_space<hbm>>) target(%dma_start3A_368 : memref<128x128xf32, #tpu.memory_space<vmem>>) offsets(%dma_start3A_371 : memref<128xi32, #tpu.memory_space<vmem>>) semaphore(%arg9 : memref<!tpu.dma_semaphore, #tpu.memory_space<semaphore_mem>>)
    %dma_wait3A_375 = arith.constant 3 : i32
    %dma_wait3A_376 = arith.constant 3 : i32
    %dma_wait3A_377 = arith.constant 0 : i32
    %dma_wait3A_378 = arith.constant 0 : i32
    %dma_wait3A_379 = tpu.memref_slice %arg6[%dma_wait3A_376, %dma_wait3A_377, %dma_wait3A_378] : memref<4x128x128xf32, #tpu.memory_space<vmem>> -> memref<1x128x128xf32, #tpu.memory_space<vmem>>
    %dma_wait3A_380 = tpu.memref_squeeze %dma_wait3A_379 : memref<1x128x128xf32, #tpu.memory_space<vmem>> -> memref<128x128xf32, #tpu.memory_space<vmem>>
    %dma_wait3A_381 = arith.constant 0 : i32
    %dma_wait3A_382 = tpu.memref_slice %arg5[%dma_wait3A_375, %dma_wait3A_381] : memref<200x128xi32, #tpu.memory_space<vmem>> -> memref<1x128xi32, #tpu.memory_space<vmem>>
    %dma_wait3A_383 = tpu.memref_squeeze %dma_wait3A_382 : memref<1x128xi32, #tpu.memory_space<vmem>> -> memref<128xi32, #tpu.memory_space<vmem>>
    %dma_wait3A_384 = arith.constant 0 : i32
    %dma_wait3A_385 = arith.constant 0 : i32
    %dma_wait3A_386 = tpu.memref_slice %arg3[%dma_wait3A_384, %dma_wait3A_385] : memref<1000000x128xf32, #tpu.memory_space<hbm>> -> memref<1000000x128xf32, #tpu.memory_space<hbm>>
    tpu.wait_indirect_dma semaphore(%arg11 : memref<!tpu.dma_semaphore, #tpu.memory_space<semaphore_mem>>) src(%dma_wait3A_386 : memref<1000000x128xf32, #tpu.memory_space<hbm>>) dst(%dma_wait3A_380 : memref<128x128xf32, #tpu.memory_space<vmem>>)
    %parallel_loop3A_387 = arith.constant 0 : i32
    %parallel_loop3A_388 = arith.constant 128 : i32
    %parallel_loop3A_389 = arith.constant 1 : i32
    scf.for %parallel_loop3A_721 = %parallel_loop3A_387 to %parallel_loop3A_388 step %parallel_loop3A_389  : i32 {
      %parallel_loop3A_722 = vector.broadcast %parallel_loop3A_721 : i32 to vector<16xi32>
      %parallel_loop3A_723 = arith.constant 3 : i32
      %parallel_loop3A_724 = arith.index_cast %parallel_loop3A_723 : i32 to index
      %parallel_loop3A_725 = arith.index_cast %parallel_loop3A_721 : i32 to index
      %parallel_loop3A_726 = arith.constant 0 : index
      %parallel_loop3A_727 = tpu.vector_load %arg6[%parallel_loop3A_724, %parallel_loop3A_725, %parallel_loop3A_726] {strides = array<i32>} : memref<4x128x128xf32, #tpu.memory_space<vmem>>, vector<16xf32>,
      %parallel_loop3A_728 = arith.constant 8.000000e+00 : f32
      %parallel_loop3A_729 = vector.broadcast %parallel_loop3A_728 : f32 to vector<16xf32>
      %parallel_loop3A_730 = arith.mulf %parallel_loop3A_727, %parallel_loop3A_729 : vector<16xf32>
      %parallel_loop3A_731 = arith.constant 3 : i32
      %parallel_loop3A_732 = arith.constant 0 : i32
      %parallel_loop3A_733 = arith.constant 0 : i32
      %parallel_loop3A_734 = arith.constant 0 : i32
      %parallel_loop3A_735 = tpu.memref_slice %arg7[%parallel_loop3A_731, %parallel_loop3A_732, %parallel_loop3A_733, %parallel_loop3A_734] : memref<4x8x8x133xf32, #tpu.memory_space<vmem>> -> memref<1x8x8x133xf32, #tpu.memory_space<vmem>>
      %parallel_loop3A_736 = tpu.memref_squeeze %parallel_loop3A_735 : memref<1x8x8x133xf32, #tpu.memory_space<vmem>> -> memref<8x8x133xf32, #tpu.memory_space<vmem>>
      tpu.vector_store_idx %parallel_loop3A_736[%add3A_28, %select_n3A_150, %parallel_loop3A_722], %parallel_loop3A_730 : memref<8x8x133xf32, #tpu.memory_space<vmem>>[vector<16xi32>, vector<16xi32>, vector<16xi32>], vector<16xf32>,
      %parallel_loop3A_737 = arith.constant 3 : i32
      %parallel_loop3A_738 = arith.index_cast %parallel_loop3A_737 : i32 to index
      %parallel_loop3A_739 = arith.index_cast %parallel_loop3A_721 : i32 to index
      %parallel_loop3A_740 = arith.constant 16 : index
      %parallel_loop3A_741 = tpu.vector_load %arg6[%parallel_loop3A_738, %parallel_loop3A_739, %parallel_loop3A_740] {strides = array<i32>} : memref<4x128x128xf32, #tpu.memory_space<vmem>>, vector<16xf32>,
      %parallel_loop3A_742 = arith.constant 8.000000e+00 : f32
      %parallel_loop3A_743 = vector.broadcast %parallel_loop3A_742 : f32 to vector<16xf32>
      %parallel_loop3A_744 = arith.mulf %parallel_loop3A_741, %parallel_loop3A_743 : vector<16xf32>
      %parallel_loop3A_745 = arith.constant 3 : i32
      %parallel_loop3A_746 = arith.constant 0 : i32
      %parallel_loop3A_747 = arith.constant 0 : i32
      %parallel_loop3A_748 = arith.constant 0 : i32
      %parallel_loop3A_749 = tpu.memref_slice %arg7[%parallel_loop3A_745, %parallel_loop3A_746, %parallel_loop3A_747, %parallel_loop3A_748] : memref<4x8x8x133xf32, #tpu.memory_space<vmem>> -> memref<1x8x8x133xf32, #tpu.memory_space<vmem>>
      %parallel_loop3A_750 = tpu.memref_squeeze %parallel_loop3A_749 : memref<1x8x8x133xf32, #tpu.memory_space<vmem>> -> memref<8x8x133xf32, #tpu.memory_space<vmem>>
      tpu.vector_store_idx %parallel_loop3A_750[%add3A_62, %select_n3A_150, %parallel_loop3A_722], %parallel_loop3A_744 : memref<8x8x133xf32, #tpu.memory_space<vmem>>[vector<16xi32>, vector<16xi32>, vector<16xi32>], vector<16xf32>,
      %parallel_loop3A_751 = arith.constant 3 : i32
      %parallel_loop3A_752 = arith.index_cast %parallel_loop3A_751 : i32 to index
      %parallel_loop3A_753 = arith.index_cast %parallel_loop3A_721 : i32 to index
      %parallel_loop3A_754 = arith.constant 32 : index
      %parallel_loop3A_755 = tpu.vector_load %arg6[%parallel_loop3A_752, %parallel_loop3A_753, %parallel_loop3A_754] {strides = array<i32>} : memref<4x128x128xf32, #tpu.memory_space<vmem>>, vector<16xf32>,
      %parallel_loop3A_756 = arith.constant 8.000000e+00 : f32
      %parallel_loop3A_757 = vector.broadcast %parallel_loop3A_756 : f32 to vector<16xf32>
      %parallel_loop3A_758 = arith.mulf %parallel_loop3A_755, %parallel_loop3A_757 : vector<16xf32>
      %parallel_loop3A_759 = arith.constant 3 : i32
      %parallel_loop3A_760 = arith.constant 0 : i32
      %parallel_loop3A_761 = arith.constant 0 : i32
      %parallel_loop3A_762 = arith.constant 0 : i32
      %parallel_loop3A_763 = tpu.memref_slice %arg7[%parallel_loop3A_759, %parallel_loop3A_760, %parallel_loop3A_761, %parallel_loop3A_762] : memref<4x8x8x133xf32, #tpu.memory_space<vmem>> -> memref<1x8x8x133xf32, #tpu.memory_space<vmem>>
      %parallel_loop3A_764 = tpu.memref_squeeze %parallel_loop3A_763 : memref<1x8x8x133xf32, #tpu.memory_space<vmem>> -> memref<8x8x133xf32, #tpu.memory_space<vmem>>
      tpu.vector_store_idx %parallel_loop3A_764[%add3A_96, %select_n3A_150, %parallel_loop3A_722], %parallel_loop3A_758 : memref<8x8x133xf32, #tpu.memory_space<vmem>>[vector<16xi32>, vector<16xi32>, vector<16xi32>], vector<16xf32>,
      %parallel_loop3A_765 = arith.constant 3 : i32
      %parallel_loop3A_766 = arith.index_cast %parallel_loop3A_765 : i32 to index
      %parallel_loop3A_767 = arith.index_cast %parallel_loop3A_721 : i32 to index
      %parallel_loop3A_768 = arith.constant 48 : index
      %parallel_loop3A_769 = tpu.vector_load %arg6[%parallel_loop3A_766, %parallel_loop3A_767, %parallel_loop3A_768] {strides = array<i32>} : memref<4x128x128xf32, #tpu.memory_space<vmem>>, vector<16xf32>,
      %parallel_loop3A_770 = arith.constant 8.000000e+00 : f32
      %parallel_loop3A_771 = vector.broadcast %parallel_loop3A_770 : f32 to vector<16xf32>
      %parallel_loop3A_772 = arith.mulf %parallel_loop3A_769, %parallel_loop3A_771 : vector<16xf32>
      %parallel_loop3A_773 = arith.constant 3 : i32
      %parallel_loop3A_774 = arith.constant 0 : i32
      %parallel_loop3A_775 = arith.constant 0 : i32
      %parallel_loop3A_776 = arith.constant 0 : i32
      %parallel_loop3A_777 = tpu.memref_slice %arg7[%parallel_loop3A_773, %parallel_loop3A_774, %parallel_loop3A_775, %parallel_loop3A_776] : memref<4x8x8x133xf32, #tpu.memory_space<vmem>> -> memref<1x8x8x133xf32, #tpu.memory_space<vmem>>
      %parallel_loop3A_778 = tpu.memref_squeeze %parallel_loop3A_777 : memref<1x8x8x133xf32, #tpu.memory_space<vmem>> -> memref<8x8x133xf32, #tpu.memory_space<vmem>>
      tpu.vector_store_idx %parallel_loop3A_778[%add3A_130, %select_n3A_150, %parallel_loop3A_722], %parallel_loop3A_772 : memref<8x8x133xf32, #tpu.memory_space<vmem>>[vector<16xi32>, vector<16xi32>, vector<16xi32>], vector<16xf32>,
    } {sc.loop_unroll_factor = 4 : i64, sc.parallel_access}
    %dma_start3A_390 = arith.constant 3 : i32
    %dma_start3A_391 = arith.constant 3 : i32
    %dma_start3A_392 = arith.constant 0 : i32
    %dma_start3A_393 = arith.constant 0 : i32
    %dma_start3A_394 = arith.constant 0 : i32
    %dma_start3A_395 = tpu.memref_slice %arg7[%dma_start3A_390, %dma_start3A_392, %dma_start3A_393, %dma_start3A_394] : memref<4x8x8x133xf32, #tpu.memory_space<vmem>> -> memref<1x8x8x128xf32, #tpu.memory_space<vmem>>
    %dma_start3A_396 = tpu.memref_squeeze %dma_start3A_395 : memref<1x8x8x128xf32, #tpu.memory_space<vmem>> -> memref<8x8x128xf32, #tpu.memory_space<vmem>>
    %dma_start3A_397 = arith.constant 0 : i32
    %dma_start3A_398 = arith.constant 0 : i32
    %dma_start3A_399 = arith.constant 0 : i32
    %dma_start3A_400 = tpu.memref_slice %arg4[%dma_start3A_391, %dma_start3A_397, %add3A, %dma_start3A_398, %dma_start3A_399] : memref<200x8x32x8x128xf32, #tpu.memory_space<hbm>> -> memref<1x8x1x8x128xf32, #tpu.memory_space<hbm>>
    %dma_start3A_401 = tpu.memref_squeeze %dma_start3A_400 : memref<1x8x1x8x128xf32, #tpu.memory_space<hbm>> -> memref<8x8x128xf32, #tpu.memory_space<hbm>>
    %dma_start3A_402 = arith.constant 0 : i32
    %dma_start3A_403 = arith.constant 0 : i32
    %dma_start3A_404 = arith.constant 0 : i32
    %dma_start3A_405 = tpu.memref_slice %arg4[%dma_start3A_391, %dma_start3A_402, %add3A, %dma_start3A_403, %dma_start3A_404] : memref<200x8x32x8x128xf32, #tpu.memory_space<hbm>> -> memref<1x8x1x8x128xf32, #tpu.memory_space<hbm>>
    %dma_start3A_406 = tpu.memref_squeeze %dma_start3A_405 : memref<1x8x1x8x128xf32, #tpu.memory_space<hbm>> -> memref<8x8x128xf32, #tpu.memory_space<hbm>>
    %dma_start3A_407 = arith.constant 0 : i32
    %dma_start3A_408 = arith.constant 0 : i32
    %dma_start3A_409 = arith.constant 0 : i32
    %dma_start3A_410 = tpu.memref_slice %arg7[%dma_start3A_390, %dma_start3A_407, %dma_start3A_408, %dma_start3A_409] : memref<4x8x8x133xf32, #tpu.memory_space<vmem>> -> memref<1x8x8x128xf32, #tpu.memory_space<vmem>>
    %dma_start3A_411 = tpu.memref_squeeze %dma_start3A_410 : memref<1x8x8x128xf32, #tpu.memory_space<vmem>> -> memref<8x8x128xf32, #tpu.memory_space<vmem>>
    tpu.enqueue_dma source(%dma_start3A_411 : memref<8x8x128xf32, #tpu.memory_space<vmem>>) target(%dma_start3A_406 : memref<8x8x128xf32, #tpu.memory_space<hbm>>) target_semaphore(%arg15 : memref<!tpu.dma_semaphore, #tpu.memory_space<semaphore_mem>>)
    %dma_wait3A_412 = arith.constant 2 : i32
    %dma_wait3A_413 = arith.constant 2 : i32
    %dma_wait3A_414 = arith.constant 0 : i32
    %dma_wait3A_415 = arith.constant 0 : i32
    %dma_wait3A_416 = arith.constant 0 : i32
    %dma_wait3A_417 = tpu.memref_slice %arg7[%dma_wait3A_412, %dma_wait3A_414, %dma_wait3A_415, %dma_wait3A_416] : memref<4x8x8x133xf32, #tpu.memory_space<vmem>> -> memref<1x8x8x128xf32, #tpu.memory_space<vmem>>
    %dma_wait3A_418 = tpu.memref_squeeze %dma_wait3A_417 : memref<1x8x8x128xf32, #tpu.memory_space<vmem>> -> memref<8x8x128xf32, #tpu.memory_space<vmem>>
    %dma_wait3A_419 = arith.constant 0 : i32
    %dma_wait3A_420 = arith.constant 0 : i32
    %dma_wait3A_421 = arith.constant 0 : i32
    %dma_wait3A_422 = tpu.memref_slice %arg4[%dma_wait3A_413, %dma_wait3A_419, %add3A, %dma_wait3A_420, %dma_wait3A_421] : memref<200x8x32x8x128xf32, #tpu.memory_space<hbm>> -> memref<1x8x1x8x128xf32, #tpu.memory_space<hbm>>
    %dma_wait3A_423 = tpu.memref_squeeze %dma_wait3A_422 : memref<1x8x1x8x128xf32, #tpu.memory_space<hbm>> -> memref<8x8x128xf32, #tpu.memory_space<hbm>>
    %dma_wait3A_424 = arith.constant 0 : i32
    %dma_wait3A_425 = arith.constant 0 : i32
    %dma_wait3A_426 = arith.constant 0 : i32
    %dma_wait3A_427 = tpu.memref_slice %arg4[%dma_wait3A_413, %dma_wait3A_424, %add3A, %dma_wait3A_425, %dma_wait3A_426] : memref<200x8x32x8x128xf32, #tpu.memory_space<hbm>> -> memref<1x8x1x8x128xf32, #tpu.memory_space<hbm>>
    %dma_wait3A_428 = tpu.memref_squeeze %dma_wait3A_427 : memref<1x8x1x8x128xf32, #tpu.memory_space<hbm>> -> memref<8x8x128xf32, #tpu.memory_space<hbm>>
    %dma_wait3A_429 = arith.constant 0 : i32
    %dma_wait3A_430 = arith.constant 0 : i32
    %dma_wait3A_431 = arith.constant 0 : i32
    %dma_wait3A_432 = tpu.memref_slice %arg7[%dma_wait3A_412, %dma_wait3A_429, %dma_wait3A_430, %dma_wait3A_431] : memref<4x8x8x133xf32, #tpu.memory_space<vmem>> -> memref<1x8x8x128xf32, #tpu.memory_space<vmem>>
    %dma_wait3A_433 = tpu.memref_squeeze %dma_wait3A_432 : memref<1x8x8x128xf32, #tpu.memory_space<vmem>> -> memref<8x8x128xf32, #tpu.memory_space<vmem>>
    tpu.wait_dma2 semaphore(%arg14 : memref<!tpu.dma_semaphore, #tpu.memory_space<semaphore_mem>>) src(%dma_wait3A_433 : memref<8x8x128xf32, #tpu.memory_space<vmem>>) dst(%dma_wait3A_428 : memref<8x8x128xf32, #tpu.memory_space<hbm>>)
    %dma_start3A_434 = arith.constant 6 : i32
    %dma_start3A_435 = arith.constant 2 : i32
    %dma_start3A_436 = arith.constant 0 : i32
    %dma_start3A_437 = arith.constant 0 : i32
    %dma_start3A_438 = tpu.memref_slice %arg6[%dma_start3A_435, %dma_start3A_436, %dma_start3A_437] : memref<4x128x128xf32, #tpu.memory_space<vmem>> -> memref<1x128x128xf32, #tpu.memory_space<vmem>>
    %dma_start3A_439 = tpu.memref_squeeze %dma_start3A_438 : memref<1x128x128xf32, #tpu.memory_space<vmem>> -> memref<128x128xf32, #tpu.memory_space<vmem>>
    %dma_start3A_440 = arith.constant 0 : i32
    %dma_start3A_441 = tpu.memref_slice %arg5[%dma_start3A_434, %dma_start3A_440] : memref<200x128xi32, #tpu.memory_space<vmem>> -> memref<1x128xi32, #tpu.memory_space<vmem>>
    %dma_start3A_442 = tpu.memref_squeeze %dma_start3A_441 : memref<1x128xi32, #tpu.memory_space<vmem>> -> memref<128xi32, #tpu.memory_space<vmem>>
    %dma_start3A_443 = arith.constant 0 : i32
    %dma_start3A_444 = arith.constant 0 : i32
    %dma_start3A_445 = tpu.memref_slice %arg3[%dma_start3A_443, %dma_start3A_444] : memref<1000000x128xf32, #tpu.memory_space<hbm>> -> memref<1000000x128xf32, #tpu.memory_space<hbm>>
    tpu.enqueue_indirect_dma source(%dma_start3A_445 : memref<1000000x128xf32, #tpu.memory_space<hbm>>) target(%dma_start3A_439 : memref<128x128xf32, #tpu.memory_space<vmem>>) offsets(%dma_start3A_442 : memref<128xi32, #tpu.memory_space<vmem>>) semaphore(%arg10 : memref<!tpu.dma_semaphore, #tpu.memory_space<semaphore_mem>>)
    %scan3A = arith.constant 0 : i32
    %scan3A_446 = arith.constant 1 : i32
    %scan3A_447 = arith.constant 48 : i32
    %scan3A_448 = arith.addi %scan3A_446, %scan3A_447 : i32
    %scan3A_449 = arith.constant 1 : i32
    scf.for %scan3A_721 = %scan3A_446 to %scan3A_448 step %scan3A_449  : i32 {
      %mul3A_722 = arith.constant 4 : i32
      %mul3A_723 = arith.muli %scan3A_721, %mul3A_722 : i32
      %add3A_724 = arith.constant 0 : i32
      %add3A_725 = arith.addi %mul3A_723, %add3A_724 : i32
      %dma_wait3A_726 = arith.constant 0 : i32
      %dma_wait3A_727 = arith.constant 0 : i32
      %dma_wait3A_728 = arith.constant 0 : i32
      %dma_wait3A_729 = tpu.memref_slice %arg6[%dma_wait3A_726, %dma_wait3A_727, %dma_wait3A_728] : memref<4x128x128xf32, #tpu.memory_space<vmem>> -> memref<1x128x128xf32, #tpu.memory_space<vmem>>
      %dma_wait3A_730 = tpu.memref_squeeze %dma_wait3A_729 : memref<1x128x128xf32, #tpu.memory_space<vmem>> -> memref<128x128xf32, #tpu.memory_space<vmem>>
      %dma_wait3A_731 = arith.constant 0 : i32
      %dma_wait3A_732 = tpu.memref_slice %arg5[%add3A_725, %dma_wait3A_731] : memref<200x128xi32, #tpu.memory_space<vmem>> -> memref<1x128xi32, #tpu.memory_space<vmem>>
      %dma_wait3A_733 = tpu.memref_squeeze %dma_wait3A_732 : memref<1x128xi32, #tpu.memory_space<vmem>> -> memref<128xi32, #tpu.memory_space<vmem>>
      %dma_wait3A_734 = arith.constant 0 : i32
      %dma_wait3A_735 = arith.constant 0 : i32
      %dma_wait3A_736 = tpu.memref_slice %arg3[%dma_wait3A_734, %dma_wait3A_735] : memref<1000000x128xf32, #tpu.memory_space<hbm>> -> memref<1000000x128xf32, #tpu.memory_space<hbm>>
      tpu.wait_indirect_dma semaphore(%arg8 : memref<!tpu.dma_semaphore, #tpu.memory_space<semaphore_mem>>) src(%dma_wait3A_736 : memref<1000000x128xf32, #tpu.memory_space<hbm>>) dst(%dma_wait3A_730 : memref<128x128xf32, #tpu.memory_space<vmem>>)
      %parallel_loop3A_737 = arith.constant 0 : i32
      %parallel_loop3A_738 = arith.constant 128 : i32
      %parallel_loop3A_739 = arith.constant 1 : i32
      scf.for %parallel_loop3A_1030 = %parallel_loop3A_737 to %parallel_loop3A_738 step %parallel_loop3A_739  : i32 {
        %parallel_loop3A_1031 = vector.broadcast %parallel_loop3A_1030 : i32 to vector<16xi32>
        %parallel_loop3A_1032 = arith.constant 0 : i32
        %parallel_loop3A_1033 = arith.index_cast %parallel_loop3A_1032 : i32 to index
        %parallel_loop3A_1034 = arith.index_cast %parallel_loop3A_1030 : i32 to index
        %parallel_loop3A_1035 = arith.constant 0 : index
        %parallel_loop3A_1036 = tpu.vector_load %arg6[%parallel_loop3A_1033, %parallel_loop3A_1034, %parallel_loop3A_1035] {strides = array<i32>} : memref<4x128x128xf32, #tpu.memory_space<vmem>>, vector<16xf32>,
        %parallel_loop3A_1037 = arith.constant 8.000000e+00 : f32
        %parallel_loop3A_1038 = vector.broadcast %parallel_loop3A_1037 : f32 to vector<16xf32>
        %parallel_loop3A_1039 = arith.mulf %parallel_loop3A_1036, %parallel_loop3A_1038 : vector<16xf32>
        %parallel_loop3A_1040 = arith.constant 0 : i32
        %parallel_loop3A_1041 = arith.constant 0 : i32
        %parallel_loop3A_1042 = arith.constant 0 : i32
        %parallel_loop3A_1043 = arith.constant 0 : i32
        %parallel_loop3A_1044 = tpu.memref_slice %arg7[%parallel_loop3A_1040, %parallel_loop3A_1041, %parallel_loop3A_1042, %parallel_loop3A_1043] : memref<4x8x8x133xf32, #tpu.memory_space<vmem>> -> memref<1x8x8x133xf32, #tpu.memory_space<vmem>>
        %parallel_loop3A_1045 = tpu.memref_squeeze %parallel_loop3A_1044 : memref<1x8x8x133xf32, #tpu.memory_space<vmem>> -> memref<8x8x133xf32, #tpu.memory_space<vmem>>
        tpu.vector_store_idx %parallel_loop3A_1045[%add3A_28, %select_n3A_150, %parallel_loop3A_1031], %parallel_loop3A_1039 : memref<8x8x133xf32, #tpu.memory_space<vmem>>[vector<16xi32>, vector<16xi32>, vector<16xi32>], vector<16xf32>,
        %parallel_loop3A_1046 = arith.constant 0 : i32
        %parallel_loop3A_1047 = arith.index_cast %parallel_loop3A_1046 : i32 to index
        %parallel_loop3A_1048 = arith.index_cast %parallel_loop3A_1030 : i32 to index
        %parallel_loop3A_1049 = arith.constant 16 : index
        %parallel_loop3A_1050 = tpu.vector_load %arg6[%parallel_loop3A_1047, %parallel_loop3A_1048, %parallel_loop3A_1049] {strides = array<i32>} : memref<4x128x128xf32, #tpu.memory_space<vmem>>, vector<16xf32>,
        %parallel_loop3A_1051 = arith.constant 8.000000e+00 : f32
        %parallel_loop3A_1052 = vector.broadcast %parallel_loop3A_1051 : f32 to vector<16xf32>
        %parallel_loop3A_1053 = arith.mulf %parallel_loop3A_1050, %parallel_loop3A_1052 : vector<16xf32>
        %parallel_loop3A_1054 = arith.constant 0 : i32
        %parallel_loop3A_1055 = arith.constant 0 : i32
        %parallel_loop3A_1056 = arith.constant 0 : i32
        %parallel_loop3A_1057 = arith.constant 0 : i32
        %parallel_loop3A_1058 = tpu.memref_slice %arg7[%parallel_loop3A_1054, %parallel_loop3A_1055, %parallel_loop3A_1056, %parallel_loop3A_1057] : memref<4x8x8x133xf32, #tpu.memory_space<vmem>> -> memref<1x8x8x133xf32, #tpu.memory_space<vmem>>
        %parallel_loop3A_1059 = tpu.memref_squeeze %parallel_loop3A_1058 : memref<1x8x8x133xf32, #tpu.memory_space<vmem>> -> memref<8x8x133xf32, #tpu.memory_space<vmem>>
        tpu.vector_store_idx %parallel_loop3A_1059[%add3A_62, %select_n3A_150, %parallel_loop3A_1031], %parallel_loop3A_1053 : memref<8x8x133xf32, #tpu.memory_space<vmem>>[vector<16xi32>, vector<16xi32>, vector<16xi32>], vector<16xf32>,
        %parallel_loop3A_1060 = arith.constant 0 : i32
        %parallel_loop3A_1061 = arith.index_cast %parallel_loop3A_1060 : i32 to index
        %parallel_loop3A_1062 = arith.index_cast %parallel_loop3A_1030 : i32 to index
        %parallel_loop3A_1063 = arith.constant 32 : index
        %parallel_loop3A_1064 = tpu.vector_load %arg6[%parallel_loop3A_1061, %parallel_loop3A_1062, %parallel_loop3A_1063] {strides = array<i32>} : memref<4x128x128xf32, #tpu.memory_space<vmem>>, vector<16xf32>,
        %parallel_loop3A_1065 = arith.constant 8.000000e+00 : f32
        %parallel_loop3A_1066 = vector.broadcast %parallel_loop3A_1065 : f32 to vector<16xf32>
        %parallel_loop3A_1067 = arith.mulf %parallel_loop3A_1064, %parallel_loop3A_1066 : vector<16xf32>
        %parallel_loop3A_1068 = arith.constant 0 : i32
        %parallel_loop3A_1069 = arith.constant 0 : i32
        %parallel_loop3A_1070 = arith.constant 0 : i32
        %parallel_loop3A_1071 = arith.constant 0 : i32
        %parallel_loop3A_1072 = tpu.memref_slice %arg7[%parallel_loop3A_1068, %parallel_loop3A_1069, %parallel_loop3A_1070, %parallel_loop3A_1071] : memref<4x8x8x133xf32, #tpu.memory_space<vmem>> -> memref<1x8x8x133xf32, #tpu.memory_space<vmem>>
        %parallel_loop3A_1073 = tpu.memref_squeeze %parallel_loop3A_1072 : memref<1x8x8x133xf32, #tpu.memory_space<vmem>> -> memref<8x8x133xf32, #tpu.memory_space<vmem>>
        tpu.vector_store_idx %parallel_loop3A_1073[%add3A_96, %select_n3A_150, %parallel_loop3A_1031], %parallel_loop3A_1067 : memref<8x8x133xf32, #tpu.memory_space<vmem>>[vector<16xi32>, vector<16xi32>, vector<16xi32>], vector<16xf32>,
        %parallel_loop3A_1074 = arith.constant 0 : i32
        %parallel_loop3A_1075 = arith.index_cast %parallel_loop3A_1074 : i32 to index
        %parallel_loop3A_1076 = arith.index_cast %parallel_loop3A_1030 : i32 to index
        %parallel_loop3A_1077 = arith.constant 48 : index
        %parallel_loop3A_1078 = tpu.vector_load %arg6[%parallel_loop3A_1075, %parallel_loop3A_1076, %parallel_loop3A_1077] {strides = array<i32>} : memref<4x128x128xf32, #tpu.memory_space<vmem>>, vector<16xf32>,
        %parallel_loop3A_1079 = arith.constant 8.000000e+00 : f32
        %parallel_loop3A_1080 = vector.broadcast %parallel_loop3A_1079 : f32 to vector<16xf32>
        %parallel_loop3A_1081 = arith.mulf %parallel_loop3A_1078, %parallel_loop3A_1080 : vector<16xf32>
        %parallel_loop3A_1082 = arith.constant 0 : i32
        %parallel_loop3A_1083 = arith.constant 0 : i32
        %parallel_loop3A_1084 = arith.constant 0 : i32
        %parallel_loop3A_1085 = arith.constant 0 : i32
        %parallel_loop3A_1086 = tpu.memref_slice %arg7[%parallel_loop3A_1082, %parallel_loop3A_1083, %parallel_loop3A_1084, %parallel_loop3A_1085] : memref<4x8x8x133xf32, #tpu.memory_space<vmem>> -> memref<1x8x8x133xf32, #tpu.memory_space<vmem>>
        %parallel_loop3A_1087 = tpu.memref_squeeze %parallel_loop3A_1086 : memref<1x8x8x133xf32, #tpu.memory_space<vmem>> -> memref<8x8x133xf32, #tpu.memory_space<vmem>>
        tpu.vector_store_idx %parallel_loop3A_1087[%add3A_130, %select_n3A_150, %parallel_loop3A_1031], %parallel_loop3A_1081 : memref<8x8x133xf32, #tpu.memory_space<vmem>>[vector<16xi32>, vector<16xi32>, vector<16xi32>], vector<16xf32>,
      } {sc.loop_unroll_factor = 4 : i64, sc.parallel_access}
      %dma_start3A_740 = arith.constant 0 : i32
      %dma_start3A_741 = arith.constant 0 : i32
      %dma_start3A_742 = arith.constant 0 : i32
      %dma_start3A_743 = arith.constant 0 : i32
      %dma_start3A_744 = tpu.memref_slice %arg7[%dma_start3A_740, %dma_start3A_741, %dma_start3A_742, %dma_start3A_743] : memref<4x8x8x133xf32, #tpu.memory_space<vmem>> -> memref<1x8x8x128xf32, #tpu.memory_space<vmem>>
      %dma_start3A_745 = tpu.memref_squeeze %dma_start3A_744 : memref<1x8x8x128xf32, #tpu.memory_space<vmem>> -> memref<8x8x128xf32, #tpu.memory_space<vmem>>
      %dma_start3A_746 = arith.constant 0 : i32
      %dma_start3A_747 = arith.constant 0 : i32
      %dma_start3A_748 = arith.constant 0 : i32
      %dma_start3A_749 = tpu.memref_slice %arg4[%add3A_725, %dma_start3A_746, %add3A, %dma_start3A_747, %dma_start3A_748] : memref<200x8x32x8x128xf32, #tpu.memory_space<hbm>> -> memref<1x8x1x8x128xf32, #tpu.memory_space<hbm>>
      %dma_start3A_750 = tpu.memref_squeeze %dma_start3A_749 : memref<1x8x1x8x128xf32, #tpu.memory_space<hbm>> -> memref<8x8x128xf32, #tpu.memory_space<hbm>>
      %dma_start3A_751 = arith.constant 0 : i32
      %dma_start3A_752 = arith.constant 0 : i32
      %dma_start3A_753 = arith.constant 0 : i32
      %dma_start3A_754 = tpu.memref_slice %arg4[%add3A_725, %dma_start3A_751, %add3A, %dma_start3A_752, %dma_start3A_753] : memref<200x8x32x8x128xf32, #tpu.memory_space<hbm>> -> memref<1x8x1x8x128xf32, #tpu.memory_space<hbm>>
      %dma_start3A_755 = tpu.memref_squeeze %dma_start3A_754 : memref<1x8x1x8x128xf32, #tpu.memory_space<hbm>> -> memref<8x8x128xf32, #tpu.memory_space<hbm>>
      %dma_start3A_756 = arith.constant 0 : i32
      %dma_start3A_757 = arith.constant 0 : i32
      %dma_start3A_758 = arith.constant 0 : i32
      %dma_start3A_759 = tpu.memref_slice %arg7[%dma_start3A_740, %dma_start3A_756, %dma_start3A_757, %dma_start3A_758] : memref<4x8x8x133xf32, #tpu.memory_space<vmem>> -> memref<1x8x8x128xf32, #tpu.memory_space<vmem>>
      %dma_start3A_760 = tpu.memref_squeeze %dma_start3A_759 : memref<1x8x8x128xf32, #tpu.memory_space<vmem>> -> memref<8x8x128xf32, #tpu.memory_space<vmem>>
      tpu.enqueue_dma source(%dma_start3A_760 : memref<8x8x128xf32, #tpu.memory_space<vmem>>) target(%dma_start3A_755 : memref<8x8x128xf32, #tpu.memory_space<hbm>>) target_semaphore(%arg12 : memref<!tpu.dma_semaphore, #tpu.memory_space<semaphore_mem>>)
      %sub3A_761 = arith.constant 1 : i32
      %sub3A_762 = arith.subi %add3A_725, %sub3A_761 : i32
      %dma_wait3A_763 = arith.constant 3 : i32
      %dma_wait3A_764 = arith.constant 0 : i32
      %dma_wait3A_765 = arith.constant 0 : i32
      %dma_wait3A_766 = arith.constant 0 : i32
      %dma_wait3A_767 = tpu.memref_slice %arg7[%dma_wait3A_763, %dma_wait3A_764, %dma_wait3A_765, %dma_wait3A_766] : memref<4x8x8x133xf32, #tpu.memory_space<vmem>> -> memref<1x8x8x128xf32, #tpu.memory_space<vmem>>
      %dma_wait3A_768 = tpu.memref_squeeze %dma_wait3A_767 : memref<1x8x8x128xf32, #tpu.memory_space<vmem>> -> memref<8x8x128xf32, #tpu.memory_space<vmem>>
      %dma_wait3A_769 = arith.constant 0 : i32
      %dma_wait3A_770 = arith.constant 0 : i32
      %dma_wait3A_771 = arith.constant 0 : i32
      %dma_wait3A_772 = tpu.memref_slice %arg4[%sub3A_762, %dma_wait3A_769, %add3A, %dma_wait3A_770, %dma_wait3A_771] : memref<200x8x32x8x128xf32, #tpu.memory_space<hbm>> -> memref<1x8x1x8x128xf32, #tpu.memory_space<hbm>>
      %dma_wait3A_773 = tpu.memref_squeeze %dma_wait3A_772 : memref<1x8x1x8x128xf32, #tpu.memory_space<hbm>> -> memref<8x8x128xf32, #tpu.memory_space<hbm>>
      %dma_wait3A_774 = arith.constant 0 : i32
      %dma_wait3A_775 = arith.constant 0 : i32
      %dma_wait3A_776 = arith.constant 0 : i32
      %dma_wait3A_777 = tpu.memref_slice %arg4[%sub3A_762, %dma_wait3A_774, %add3A, %dma_wait3A_775, %dma_wait3A_776] : memref<200x8x32x8x128xf32, #tpu.memory_space<hbm>> -> memref<1x8x1x8x128xf32, #tpu.memory_space<hbm>>
      %dma_wait3A_778 = tpu.memref_squeeze %dma_wait3A_777 : memref<1x8x1x8x128xf32, #tpu.memory_space<hbm>> -> memref<8x8x128xf32, #tpu.memory_space<hbm>>
      %dma_wait3A_779 = arith.constant 0 : i32
      %dma_wait3A_780 = arith.constant 0 : i32
      %dma_wait3A_781 = arith.constant 0 : i32
      %dma_wait3A_782 = tpu.memref_slice %arg7[%dma_wait3A_763, %dma_wait3A_779, %dma_wait3A_780, %dma_wait3A_781] : memref<4x8x8x133xf32, #tpu.memory_space<vmem>> -> memref<1x8x8x128xf32, #tpu.memory_space<vmem>>
      %dma_wait3A_783 = tpu.memref_squeeze %dma_wait3A_782 : memref<1x8x8x128xf32, #tpu.memory_space<vmem>> -> memref<8x8x128xf32, #tpu.memory_space<vmem>>
      tpu.wait_dma2 semaphore(%arg15 : memref<!tpu.dma_semaphore, #tpu.memory_space<semaphore_mem>>) src(%dma_wait3A_783 : memref<8x8x128xf32, #tpu.memory_space<vmem>>) dst(%dma_wait3A_778 : memref<8x8x128xf32, #tpu.memory_space<hbm>>)
      %add3A_784 = arith.constant 4 : i32
      %add3A_785 = arith.addi %add3A_725, %add3A_784 : i32
      %sub3A_786 = arith.constant 1 : i32
      %sub3A_787 = arith.subi %add3A_785, %sub3A_786 : i32
      %dma_start3A_788 = arith.constant 3 : i32
      %dma_start3A_789 = arith.constant 0 : i32
      %dma_start3A_790 = arith.constant 0 : i32
      %dma_start3A_791 = tpu.memref_slice %arg6[%dma_start3A_788, %dma_start3A_789, %dma_start3A_790] : memref<4x128x128xf32, #tpu.memory_space<vmem>> -> memref<1x128x128xf32, #tpu.memory_space<vmem>>
      %dma_start3A_792 = tpu.memref_squeeze %dma_start3A_791 : memref<1x128x128xf32, #tpu.memory_space<vmem>> -> memref<128x128xf32, #tpu.memory_space<vmem>>
      %dma_start3A_793 = arith.constant 0 : i32
      %dma_start3A_794 = tpu.memref_slice %arg5[%sub3A_787, %dma_start3A_793] : memref<200x128xi32, #tpu.memory_space<vmem>> -> memref<1x128xi32, #tpu.memory_space<vmem>>
      %dma_start3A_795 = tpu.memref_squeeze %dma_start3A_794 : memref<1x128xi32, #tpu.memory_space<vmem>> -> memref<128xi32, #tpu.memory_space<vmem>>
      %dma_start3A_796 = arith.constant 0 : i32
      %dma_start3A_797 = arith.constant 0 : i32
      %dma_start3A_798 = tpu.memref_slice %arg3[%dma_start3A_796, %dma_start3A_797] : memref<1000000x128xf32, #tpu.memory_space<hbm>> -> memref<1000000x128xf32, #tpu.memory_space<hbm>>
      tpu.enqueue_indirect_dma source(%dma_start3A_798 : memref<1000000x128xf32, #tpu.memory_space<hbm>>) target(%dma_start3A_792 : memref<128x128xf32, #tpu.memory_space<vmem>>) offsets(%dma_start3A_795 : memref<128xi32, #tpu.memory_space<vmem>>) semaphore(%arg11 : memref<!tpu.dma_semaphore, #tpu.memory_space<semaphore_mem>>)
      %mul3A_799 = arith.constant 4 : i32
      %mul3A_800 = arith.muli %scan3A_721, %mul3A_799 : i32
      %add3A_801 = arith.constant 1 : i32
      %add3A_802 = arith.addi %mul3A_800, %add3A_801 : i32
      %dma_wait3A_803 = arith.constant 1 : i32
      %dma_wait3A_804 = arith.constant 0 : i32
      %dma_wait3A_805 = arith.constant 0 : i32
      %dma_wait3A_806 = tpu.memref_slice %arg6[%dma_wait3A_803, %dma_wait3A_804, %dma_wait3A_805] : memref<4x128x128xf32, #tpu.memory_space<vmem>> -> memref<1x128x128xf32, #tpu.memory_space<vmem>>
      %dma_wait3A_807 = tpu.memref_squeeze %dma_wait3A_806 : memref<1x128x128xf32, #tpu.memory_space<vmem>> -> memref<128x128xf32, #tpu.memory_space<vmem>>
      %dma_wait3A_808 = arith.constant 0 : i32
      %dma_wait3A_809 = tpu.memref_slice %arg5[%add3A_802, %dma_wait3A_808] : memref<200x128xi32, #tpu.memory_space<vmem>> -> memref<1x128xi32, #tpu.memory_space<vmem>>
      %dma_wait3A_810 = tpu.memref_squeeze %dma_wait3A_809 : memref<1x128xi32, #tpu.memory_space<vmem>> -> memref<128xi32, #tpu.memory_space<vmem>>
      %dma_wait3A_811 = arith.constant 0 : i32
      %dma_wait3A_812 = arith.constant 0 : i32
      %dma_wait3A_813 = tpu.memref_slice %arg3[%dma_wait3A_811, %dma_wait3A_812] : memref<1000000x128xf32, #tpu.memory_space<hbm>> -> memref<1000000x128xf32, #tpu.memory_space<hbm>>
      tpu.wait_indirect_dma semaphore(%arg9 : memref<!tpu.dma_semaphore, #tpu.memory_space<semaphore_mem>>) src(%dma_wait3A_813 : memref<1000000x128xf32, #tpu.memory_space<hbm>>) dst(%dma_wait3A_807 : memref<128x128xf32, #tpu.memory_space<vmem>>)
      %parallel_loop3A_814 = arith.constant 0 : i32
      %parallel_loop3A_815 = arith.constant 128 : i32
      %parallel_loop3A_816 = arith.constant 1 : i32
      scf.for %parallel_loop3A_1030 = %parallel_loop3A_814 to %parallel_loop3A_815 step %parallel_loop3A_816  : i32 {
        %parallel_loop3A_1031 = vector.broadcast %parallel_loop3A_1030 : i32 to vector<16xi32>
        %parallel_loop3A_1032 = arith.constant 1 : i32
        %parallel_loop3A_1033 = arith.index_cast %parallel_loop3A_1032 : i32 to index
        %parallel_loop3A_1034 = arith.index_cast %parallel_loop3A_1030 : i32 to index
        %parallel_loop3A_1035 = arith.constant 0 : index
        %parallel_loop3A_1036 = tpu.vector_load %arg6[%parallel_loop3A_1033, %parallel_loop3A_1034, %parallel_loop3A_1035] {strides = array<i32>} : memref<4x128x128xf32, #tpu.memory_space<vmem>>, vector<16xf32>,
        %parallel_loop3A_1037 = arith.constant 8.000000e+00 : f32
        %parallel_loop3A_1038 = vector.broadcast %parallel_loop3A_1037 : f32 to vector<16xf32>
        %parallel_loop3A_1039 = arith.mulf %parallel_loop3A_1036, %parallel_loop3A_1038 : vector<16xf32>
        %parallel_loop3A_1040 = arith.constant 1 : i32
        %parallel_loop3A_1041 = arith.constant 0 : i32
        %parallel_loop3A_1042 = arith.constant 0 : i32
        %parallel_loop3A_1043 = arith.constant 0 : i32
        %parallel_loop3A_1044 = tpu.memref_slice %arg7[%parallel_loop3A_1040, %parallel_loop3A_1041, %parallel_loop3A_1042, %parallel_loop3A_1043] : memref<4x8x8x133xf32, #tpu.memory_space<vmem>> -> memref<1x8x8x133xf32, #tpu.memory_space<vmem>>
        %parallel_loop3A_1045 = tpu.memref_squeeze %parallel_loop3A_1044 : memref<1x8x8x133xf32, #tpu.memory_space<vmem>> -> memref<8x8x133xf32, #tpu.memory_space<vmem>>
        tpu.vector_store_idx %parallel_loop3A_1045[%add3A_28, %select_n3A_150, %parallel_loop3A_1031], %parallel_loop3A_1039 : memref<8x8x133xf32, #tpu.memory_space<vmem>>[vector<16xi32>, vector<16xi32>, vector<16xi32>], vector<16xf32>,
        %parallel_loop3A_1046 = arith.constant 1 : i32
        %parallel_loop3A_1047 = arith.index_cast %parallel_loop3A_1046 : i32 to index
        %parallel_loop3A_1048 = arith.index_cast %parallel_loop3A_1030 : i32 to index
        %parallel_loop3A_1049 = arith.constant 16 : index
        %parallel_loop3A_1050 = tpu.vector_load %arg6[%parallel_loop3A_1047, %parallel_loop3A_1048, %parallel_loop3A_1049] {strides = array<i32>} : memref<4x128x128xf32, #tpu.memory_space<vmem>>, vector<16xf32>,
        %parallel_loop3A_1051 = arith.constant 8.000000e+00 : f32
        %parallel_loop3A_1052 = vector.broadcast %parallel_loop3A_1051 : f32 to vector<16xf32>
        %parallel_loop3A_1053 = arith.mulf %parallel_loop3A_1050, %parallel_loop3A_1052 : vector<16xf32>
        %parallel_loop3A_1054 = arith.constant 1 : i32
        %parallel_loop3A_1055 = arith.constant 0 : i32
        %parallel_loop3A_1056 = arith.constant 0 : i32
        %parallel_loop3A_1057 = arith.constant 0 : i32
        %parallel_loop3A_1058 = tpu.memref_slice %arg7[%parallel_loop3A_1054, %parallel_loop3A_1055, %parallel_loop3A_1056, %parallel_loop3A_1057] : memref<4x8x8x133xf32, #tpu.memory_space<vmem>> -> memref<1x8x8x133xf32, #tpu.memory_space<vmem>>
        %parallel_loop3A_1059 = tpu.memref_squeeze %parallel_loop3A_1058 : memref<1x8x8x133xf32, #tpu.memory_space<vmem>> -> memref<8x8x133xf32, #tpu.memory_space<vmem>>
        tpu.vector_store_idx %parallel_loop3A_1059[%add3A_62, %select_n3A_150, %parallel_loop3A_1031], %parallel_loop3A_1053 : memref<8x8x133xf32, #tpu.memory_space<vmem>>[vector<16xi32>, vector<16xi32>, vector<16xi32>], vector<16xf32>,
        %parallel_loop3A_1060 = arith.constant 1 : i32
        %parallel_loop3A_1061 = arith.index_cast %parallel_loop3A_1060 : i32 to index
        %parallel_loop3A_1062 = arith.index_cast %parallel_loop3A_1030 : i32 to index
        %parallel_loop3A_1063 = arith.constant 32 : index
        %parallel_loop3A_1064 = tpu.vector_load %arg6[%parallel_loop3A_1061, %parallel_loop3A_1062, %parallel_loop3A_1063] {strides = array<i32>} : memref<4x128x128xf32, #tpu.memory_space<vmem>>, vector<16xf32>,
        %parallel_loop3A_1065 = arith.constant 8.000000e+00 : f32
        %parallel_loop3A_1066 = vector.broadcast %parallel_loop3A_1065 : f32 to vector<16xf32>
        %parallel_loop3A_1067 = arith.mulf %parallel_loop3A_1064, %parallel_loop3A_1066 : vector<16xf32>
        %parallel_loop3A_1068 = arith.constant 1 : i32
        %parallel_loop3A_1069 = arith.constant 0 : i32
        %parallel_loop3A_1070 = arith.constant 0 : i32
        %parallel_loop3A_1071 = arith.constant 0 : i32
        %parallel_loop3A_1072 = tpu.memref_slice %arg7[%parallel_loop3A_1068, %parallel_loop3A_1069, %parallel_loop3A_1070, %parallel_loop3A_1071] : memref<4x8x8x133xf32, #tpu.memory_space<vmem>> -> memref<1x8x8x133xf32, #tpu.memory_space<vmem>>
        %parallel_loop3A_1073 = tpu.memref_squeeze %parallel_loop3A_1072 : memref<1x8x8x133xf32, #tpu.memory_space<vmem>> -> memref<8x8x133xf32, #tpu.memory_space<vmem>>
        tpu.vector_store_idx %parallel_loop3A_1073[%add3A_96, %select_n3A_150, %parallel_loop3A_1031], %parallel_loop3A_1067 : memref<8x8x133xf32, #tpu.memory_space<vmem>>[vector<16xi32>, vector<16xi32>, vector<16xi32>], vector<16xf32>,
        %parallel_loop3A_1074 = arith.constant 1 : i32
        %parallel_loop3A_1075 = arith.index_cast %parallel_loop3A_1074 : i32 to index
        %parallel_loop3A_1076 = arith.index_cast %parallel_loop3A_1030 : i32 to index
        %parallel_loop3A_1077 = arith.constant 48 : index
        %parallel_loop3A_1078 = tpu.vector_load %arg6[%parallel_loop3A_1075, %parallel_loop3A_1076, %parallel_loop3A_1077] {strides = array<i32>} : memref<4x128x128xf32, #tpu.memory_space<vmem>>, vector<16xf32>,
        %parallel_loop3A_1079 = arith.constant 8.000000e+00 : f32
        %parallel_loop3A_1080 = vector.broadcast %parallel_loop3A_1079 : f32 to vector<16xf32>
        %parallel_loop3A_1081 = arith.mulf %parallel_loop3A_1078, %parallel_loop3A_1080 : vector<16xf32>
        %parallel_loop3A_1082 = arith.constant 1 : i32
        %parallel_loop3A_1083 = arith.constant 0 : i32
        %parallel_loop3A_1084 = arith.constant 0 : i32
        %parallel_loop3A_1085 = arith.constant 0 : i32
        %parallel_loop3A_1086 = tpu.memref_slice %arg7[%parallel_loop3A_1082, %parallel_loop3A_1083, %parallel_loop3A_1084, %parallel_loop3A_1085] : memref<4x8x8x133xf32, #tpu.memory_space<vmem>> -> memref<1x8x8x133xf32, #tpu.memory_space<vmem>>
        %parallel_loop3A_1087 = tpu.memref_squeeze %parallel_loop3A_1086 : memref<1x8x8x133xf32, #tpu.memory_space<vmem>> -> memref<8x8x133xf32, #tpu.memory_space<vmem>>
        tpu.vector_store_idx %parallel_loop3A_1087[%add3A_130, %select_n3A_150, %parallel_loop3A_1031], %parallel_loop3A_1081 : memref<8x8x133xf32, #tpu.memory_space<vmem>>[vector<16xi32>, vector<16xi32>, vector<16xi32>], vector<16xf32>,
      } {sc.loop_unroll_factor = 4 : i64, sc.parallel_access}
      %dma_start3A_817 = arith.constant 1 : i32
      %dma_start3A_818 = arith.constant 0 : i32
      %dma_start3A_819 = arith.constant 0 : i32
      %dma_start3A_820 = arith.constant 0 : i32
      %dma_start3A_821 = tpu.memref_slice %arg7[%dma_start3A_817, %dma_start3A_818, %dma_start3A_819, %dma_start3A_820] : memref<4x8x8x133xf32, #tpu.memory_space<vmem>> -> memref<1x8x8x128xf32, #tpu.memory_space<vmem>>
      %dma_start3A_822 = tpu.memref_squeeze %dma_start3A_821 : memref<1x8x8x128xf32, #tpu.memory_space<vmem>> -> memref<8x8x128xf32, #tpu.memory_space<vmem>>
      %dma_start3A_823 = arith.constant 0 : i32
      %dma_start3A_824 = arith.constant 0 : i32
      %dma_start3A_825 = arith.constant 0 : i32
      %dma_start3A_826 = tpu.memref_slice %arg4[%add3A_802, %dma_start3A_823, %add3A, %dma_start3A_824, %dma_start3A_825] : memref<200x8x32x8x128xf32, #tpu.memory_space<hbm>> -> memref<1x8x1x8x128xf32, #tpu.memory_space<hbm>>
      %dma_start3A_827 = tpu.memref_squeeze %dma_start3A_826 : memref<1x8x1x8x128xf32, #tpu.memory_space<hbm>> -> memref<8x8x128xf32, #tpu.memory_space<hbm>>
      %dma_start3A_828 = arith.constant 0 : i32
      %dma_start3A_829 = arith.constant 0 : i32
      %dma_start3A_830 = arith.constant 0 : i32
      %dma_start3A_831 = tpu.memref_slice %arg4[%add3A_802, %dma_start3A_828, %add3A, %dma_start3A_829, %dma_start3A_830] : memref<200x8x32x8x128xf32, #tpu.memory_space<hbm>> -> memref<1x8x1x8x128xf32, #tpu.memory_space<hbm>>
      %dma_start3A_832 = tpu.memref_squeeze %dma_start3A_831 : memref<1x8x1x8x128xf32, #tpu.memory_space<hbm>> -> memref<8x8x128xf32, #tpu.memory_space<hbm>>
      %dma_start3A_833 = arith.constant 0 : i32
      %dma_start3A_834 = arith.constant 0 : i32
      %dma_start3A_835 = arith.constant 0 : i32
      %dma_start3A_836 = tpu.memref_slice %arg7[%dma_start3A_817, %dma_start3A_833, %dma_start3A_834, %dma_start3A_835] : memref<4x8x8x133xf32, #tpu.memory_space<vmem>> -> memref<1x8x8x128xf32, #tpu.memory_space<vmem>>
      %dma_start3A_837 = tpu.memref_squeeze %dma_start3A_836 : memref<1x8x8x128xf32, #tpu.memory_space<vmem>> -> memref<8x8x128xf32, #tpu.memory_space<vmem>>
      tpu.enqueue_dma source(%dma_start3A_837 : memref<8x8x128xf32, #tpu.memory_space<vmem>>) target(%dma_start3A_832 : memref<8x8x128xf32, #tpu.memory_space<hbm>>) target_semaphore(%arg13 : memref<!tpu.dma_semaphore, #tpu.memory_space<semaphore_mem>>)
      %sub3A_838 = arith.constant 1 : i32
      %sub3A_839 = arith.subi %add3A_802, %sub3A_838 : i32
      %dma_wait3A_840 = arith.constant 0 : i32
      %dma_wait3A_841 = arith.constant 0 : i32
      %dma_wait3A_842 = arith.constant 0 : i32
      %dma_wait3A_843 = arith.constant 0 : i32
      %dma_wait3A_844 = tpu.memref_slice %arg7[%dma_wait3A_840, %dma_wait3A_841, %dma_wait3A_842, %dma_wait3A_843] : memref<4x8x8x133xf32, #tpu.memory_space<vmem>> -> memref<1x8x8x128xf32, #tpu.memory_space<vmem>>
      %dma_wait3A_845 = tpu.memref_squeeze %dma_wait3A_844 : memref<1x8x8x128xf32, #tpu.memory_space<vmem>> -> memref<8x8x128xf32, #tpu.memory_space<vmem>>
      %dma_wait3A_846 = arith.constant 0 : i32
      %dma_wait3A_847 = arith.constant 0 : i32
      %dma_wait3A_848 = arith.constant 0 : i32
      %dma_wait3A_849 = tpu.memref_slice %arg4[%sub3A_839, %dma_wait3A_846, %add3A, %dma_wait3A_847, %dma_wait3A_848] : memref<200x8x32x8x128xf32, #tpu.memory_space<hbm>> -> memref<1x8x1x8x128xf32, #tpu.memory_space<hbm>>
      %dma_wait3A_850 = tpu.memref_squeeze %dma_wait3A_849 : memref<1x8x1x8x128xf32, #tpu.memory_space<hbm>> -> memref<8x8x128xf32, #tpu.memory_space<hbm>>
      %dma_wait3A_851 = arith.constant 0 : i32
      %dma_wait3A_852 = arith.constant 0 : i32
      %dma_wait3A_853 = arith.constant 0 : i32
      %dma_wait3A_854 = tpu.memref_slice %arg4[%sub3A_839, %dma_wait3A_851, %add3A, %dma_wait3A_852, %dma_wait3A_853] : memref<200x8x32x8x128xf32, #tpu.memory_space<hbm>> -> memref<1x8x1x8x128xf32, #tpu.memory_space<hbm>>
      %dma_wait3A_855 = tpu.memref_squeeze %dma_wait3A_854 : memref<1x8x1x8x128xf32, #tpu.memory_space<hbm>> -> memref<8x8x128xf32, #tpu.memory_space<hbm>>
      %dma_wait3A_856 = arith.constant 0 : i32
      %dma_wait3A_857 = arith.constant 0 : i32
      %dma_wait3A_858 = arith.constant 0 : i32
      %dma_wait3A_859 = tpu.memref_slice %arg7[%dma_wait3A_840, %dma_wait3A_856, %dma_wait3A_857, %dma_wait3A_858] : memref<4x8x8x133xf32, #tpu.memory_space<vmem>> -> memref<1x8x8x128xf32, #tpu.memory_space<vmem>>
      %dma_wait3A_860 = tpu.memref_squeeze %dma_wait3A_859 : memref<1x8x8x128xf32, #tpu.memory_space<vmem>> -> memref<8x8x128xf32, #tpu.memory_space<vmem>>
      tpu.wait_dma2 semaphore(%arg12 : memref<!tpu.dma_semaphore, #tpu.memory_space<semaphore_mem>>) src(%dma_wait3A_860 : memref<8x8x128xf32, #tpu.memory_space<vmem>>) dst(%dma_wait3A_855 : memref<8x8x128xf32, #tpu.memory_space<hbm>>)
      %add3A_861 = arith.constant 4 : i32
      %add3A_862 = arith.addi %add3A_802, %add3A_861 : i32
      %sub3A_863 = arith.constant 1 : i32
      %sub3A_864 = arith.subi %add3A_862, %sub3A_863 : i32
      %dma_start3A_865 = arith.constant 0 : i32
      %dma_start3A_866 = arith.constant 0 : i32
      %dma_start3A_867 = arith.constant 0 : i32
      %dma_start3A_868 = tpu.memref_slice %arg6[%dma_start3A_865, %dma_start3A_866, %dma_start3A_867] : memref<4x128x128xf32, #tpu.memory_space<vmem>> -> memref<1x128x128xf32, #tpu.memory_space<vmem>>
      %dma_start3A_869 = tpu.memref_squeeze %dma_start3A_868 : memref<1x128x128xf32, #tpu.memory_space<vmem>> -> memref<128x128xf32, #tpu.memory_space<vmem>>
      %dma_start3A_870 = arith.constant 0 : i32
      %dma_start3A_871 = tpu.memref_slice %arg5[%sub3A_864, %dma_start3A_870] : memref<200x128xi32, #tpu.memory_space<vmem>> -> memref<1x128xi32, #tpu.memory_space<vmem>>
      %dma_start3A_872 = tpu.memref_squeeze %dma_start3A_871 : memref<1x128xi32, #tpu.memory_space<vmem>> -> memref<128xi32, #tpu.memory_space<vmem>>
      %dma_start3A_873 = arith.constant 0 : i32
      %dma_start3A_874 = arith.constant 0 : i32
      %dma_start3A_875 = tpu.memref_slice %arg3[%dma_start3A_873, %dma_start3A_874] : memref<1000000x128xf32, #tpu.memory_space<hbm>> -> memref<1000000x128xf32, #tpu.memory_space<hbm>>
      tpu.enqueue_indirect_dma source(%dma_start3A_875 : memref<1000000x128xf32, #tpu.memory_space<hbm>>) target(%dma_start3A_869 : memref<128x128xf32, #tpu.memory_space<vmem>>) offsets(%dma_start3A_872 : memref<128xi32, #tpu.memory_space<vmem>>) semaphore(%arg8 : memref<!tpu.dma_semaphore, #tpu.memory_space<semaphore_mem>>)
      %mul3A_876 = arith.constant 4 : i32
      %mul3A_877 = arith.muli %scan3A_721, %mul3A_876 : i32
      %add3A_878 = arith.constant 2 : i32
      %add3A_879 = arith.addi %mul3A_877, %add3A_878 : i32
      %dma_wait3A_880 = arith.constant 2 : i32
      %dma_wait3A_881 = arith.constant 0 : i32
      %dma_wait3A_882 = arith.constant 0 : i32
      %dma_wait3A_883 = tpu.memref_slice %arg6[%dma_wait3A_880, %dma_wait3A_881, %dma_wait3A_882] : memref<4x128x128xf32, #tpu.memory_space<vmem>> -> memref<1x128x128xf32, #tpu.memory_space<vmem>>
      %dma_wait3A_884 = tpu.memref_squeeze %dma_wait3A_883 : memref<1x128x128xf32, #tpu.memory_space<vmem>> -> memref<128x128xf32, #tpu.memory_space<vmem>>
      %dma_wait3A_885 = arith.constant 0 : i32
      %dma_wait3A_886 = tpu.memref_slice %arg5[%add3A_879, %dma_wait3A_885] : memref<200x128xi32, #tpu.memory_space<vmem>> -> memref<1x128xi32, #tpu.memory_space<vmem>>
      %dma_wait3A_887 = tpu.memref_squeeze %dma_wait3A_886 : memref<1x128xi32, #tpu.memory_space<vmem>> -> memref<128xi32, #tpu.memory_space<vmem>>
      %dma_wait3A_888 = arith.constant 0 : i32
      %dma_wait3A_889 = arith.constant 0 : i32
      %dma_wait3A_890 = tpu.memref_slice %arg3[%dma_wait3A_888, %dma_wait3A_889] : memref<1000000x128xf32, #tpu.memory_space<hbm>> -> memref<1000000x128xf32, #tpu.memory_space<hbm>>
      tpu.wait_indirect_dma semaphore(%arg10 : memref<!tpu.dma_semaphore, #tpu.memory_space<semaphore_mem>>) src(%dma_wait3A_890 : memref<1000000x128xf32, #tpu.memory_space<hbm>>) dst(%dma_wait3A_884 : memref<128x128xf32, #tpu.memory_space<vmem>>)
      %parallel_loop3A_891 = arith.constant 0 : i32
      %parallel_loop3A_892 = arith.constant 128 : i32
      %parallel_loop3A_893 = arith.constant 1 : i32
      scf.for %parallel_loop3A_1030 = %parallel_loop3A_891 to %parallel_loop3A_892 step %parallel_loop3A_893  : i32 {
        %parallel_loop3A_1031 = vector.broadcast %parallel_loop3A_1030 : i32 to vector<16xi32>
        %parallel_loop3A_1032 = arith.constant 2 : i32
        %parallel_loop3A_1033 = arith.index_cast %parallel_loop3A_1032 : i32 to index
        %parallel_loop3A_1034 = arith.index_cast %parallel_loop3A_1030 : i32 to index
        %parallel_loop3A_1035 = arith.constant 0 : index
        %parallel_loop3A_1036 = tpu.vector_load %arg6[%parallel_loop3A_1033, %parallel_loop3A_1034, %parallel_loop3A_1035] {strides = array<i32>} : memref<4x128x128xf32, #tpu.memory_space<vmem>>, vector<16xf32>,
        %parallel_loop3A_1037 = arith.constant 8.000000e+00 : f32
        %parallel_loop3A_1038 = vector.broadcast %parallel_loop3A_1037 : f32 to vector<16xf32>
        %parallel_loop3A_1039 = arith.mulf %parallel_loop3A_1036, %parallel_loop3A_1038 : vector<16xf32>
        %parallel_loop3A_1040 = arith.constant 2 : i32
        %parallel_loop3A_1041 = arith.constant 0 : i32
        %parallel_loop3A_1042 = arith.constant 0 : i32
        %parallel_loop3A_1043 = arith.constant 0 : i32
        %parallel_loop3A_1044 = tpu.memref_slice %arg7[%parallel_loop3A_1040, %parallel_loop3A_1041, %parallel_loop3A_1042, %parallel_loop3A_1043] : memref<4x8x8x133xf32, #tpu.memory_space<vmem>> -> memref<1x8x8x133xf32, #tpu.memory_space<vmem>>
        %parallel_loop3A_1045 = tpu.memref_squeeze %parallel_loop3A_1044 : memref<1x8x8x133xf32, #tpu.memory_space<vmem>> -> memref<8x8x133xf32, #tpu.memory_space<vmem>>
        tpu.vector_store_idx %parallel_loop3A_1045[%add3A_28, %select_n3A_150, %parallel_loop3A_1031], %parallel_loop3A_1039 : memref<8x8x133xf32, #tpu.memory_space<vmem>>[vector<16xi32>, vector<16xi32>, vector<16xi32>], vector<16xf32>,
        %parallel_loop3A_1046 = arith.constant 2 : i32
        %parallel_loop3A_1047 = arith.index_cast %parallel_loop3A_1046 : i32 to index
        %parallel_loop3A_1048 = arith.index_cast %parallel_loop3A_1030 : i32 to index
        %parallel_loop3A_1049 = arith.constant 16 : index
        %parallel_loop3A_1050 = tpu.vector_load %arg6[%parallel_loop3A_1047, %parallel_loop3A_1048, %parallel_loop3A_1049] {strides = array<i32>} : memref<4x128x128xf32, #tpu.memory_space<vmem>>, vector<16xf32>,
        %parallel_loop3A_1051 = arith.constant 8.000000e+00 : f32
        %parallel_loop3A_1052 = vector.broadcast %parallel_loop3A_1051 : f32 to vector<16xf32>
        %parallel_loop3A_1053 = arith.mulf %parallel_loop3A_1050, %parallel_loop3A_1052 : vector<16xf32>
        %parallel_loop3A_1054 = arith.constant 2 : i32
        %parallel_loop3A_1055 = arith.constant 0 : i32
        %parallel_loop3A_1056 = arith.constant 0 : i32
        %parallel_loop3A_1057 = arith.constant 0 : i32
        %parallel_loop3A_1058 = tpu.memref_slice %arg7[%parallel_loop3A_1054, %parallel_loop3A_1055, %parallel_loop3A_1056, %parallel_loop3A_1057] : memref<4x8x8x133xf32, #tpu.memory_space<vmem>> -> memref<1x8x8x133xf32, #tpu.memory_space<vmem>>
        %parallel_loop3A_1059 = tpu.memref_squeeze %parallel_loop3A_1058 : memref<1x8x8x133xf32, #tpu.memory_space<vmem>> -> memref<8x8x133xf32, #tpu.memory_space<vmem>>
        tpu.vector_store_idx %parallel_loop3A_1059[%add3A_62, %select_n3A_150, %parallel_loop3A_1031], %parallel_loop3A_1053 : memref<8x8x133xf32, #tpu.memory_space<vmem>>[vector<16xi32>, vector<16xi32>, vector<16xi32>], vector<16xf32>,
        %parallel_loop3A_1060 = arith.constant 2 : i32
        %parallel_loop3A_1061 = arith.index_cast %parallel_loop3A_1060 : i32 to index
        %parallel_loop3A_1062 = arith.index_cast %parallel_loop3A_1030 : i32 to index
        %parallel_loop3A_1063 = arith.constant 32 : index
        %parallel_loop3A_1064 = tpu.vector_load %arg6[%parallel_loop3A_1061, %parallel_loop3A_1062, %parallel_loop3A_1063] {strides = array<i32>} : memref<4x128x128xf32, #tpu.memory_space<vmem>>, vector<16xf32>,
        %parallel_loop3A_1065 = arith.constant 8.000000e+00 : f32
        %parallel_loop3A_1066 = vector.broadcast %parallel_loop3A_1065 : f32 to vector<16xf32>
        %parallel_loop3A_1067 = arith.mulf %parallel_loop3A_1064, %parallel_loop3A_1066 : vector<16xf32>
        %parallel_loop3A_1068 = arith.constant 2 : i32
        %parallel_loop3A_1069 = arith.constant 0 : i32
        %parallel_loop3A_1070 = arith.constant 0 : i32
        %parallel_loop3A_1071 = arith.constant 0 : i32
        %parallel_loop3A_1072 = tpu.memref_slice %arg7[%parallel_loop3A_1068, %parallel_loop3A_1069, %parallel_loop3A_1070, %parallel_loop3A_1071] : memref<4x8x8x133xf32, #tpu.memory_space<vmem>> -> memref<1x8x8x133xf32, #tpu.memory_space<vmem>>
        %parallel_loop3A_1073 = tpu.memref_squeeze %parallel_loop3A_1072 : memref<1x8x8x133xf32, #tpu.memory_space<vmem>> -> memref<8x8x133xf32, #tpu.memory_space<vmem>>
        tpu.vector_store_idx %parallel_loop3A_1073[%add3A_96, %select_n3A_150, %parallel_loop3A_1031], %parallel_loop3A_1067 : memref<8x8x133xf32, #tpu.memory_space<vmem>>[vector<16xi32>, vector<16xi32>, vector<16xi32>], vector<16xf32>,
        %parallel_loop3A_1074 = arith.constant 2 : i32
        %parallel_loop3A_1075 = arith.index_cast %parallel_loop3A_1074 : i32 to index
        %parallel_loop3A_1076 = arith.index_cast %parallel_loop3A_1030 : i32 to index
        %parallel_loop3A_1077 = arith.constant 48 : index
        %parallel_loop3A_1078 = tpu.vector_load %arg6[%parallel_loop3A_1075, %parallel_loop3A_1076, %parallel_loop3A_1077] {strides = array<i32>} : memref<4x128x128xf32, #tpu.memory_space<vmem>>, vector<16xf32>,
        %parallel_loop3A_1079 = arith.constant 8.000000e+00 : f32
        %parallel_loop3A_1080 = vector.broadcast %parallel_loop3A_1079 : f32 to vector<16xf32>
        %parallel_loop3A_1081 = arith.mulf %parallel_loop3A_1078, %parallel_loop3A_1080 : vector<16xf32>
        %parallel_loop3A_1082 = arith.constant 2 : i32
        %parallel_loop3A_1083 = arith.constant 0 : i32
        %parallel_loop3A_1084 = arith.constant 0 : i32
        %parallel_loop3A_1085 = arith.constant 0 : i32
        %parallel_loop3A_1086 = tpu.memref_slice %arg7[%parallel_loop3A_1082, %parallel_loop3A_1083, %parallel_loop3A_1084, %parallel_loop3A_1085] : memref<4x8x8x133xf32, #tpu.memory_space<vmem>> -> memref<1x8x8x133xf32, #tpu.memory_space<vmem>>
        %parallel_loop3A_1087 = tpu.memref_squeeze %parallel_loop3A_1086 : memref<1x8x8x133xf32, #tpu.memory_space<vmem>> -> memref<8x8x133xf32, #tpu.memory_space<vmem>>
        tpu.vector_store_idx %parallel_loop3A_1087[%add3A_130, %select_n3A_150, %parallel_loop3A_1031], %parallel_loop3A_1081 : memref<8x8x133xf32, #tpu.memory_space<vmem>>[vector<16xi32>, vector<16xi32>, vector<16xi32>], vector<16xf32>,
      } {sc.loop_unroll_factor = 4 : i64, sc.parallel_access}
      %dma_start3A_894 = arith.constant 2 : i32
      %dma_start3A_895 = arith.constant 0 : i32
      %dma_start3A_896 = arith.constant 0 : i32
      %dma_start3A_897 = arith.constant 0 : i32
      %dma_start3A_898 = tpu.memref_slice %arg7[%dma_start3A_894, %dma_start3A_895, %dma_start3A_896, %dma_start3A_897] : memref<4x8x8x133xf32, #tpu.memory_space<vmem>> -> memref<1x8x8x128xf32, #tpu.memory_space<vmem>>
      %dma_start3A_899 = tpu.memref_squeeze %dma_start3A_898 : memref<1x8x8x128xf32, #tpu.memory_space<vmem>> -> memref<8x8x128xf32, #tpu.memory_space<vmem>>
      %dma_start3A_900 = arith.constant 0 : i32
      %dma_start3A_901 = arith.constant 0 : i32
      %dma_start3A_902 = arith.constant 0 : i32
      %dma_start3A_903 = tpu.memref_slice %arg4[%add3A_879, %dma_start3A_900, %add3A, %dma_start3A_901, %dma_start3A_902] : memref<200x8x32x8x128xf32, #tpu.memory_space<hbm>> -> memref<1x8x1x8x128xf32, #tpu.memory_space<hbm>>
      %dma_start3A_904 = tpu.memref_squeeze %dma_start3A_903 : memref<1x8x1x8x128xf32, #tpu.memory_space<hbm>> -> memref<8x8x128xf32, #tpu.memory_space<hbm>>
      %dma_start3A_905 = arith.constant 0 : i32
      %dma_start3A_906 = arith.constant 0 : i32
      %dma_start3A_907 = arith.constant 0 : i32
      %dma_start3A_908 = tpu.memref_slice %arg4[%add3A_879, %dma_start3A_905, %add3A, %dma_start3A_906, %dma_start3A_907] : memref<200x8x32x8x128xf32, #tpu.memory_space<hbm>> -> memref<1x8x1x8x128xf32, #tpu.memory_space<hbm>>
      %dma_start3A_909 = tpu.memref_squeeze %dma_start3A_908 : memref<1x8x1x8x128xf32, #tpu.memory_space<hbm>> -> memref<8x8x128xf32, #tpu.memory_space<hbm>>
      %dma_start3A_910 = arith.constant 0 : i32
      %dma_start3A_911 = arith.constant 0 : i32
      %dma_start3A_912 = arith.constant 0 : i32
      %dma_start3A_913 = tpu.memref_slice %arg7[%dma_start3A_894, %dma_start3A_910, %dma_start3A_911, %dma_start3A_912] : memref<4x8x8x133xf32, #tpu.memory_space<vmem>> -> memref<1x8x8x128xf32, #tpu.memory_space<vmem>>
      %dma_start3A_914 = tpu.memref_squeeze %dma_start3A_913 : memref<1x8x8x128xf32, #tpu.memory_space<vmem>> -> memref<8x8x128xf32, #tpu.memory_space<vmem>>
      tpu.enqueue_dma source(%dma_start3A_914 : memref<8x8x128xf32, #tpu.memory_space<vmem>>) target(%dma_start3A_909 : memref<8x8x128xf32, #tpu.memory_space<hbm>>) target_semaphore(%arg14 : memref<!tpu.dma_semaphore, #tpu.memory_space<semaphore_mem>>)
      %sub3A_915 = arith.constant 1 : i32
      %sub3A_916 = arith.subi %add3A_879, %sub3A_915 : i32
      %dma_wait3A_917 = arith.constant 1 : i32
      %dma_wait3A_918 = arith.constant 0 : i32
      %dma_wait3A_919 = arith.constant 0 : i32
      %dma_wait3A_920 = arith.constant 0 : i32
      %dma_wait3A_921 = tpu.memref_slice %arg7[%dma_wait3A_917, %dma_wait3A_918, %dma_wait3A_919, %dma_wait3A_920] : memref<4x8x8x133xf32, #tpu.memory_space<vmem>> -> memref<1x8x8x128xf32, #tpu.memory_space<vmem>>
      %dma_wait3A_922 = tpu.memref_squeeze %dma_wait3A_921 : memref<1x8x8x128xf32, #tpu.memory_space<vmem>> -> memref<8x8x128xf32, #tpu.memory_space<vmem>>
      %dma_wait3A_923 = arith.constant 0 : i32
      %dma_wait3A_924 = arith.constant 0 : i32
      %dma_wait3A_925 = arith.constant 0 : i32
      %dma_wait3A_926 = tpu.memref_slice %arg4[%sub3A_916, %dma_wait3A_923, %add3A, %dma_wait3A_924, %dma_wait3A_925] : memref<200x8x32x8x128xf32, #tpu.memory_space<hbm>> -> memref<1x8x1x8x128xf32, #tpu.memory_space<hbm>>
      %dma_wait3A_927 = tpu.memref_squeeze %dma_wait3A_926 : memref<1x8x1x8x128xf32, #tpu.memory_space<hbm>> -> memref<8x8x128xf32, #tpu.memory_space<hbm>>
      %dma_wait3A_928 = arith.constant 0 : i32
      %dma_wait3A_929 = arith.constant 0 : i32
      %dma_wait3A_930 = arith.constant 0 : i32
      %dma_wait3A_931 = tpu.memref_slice %arg4[%sub3A_916, %dma_wait3A_928, %add3A, %dma_wait3A_929, %dma_wait3A_930] : memref<200x8x32x8x128xf32, #tpu.memory_space<hbm>> -> memref<1x8x1x8x128xf32, #tpu.memory_space<hbm>>
      %dma_wait3A_932 = tpu.memref_squeeze %dma_wait3A_931 : memref<1x8x1x8x128xf32, #tpu.memory_space<hbm>> -> memref<8x8x128xf32, #tpu.memory_space<hbm>>
      %dma_wait3A_933 = arith.constant 0 : i32
      %dma_wait3A_934 = arith.constant 0 : i32
      %dma_wait3A_935 = arith.constant 0 : i32
      %dma_wait3A_936 = tpu.memref_slice %arg7[%dma_wait3A_917, %dma_wait3A_933, %dma_wait3A_934, %dma_wait3A_935] : memref<4x8x8x133xf32, #tpu.memory_space<vmem>> -> memref<1x8x8x128xf32, #tpu.memory_space<vmem>>
      %dma_wait3A_937 = tpu.memref_squeeze %dma_wait3A_936 : memref<1x8x8x128xf32, #tpu.memory_space<vmem>> -> memref<8x8x128xf32, #tpu.memory_space<vmem>>
      tpu.wait_dma2 semaphore(%arg13 : memref<!tpu.dma_semaphore, #tpu.memory_space<semaphore_mem>>) src(%dma_wait3A_937 : memref<8x8x128xf32, #tpu.memory_space<vmem>>) dst(%dma_wait3A_932 : memref<8x8x128xf32, #tpu.memory_space<hbm>>)
      %add3A_938 = arith.constant 4 : i32
      %add3A_939 = arith.addi %add3A_879, %add3A_938 : i32
      %sub3A_940 = arith.constant 1 : i32
      %sub3A_941 = arith.subi %add3A_939, %sub3A_940 : i32
      %dma_start3A_942 = arith.constant 1 : i32
      %dma_start3A_943 = arith.constant 0 : i32
      %dma_start3A_944 = arith.constant 0 : i32
      %dma_start3A_945 = tpu.memref_slice %arg6[%dma_start3A_942, %dma_start3A_943, %dma_start3A_944] : memref<4x128x128xf32, #tpu.memory_space<vmem>> -> memref<1x128x128xf32, #tpu.memory_space<vmem>>
      %dma_start3A_946 = tpu.memref_squeeze %dma_start3A_945 : memref<1x128x128xf32, #tpu.memory_space<vmem>> -> memref<128x128xf32, #tpu.memory_space<vmem>>
      %dma_start3A_947 = arith.constant 0 : i32
      %dma_start3A_948 = tpu.memref_slice %arg5[%sub3A_941, %dma_start3A_947] : memref<200x128xi32, #tpu.memory_space<vmem>> -> memref<1x128xi32, #tpu.memory_space<vmem>>
      %dma_start3A_949 = tpu.memref_squeeze %dma_start3A_948 : memref<1x128xi32, #tpu.memory_space<vmem>> -> memref<128xi32, #tpu.memory_space<vmem>>
      %dma_start3A_950 = arith.constant 0 : i32
      %dma_start3A_951 = arith.constant 0 : i32
      %dma_start3A_952 = tpu.memref_slice %arg3[%dma_start3A_950, %dma_start3A_951] : memref<1000000x128xf32, #tpu.memory_space<hbm>> -> memref<1000000x128xf32, #tpu.memory_space<hbm>>
      tpu.enqueue_indirect_dma source(%dma_start3A_952 : memref<1000000x128xf32, #tpu.memory_space<hbm>>) target(%dma_start3A_946 : memref<128x128xf32, #tpu.memory_space<vmem>>) offsets(%dma_start3A_949 : memref<128xi32, #tpu.memory_space<vmem>>) semaphore(%arg9 : memref<!tpu.dma_semaphore, #tpu.memory_space<semaphore_mem>>)
      %mul3A_953 = arith.constant 4 : i32
      %mul3A_954 = arith.muli %scan3A_721, %mul3A_953 : i32
      %add3A_955 = arith.constant 3 : i32
      %add3A_956 = arith.addi %mul3A_954, %add3A_955 : i32
      %dma_wait3A_957 = arith.constant 3 : i32
      %dma_wait3A_958 = arith.constant 0 : i32
      %dma_wait3A_959 = arith.constant 0 : i32
      %dma_wait3A_960 = tpu.memref_slice %arg6[%dma_wait3A_957, %dma_wait3A_958, %dma_wait3A_959] : memref<4x128x128xf32, #tpu.memory_space<vmem>> -> memref<1x128x128xf32, #tpu.memory_space<vmem>>
      %dma_wait3A_961 = tpu.memref_squeeze %dma_wait3A_960 : memref<1x128x128xf32, #tpu.memory_space<vmem>> -> memref<128x128xf32, #tpu.memory_space<vmem>>
      %dma_wait3A_962 = arith.constant 0 : i32
      %dma_wait3A_963 = tpu.memref_slice %arg5[%add3A_956, %dma_wait3A_962] : memref<200x128xi32, #tpu.memory_space<vmem>> -> memref<1x128xi32, #tpu.memory_space<vmem>>
      %dma_wait3A_964 = tpu.memref_squeeze %dma_wait3A_963 : memref<1x128xi32, #tpu.memory_space<vmem>> -> memref<128xi32, #tpu.memory_space<vmem>>
      %dma_wait3A_965 = arith.constant 0 : i32
      %dma_wait3A_966 = arith.constant 0 : i32
      %dma_wait3A_967 = tpu.memref_slice %arg3[%dma_wait3A_965, %dma_wait3A_966] : memref<1000000x128xf32, #tpu.memory_space<hbm>> -> memref<1000000x128xf32, #tpu.memory_space<hbm>>
      tpu.wait_indirect_dma semaphore(%arg11 : memref<!tpu.dma_semaphore, #tpu.memory_space<semaphore_mem>>) src(%dma_wait3A_967 : memref<1000000x128xf32, #tpu.memory_space<hbm>>) dst(%dma_wait3A_961 : memref<128x128xf32, #tpu.memory_space<vmem>>)
      %parallel_loop3A_968 = arith.constant 0 : i32
      %parallel_loop3A_969 = arith.constant 128 : i32
      %parallel_loop3A_970 = arith.constant 1 : i32
      scf.for %parallel_loop3A_1030 = %parallel_loop3A_968 to %parallel_loop3A_969 step %parallel_loop3A_970  : i32 {
        %parallel_loop3A_1031 = vector.broadcast %parallel_loop3A_1030 : i32 to vector<16xi32>
        %parallel_loop3A_1032 = arith.constant 3 : i32
        %parallel_loop3A_1033 = arith.index_cast %parallel_loop3A_1032 : i32 to index
        %parallel_loop3A_1034 = arith.index_cast %parallel_loop3A_1030 : i32 to index
        %parallel_loop3A_1035 = arith.constant 0 : index
        %parallel_loop3A_1036 = tpu.vector_load %arg6[%parallel_loop3A_1033, %parallel_loop3A_1034, %parallel_loop3A_1035] {strides = array<i32>} : memref<4x128x128xf32, #tpu.memory_space<vmem>>, vector<16xf32>,
        %parallel_loop3A_1037 = arith.constant 8.000000e+00 : f32
        %parallel_loop3A_1038 = vector.broadcast %parallel_loop3A_1037 : f32 to vector<16xf32>
        %parallel_loop3A_1039 = arith.mulf %parallel_loop3A_1036, %parallel_loop3A_1038 : vector<16xf32>
        %parallel_loop3A_1040 = arith.constant 3 : i32
        %parallel_loop3A_1041 = arith.constant 0 : i32
        %parallel_loop3A_1042 = arith.constant 0 : i32
        %parallel_loop3A_1043 = arith.constant 0 : i32
        %parallel_loop3A_1044 = tpu.memref_slice %arg7[%parallel_loop3A_1040, %parallel_loop3A_1041, %parallel_loop3A_1042, %parallel_loop3A_1043] : memref<4x8x8x133xf32, #tpu.memory_space<vmem>> -> memref<1x8x8x133xf32, #tpu.memory_space<vmem>>
        %parallel_loop3A_1045 = tpu.memref_squeeze %parallel_loop3A_1044 : memref<1x8x8x133xf32, #tpu.memory_space<vmem>> -> memref<8x8x133xf32, #tpu.memory_space<vmem>>
        tpu.vector_store_idx %parallel_loop3A_1045[%add3A_28, %select_n3A_150, %parallel_loop3A_1031], %parallel_loop3A_1039 : memref<8x8x133xf32, #tpu.memory_space<vmem>>[vector<16xi32>, vector<16xi32>, vector<16xi32>], vector<16xf32>,
        %parallel_loop3A_1046 = arith.constant 3 : i32
        %parallel_loop3A_1047 = arith.index_cast %parallel_loop3A_1046 : i32 to index
        %parallel_loop3A_1048 = arith.index_cast %parallel_loop3A_1030 : i32 to index
        %parallel_loop3A_1049 = arith.constant 16 : index
        %parallel_loop3A_1050 = tpu.vector_load %arg6[%parallel_loop3A_1047, %parallel_loop3A_1048, %parallel_loop3A_1049] {strides = array<i32>} : memref<4x128x128xf32, #tpu.memory_space<vmem>>, vector<16xf32>,
        %parallel_loop3A_1051 = arith.constant 8.000000e+00 : f32
        %parallel_loop3A_1052 = vector.broadcast %parallel_loop3A_1051 : f32 to vector<16xf32>
        %parallel_loop3A_1053 = arith.mulf %parallel_loop3A_1050, %parallel_loop3A_1052 : vector<16xf32>
        %parallel_loop3A_1054 = arith.constant 3 : i32
        %parallel_loop3A_1055 = arith.constant 0 : i32
        %parallel_loop3A_1056 = arith.constant 0 : i32
        %parallel_loop3A_1057 = arith.constant 0 : i32
        %parallel_loop3A_1058 = tpu.memref_slice %arg7[%parallel_loop3A_1054, %parallel_loop3A_1055, %parallel_loop3A_1056, %parallel_loop3A_1057] : memref<4x8x8x133xf32, #tpu.memory_space<vmem>> -> memref<1x8x8x133xf32, #tpu.memory_space<vmem>>
        %parallel_loop3A_1059 = tpu.memref_squeeze %parallel_loop3A_1058 : memref<1x8x8x133xf32, #tpu.memory_space<vmem>> -> memref<8x8x133xf32, #tpu.memory_space<vmem>>
        tpu.vector_store_idx %parallel_loop3A_1059[%add3A_62, %select_n3A_150, %parallel_loop3A_1031], %parallel_loop3A_1053 : memref<8x8x133xf32, #tpu.memory_space<vmem>>[vector<16xi32>, vector<16xi32>, vector<16xi32>], vector<16xf32>,
        %parallel_loop3A_1060 = arith.constant 3 : i32
        %parallel_loop3A_1061 = arith.index_cast %parallel_loop3A_1060 : i32 to index
        %parallel_loop3A_1062 = arith.index_cast %parallel_loop3A_1030 : i32 to index
        %parallel_loop3A_1063 = arith.constant 32 : index
        %parallel_loop3A_1064 = tpu.vector_load %arg6[%parallel_loop3A_1061, %parallel_loop3A_1062, %parallel_loop3A_1063] {strides = array<i32>} : memref<4x128x128xf32, #tpu.memory_space<vmem>>, vector<16xf32>,
        %parallel_loop3A_1065 = arith.constant 8.000000e+00 : f32
        %parallel_loop3A_1066 = vector.broadcast %parallel_loop3A_1065 : f32 to vector<16xf32>
        %parallel_loop3A_1067 = arith.mulf %parallel_loop3A_1064, %parallel_loop3A_1066 : vector<16xf32>
        %parallel_loop3A_1068 = arith.constant 3 : i32
        %parallel_loop3A_1069 = arith.constant 0 : i32
        %parallel_loop3A_1070 = arith.constant 0 : i32
        %parallel_loop3A_1071 = arith.constant 0 : i32
        %parallel_loop3A_1072 = tpu.memref_slice %arg7[%parallel_loop3A_1068, %parallel_loop3A_1069, %parallel_loop3A_1070, %parallel_loop3A_1071] : memref<4x8x8x133xf32, #tpu.memory_space<vmem>> -> memref<1x8x8x133xf32, #tpu.memory_space<vmem>>
        %parallel_loop3A_1073 = tpu.memref_squeeze %parallel_loop3A_1072 : memref<1x8x8x133xf32, #tpu.memory_space<vmem>> -> memref<8x8x133xf32, #tpu.memory_space<vmem>>
        tpu.vector_store_idx %parallel_loop3A_1073[%add3A_96, %select_n3A_150, %parallel_loop3A_1031], %parallel_loop3A_1067 : memref<8x8x133xf32, #tpu.memory_space<vmem>>[vector<16xi32>, vector<16xi32>, vector<16xi32>], vector<16xf32>,
        %parallel_loop3A_1074 = arith.constant 3 : i32
        %parallel_loop3A_1075 = arith.index_cast %parallel_loop3A_1074 : i32 to index
        %parallel_loop3A_1076 = arith.index_cast %parallel_loop3A_1030 : i32 to index
        %parallel_loop3A_1077 = arith.constant 48 : index
        %parallel_loop3A_1078 = tpu.vector_load %arg6[%parallel_loop3A_1075, %parallel_loop3A_1076, %parallel_loop3A_1077] {strides = array<i32>} : memref<4x128x128xf32, #tpu.memory_space<vmem>>, vector<16xf32>,
        %parallel_loop3A_1079 = arith.constant 8.000000e+00 : f32
        %parallel_loop3A_1080 = vector.broadcast %parallel_loop3A_1079 : f32 to vector<16xf32>
        %parallel_loop3A_1081 = arith.mulf %parallel_loop3A_1078, %parallel_loop3A_1080 : vector<16xf32>
        %parallel_loop3A_1082 = arith.constant 3 : i32
        %parallel_loop3A_1083 = arith.constant 0 : i32
        %parallel_loop3A_1084 = arith.constant 0 : i32
        %parallel_loop3A_1085 = arith.constant 0 : i32
        %parallel_loop3A_1086 = tpu.memref_slice %arg7[%parallel_loop3A_1082, %parallel_loop3A_1083, %parallel_loop3A_1084, %parallel_loop3A_1085] : memref<4x8x8x133xf32, #tpu.memory_space<vmem>> -> memref<1x8x8x133xf32, #tpu.memory_space<vmem>>
        %parallel_loop3A_1087 = tpu.memref_squeeze %parallel_loop3A_1086 : memref<1x8x8x133xf32, #tpu.memory_space<vmem>> -> memref<8x8x133xf32, #tpu.memory_space<vmem>>
        tpu.vector_store_idx %parallel_loop3A_1087[%add3A_130, %select_n3A_150, %parallel_loop3A_1031], %parallel_loop3A_1081 : memref<8x8x133xf32, #tpu.memory_space<vmem>>[vector<16xi32>, vector<16xi32>, vector<16xi32>], vector<16xf32>,
      } {sc.loop_unroll_factor = 4 : i64, sc.parallel_access}
      %dma_start3A_971 = arith.constant 3 : i32
      %dma_start3A_972 = arith.constant 0 : i32
      %dma_start3A_973 = arith.constant 0 : i32
      %dma_start3A_974 = arith.constant 0 : i32
      %dma_start3A_975 = tpu.memref_slice %arg7[%dma_start3A_971, %dma_start3A_972, %dma_start3A_973, %dma_start3A_974] : memref<4x8x8x133xf32, #tpu.memory_space<vmem>> -> memref<1x8x8x128xf32, #tpu.memory_space<vmem>>
      %dma_start3A_976 = tpu.memref_squeeze %dma_start3A_975 : memref<1x8x8x128xf32, #tpu.memory_space<vmem>> -> memref<8x8x128xf32, #tpu.memory_space<vmem>>
      %dma_start3A_977 = arith.constant 0 : i32
      %dma_start3A_978 = arith.constant 0 : i32
      %dma_start3A_979 = arith.constant 0 : i32
      %dma_start3A_980 = tpu.memref_slice %arg4[%add3A_956, %dma_start3A_977, %add3A, %dma_start3A_978, %dma_start3A_979] : memref<200x8x32x8x128xf32, #tpu.memory_space<hbm>> -> memref<1x8x1x8x128xf32, #tpu.memory_space<hbm>>
      %dma_start3A_981 = tpu.memref_squeeze %dma_start3A_980 : memref<1x8x1x8x128xf32, #tpu.memory_space<hbm>> -> memref<8x8x128xf32, #tpu.memory_space<hbm>>
      %dma_start3A_982 = arith.constant 0 : i32
      %dma_start3A_983 = arith.constant 0 : i32
      %dma_start3A_984 = arith.constant 0 : i32
      %dma_start3A_985 = tpu.memref_slice %arg4[%add3A_956, %dma_start3A_982, %add3A, %dma_start3A_983, %dma_start3A_984] : memref<200x8x32x8x128xf32, #tpu.memory_space<hbm>> -> memref<1x8x1x8x128xf32, #tpu.memory_space<hbm>>
      %dma_start3A_986 = tpu.memref_squeeze %dma_start3A_985 : memref<1x8x1x8x128xf32, #tpu.memory_space<hbm>> -> memref<8x8x128xf32, #tpu.memory_space<hbm>>
      %dma_start3A_987 = arith.constant 0 : i32
      %dma_start3A_988 = arith.constant 0 : i32
      %dma_start3A_989 = arith.constant 0 : i32
      %dma_start3A_990 = tpu.memref_slice %arg7[%dma_start3A_971, %dma_start3A_987, %dma_start3A_988, %dma_start3A_989] : memref<4x8x8x133xf32, #tpu.memory_space<vmem>> -> memref<1x8x8x128xf32, #tpu.memory_space<vmem>>
      %dma_start3A_991 = tpu.memref_squeeze %dma_start3A_990 : memref<1x8x8x128xf32, #tpu.memory_space<vmem>> -> memref<8x8x128xf32, #tpu.memory_space<vmem>>
      tpu.enqueue_dma source(%dma_start3A_991 : memref<8x8x128xf32, #tpu.memory_space<vmem>>) target(%dma_start3A_986 : memref<8x8x128xf32, #tpu.memory_space<hbm>>) target_semaphore(%arg15 : memref<!tpu.dma_semaphore, #tpu.memory_space<semaphore_mem>>)
      %sub3A_992 = arith.constant 1 : i32
      %sub3A_993 = arith.subi %add3A_956, %sub3A_992 : i32
      %dma_wait3A_994 = arith.constant 2 : i32
      %dma_wait3A_995 = arith.constant 0 : i32
      %dma_wait3A_996 = arith.constant 0 : i32
      %dma_wait3A_997 = arith.constant 0 : i32
      %dma_wait3A_998 = tpu.memref_slice %arg7[%dma_wait3A_994, %dma_wait3A_995, %dma_wait3A_996, %dma_wait3A_997] : memref<4x8x8x133xf32, #tpu.memory_space<vmem>> -> memref<1x8x8x128xf32, #tpu.memory_space<vmem>>
      %dma_wait3A_999 = tpu.memref_squeeze %dma_wait3A_998 : memref<1x8x8x128xf32, #tpu.memory_space<vmem>> -> memref<8x8x128xf32, #tpu.memory_space<vmem>>
      %dma_wait3A_1000 = arith.constant 0 : i32
      %dma_wait3A_1001 = arith.constant 0 : i32
      %dma_wait3A_1002 = arith.constant 0 : i32
      %dma_wait3A_1003 = tpu.memref_slice %arg4[%sub3A_993, %dma_wait3A_1000, %add3A, %dma_wait3A_1001, %dma_wait3A_1002] : memref<200x8x32x8x128xf32, #tpu.memory_space<hbm>> -> memref<1x8x1x8x128xf32, #tpu.memory_space<hbm>>
      %dma_wait3A_1004 = tpu.memref_squeeze %dma_wait3A_1003 : memref<1x8x1x8x128xf32, #tpu.memory_space<hbm>> -> memref<8x8x128xf32, #tpu.memory_space<hbm>>
      %dma_wait3A_1005 = arith.constant 0 : i32
      %dma_wait3A_1006 = arith.constant 0 : i32
      %dma_wait3A_1007 = arith.constant 0 : i32
      %dma_wait3A_1008 = tpu.memref_slice %arg4[%sub3A_993, %dma_wait3A_1005, %add3A, %dma_wait3A_1006, %dma_wait3A_1007] : memref<200x8x32x8x128xf32, #tpu.memory_space<hbm>> -> memref<1x8x1x8x128xf32, #tpu.memory_space<hbm>>
      %dma_wait3A_1009 = tpu.memref_squeeze %dma_wait3A_1008 : memref<1x8x1x8x128xf32, #tpu.memory_space<hbm>> -> memref<8x8x128xf32, #tpu.memory_space<hbm>>
      %dma_wait3A_1010 = arith.constant 0 : i32
      %dma_wait3A_1011 = arith.constant 0 : i32
      %dma_wait3A_1012 = arith.constant 0 : i32
      %dma_wait3A_1013 = tpu.memref_slice %arg7[%dma_wait3A_994, %dma_wait3A_1010, %dma_wait3A_1011, %dma_wait3A_1012] : memref<4x8x8x133xf32, #tpu.memory_space<vmem>> -> memref<1x8x8x128xf32, #tpu.memory_space<vmem>>
      %dma_wait3A_1014 = tpu.memref_squeeze %dma_wait3A_1013 : memref<1x8x8x128xf32, #tpu.memory_space<vmem>> -> memref<8x8x128xf32, #tpu.memory_space<vmem>>
      tpu.wait_dma2 semaphore(%arg14 : memref<!tpu.dma_semaphore, #tpu.memory_space<semaphore_mem>>) src(%dma_wait3A_1014 : memref<8x8x128xf32, #tpu.memory_space<vmem>>) dst(%dma_wait3A_1009 : memref<8x8x128xf32, #tpu.memory_space<hbm>>)
      %add3A_1015 = arith.constant 4 : i32
      %add3A_1016 = arith.addi %add3A_956, %add3A_1015 : i32
      %sub3A_1017 = arith.constant 1 : i32
      %sub3A_1018 = arith.subi %add3A_1016, %sub3A_1017 : i32
      %dma_start3A_1019 = arith.constant 2 : i32
      %dma_start3A_1020 = arith.constant 0 : i32
      %dma_start3A_1021 = arith.constant 0 : i32
      %dma_start3A_1022 = tpu.memref_slice %arg6[%dma_start3A_1019, %dma_start3A_1020, %dma_start3A_1021] : memref<4x128x128xf32, #tpu.memory_space<vmem>> -> memref<1x128x128xf32, #tpu.memory_space<vmem>>
      %dma_start3A_1023 = tpu.memref_squeeze %dma_start3A_1022 : memref<1x128x128xf32, #tpu.memory_space<vmem>> -> memref<128x128xf32, #tpu.memory_space<vmem>>
      %dma_start3A_1024 = arith.constant 0 : i32
      %dma_start3A_1025 = tpu.memref_slice %arg5[%sub3A_1018, %dma_start3A_1024] : memref<200x128xi32, #tpu.memory_space<vmem>> -> memref<1x128xi32, #tpu.memory_space<vmem>>
      %dma_start3A_1026 = tpu.memref_squeeze %dma_start3A_1025 : memref<1x128xi32, #tpu.memory_space<vmem>> -> memref<128xi32, #tpu.memory_space<vmem>>
      %dma_start3A_1027 = arith.constant 0 : i32
      %dma_start3A_1028 = arith.constant 0 : i32
      %dma_start3A_1029 = tpu.memref_slice %arg3[%dma_start3A_1027, %dma_start3A_1028] : memref<1000000x128xf32, #tpu.memory_space<hbm>> -> memref<1000000x128xf32, #tpu.memory_space<hbm>>
      tpu.enqueue_indirect_dma source(%dma_start3A_1029 : memref<1000000x128xf32, #tpu.memory_space<hbm>>) target(%dma_start3A_1023 : memref<128x128xf32, #tpu.memory_space<vmem>>) offsets(%dma_start3A_1026 : memref<128xi32, #tpu.memory_space<vmem>>) semaphore(%arg10 : memref<!tpu.dma_semaphore, #tpu.memory_space<semaphore_mem>>)
    }
    %scan3A_450 = arith.constant 48 : i32
    %dma_wait3A_451 = arith.constant 196 : i32
    %dma_wait3A_452 = arith.constant 0 : i32
    %dma_wait3A_453 = arith.constant 0 : i32
    %dma_wait3A_454 = arith.constant 0 : i32
    %dma_wait3A_455 = tpu.memref_slice %arg6[%dma_wait3A_452, %dma_wait3A_453, %dma_wait3A_454] : memref<4x128x128xf32, #tpu.memory_space<vmem>> -> memref<1x128x128xf32, #tpu.memory_space<vmem>>
    %dma_wait3A_456 = tpu.memref_squeeze %dma_wait3A_455 : memref<1x128x128xf32, #tpu.memory_space<vmem>> -> memref<128x128xf32, #tpu.memory_space<vmem>>
    %dma_wait3A_457 = arith.constant 0 : i32
    %dma_wait3A_458 = tpu.memref_slice %arg5[%dma_wait3A_451, %dma_wait3A_457] : memref<200x128xi32, #tpu.memory_space<vmem>> -> memref<1x128xi32, #tpu.memory_space<vmem>>
    %dma_wait3A_459 = tpu.memref_squeeze %dma_wait3A_458 : memref<1x128xi32, #tpu.memory_space<vmem>> -> memref<128xi32, #tpu.memory_space<vmem>>
    %dma_wait3A_460 = arith.constant 0 : i32
    %dma_wait3A_461 = arith.constant 0 : i32
    %dma_wait3A_462 = tpu.memref_slice %arg3[%dma_wait3A_460, %dma_wait3A_461] : memref<1000000x128xf32, #tpu.memory_space<hbm>> -> memref<1000000x128xf32, #tpu.memory_space<hbm>>
    tpu.wait_indirect_dma semaphore(%arg8 : memref<!tpu.dma_semaphore, #tpu.memory_space<semaphore_mem>>) src(%dma_wait3A_462 : memref<1000000x128xf32, #tpu.memory_space<hbm>>) dst(%dma_wait3A_456 : memref<128x128xf32, #tpu.memory_space<vmem>>)
    %parallel_loop3A_463 = arith.constant 0 : i32
    %parallel_loop3A_464 = arith.constant 128 : i32
    %parallel_loop3A_465 = arith.constant 1 : i32
    scf.for %parallel_loop3A_721 = %parallel_loop3A_463 to %parallel_loop3A_464 step %parallel_loop3A_465  : i32 {
      %parallel_loop3A_722 = vector.broadcast %parallel_loop3A_721 : i32 to vector<16xi32>
      %parallel_loop3A_723 = arith.constant 0 : i32
      %parallel_loop3A_724 = arith.index_cast %parallel_loop3A_723 : i32 to index
      %parallel_loop3A_725 = arith.index_cast %parallel_loop3A_721 : i32 to index
      %parallel_loop3A_726 = arith.constant 0 : index
      %parallel_loop3A_727 = tpu.vector_load %arg6[%parallel_loop3A_724, %parallel_loop3A_725, %parallel_loop3A_726] {strides = array<i32>} : memref<4x128x128xf32, #tpu.memory_space<vmem>>, vector<16xf32>,
      %parallel_loop3A_728 = arith.constant 8.000000e+00 : f32
      %parallel_loop3A_729 = vector.broadcast %parallel_loop3A_728 : f32 to vector<16xf32>
      %parallel_loop3A_730 = arith.mulf %parallel_loop3A_727, %parallel_loop3A_729 : vector<16xf32>
      %parallel_loop3A_731 = arith.constant 0 : i32
      %parallel_loop3A_732 = arith.constant 0 : i32
      %parallel_loop3A_733 = arith.constant 0 : i32
      %parallel_loop3A_734 = arith.constant 0 : i32
      %parallel_loop3A_735 = tpu.memref_slice %arg7[%parallel_loop3A_731, %parallel_loop3A_732, %parallel_loop3A_733, %parallel_loop3A_734] : memref<4x8x8x133xf32, #tpu.memory_space<vmem>> -> memref<1x8x8x133xf32, #tpu.memory_space<vmem>>
      %parallel_loop3A_736 = tpu.memref_squeeze %parallel_loop3A_735 : memref<1x8x8x133xf32, #tpu.memory_space<vmem>> -> memref<8x8x133xf32, #tpu.memory_space<vmem>>
      tpu.vector_store_idx %parallel_loop3A_736[%add3A_28, %select_n3A_150, %parallel_loop3A_722], %parallel_loop3A_730 : memref<8x8x133xf32, #tpu.memory_space<vmem>>[vector<16xi32>, vector<16xi32>, vector<16xi32>], vector<16xf32>,
      %parallel_loop3A_737 = arith.constant 0 : i32
      %parallel_loop3A_738 = arith.index_cast %parallel_loop3A_737 : i32 to index
      %parallel_loop3A_739 = arith.index_cast %parallel_loop3A_721 : i32 to index
      %parallel_loop3A_740 = arith.constant 16 : index
      %parallel_loop3A_741 = tpu.vector_load %arg6[%parallel_loop3A_738, %parallel_loop3A_739, %parallel_loop3A_740] {strides = array<i32>} : memref<4x128x128xf32, #tpu.memory_space<vmem>>, vector<16xf32>,
      %parallel_loop3A_742 = arith.constant 8.000000e+00 : f32
      %parallel_loop3A_743 = vector.broadcast %parallel_loop3A_742 : f32 to vector<16xf32>
      %parallel_loop3A_744 = arith.mulf %parallel_loop3A_741, %parallel_loop3A_743 : vector<16xf32>
      %parallel_loop3A_745 = arith.constant 0 : i32
      %parallel_loop3A_746 = arith.constant 0 : i32
      %parallel_loop3A_747 = arith.constant 0 : i32
      %parallel_loop3A_748 = arith.constant 0 : i32
      %parallel_loop3A_749 = tpu.memref_slice %arg7[%parallel_loop3A_745, %parallel_loop3A_746, %parallel_loop3A_747, %parallel_loop3A_748] : memref<4x8x8x133xf32, #tpu.memory_space<vmem>> -> memref<1x8x8x133xf32, #tpu.memory_space<vmem>>
      %parallel_loop3A_750 = tpu.memref_squeeze %parallel_loop3A_749 : memref<1x8x8x133xf32, #tpu.memory_space<vmem>> -> memref<8x8x133xf32, #tpu.memory_space<vmem>>
      tpu.vector_store_idx %parallel_loop3A_750[%add3A_62, %select_n3A_150, %parallel_loop3A_722], %parallel_loop3A_744 : memref<8x8x133xf32, #tpu.memory_space<vmem>>[vector<16xi32>, vector<16xi32>, vector<16xi32>], vector<16xf32>,
      %parallel_loop3A_751 = arith.constant 0 : i32
      %parallel_loop3A_752 = arith.index_cast %parallel_loop3A_751 : i32 to index
      %parallel_loop3A_753 = arith.index_cast %parallel_loop3A_721 : i32 to index
      %parallel_loop3A_754 = arith.constant 32 : index
      %parallel_loop3A_755 = tpu.vector_load %arg6[%parallel_loop3A_752, %parallel_loop3A_753, %parallel_loop3A_754] {strides = array<i32>} : memref<4x128x128xf32, #tpu.memory_space<vmem>>, vector<16xf32>,
      %parallel_loop3A_756 = arith.constant 8.000000e+00 : f32
      %parallel_loop3A_757 = vector.broadcast %parallel_loop3A_756 : f32 to vector<16xf32>
      %parallel_loop3A_758 = arith.mulf %parallel_loop3A_755, %parallel_loop3A_757 : vector<16xf32>
      %parallel_loop3A_759 = arith.constant 0 : i32
      %parallel_loop3A_760 = arith.constant 0 : i32
      %parallel_loop3A_761 = arith.constant 0 : i32
      %parallel_loop3A_762 = arith.constant 0 : i32
      %parallel_loop3A_763 = tpu.memref_slice %arg7[%parallel_loop3A_759, %parallel_loop3A_760, %parallel_loop3A_761, %parallel_loop3A_762] : memref<4x8x8x133xf32, #tpu.memory_space<vmem>> -> memref<1x8x8x133xf32, #tpu.memory_space<vmem>>
      %parallel_loop3A_764 = tpu.memref_squeeze %parallel_loop3A_763 : memref<1x8x8x133xf32, #tpu.memory_space<vmem>> -> memref<8x8x133xf32, #tpu.memory_space<vmem>>
      tpu.vector_store_idx %parallel_loop3A_764[%add3A_96, %select_n3A_150, %parallel_loop3A_722], %parallel_loop3A_758 : memref<8x8x133xf32, #tpu.memory_space<vmem>>[vector<16xi32>, vector<16xi32>, vector<16xi32>], vector<16xf32>,
      %parallel_loop3A_765 = arith.constant 0 : i32
      %parallel_loop3A_766 = arith.index_cast %parallel_loop3A_765 : i32 to index
      %parallel_loop3A_767 = arith.index_cast %parallel_loop3A_721 : i32 to index
      %parallel_loop3A_768 = arith.constant 48 : index
      %parallel_loop3A_769 = tpu.vector_load %arg6[%parallel_loop3A_766, %parallel_loop3A_767, %parallel_loop3A_768] {strides = array<i32>} : memref<4x128x128xf32, #tpu.memory_space<vmem>>, vector<16xf32>,
      %parallel_loop3A_770 = arith.constant 8.000000e+00 : f32
      %parallel_loop3A_771 = vector.broadcast %parallel_loop3A_770 : f32 to vector<16xf32>
      %parallel_loop3A_772 = arith.mulf %parallel_loop3A_769, %parallel_loop3A_771 : vector<16xf32>
      %parallel_loop3A_773 = arith.constant 0 : i32
      %parallel_loop3A_774 = arith.constant 0 : i32
      %parallel_loop3A_775 = arith.constant 0 : i32
      %parallel_loop3A_776 = arith.constant 0 : i32
      %parallel_loop3A_777 = tpu.memref_slice %arg7[%parallel_loop3A_773, %parallel_loop3A_774, %parallel_loop3A_775, %parallel_loop3A_776] : memref<4x8x8x133xf32, #tpu.memory_space<vmem>> -> memref<1x8x8x133xf32, #tpu.memory_space<vmem>>
      %parallel_loop3A_778 = tpu.memref_squeeze %parallel_loop3A_777 : memref<1x8x8x133xf32, #tpu.memory_space<vmem>> -> memref<8x8x133xf32, #tpu.memory_space<vmem>>
      tpu.vector_store_idx %parallel_loop3A_778[%add3A_130, %select_n3A_150, %parallel_loop3A_722], %parallel_loop3A_772 : memref<8x8x133xf32, #tpu.memory_space<vmem>>[vector<16xi32>, vector<16xi32>, vector<16xi32>], vector<16xf32>,
    } {sc.loop_unroll_factor = 4 : i64, sc.parallel_access}
    %dma_start3A_466 = arith.constant 0 : i32
    %dma_start3A_467 = arith.constant 196 : i32
    %dma_start3A_468 = arith.constant 0 : i32
    %dma_start3A_469 = arith.constant 0 : i32
    %dma_start3A_470 = arith.constant 0 : i32
    %dma_start3A_471 = tpu.memref_slice %arg7[%dma_start3A_466, %dma_start3A_468, %dma_start3A_469, %dma_start3A_470] : memref<4x8x8x133xf32, #tpu.memory_space<vmem>> -> memref<1x8x8x128xf32, #tpu.memory_space<vmem>>
    %dma_start3A_472 = tpu.memref_squeeze %dma_start3A_471 : memref<1x8x8x128xf32, #tpu.memory_space<vmem>> -> memref<8x8x128xf32, #tpu.memory_space<vmem>>
    %dma_start3A_473 = arith.constant 0 : i32
    %dma_start3A_474 = arith.constant 0 : i32
    %dma_start3A_475 = arith.constant 0 : i32
    %dma_start3A_476 = tpu.memref_slice %arg4[%dma_start3A_467, %dma_start3A_473, %add3A, %dma_start3A_474, %dma_start3A_475] : memref<200x8x32x8x128xf32, #tpu.memory_space<hbm>> -> memref<1x8x1x8x128xf32, #tpu.memory_space<hbm>>
    %dma_start3A_477 = tpu.memref_squeeze %dma_start3A_476 : memref<1x8x1x8x128xf32, #tpu.memory_space<hbm>> -> memref<8x8x128xf32, #tpu.memory_space<hbm>>
    %dma_start3A_478 = arith.constant 0 : i32
    %dma_start3A_479 = arith.constant 0 : i32
    %dma_start3A_480 = arith.constant 0 : i32
    %dma_start3A_481 = tpu.memref_slice %arg4[%dma_start3A_467, %dma_start3A_478, %add3A, %dma_start3A_479, %dma_start3A_480] : memref<200x8x32x8x128xf32, #tpu.memory_space<hbm>> -> memref<1x8x1x8x128xf32, #tpu.memory_space<hbm>>
    %dma_start3A_482 = tpu.memref_squeeze %dma_start3A_481 : memref<1x8x1x8x128xf32, #tpu.memory_space<hbm>> -> memref<8x8x128xf32, #tpu.memory_space<hbm>>
    %dma_start3A_483 = arith.constant 0 : i32
    %dma_start3A_484 = arith.constant 0 : i32
    %dma_start3A_485 = arith.constant 0 : i32
    %dma_start3A_486 = tpu.memref_slice %arg7[%dma_start3A_466, %dma_start3A_483, %dma_start3A_484, %dma_start3A_485] : memref<4x8x8x133xf32, #tpu.memory_space<vmem>> -> memref<1x8x8x128xf32, #tpu.memory_space<vmem>>
    %dma_start3A_487 = tpu.memref_squeeze %dma_start3A_486 : memref<1x8x8x128xf32, #tpu.memory_space<vmem>> -> memref<8x8x128xf32, #tpu.memory_space<vmem>>
    tpu.enqueue_dma source(%dma_start3A_487 : memref<8x8x128xf32, #tpu.memory_space<vmem>>) target(%dma_start3A_482 : memref<8x8x128xf32, #tpu.memory_space<hbm>>) target_semaphore(%arg12 : memref<!tpu.dma_semaphore, #tpu.memory_space<semaphore_mem>>)
    %dma_wait3A_488 = arith.constant 3 : i32
    %dma_wait3A_489 = arith.constant 195 : i32
    %dma_wait3A_490 = arith.constant 0 : i32
    %dma_wait3A_491 = arith.constant 0 : i32
    %dma_wait3A_492 = arith.constant 0 : i32
    %dma_wait3A_493 = tpu.memref_slice %arg7[%dma_wait3A_488, %dma_wait3A_490, %dma_wait3A_491, %dma_wait3A_492] : memref<4x8x8x133xf32, #tpu.memory_space<vmem>> -> memref<1x8x8x128xf32, #tpu.memory_space<vmem>>
    %dma_wait3A_494 = tpu.memref_squeeze %dma_wait3A_493 : memref<1x8x8x128xf32, #tpu.memory_space<vmem>> -> memref<8x8x128xf32, #tpu.memory_space<vmem>>
    %dma_wait3A_495 = arith.constant 0 : i32
    %dma_wait3A_496 = arith.constant 0 : i32
    %dma_wait3A_497 = arith.constant 0 : i32
    %dma_wait3A_498 = tpu.memref_slice %arg4[%dma_wait3A_489, %dma_wait3A_495, %add3A, %dma_wait3A_496, %dma_wait3A_497] : memref<200x8x32x8x128xf32, #tpu.memory_space<hbm>> -> memref<1x8x1x8x128xf32, #tpu.memory_space<hbm>>
    %dma_wait3A_499 = tpu.memref_squeeze %dma_wait3A_498 : memref<1x8x1x8x128xf32, #tpu.memory_space<hbm>> -> memref<8x8x128xf32, #tpu.memory_space<hbm>>
    %dma_wait3A_500 = arith.constant 0 : i32
    %dma_wait3A_501 = arith.constant 0 : i32
    %dma_wait3A_502 = arith.constant 0 : i32
    %dma_wait3A_503 = tpu.memref_slice %arg4[%dma_wait3A_489, %dma_wait3A_500, %add3A, %dma_wait3A_501, %dma_wait3A_502] : memref<200x8x32x8x128xf32, #tpu.memory_space<hbm>> -> memref<1x8x1x8x128xf32, #tpu.memory_space<hbm>>
    %dma_wait3A_504 = tpu.memref_squeeze %dma_wait3A_503 : memref<1x8x1x8x128xf32, #tpu.memory_space<hbm>> -> memref<8x8x128xf32, #tpu.memory_space<hbm>>
    %dma_wait3A_505 = arith.constant 0 : i32
    %dma_wait3A_506 = arith.constant 0 : i32
    %dma_wait3A_507 = arith.constant 0 : i32
    %dma_wait3A_508 = tpu.memref_slice %arg7[%dma_wait3A_488, %dma_wait3A_505, %dma_wait3A_506, %dma_wait3A_507] : memref<4x8x8x133xf32, #tpu.memory_space<vmem>> -> memref<1x8x8x128xf32, #tpu.memory_space<vmem>>
    %dma_wait3A_509 = tpu.memref_squeeze %dma_wait3A_508 : memref<1x8x8x128xf32, #tpu.memory_space<vmem>> -> memref<8x8x128xf32, #tpu.memory_space<vmem>>
    tpu.wait_dma2 semaphore(%arg15 : memref<!tpu.dma_semaphore, #tpu.memory_space<semaphore_mem>>) src(%dma_wait3A_509 : memref<8x8x128xf32, #tpu.memory_space<vmem>>) dst(%dma_wait3A_504 : memref<8x8x128xf32, #tpu.memory_space<hbm>>)
    %dma_start3A_510 = arith.constant 199 : i32
    %dma_start3A_511 = arith.constant 3 : i32
    %dma_start3A_512 = arith.constant 0 : i32
    %dma_start3A_513 = arith.constant 0 : i32
    %dma_start3A_514 = tpu.memref_slice %arg6[%dma_start3A_511, %dma_start3A_512, %dma_start3A_513] : memref<4x128x128xf32, #tpu.memory_space<vmem>> -> memref<1x128x128xf32, #tpu.memory_space<vmem>>
    %dma_start3A_515 = tpu.memref_squeeze %dma_start3A_514 : memref<1x128x128xf32, #tpu.memory_space<vmem>> -> memref<128x128xf32, #tpu.memory_space<vmem>>
    %dma_start3A_516 = arith.constant 0 : i32
    %dma_start3A_517 = tpu.memref_slice %arg5[%dma_start3A_510, %dma_start3A_516] : memref<200x128xi32, #tpu.memory_space<vmem>> -> memref<1x128xi32, #tpu.memory_space<vmem>>
    %dma_start3A_518 = tpu.memref_squeeze %dma_start3A_517 : memref<1x128xi32, #tpu.memory_space<vmem>> -> memref<128xi32, #tpu.memory_space<vmem>>
    %dma_start3A_519 = arith.constant 0 : i32
    %dma_start3A_520 = arith.constant 0 : i32
    %dma_start3A_521 = tpu.memref_slice %arg3[%dma_start3A_519, %dma_start3A_520] : memref<1000000x128xf32, #tpu.memory_space<hbm>> -> memref<1000000x128xf32, #tpu.memory_space<hbm>>
    tpu.enqueue_indirect_dma source(%dma_start3A_521 : memref<1000000x128xf32, #tpu.memory_space<hbm>>) target(%dma_start3A_515 : memref<128x128xf32, #tpu.memory_space<vmem>>) offsets(%dma_start3A_518 : memref<128xi32, #tpu.memory_space<vmem>>) semaphore(%arg11 : memref<!tpu.dma_semaphore, #tpu.memory_space<semaphore_mem>>)
    %dma_wait3A_522 = arith.constant 197 : i32
    %dma_wait3A_523 = arith.constant 1 : i32
    %dma_wait3A_524 = arith.constant 0 : i32
    %dma_wait3A_525 = arith.constant 0 : i32
    %dma_wait3A_526 = tpu.memref_slice %arg6[%dma_wait3A_523, %dma_wait3A_524, %dma_wait3A_525] : memref<4x128x128xf32, #tpu.memory_space<vmem>> -> memref<1x128x128xf32, #tpu.memory_space<vmem>>
    %dma_wait3A_527 = tpu.memref_squeeze %dma_wait3A_526 : memref<1x128x128xf32, #tpu.memory_space<vmem>> -> memref<128x128xf32, #tpu.memory_space<vmem>>
    %dma_wait3A_528 = arith.constant 0 : i32
    %dma_wait3A_529 = tpu.memref_slice %arg5[%dma_wait3A_522, %dma_wait3A_528] : memref<200x128xi32, #tpu.memory_space<vmem>> -> memref<1x128xi32, #tpu.memory_space<vmem>>
    %dma_wait3A_530 = tpu.memref_squeeze %dma_wait3A_529 : memref<1x128xi32, #tpu.memory_space<vmem>> -> memref<128xi32, #tpu.memory_space<vmem>>
    %dma_wait3A_531 = arith.constant 0 : i32
    %dma_wait3A_532 = arith.constant 0 : i32
    %dma_wait3A_533 = tpu.memref_slice %arg3[%dma_wait3A_531, %dma_wait3A_532] : memref<1000000x128xf32, #tpu.memory_space<hbm>> -> memref<1000000x128xf32, #tpu.memory_space<hbm>>
    tpu.wait_indirect_dma semaphore(%arg9 : memref<!tpu.dma_semaphore, #tpu.memory_space<semaphore_mem>>) src(%dma_wait3A_533 : memref<1000000x128xf32, #tpu.memory_space<hbm>>) dst(%dma_wait3A_527 : memref<128x128xf32, #tpu.memory_space<vmem>>)
    %parallel_loop3A_534 = arith.constant 0 : i32
    %parallel_loop3A_535 = arith.constant 128 : i32
    %parallel_loop3A_536 = arith.constant 1 : i32
    scf.for %parallel_loop3A_721 = %parallel_loop3A_534 to %parallel_loop3A_535 step %parallel_loop3A_536  : i32 {
      %parallel_loop3A_722 = vector.broadcast %parallel_loop3A_721 : i32 to vector<16xi32>
      %parallel_loop3A_723 = arith.constant 1 : i32
      %parallel_loop3A_724 = arith.index_cast %parallel_loop3A_723 : i32 to index
      %parallel_loop3A_725 = arith.index_cast %parallel_loop3A_721 : i32 to index
      %parallel_loop3A_726 = arith.constant 0 : index
      %parallel_loop3A_727 = tpu.vector_load %arg6[%parallel_loop3A_724, %parallel_loop3A_725, %parallel_loop3A_726] {strides = array<i32>} : memref<4x128x128xf32, #tpu.memory_space<vmem>>, vector<16xf32>,
      %parallel_loop3A_728 = arith.constant 8.000000e+00 : f32
      %parallel_loop3A_729 = vector.broadcast %parallel_loop3A_728 : f32 to vector<16xf32>
      %parallel_loop3A_730 = arith.mulf %parallel_loop3A_727, %parallel_loop3A_729 : vector<16xf32>
      %parallel_loop3A_731 = arith.constant 1 : i32
      %parallel_loop3A_732 = arith.constant 0 : i32
      %parallel_loop3A_733 = arith.constant 0 : i32
      %parallel_loop3A_734 = arith.constant 0 : i32
      %parallel_loop3A_735 = tpu.memref_slice %arg7[%parallel_loop3A_731, %parallel_loop3A_732, %parallel_loop3A_733, %parallel_loop3A_734] : memref<4x8x8x133xf32, #tpu.memory_space<vmem>> -> memref<1x8x8x133xf32, #tpu.memory_space<vmem>>
      %parallel_loop3A_736 = tpu.memref_squeeze %parallel_loop3A_735 : memref<1x8x8x133xf32, #tpu.memory_space<vmem>> -> memref<8x8x133xf32, #tpu.memory_space<vmem>>
      tpu.vector_store_idx %parallel_loop3A_736[%add3A_28, %select_n3A_150, %parallel_loop3A_722], %parallel_loop3A_730 : memref<8x8x133xf32, #tpu.memory_space<vmem>>[vector<16xi32>, vector<16xi32>, vector<16xi32>], vector<16xf32>,
      %parallel_loop3A_737 = arith.constant 1 : i32
      %parallel_loop3A_738 = arith.index_cast %parallel_loop3A_737 : i32 to index
      %parallel_loop3A_739 = arith.index_cast %parallel_loop3A_721 : i32 to index
      %parallel_loop3A_740 = arith.constant 16 : index
      %parallel_loop3A_741 = tpu.vector_load %arg6[%parallel_loop3A_738, %parallel_loop3A_739, %parallel_loop3A_740] {strides = array<i32>} : memref<4x128x128xf32, #tpu.memory_space<vmem>>, vector<16xf32>,
      %parallel_loop3A_742 = arith.constant 8.000000e+00 : f32
      %parallel_loop3A_743 = vector.broadcast %parallel_loop3A_742 : f32 to vector<16xf32>
      %parallel_loop3A_744 = arith.mulf %parallel_loop3A_741, %parallel_loop3A_743 : vector<16xf32>
      %parallel_loop3A_745 = arith.constant 1 : i32
      %parallel_loop3A_746 = arith.constant 0 : i32
      %parallel_loop3A_747 = arith.constant 0 : i32
      %parallel_loop3A_748 = arith.constant 0 : i32
      %parallel_loop3A_749 = tpu.memref_slice %arg7[%parallel_loop3A_745, %parallel_loop3A_746, %parallel_loop3A_747, %parallel_loop3A_748] : memref<4x8x8x133xf32, #tpu.memory_space<vmem>> -> memref<1x8x8x133xf32, #tpu.memory_space<vmem>>
      %parallel_loop3A_750 = tpu.memref_squeeze %parallel_loop3A_749 : memref<1x8x8x133xf32, #tpu.memory_space<vmem>> -> memref<8x8x133xf32, #tpu.memory_space<vmem>>
      tpu.vector_store_idx %parallel_loop3A_750[%add3A_62, %select_n3A_150, %parallel_loop3A_722], %parallel_loop3A_744 : memref<8x8x133xf32, #tpu.memory_space<vmem>>[vector<16xi32>, vector<16xi32>, vector<16xi32>], vector<16xf32>,
      %parallel_loop3A_751 = arith.constant 1 : i32
      %parallel_loop3A_752 = arith.index_cast %parallel_loop3A_751 : i32 to index
      %parallel_loop3A_753 = arith.index_cast %parallel_loop3A_721 : i32 to index
      %parallel_loop3A_754 = arith.constant 32 : index
      %parallel_loop3A_755 = tpu.vector_load %arg6[%parallel_loop3A_752, %parallel_loop3A_753, %parallel_loop3A_754] {strides = array<i32>} : memref<4x128x128xf32, #tpu.memory_space<vmem>>, vector<16xf32>,
      %parallel_loop3A_756 = arith.constant 8.000000e+00 : f32
      %parallel_loop3A_757 = vector.broadcast %parallel_loop3A_756 : f32 to vector<16xf32>
      %parallel_loop3A_758 = arith.mulf %parallel_loop3A_755, %parallel_loop3A_757 : vector<16xf32>
      %parallel_loop3A_759 = arith.constant 1 : i32
      %parallel_loop3A_760 = arith.constant 0 : i32
      %parallel_loop3A_761 = arith.constant 0 : i32
      %parallel_loop3A_762 = arith.constant 0 : i32
      %parallel_loop3A_763 = tpu.memref_slice %arg7[%parallel_loop3A_759, %parallel_loop3A_760, %parallel_loop3A_761, %parallel_loop3A_762] : memref<4x8x8x133xf32, #tpu.memory_space<vmem>> -> memref<1x8x8x133xf32, #tpu.memory_space<vmem>>
      %parallel_loop3A_764 = tpu.memref_squeeze %parallel_loop3A_763 : memref<1x8x8x133xf32, #tpu.memory_space<vmem>> -> memref<8x8x133xf32, #tpu.memory_space<vmem>>
      tpu.vector_store_idx %parallel_loop3A_764[%add3A_96, %select_n3A_150, %parallel_loop3A_722], %parallel_loop3A_758 : memref<8x8x133xf32, #tpu.memory_space<vmem>>[vector<16xi32>, vector<16xi32>, vector<16xi32>], vector<16xf32>,
      %parallel_loop3A_765 = arith.constant 1 : i32
      %parallel_loop3A_766 = arith.index_cast %parallel_loop3A_765 : i32 to index
      %parallel_loop3A_767 = arith.index_cast %parallel_loop3A_721 : i32 to index
      %parallel_loop3A_768 = arith.constant 48 : index
      %parallel_loop3A_769 = tpu.vector_load %arg6[%parallel_loop3A_766, %parallel_loop3A_767, %parallel_loop3A_768] {strides = array<i32>} : memref<4x128x128xf32, #tpu.memory_space<vmem>>, vector<16xf32>,
      %parallel_loop3A_770 = arith.constant 8.000000e+00 : f32
      %parallel_loop3A_771 = vector.broadcast %parallel_loop3A_770 : f32 to vector<16xf32>
      %parallel_loop3A_772 = arith.mulf %parallel_loop3A_769, %parallel_loop3A_771 : vector<16xf32>
      %parallel_loop3A_773 = arith.constant 1 : i32
      %parallel_loop3A_774 = arith.constant 0 : i32
      %parallel_loop3A_775 = arith.constant 0 : i32
      %parallel_loop3A_776 = arith.constant 0 : i32
      %parallel_loop3A_777 = tpu.memref_slice %arg7[%parallel_loop3A_773, %parallel_loop3A_774, %parallel_loop3A_775, %parallel_loop3A_776] : memref<4x8x8x133xf32, #tpu.memory_space<vmem>> -> memref<1x8x8x133xf32, #tpu.memory_space<vmem>>
      %parallel_loop3A_778 = tpu.memref_squeeze %parallel_loop3A_777 : memref<1x8x8x133xf32, #tpu.memory_space<vmem>> -> memref<8x8x133xf32, #tpu.memory_space<vmem>>
      tpu.vector_store_idx %parallel_loop3A_778[%add3A_130, %select_n3A_150, %parallel_loop3A_722], %parallel_loop3A_772 : memref<8x8x133xf32, #tpu.memory_space<vmem>>[vector<16xi32>, vector<16xi32>, vector<16xi32>], vector<16xf32>,
    } {sc.loop_unroll_factor = 4 : i64, sc.parallel_access}
    %dma_start3A_537 = arith.constant 1 : i32
    %dma_start3A_538 = arith.constant 197 : i32
    %dma_start3A_539 = arith.constant 0 : i32
    %dma_start3A_540 = arith.constant 0 : i32
    %dma_start3A_541 = arith.constant 0 : i32
    %dma_start3A_542 = tpu.memref_slice %arg7[%dma_start3A_537, %dma_start3A_539, %dma_start3A_540, %dma_start3A_541] : memref<4x8x8x133xf32, #tpu.memory_space<vmem>> -> memref<1x8x8x128xf32, #tpu.memory_space<vmem>>
    %dma_start3A_543 = tpu.memref_squeeze %dma_start3A_542 : memref<1x8x8x128xf32, #tpu.memory_space<vmem>> -> memref<8x8x128xf32, #tpu.memory_space<vmem>>
    %dma_start3A_544 = arith.constant 0 : i32
    %dma_start3A_545 = arith.constant 0 : i32
    %dma_start3A_546 = arith.constant 0 : i32
    %dma_start3A_547 = tpu.memref_slice %arg4[%dma_start3A_538, %dma_start3A_544, %add3A, %dma_start3A_545, %dma_start3A_546] : memref<200x8x32x8x128xf32, #tpu.memory_space<hbm>> -> memref<1x8x1x8x128xf32, #tpu.memory_space<hbm>>
    %dma_start3A_548 = tpu.memref_squeeze %dma_start3A_547 : memref<1x8x1x8x128xf32, #tpu.memory_space<hbm>> -> memref<8x8x128xf32, #tpu.memory_space<hbm>>
    %dma_start3A_549 = arith.constant 0 : i32
    %dma_start3A_550 = arith.constant 0 : i32
    %dma_start3A_551 = arith.constant 0 : i32
    %dma_start3A_552 = tpu.memref_slice %arg4[%dma_start3A_538, %dma_start3A_549, %add3A, %dma_start3A_550, %dma_start3A_551] : memref<200x8x32x8x128xf32, #tpu.memory_space<hbm>> -> memref<1x8x1x8x128xf32, #tpu.memory_space<hbm>>
    %dma_start3A_553 = tpu.memref_squeeze %dma_start3A_552 : memref<1x8x1x8x128xf32, #tpu.memory_space<hbm>> -> memref<8x8x128xf32, #tpu.memory_space<hbm>>
    %dma_start3A_554 = arith.constant 0 : i32
    %dma_start3A_555 = arith.constant 0 : i32
    %dma_start3A_556 = arith.constant 0 : i32
    %dma_start3A_557 = tpu.memref_slice %arg7[%dma_start3A_537, %dma_start3A_554, %dma_start3A_555, %dma_start3A_556] : memref<4x8x8x133xf32, #tpu.memory_space<vmem>> -> memref<1x8x8x128xf32, #tpu.memory_space<vmem>>
    %dma_start3A_558 = tpu.memref_squeeze %dma_start3A_557 : memref<1x8x8x128xf32, #tpu.memory_space<vmem>> -> memref<8x8x128xf32, #tpu.memory_space<vmem>>
    tpu.enqueue_dma source(%dma_start3A_558 : memref<8x8x128xf32, #tpu.memory_space<vmem>>) target(%dma_start3A_553 : memref<8x8x128xf32, #tpu.memory_space<hbm>>) target_semaphore(%arg13 : memref<!tpu.dma_semaphore, #tpu.memory_space<semaphore_mem>>)
    %dma_wait3A_559 = arith.constant 198 : i32
    %dma_wait3A_560 = arith.constant 2 : i32
    %dma_wait3A_561 = arith.constant 0 : i32
    %dma_wait3A_562 = arith.constant 0 : i32
    %dma_wait3A_563 = tpu.memref_slice %arg6[%dma_wait3A_560, %dma_wait3A_561, %dma_wait3A_562] : memref<4x128x128xf32, #tpu.memory_space<vmem>> -> memref<1x128x128xf32, #tpu.memory_space<vmem>>
    %dma_wait3A_564 = tpu.memref_squeeze %dma_wait3A_563 : memref<1x128x128xf32, #tpu.memory_space<vmem>> -> memref<128x128xf32, #tpu.memory_space<vmem>>
    %dma_wait3A_565 = arith.constant 0 : i32
    %dma_wait3A_566 = tpu.memref_slice %arg5[%dma_wait3A_559, %dma_wait3A_565] : memref<200x128xi32, #tpu.memory_space<vmem>> -> memref<1x128xi32, #tpu.memory_space<vmem>>
    %dma_wait3A_567 = tpu.memref_squeeze %dma_wait3A_566 : memref<1x128xi32, #tpu.memory_space<vmem>> -> memref<128xi32, #tpu.memory_space<vmem>>
    %dma_wait3A_568 = arith.constant 0 : i32
    %dma_wait3A_569 = arith.constant 0 : i32
    %dma_wait3A_570 = tpu.memref_slice %arg3[%dma_wait3A_568, %dma_wait3A_569] : memref<1000000x128xf32, #tpu.memory_space<hbm>> -> memref<1000000x128xf32, #tpu.memory_space<hbm>>
    tpu.wait_indirect_dma semaphore(%arg10 : memref<!tpu.dma_semaphore, #tpu.memory_space<semaphore_mem>>) src(%dma_wait3A_570 : memref<1000000x128xf32, #tpu.memory_space<hbm>>) dst(%dma_wait3A_564 : memref<128x128xf32, #tpu.memory_space<vmem>>)
    %parallel_loop3A_571 = arith.constant 0 : i32
    %parallel_loop3A_572 = arith.constant 128 : i32
    %parallel_loop3A_573 = arith.constant 1 : i32
    scf.for %parallel_loop3A_721 = %parallel_loop3A_571 to %parallel_loop3A_572 step %parallel_loop3A_573  : i32 {
      %parallel_loop3A_722 = vector.broadcast %parallel_loop3A_721 : i32 to vector<16xi32>
      %parallel_loop3A_723 = arith.constant 2 : i32
      %parallel_loop3A_724 = arith.index_cast %parallel_loop3A_723 : i32 to index
      %parallel_loop3A_725 = arith.index_cast %parallel_loop3A_721 : i32 to index
      %parallel_loop3A_726 = arith.constant 0 : index
      %parallel_loop3A_727 = tpu.vector_load %arg6[%parallel_loop3A_724, %parallel_loop3A_725, %parallel_loop3A_726] {strides = array<i32>} : memref<4x128x128xf32, #tpu.memory_space<vmem>>, vector<16xf32>,
      %parallel_loop3A_728 = arith.constant 8.000000e+00 : f32
      %parallel_loop3A_729 = vector.broadcast %parallel_loop3A_728 : f32 to vector<16xf32>
      %parallel_loop3A_730 = arith.mulf %parallel_loop3A_727, %parallel_loop3A_729 : vector<16xf32>
      %parallel_loop3A_731 = arith.constant 2 : i32
      %parallel_loop3A_732 = arith.constant 0 : i32
      %parallel_loop3A_733 = arith.constant 0 : i32
      %parallel_loop3A_734 = arith.constant 0 : i32
      %parallel_loop3A_735 = tpu.memref_slice %arg7[%parallel_loop3A_731, %parallel_loop3A_732, %parallel_loop3A_733, %parallel_loop3A_734] : memref<4x8x8x133xf32, #tpu.memory_space<vmem>> -> memref<1x8x8x133xf32, #tpu.memory_space<vmem>>
      %parallel_loop3A_736 = tpu.memref_squeeze %parallel_loop3A_735 : memref<1x8x8x133xf32, #tpu.memory_space<vmem>> -> memref<8x8x133xf32, #tpu.memory_space<vmem>>
      tpu.vector_store_idx %parallel_loop3A_736[%add3A_28, %select_n3A_150, %parallel_loop3A_722], %parallel_loop3A_730 : memref<8x8x133xf32, #tpu.memory_space<vmem>>[vector<16xi32>, vector<16xi32>, vector<16xi32>], vector<16xf32>,
      %parallel_loop3A_737 = arith.constant 2 : i32
      %parallel_loop3A_738 = arith.index_cast %parallel_loop3A_737 : i32 to index
      %parallel_loop3A_739 = arith.index_cast %parallel_loop3A_721 : i32 to index
      %parallel_loop3A_740 = arith.constant 16 : index
      %parallel_loop3A_741 = tpu.vector_load %arg6[%parallel_loop3A_738, %parallel_loop3A_739, %parallel_loop3A_740] {strides = array<i32>} : memref<4x128x128xf32, #tpu.memory_space<vmem>>, vector<16xf32>,
      %parallel_loop3A_742 = arith.constant 8.000000e+00 : f32
      %parallel_loop3A_743 = vector.broadcast %parallel_loop3A_742 : f32 to vector<16xf32>
      %parallel_loop3A_744 = arith.mulf %parallel_loop3A_741, %parallel_loop3A_743 : vector<16xf32>
      %parallel_loop3A_745 = arith.constant 2 : i32
      %parallel_loop3A_746 = arith.constant 0 : i32
      %parallel_loop3A_747 = arith.constant 0 : i32
      %parallel_loop3A_748 = arith.constant 0 : i32
      %parallel_loop3A_749 = tpu.memref_slice %arg7[%parallel_loop3A_745, %parallel_loop3A_746, %parallel_loop3A_747, %parallel_loop3A_748] : memref<4x8x8x133xf32, #tpu.memory_space<vmem>> -> memref<1x8x8x133xf32, #tpu.memory_space<vmem>>
      %parallel_loop3A_750 = tpu.memref_squeeze %parallel_loop3A_749 : memref<1x8x8x133xf32, #tpu.memory_space<vmem>> -> memref<8x8x133xf32, #tpu.memory_space<vmem>>
      tpu.vector_store_idx %parallel_loop3A_750[%add3A_62, %select_n3A_150, %parallel_loop3A_722], %parallel_loop3A_744 : memref<8x8x133xf32, #tpu.memory_space<vmem>>[vector<16xi32>, vector<16xi32>, vector<16xi32>], vector<16xf32>,
      %parallel_loop3A_751 = arith.constant 2 : i32
      %parallel_loop3A_752 = arith.index_cast %parallel_loop3A_751 : i32 to index
      %parallel_loop3A_753 = arith.index_cast %parallel_loop3A_721 : i32 to index
      %parallel_loop3A_754 = arith.constant 32 : index
      %parallel_loop3A_755 = tpu.vector_load %arg6[%parallel_loop3A_752, %parallel_loop3A_753, %parallel_loop3A_754] {strides = array<i32>} : memref<4x128x128xf32, #tpu.memory_space<vmem>>, vector<16xf32>,
      %parallel_loop3A_756 = arith.constant 8.000000e+00 : f32
      %parallel_loop3A_757 = vector.broadcast %parallel_loop3A_756 : f32 to vector<16xf32>
      %parallel_loop3A_758 = arith.mulf %parallel_loop3A_755, %parallel_loop3A_757 : vector<16xf32>
      %parallel_loop3A_759 = arith.constant 2 : i32
      %parallel_loop3A_760 = arith.constant 0 : i32
      %parallel_loop3A_761 = arith.constant 0 : i32
      %parallel_loop3A_762 = arith.constant 0 : i32
      %parallel_loop3A_763 = tpu.memref_slice %arg7[%parallel_loop3A_759, %parallel_loop3A_760, %parallel_loop3A_761, %parallel_loop3A_762] : memref<4x8x8x133xf32, #tpu.memory_space<vmem>> -> memref<1x8x8x133xf32, #tpu.memory_space<vmem>>
      %parallel_loop3A_764 = tpu.memref_squeeze %parallel_loop3A_763 : memref<1x8x8x133xf32, #tpu.memory_space<vmem>> -> memref<8x8x133xf32, #tpu.memory_space<vmem>>
      tpu.vector_store_idx %parallel_loop3A_764[%add3A_96, %select_n3A_150, %parallel_loop3A_722], %parallel_loop3A_758 : memref<8x8x133xf32, #tpu.memory_space<vmem>>[vector<16xi32>, vector<16xi32>, vector<16xi32>], vector<16xf32>,
      %parallel_loop3A_765 = arith.constant 2 : i32
      %parallel_loop3A_766 = arith.index_cast %parallel_loop3A_765 : i32 to index
      %parallel_loop3A_767 = arith.index_cast %parallel_loop3A_721 : i32 to index
      %parallel_loop3A_768 = arith.constant 48 : index
      %parallel_loop3A_769 = tpu.vector_load %arg6[%parallel_loop3A_766, %parallel_loop3A_767, %parallel_loop3A_768] {strides = array<i32>} : memref<4x128x128xf32, #tpu.memory_space<vmem>>, vector<16xf32>,
      %parallel_loop3A_770 = arith.constant 8.000000e+00 : f32
      %parallel_loop3A_771 = vector.broadcast %parallel_loop3A_770 : f32 to vector<16xf32>
      %parallel_loop3A_772 = arith.mulf %parallel_loop3A_769, %parallel_loop3A_771 : vector<16xf32>
      %parallel_loop3A_773 = arith.constant 2 : i32
      %parallel_loop3A_774 = arith.constant 0 : i32
      %parallel_loop3A_775 = arith.constant 0 : i32
      %parallel_loop3A_776 = arith.constant 0 : i32
      %parallel_loop3A_777 = tpu.memref_slice %arg7[%parallel_loop3A_773, %parallel_loop3A_774, %parallel_loop3A_775, %parallel_loop3A_776] : memref<4x8x8x133xf32, #tpu.memory_space<vmem>> -> memref<1x8x8x133xf32, #tpu.memory_space<vmem>>
      %parallel_loop3A_778 = tpu.memref_squeeze %parallel_loop3A_777 : memref<1x8x8x133xf32, #tpu.memory_space<vmem>> -> memref<8x8x133xf32, #tpu.memory_space<vmem>>
      tpu.vector_store_idx %parallel_loop3A_778[%add3A_130, %select_n3A_150, %parallel_loop3A_722], %parallel_loop3A_772 : memref<8x8x133xf32, #tpu.memory_space<vmem>>[vector<16xi32>, vector<16xi32>, vector<16xi32>], vector<16xf32>,
    } {sc.loop_unroll_factor = 4 : i64, sc.parallel_access}
    %dma_start3A_574 = arith.constant 2 : i32
    %dma_start3A_575 = arith.constant 198 : i32
    %dma_start3A_576 = arith.constant 0 : i32
    %dma_start3A_577 = arith.constant 0 : i32
    %dma_start3A_578 = arith.constant 0 : i32
    %dma_start3A_579 = tpu.memref_slice %arg7[%dma_start3A_574, %dma_start3A_576, %dma_start3A_577, %dma_start3A_578] : memref<4x8x8x133xf32, #tpu.memory_space<vmem>> -> memref<1x8x8x128xf32, #tpu.memory_space<vmem>>
    %dma_start3A_580 = tpu.memref_squeeze %dma_start3A_579 : memref<1x8x8x128xf32, #tpu.memory_space<vmem>> -> memref<8x8x128xf32, #tpu.memory_space<vmem>>
    %dma_start3A_581 = arith.constant 0 : i32
    %dma_start3A_582 = arith.constant 0 : i32
    %dma_start3A_583 = arith.constant 0 : i32
    %dma_start3A_584 = tpu.memref_slice %arg4[%dma_start3A_575, %dma_start3A_581, %add3A, %dma_start3A_582, %dma_start3A_583] : memref<200x8x32x8x128xf32, #tpu.memory_space<hbm>> -> memref<1x8x1x8x128xf32, #tpu.memory_space<hbm>>
    %dma_start3A_585 = tpu.memref_squeeze %dma_start3A_584 : memref<1x8x1x8x128xf32, #tpu.memory_space<hbm>> -> memref<8x8x128xf32, #tpu.memory_space<hbm>>
    %dma_start3A_586 = arith.constant 0 : i32
    %dma_start3A_587 = arith.constant 0 : i32
    %dma_start3A_588 = arith.constant 0 : i32
    %dma_start3A_589 = tpu.memref_slice %arg4[%dma_start3A_575, %dma_start3A_586, %add3A, %dma_start3A_587, %dma_start3A_588] : memref<200x8x32x8x128xf32, #tpu.memory_space<hbm>> -> memref<1x8x1x8x128xf32, #tpu.memory_space<hbm>>
    %dma_start3A_590 = tpu.memref_squeeze %dma_start3A_589 : memref<1x8x1x8x128xf32, #tpu.memory_space<hbm>> -> memref<8x8x128xf32, #tpu.memory_space<hbm>>
    %dma_start3A_591 = arith.constant 0 : i32
    %dma_start3A_592 = arith.constant 0 : i32
    %dma_start3A_593 = arith.constant 0 : i32
    %dma_start3A_594 = tpu.memref_slice %arg7[%dma_start3A_574, %dma_start3A_591, %dma_start3A_592, %dma_start3A_593] : memref<4x8x8x133xf32, #tpu.memory_space<vmem>> -> memref<1x8x8x128xf32, #tpu.memory_space<vmem>>
    %dma_start3A_595 = tpu.memref_squeeze %dma_start3A_594 : memref<1x8x8x128xf32, #tpu.memory_space<vmem>> -> memref<8x8x128xf32, #tpu.memory_space<vmem>>
    tpu.enqueue_dma source(%dma_start3A_595 : memref<8x8x128xf32, #tpu.memory_space<vmem>>) target(%dma_start3A_590 : memref<8x8x128xf32, #tpu.memory_space<hbm>>) target_semaphore(%arg14 : memref<!tpu.dma_semaphore, #tpu.memory_space<semaphore_mem>>)
    %dma_wait3A_596 = arith.constant 199 : i32
    %dma_wait3A_597 = arith.constant 3 : i32
    %dma_wait3A_598 = arith.constant 0 : i32
    %dma_wait3A_599 = arith.constant 0 : i32
    %dma_wait3A_600 = tpu.memref_slice %arg6[%dma_wait3A_597, %dma_wait3A_598, %dma_wait3A_599] : memref<4x128x128xf32, #tpu.memory_space<vmem>> -> memref<1x128x128xf32, #tpu.memory_space<vmem>>
    %dma_wait3A_601 = tpu.memref_squeeze %dma_wait3A_600 : memref<1x128x128xf32, #tpu.memory_space<vmem>> -> memref<128x128xf32, #tpu.memory_space<vmem>>
    %dma_wait3A_602 = arith.constant 0 : i32
    %dma_wait3A_603 = tpu.memref_slice %arg5[%dma_wait3A_596, %dma_wait3A_602] : memref<200x128xi32, #tpu.memory_space<vmem>> -> memref<1x128xi32, #tpu.memory_space<vmem>>
    %dma_wait3A_604 = tpu.memref_squeeze %dma_wait3A_603 : memref<1x128xi32, #tpu.memory_space<vmem>> -> memref<128xi32, #tpu.memory_space<vmem>>
    %dma_wait3A_605 = arith.constant 0 : i32
    %dma_wait3A_606 = arith.constant 0 : i32
    %dma_wait3A_607 = tpu.memref_slice %arg3[%dma_wait3A_605, %dma_wait3A_606] : memref<1000000x128xf32, #tpu.memory_space<hbm>> -> memref<1000000x128xf32, #tpu.memory_space<hbm>>
    tpu.wait_indirect_dma semaphore(%arg11 : memref<!tpu.dma_semaphore, #tpu.memory_space<semaphore_mem>>) src(%dma_wait3A_607 : memref<1000000x128xf32, #tpu.memory_space<hbm>>) dst(%dma_wait3A_601 : memref<128x128xf32, #tpu.memory_space<vmem>>)
    %parallel_loop3A_608 = arith.constant 0 : i32
    %parallel_loop3A_609 = arith.constant 128 : i32
    %parallel_loop3A_610 = arith.constant 1 : i32
    scf.for %parallel_loop3A_721 = %parallel_loop3A_608 to %parallel_loop3A_609 step %parallel_loop3A_610  : i32 {
      %parallel_loop3A_722 = vector.broadcast %parallel_loop3A_721 : i32 to vector<16xi32>
      %parallel_loop3A_723 = arith.constant 3 : i32
      %parallel_loop3A_724 = arith.index_cast %parallel_loop3A_723 : i32 to index
      %parallel_loop3A_725 = arith.index_cast %parallel_loop3A_721 : i32 to index
      %parallel_loop3A_726 = arith.constant 0 : index
      %parallel_loop3A_727 = tpu.vector_load %arg6[%parallel_loop3A_724, %parallel_loop3A_725, %parallel_loop3A_726] {strides = array<i32>} : memref<4x128x128xf32, #tpu.memory_space<vmem>>, vector<16xf32>,
      %parallel_loop3A_728 = arith.constant 8.000000e+00 : f32
      %parallel_loop3A_729 = vector.broadcast %parallel_loop3A_728 : f32 to vector<16xf32>
      %parallel_loop3A_730 = arith.mulf %parallel_loop3A_727, %parallel_loop3A_729 : vector<16xf32>
      %parallel_loop3A_731 = arith.constant 3 : i32
      %parallel_loop3A_732 = arith.constant 0 : i32
      %parallel_loop3A_733 = arith.constant 0 : i32
      %parallel_loop3A_734 = arith.constant 0 : i32
      %parallel_loop3A_735 = tpu.memref_slice %arg7[%parallel_loop3A_731, %parallel_loop3A_732, %parallel_loop3A_733, %parallel_loop3A_734] : memref<4x8x8x133xf32, #tpu.memory_space<vmem>> -> memref<1x8x8x133xf32, #tpu.memory_space<vmem>>
      %parallel_loop3A_736 = tpu.memref_squeeze %parallel_loop3A_735 : memref<1x8x8x133xf32, #tpu.memory_space<vmem>> -> memref<8x8x133xf32, #tpu.memory_space<vmem>>
      tpu.vector_store_idx %parallel_loop3A_736[%add3A_28, %select_n3A_150, %parallel_loop3A_722], %parallel_loop3A_730 : memref<8x8x133xf32, #tpu.memory_space<vmem>>[vector<16xi32>, vector<16xi32>, vector<16xi32>], vector<16xf32>,
      %parallel_loop3A_737 = arith.constant 3 : i32
      %parallel_loop3A_738 = arith.index_cast %parallel_loop3A_737 : i32 to index
      %parallel_loop3A_739 = arith.index_cast %parallel_loop3A_721 : i32 to index
      %parallel_loop3A_740 = arith.constant 16 : index
      %parallel_loop3A_741 = tpu.vector_load %arg6[%parallel_loop3A_738, %parallel_loop3A_739, %parallel_loop3A_740] {strides = array<i32>} : memref<4x128x128xf32, #tpu.memory_space<vmem>>, vector<16xf32>,
      %parallel_loop3A_742 = arith.constant 8.000000e+00 : f32
      %parallel_loop3A_743 = vector.broadcast %parallel_loop3A_742 : f32 to vector<16xf32>
      %parallel_loop3A_744 = arith.mulf %parallel_loop3A_741, %parallel_loop3A_743 : vector<16xf32>
      %parallel_loop3A_745 = arith.constant 3 : i32
      %parallel_loop3A_746 = arith.constant 0 : i32
      %parallel_loop3A_747 = arith.constant 0 : i32
      %parallel_loop3A_748 = arith.constant 0 : i32
      %parallel_loop3A_749 = tpu.memref_slice %arg7[%parallel_loop3A_745, %parallel_loop3A_746, %parallel_loop3A_747, %parallel_loop3A_748] : memref<4x8x8x133xf32, #tpu.memory_space<vmem>> -> memref<1x8x8x133xf32, #tpu.memory_space<vmem>>
      %parallel_loop3A_750 = tpu.memref_squeeze %parallel_loop3A_749 : memref<1x8x8x133xf32, #tpu.memory_space<vmem>> -> memref<8x8x133xf32, #tpu.memory_space<vmem>>
      tpu.vector_store_idx %parallel_loop3A_750[%add3A_62, %select_n3A_150, %parallel_loop3A_722], %parallel_loop3A_744 : memref<8x8x133xf32, #tpu.memory_space<vmem>>[vector<16xi32>, vector<16xi32>, vector<16xi32>], vector<16xf32>,
      %parallel_loop3A_751 = arith.constant 3 : i32
      %parallel_loop3A_752 = arith.index_cast %parallel_loop3A_751 : i32 to index
      %parallel_loop3A_753 = arith.index_cast %parallel_loop3A_721 : i32 to index
      %parallel_loop3A_754 = arith.constant 32 : index
      %parallel_loop3A_755 = tpu.vector_load %arg6[%parallel_loop3A_752, %parallel_loop3A_753, %parallel_loop3A_754] {strides = array<i32>} : memref<4x128x128xf32, #tpu.memory_space<vmem>>, vector<16xf32>,
      %parallel_loop3A_756 = arith.constant 8.000000e+00 : f32
      %parallel_loop3A_757 = vector.broadcast %parallel_loop3A_756 : f32 to vector<16xf32>
      %parallel_loop3A_758 = arith.mulf %parallel_loop3A_755, %parallel_loop3A_757 : vector<16xf32>
      %parallel_loop3A_759 = arith.constant 3 : i32
      %parallel_loop3A_760 = arith.constant 0 : i32
      %parallel_loop3A_761 = arith.constant 0 : i32
      %parallel_loop3A_762 = arith.constant 0 : i32
      %parallel_loop3A_763 = tpu.memref_slice %arg7[%parallel_loop3A_759, %parallel_loop3A_760, %parallel_loop3A_761, %parallel_loop3A_762] : memref<4x8x8x133xf32, #tpu.memory_space<vmem>> -> memref<1x8x8x133xf32, #tpu.memory_space<vmem>>
      %parallel_loop3A_764 = tpu.memref_squeeze %parallel_loop3A_763 : memref<1x8x8x133xf32, #tpu.memory_space<vmem>> -> memref<8x8x133xf32, #tpu.memory_space<vmem>>
      tpu.vector_store_idx %parallel_loop3A_764[%add3A_96, %select_n3A_150, %parallel_loop3A_722], %parallel_loop3A_758 : memref<8x8x133xf32, #tpu.memory_space<vmem>>[vector<16xi32>, vector<16xi32>, vector<16xi32>], vector<16xf32>,
      %parallel_loop3A_765 = arith.constant 3 : i32
      %parallel_loop3A_766 = arith.index_cast %parallel_loop3A_765 : i32 to index
      %parallel_loop3A_767 = arith.index_cast %parallel_loop3A_721 : i32 to index
      %parallel_loop3A_768 = arith.constant 48 : index
      %parallel_loop3A_769 = tpu.vector_load %arg6[%parallel_loop3A_766, %parallel_loop3A_767, %parallel_loop3A_768] {strides = array<i32>} : memref<4x128x128xf32, #tpu.memory_space<vmem>>, vector<16xf32>,
      %parallel_loop3A_770 = arith.constant 8.000000e+00 : f32
      %parallel_loop3A_771 = vector.broadcast %parallel_loop3A_770 : f32 to vector<16xf32>
      %parallel_loop3A_772 = arith.mulf %parallel_loop3A_769, %parallel_loop3A_771 : vector<16xf32>
      %parallel_loop3A_773 = arith.constant 3 : i32
      %parallel_loop3A_774 = arith.constant 0 : i32
      %parallel_loop3A_775 = arith.constant 0 : i32
      %parallel_loop3A_776 = arith.constant 0 : i32
      %parallel_loop3A_777 = tpu.memref_slice %arg7[%parallel_loop3A_773, %parallel_loop3A_774, %parallel_loop3A_775, %parallel_loop3A_776] : memref<4x8x8x133xf32, #tpu.memory_space<vmem>> -> memref<1x8x8x133xf32, #tpu.memory_space<vmem>>
      %parallel_loop3A_778 = tpu.memref_squeeze %parallel_loop3A_777 : memref<1x8x8x133xf32, #tpu.memory_space<vmem>> -> memref<8x8x133xf32, #tpu.memory_space<vmem>>
      tpu.vector_store_idx %parallel_loop3A_778[%add3A_130, %select_n3A_150, %parallel_loop3A_722], %parallel_loop3A_772 : memref<8x8x133xf32, #tpu.memory_space<vmem>>[vector<16xi32>, vector<16xi32>, vector<16xi32>], vector<16xf32>,
    } {sc.loop_unroll_factor = 4 : i64, sc.parallel_access}
    %dma_start3A_611 = arith.constant 3 : i32
    %dma_start3A_612 = arith.constant 199 : i32
    %dma_start3A_613 = arith.constant 0 : i32
    %dma_start3A_614 = arith.constant 0 : i32
    %dma_start3A_615 = arith.constant 0 : i32
    %dma_start3A_616 = tpu.memref_slice %arg7[%dma_start3A_611, %dma_start3A_613, %dma_start3A_614, %dma_start3A_615] : memref<4x8x8x133xf32, #tpu.memory_space<vmem>> -> memref<1x8x8x128xf32, #tpu.memory_space<vmem>>
    %dma_start3A_617 = tpu.memref_squeeze %dma_start3A_616 : memref<1x8x8x128xf32, #tpu.memory_space<vmem>> -> memref<8x8x128xf32, #tpu.memory_space<vmem>>
    %dma_start3A_618 = arith.constant 0 : i32
    %dma_start3A_619 = arith.constant 0 : i32
    %dma_start3A_620 = arith.constant 0 : i32
    %dma_start3A_621 = tpu.memref_slice %arg4[%dma_start3A_612, %dma_start3A_618, %add3A, %dma_start3A_619, %dma_start3A_620] : memref<200x8x32x8x128xf32, #tpu.memory_space<hbm>> -> memref<1x8x1x8x128xf32, #tpu.memory_space<hbm>>
    %dma_start3A_622 = tpu.memref_squeeze %dma_start3A_621 : memref<1x8x1x8x128xf32, #tpu.memory_space<hbm>> -> memref<8x8x128xf32, #tpu.memory_space<hbm>>
    %dma_start3A_623 = arith.constant 0 : i32
    %dma_start3A_624 = arith.constant 0 : i32
    %dma_start3A_625 = arith.constant 0 : i32
    %dma_start3A_626 = tpu.memref_slice %arg4[%dma_start3A_612, %dma_start3A_623, %add3A, %dma_start3A_624, %dma_start3A_625] : memref<200x8x32x8x128xf32, #tpu.memory_space<hbm>> -> memref<1x8x1x8x128xf32, #tpu.memory_space<hbm>>
    %dma_start3A_627 = tpu.memref_squeeze %dma_start3A_626 : memref<1x8x1x8x128xf32, #tpu.memory_space<hbm>> -> memref<8x8x128xf32, #tpu.memory_space<hbm>>
    %dma_start3A_628 = arith.constant 0 : i32
    %dma_start3A_629 = arith.constant 0 : i32
    %dma_start3A_630 = arith.constant 0 : i32
    %dma_start3A_631 = tpu.memref_slice %arg7[%dma_start3A_611, %dma_start3A_628, %dma_start3A_629, %dma_start3A_630] : memref<4x8x8x133xf32, #tpu.memory_space<vmem>> -> memref<1x8x8x128xf32, #tpu.memory_space<vmem>>
    %dma_start3A_632 = tpu.memref_squeeze %dma_start3A_631 : memref<1x8x8x128xf32, #tpu.memory_space<vmem>> -> memref<8x8x128xf32, #tpu.memory_space<vmem>>
    tpu.enqueue_dma source(%dma_start3A_632 : memref<8x8x128xf32, #tpu.memory_space<vmem>>) target(%dma_start3A_627 : memref<8x8x128xf32, #tpu.memory_space<hbm>>) target_semaphore(%arg15 : memref<!tpu.dma_semaphore, #tpu.memory_space<semaphore_mem>>)
    %dma_wait3A_633 = arith.constant 0 : i32
    %dma_wait3A_634 = arith.constant 196 : i32
    %dma_wait3A_635 = arith.constant 0 : i32
    %dma_wait3A_636 = arith.constant 0 : i32
    %dma_wait3A_637 = arith.constant 0 : i32
    %dma_wait3A_638 = tpu.memref_slice %arg7[%dma_wait3A_633, %dma_wait3A_635, %dma_wait3A_636, %dma_wait3A_637] : memref<4x8x8x133xf32, #tpu.memory_space<vmem>> -> memref<1x8x8x128xf32, #tpu.memory_space<vmem>>
    %dma_wait3A_639 = tpu.memref_squeeze %dma_wait3A_638 : memref<1x8x8x128xf32, #tpu.memory_space<vmem>> -> memref<8x8x128xf32, #tpu.memory_space<vmem>>
    %dma_wait3A_640 = arith.constant 0 : i32
    %dma_wait3A_641 = arith.constant 0 : i32
    %dma_wait3A_642 = arith.constant 0 : i32
    %dma_wait3A_643 = tpu.memref_slice %arg4[%dma_wait3A_634, %dma_wait3A_640, %add3A, %dma_wait3A_641, %dma_wait3A_642] : memref<200x8x32x8x128xf32, #tpu.memory_space<hbm>> -> memref<1x8x1x8x128xf32, #tpu.memory_space<hbm>>
    %dma_wait3A_644 = tpu.memref_squeeze %dma_wait3A_643 : memref<1x8x1x8x128xf32, #tpu.memory_space<hbm>> -> memref<8x8x128xf32, #tpu.memory_space<hbm>>
    %dma_wait3A_645 = arith.constant 0 : i32
    %dma_wait3A_646 = arith.constant 0 : i32
    %dma_wait3A_647 = arith.constant 0 : i32
    %dma_wait3A_648 = tpu.memref_slice %arg4[%dma_wait3A_634, %dma_wait3A_645, %add3A, %dma_wait3A_646, %dma_wait3A_647] : memref<200x8x32x8x128xf32, #tpu.memory_space<hbm>> -> memref<1x8x1x8x128xf32, #tpu.memory_space<hbm>>
    %dma_wait3A_649 = tpu.memref_squeeze %dma_wait3A_648 : memref<1x8x1x8x128xf32, #tpu.memory_space<hbm>> -> memref<8x8x128xf32, #tpu.memory_space<hbm>>
    %dma_wait3A_650 = arith.constant 0 : i32
    %dma_wait3A_651 = arith.constant 0 : i32
    %dma_wait3A_652 = arith.constant 0 : i32
    %dma_wait3A_653 = tpu.memref_slice %arg7[%dma_wait3A_633, %dma_wait3A_650, %dma_wait3A_651, %dma_wait3A_652] : memref<4x8x8x133xf32, #tpu.memory_space<vmem>> -> memref<1x8x8x128xf32, #tpu.memory_space<vmem>>
    %dma_wait3A_654 = tpu.memref_squeeze %dma_wait3A_653 : memref<1x8x8x128xf32, #tpu.memory_space<vmem>> -> memref<8x8x128xf32, #tpu.memory_space<vmem>>
    tpu.wait_dma2 semaphore(%arg12 : memref<!tpu.dma_semaphore, #tpu.memory_space<semaphore_mem>>) src(%dma_wait3A_654 : memref<8x8x128xf32, #tpu.memory_space<vmem>>) dst(%dma_wait3A_649 : memref<8x8x128xf32, #tpu.memory_space<hbm>>)
    %dma_wait3A_655 = arith.constant 1 : i32
    %dma_wait3A_656 = arith.constant 197 : i32
    %dma_wait3A_657 = arith.constant 0 : i32
    %dma_wait3A_658 = arith.constant 0 : i32
    %dma_wait3A_659 = arith.constant 0 : i32
    %dma_wait3A_660 = tpu.memref_slice %arg7[%dma_wait3A_655, %dma_wait3A_657, %dma_wait3A_658, %dma_wait3A_659] : memref<4x8x8x133xf32, #tpu.memory_space<vmem>> -> memref<1x8x8x128xf32, #tpu.memory_space<vmem>>
    %dma_wait3A_661 = tpu.memref_squeeze %dma_wait3A_660 : memref<1x8x8x128xf32, #tpu.memory_space<vmem>> -> memref<8x8x128xf32, #tpu.memory_space<vmem>>
    %dma_wait3A_662 = arith.constant 0 : i32
    %dma_wait3A_663 = arith.constant 0 : i32
    %dma_wait3A_664 = arith.constant 0 : i32
    %dma_wait3A_665 = tpu.memref_slice %arg4[%dma_wait3A_656, %dma_wait3A_662, %add3A, %dma_wait3A_663, %dma_wait3A_664] : memref<200x8x32x8x128xf32, #tpu.memory_space<hbm>> -> memref<1x8x1x8x128xf32, #tpu.memory_space<hbm>>
    %dma_wait3A_666 = tpu.memref_squeeze %dma_wait3A_665 : memref<1x8x1x8x128xf32, #tpu.memory_space<hbm>> -> memref<8x8x128xf32, #tpu.memory_space<hbm>>
    %dma_wait3A_667 = arith.constant 0 : i32
    %dma_wait3A_668 = arith.constant 0 : i32
    %dma_wait3A_669 = arith.constant 0 : i32
    %dma_wait3A_670 = tpu.memref_slice %arg4[%dma_wait3A_656, %dma_wait3A_667, %add3A, %dma_wait3A_668, %dma_wait3A_669] : memref<200x8x32x8x128xf32, #tpu.memory_space<hbm>> -> memref<1x8x1x8x128xf32, #tpu.memory_space<hbm>>
    %dma_wait3A_671 = tpu.memref_squeeze %dma_wait3A_670 : memref<1x8x1x8x128xf32, #tpu.memory_space<hbm>> -> memref<8x8x128xf32, #tpu.memory_space<hbm>>
    %dma_wait3A_672 = arith.constant 0 : i32
    %dma_wait3A_673 = arith.constant 0 : i32
    %dma_wait3A_674 = arith.constant 0 : i32
    %dma_wait3A_675 = tpu.memref_slice %arg7[%dma_wait3A_655, %dma_wait3A_672, %dma_wait3A_673, %dma_wait3A_674] : memref<4x8x8x133xf32, #tpu.memory_space<vmem>> -> memref<1x8x8x128xf32, #tpu.memory_space<vmem>>
    %dma_wait3A_676 = tpu.memref_squeeze %dma_wait3A_675 : memref<1x8x8x128xf32, #tpu.memory_space<vmem>> -> memref<8x8x128xf32, #tpu.memory_space<vmem>>
    tpu.wait_dma2 semaphore(%arg13 : memref<!tpu.dma_semaphore, #tpu.memory_space<semaphore_mem>>) src(%dma_wait3A_676 : memref<8x8x128xf32, #tpu.memory_space<vmem>>) dst(%dma_wait3A_671 : memref<8x8x128xf32, #tpu.memory_space<hbm>>)
    %dma_wait3A_677 = arith.constant 2 : i32
    %dma_wait3A_678 = arith.constant 198 : i32
    %dma_wait3A_679 = arith.constant 0 : i32
    %dma_wait3A_680 = arith.constant 0 : i32
    %dma_wait3A_681 = arith.constant 0 : i32
    %dma_wait3A_682 = tpu.memref_slice %arg7[%dma_wait3A_677, %dma_wait3A_679, %dma_wait3A_680, %dma_wait3A_681] : memref<4x8x8x133xf32, #tpu.memory_space<vmem>> -> memref<1x8x8x128xf32, #tpu.memory_space<vmem>>
    %dma_wait3A_683 = tpu.memref_squeeze %dma_wait3A_682 : memref<1x8x8x128xf32, #tpu.memory_space<vmem>> -> memref<8x8x128xf32, #tpu.memory_space<vmem>>
    %dma_wait3A_684 = arith.constant 0 : i32
    %dma_wait3A_685 = arith.constant 0 : i32
    %dma_wait3A_686 = arith.constant 0 : i32
    %dma_wait3A_687 = tpu.memref_slice %arg4[%dma_wait3A_678, %dma_wait3A_684, %add3A, %dma_wait3A_685, %dma_wait3A_686] : memref<200x8x32x8x128xf32, #tpu.memory_space<hbm>> -> memref<1x8x1x8x128xf32, #tpu.memory_space<hbm>>
    %dma_wait3A_688 = tpu.memref_squeeze %dma_wait3A_687 : memref<1x8x1x8x128xf32, #tpu.memory_space<hbm>> -> memref<8x8x128xf32, #tpu.memory_space<hbm>>
    %dma_wait3A_689 = arith.constant 0 : i32
    %dma_wait3A_690 = arith.constant 0 : i32
    %dma_wait3A_691 = arith.constant 0 : i32
    %dma_wait3A_692 = tpu.memref_slice %arg4[%dma_wait3A_678, %dma_wait3A_689, %add3A, %dma_wait3A_690, %dma_wait3A_691] : memref<200x8x32x8x128xf32, #tpu.memory_space<hbm>> -> memref<1x8x1x8x128xf32, #tpu.memory_space<hbm>>
    %dma_wait3A_693 = tpu.memref_squeeze %dma_wait3A_692 : memref<1x8x1x8x128xf32, #tpu.memory_space<hbm>> -> memref<8x8x128xf32, #tpu.memory_space<hbm>>
    %dma_wait3A_694 = arith.constant 0 : i32
    %dma_wait3A_695 = arith.constant 0 : i32
    %dma_wait3A_696 = arith.constant 0 : i32
    %dma_wait3A_697 = tpu.memref_slice %arg7[%dma_wait3A_677, %dma_wait3A_694, %dma_wait3A_695, %dma_wait3A_696] : memref<4x8x8x133xf32, #tpu.memory_space<vmem>> -> memref<1x8x8x128xf32, #tpu.memory_space<vmem>>
    %dma_wait3A_698 = tpu.memref_squeeze %dma_wait3A_697 : memref<1x8x8x128xf32, #tpu.memory_space<vmem>> -> memref<8x8x128xf32, #tpu.memory_space<vmem>>
    tpu.wait_dma2 semaphore(%arg14 : memref<!tpu.dma_semaphore, #tpu.memory_space<semaphore_mem>>) src(%dma_wait3A_698 : memref<8x8x128xf32, #tpu.memory_space<vmem>>) dst(%dma_wait3A_693 : memref<8x8x128xf32, #tpu.memory_space<hbm>>)
    %dma_wait3A_699 = arith.constant 3 : i32
    %dma_wait3A_700 = arith.constant 199 : i32
    %dma_wait3A_701 = arith.constant 0 : i32
    %dma_wait3A_702 = arith.constant 0 : i32
    %dma_wait3A_703 = arith.constant 0 : i32
    %dma_wait3A_704 = tpu.memref_slice %arg7[%dma_wait3A_699, %dma_wait3A_701, %dma_wait3A_702, %dma_wait3A_703] : memref<4x8x8x133xf32, #tpu.memory_space<vmem>> -> memref<1x8x8x128xf32, #tpu.memory_space<vmem>>
    %dma_wait3A_705 = tpu.memref_squeeze %dma_wait3A_704 : memref<1x8x8x128xf32, #tpu.memory_space<vmem>> -> memref<8x8x128xf32, #tpu.memory_space<vmem>>
    %dma_wait3A_706 = arith.constant 0 : i32
    %dma_wait3A_707 = arith.constant 0 : i32
    %dma_wait3A_708 = arith.constant 0 : i32
    %dma_wait3A_709 = tpu.memref_slice %arg4[%dma_wait3A_700, %dma_wait3A_706, %add3A, %dma_wait3A_707, %dma_wait3A_708] : memref<200x8x32x8x128xf32, #tpu.memory_space<hbm>> -> memref<1x8x1x8x128xf32, #tpu.memory_space<hbm>>
    %dma_wait3A_710 = tpu.memref_squeeze %dma_wait3A_709 : memref<1x8x1x8x128xf32, #tpu.memory_space<hbm>> -> memref<8x8x128xf32, #tpu.memory_space<hbm>>
    %dma_wait3A_711 = arith.constant 0 : i32
    %dma_wait3A_712 = arith.constant 0 : i32
    %dma_wait3A_713 = arith.constant 0 : i32
    %dma_wait3A_714 = tpu.memref_slice %arg4[%dma_wait3A_700, %dma_wait3A_711, %add3A, %dma_wait3A_712, %dma_wait3A_713] : memref<200x8x32x8x128xf32, #tpu.memory_space<hbm>> -> memref<1x8x1x8x128xf32, #tpu.memory_space<hbm>>
    %dma_wait3A_715 = tpu.memref_squeeze %dma_wait3A_714 : memref<1x8x1x8x128xf32, #tpu.memory_space<hbm>> -> memref<8x8x128xf32, #tpu.memory_space<hbm>>
    %dma_wait3A_716 = arith.constant 0 : i32
    %dma_wait3A_717 = arith.constant 0 : i32
    %dma_wait3A_718 = arith.constant 0 : i32
    %dma_wait3A_719 = tpu.memref_slice %arg7[%dma_wait3A_699, %dma_wait3A_716, %dma_wait3A_717, %dma_wait3A_718] : memref<4x8x8x133xf32, #tpu.memory_space<vmem>> -> memref<1x8x8x128xf32, #tpu.memory_space<vmem>>
    %dma_wait3A_720 = tpu.memref_squeeze %dma_wait3A_719 : memref<1x8x8x128xf32, #tpu.memory_space<vmem>> -> memref<8x8x128xf32, #tpu.memory_space<vmem>>
    tpu.wait_dma2 semaphore(%arg15 : memref<!tpu.dma_semaphore, #tpu.memory_space<semaphore_mem>>) src(%dma_wait3A_720 : memref<8x8x128xf32, #tpu.memory_space<vmem>>) dst(%dma_wait3A_715 : memref<8x8x128xf32, #tpu.memory_space<hbm>>)
    return
  }
}

module attributes {stable_mosaic.version = 14 : i64} {
  func.func @_tpose_body(%arg0: i32, %arg1: memref<64x4096xf32, #tpu.memory_space<vmem>>, %arg2: memref<4096x128xf32, #tpu.memory_space<vmem>>) attributes {dimension_semantics = [#tpu.dimension_semantics<arbitrary>], iteration_bounds = array<i64: 245>, scalar_prefetch = 0 : i64, scratch_operands = 0 : i64, tpu.core_type = #tpu.core_type<tc>, window_params = [{transform_indices = @transform_0, window_bounds = array<i64: 64, 4096>}, {transform_indices = @transform_1, window_bounds = array<i64: 4096, 128>}]} {
    %get3A = arith.constant 0 : index
    %get3A_0 = arith.constant 0 : index
    %get3A_1 = vector.load %arg1[%get3A, %get3A_0] : memref<64x4096xf32, #tpu.memory_space<vmem>>, vector<64x4096xf32>
    %transpose3A = tpu.transpose %get3A_1, [1, 0] : vector<64x4096xf32> -> vector<4096x64xf32>
    %concatenate3A = tpu.concatenate %transpose3A, %transpose3A in 1 : vector<4096x64xf32>, vector<4096x64xf32> -> vector<4096x128xf32>
    %swap3A = arith.constant 0 : index
    %swap3A_2 = arith.constant 0 : index
    %swap3A_3 = vector.load %arg2[%swap3A, %swap3A_2] : memref<4096x128xf32, #tpu.memory_space<vmem>>, vector<4096x128xf32>
    tpu.vector_store %arg2[%swap3A, %swap3A_2], %concatenate3A {strides = array<i32>} : memref<4096x128xf32, #tpu.memory_space<vmem>>, vector<4096x128xf32>,
    return
  }
  func.func @transform_0(%arg0: i32) -> (i32, i32) {
    %c0_i32 = arith.constant 0 : i32
    %c0_i32_0 = arith.constant 0 : i32
    return %c0_i32, %arg0 : i32, i32
  }
  func.func @transform_1(%arg0: i32) -> (i32, i32) {
    %c0_i32 = arith.constant 0 : i32
    %c0_i32_0 = arith.constant 0 : i32
    return %arg0, %c0_i32 : i32, i32
  }
}

</mosaic_0001>

<sc_bundles>
// kernel: kernel.4.cloned.1.call-start
scs
__scs_entry_jumppad:
0x0: {  	(pc) =	sbr.rel $0x88, $3  }
0x1: {  	(tag) =	ssettag $0x0;
	lr =	simm.s32 $0x1  }
0x2: {  	[smem:$0x3F9F] =	sst lr;
	_ =	strace $0xD0000000  }
0x3: {  	_ = 	snop  }
0x4: {  	_ = 	snop  }
0x5: {  	_ = 	snop  }
0x6: {  	_ = 	snop  }
0x7: {  	_ = 	snop  }
__scs_overlays_trampoline_lowered:
0x8: {  	[smem:$0x3FAE] =	sst s0  }
0x9: {  	[smem:$0x3FAF] =	sst s1  }
0xa: {  	[smem:$0x3FB0] =	sst s2  }
0xb: {  	[smem:$0x3FB1] =	sst s3  }
0xc: {  	[smem:$0x3FB2] =	sst s4  }
0xd: {  	[smem:$0x3FB3] =	sst s5  }
0xe: {  	[smem:$0x3FB4] =	sst s6  }
0xf: {  	[smem:$0x3FB5] =	sst s7  }
0x10: {  	[smem:$0x3FB6] =	sst s8  }
0x11: {  	[smem:$0x3FB7] =	sst s9;
	s0 =	simm.s32 @!p0 $0x0  }
0x12: {  	s1 =	sld [smem:$0x3F9D];
	s0 =	simm.s32 @p0 $0x1  }
0x13: {  	[smem:$0x3FB8] =	sst s0;
	s0 =	simm.s32 @!p1 $0x0  }
0x14: {  	s2 =	sld [smem:$0x3F9C];
	s0 =	simm.s32 @p1 $0x1  }
0x15: {  	[smem:$0x3FB9] =	sst s0;
	s0 =	simm.s32 @!p2 $0x0  }
0x16: {  	s3 =	sld [smem:$0x3FDB];
	s0 =	simm.s32 @p2 $0x1  }
0x17: {  	s4 =	simm.s32 $0x1BF5;
	[smem:$0x3FBB] =	sst s0  }
0x18: {  	s0 =	sld [smem:$0x3F9E];
	_ =	swait.ge [sflag:s4], $0x0  }
0x19: {  	s7 =	sld [smem:$0x3F9F]  }
0x1a: {  	s8 =	sadd.s32 $0xFFFFE003, lr  }
0x1b: {  	s9 =	sadd.s32 $0xFFFFFEF7, lr;
	s5 =	simm.s32 $0xFFFFFFFF;
	p2 =	slt.u32 s8, $0xFFFFF086  }
0x1c: {  	p1 =	slt.u32 s9, $0xF7A;
	s5 =	simm.s32 @!p2 $0x0  }
0x1d: {  	s5 =	simm.s32 @p1 $0x1;
	p0 =	seq.s32 s7, s2  }
0x1e: {  	s7 =	smul.u32 @!p0 $0xF7A, s2;
	p2 =	seq.s32 @!p0 s5, $0x0  }
0x1f: {  	s9 =	smul.u32 $0xF7A, s1;
	s8 =	simm.s32 @!p0 $0x1BF5;
	p2 =	por !p2, p0  }
0x20: {  	[sflag:s8] =	ssyncset.s32 @!p0 $0xFFFFF086;
	s6 =	sadd.s32 @!p0 s3, s7;
	s7 =	simm.s32 @!p0 $0x108  }
0x21: {  	s3 =	sadd.s32 s3, s9;
	s6 =	sadd.s32 @!p0 $0x88, s6;
	s7 =	simm.s32 @p2 $0x1082  }
0x22: {  	[simem:s7], [sflag:s8] =	dma.local @!p0 [hbm:s6], $0xF7A  }
0x23: {  	s9 =	sor.u32 $0xD0000000, s2;
	s6 =	simm.s32 $0x108;
	_ =	swait.ge @!p0 [sflag:s8], $0x0  }
0x24: {  	s3 =	sadd.s32 $0x88, s3;
	s6 =	simm.s32 @!p1 $0x1082;
	[sflag:s4] =	ssyncset.s32 $0xFFFFF086  }
0x25: {  	[simem:s6], [sflag:s4] =	dma.local [hbm:s3], $0xF7A  }
0x26: {  	[smem:$0x3F9F] =	sst s1;
	(tag) =	ssettag s2;
	_ =	strace s9  }
0x27: {  	s1 =	sld [smem:$0x3FAF]  }
0x28: {  	s2 =	sld [smem:$0x3FB0]  }
0x29: {  	s4 =	sld [smem:$0x3FB2]  }
0x2a: {  	p0 =	seq.s32 s5, $0x0;
	s5 =	sld [smem:$0x3FB3]  }
0x2b: {  	s6 =	sld [smem:$0x3FB4]  }
0x2c: {  	s7 =	sld [smem:$0x3FB5]  }
0x2d: {  	s3 =	simm.s32 $0x108;
	s8 =	sld [smem:$0x3FB6]  }
0x2e: {  	s3 =	simm.s32 @!p0 $0x1082;
	s9 =	sld [smem:$0x3FB7]  }
0x2f: {  	lr =	sadd.s32 s0, s3;
	s0 =	sld [smem:$0x3FAE]  }
0x30: {  	s3 =	sld [smem:$0x3FB1]  }
0x31: {  	[smem:$0x3FBA] =	sst s10  }
0x32: {  	s10 =	sld [smem:$0x3FB8];
	_ =	sdelay $0x3  }
0x33: {  	p0 =	seq.s32 s10, $0x1;
	s10 =	sld [smem:$0x3FBA];
	_ =	sdelay $0x3  }
0x34: {  	[smem:$0x3FBA] =	sst s10  }
0x35: {  	s10 =	sld [smem:$0x3FB9];
	_ =	sdelay $0x3  }
0x36: {  	p1 =	seq.s32 s10, $0x1;
	s10 =	sld [smem:$0x3FBA];
	_ =	sdelay $0x3  }
0x37: {  	[smem:$0x3FBA] =	sst s10  }
0x38: {  	s10 =	sld [smem:$0x3FBB]  }
0x39: {  	_ = 	snop;
	(pc) =	sbr.ind lr, $3  }
0x3a: {  	_ = 	snop  }
0x3b: {  	_ = 	snop  }
0x3c: {  	p2 =	seq.s32 s10, $0x1;
	s10 =	sld [smem:$0x3FBA]  }
0x3d: {  	_ =	shalt  }
0x3e: {  	_ =	shalt  }
0x3f: {  	_ =	shalt  }
0x40: {  	_ =	shalt  }
0x41: {  	_ =	shalt  }
0x42: {  	_ =	shalt  }
0x43: {  	_ =	shalt  }
0x44: {  	_ =	shalt  }
0x45: {  	_ =	shalt  }
0x46: {  	_ =	shalt  }
0x47: {  	_ =	shalt  }
0x48: {  	_ =	shalt  }
0x49: {  	_ =	shalt  }
0x4a: {  	_ =	shalt  }
0x4b: {  	_ =	shalt  }
0x4c: {  	_ =	shalt  }
0x4d: {  	_ =	shalt  }
0x4e: {  	_ =	shalt  }
0x4f: {  	_ =	shalt  }
0x50: {  	_ =	shalt  }
0x51: {  	_ =	shalt  }
0x52: {  	_ =	shalt  }
0x53: {  	_ =	shalt  }
0x54: {  	_ =	shalt  }
0x55: {  	_ =	shalt  }
0x56: {  	_ =	shalt  }
0x57: {  	_ =	shalt  }
0x58: {  	_ =	shalt  }
0x59: {  	_ =	shalt  }
0x5a: {  	_ =	shalt  }
0x5b: {  	_ =	shalt  }
0x5c: {  	_ =	shalt  }
0x5d: {  	_ =	shalt  }
0x5e: {  	_ =	shalt  }
0x5f: {  	_ =	shalt  }
0x60: {  	_ =	shalt  }
0x61: {  	_ =	shalt  }
0x62: {  	_ =	shalt  }
0x63: {  	_ =	shalt  }
0x64: {  	_ =	shalt  }
0x65: {  	_ =	shalt  }
0x66: {  	_ =	shalt  }
0x67: {  	_ =	shalt  }
0x68: {  	_ =	shalt  }
0x69: {  	_ =	shalt  }
0x6a: {  	_ =	shalt  }
0x6b: {  	_ =	shalt  }
0x6c: {  	_ =	shalt  }
0x6d: {  	_ =	shalt  }
0x6e: {  	_ =	shalt  }
0x6f: {  	_ =	shalt  }
0x70: {  	_ =	shalt  }
0x71: {  	_ =	shalt  }
0x72: {  	_ =	shalt  }
0x73: {  	_ =	shalt  }
0x74: {  	_ =	shalt  }
0x75: {  	_ =	shalt  }
0x76: {  	_ =	shalt  }
0x77: {  	_ =	shalt  }
0x78: {  	_ =	shalt  }
0x79: {  	_ =	shalt  }
0x7a: {  	_ =	shalt  }
0x7b: {  	_ =	shalt  }
0x7c: {  	_ =	shalt  }
0x7d: {  	_ =	shalt  }
0x7e: {  	_ =	shalt  }
0x7f: {  	_ =	shalt  }
0x80: {  	_ =	shalt  }
0x81: {  	_ =	shalt  }
0x82: {  	_ =	shalt  }
0x83: {  	_ =	shalt  }
0x84: {  	_ =	shalt  }
0x85: {  	_ =	shalt  }
0x86: {  	_ =	shalt  }
0x87: {  	_ =	shalt  }
.Lfunc_end0:
.L_simem_size_0:
called_computation_lowered:
.L_overlay_start_0:
0x88: {  	s2 =	sld [smem:$0x3FD9]  }
0x89: {  	s3 =	sld [smem:$0x3FFE];
	_ =	sdelay $0x1  }
0x8a: {  	s1 =	srdreg.scid  }
0x8b: {  	s0 =	sand.u32 $0x1, s1  }
0x8c: {  	s17 =	sshll.u32 s0, $0xA;
	s2 =	sadd.s32 s3, s2  }
0x8d: {  	s2 =	sadd.s32 s2, s17  }
0x8e: {  	[smem:$0x3FC6] =	sst s2  }
0x8f: {  	_ = 	snop  }
0x90: {  	s2 =	sld [smem:$0x3FD0];
	(tm) =	ssettm $0x1  }
0x91: {  	s18 =	sld [smem:$0x3FFB];
	_ =	sdelay $0x3  }
0x92: {  	_ =	strace s18  }
0x93: {  	s3 =	sld [smem:$0x3FFC];
	_ =	sdelay $0x3  }
0x94: {  	_ =	strace s3  }
0x95: {  	s3 =	sld [smem:$0x3FFD];
	_ =	sdelay $0x3  }
0x96: {  	_ =	strace s3  }
0x97: {  	_ =	strace $0x8FFFFFFF  }
0x98: {  	s19 =	sld [smem:$0x3FDB];
	_ =	sdelay $0x1  }
0x99: {  	s4 =	simm.s32 $_scs_section_size  }
0x9a: {  	s5 =	simm.s32 $_size__tile_overlayer_lowered;
	s6 =	simm.s32 $_tile_overlayer_lowered  }
0x9b: {  	s22 =	simm.s32 $0x1BFF;
	s21 =	sshll.u32 s6, $0x1;
	s3 =	sadd.s32 s4, s19  }
0x9c: {  	s7 =	simm.s32 $0x0;
	s20 =	sshll.u32 s5, $0x1;
	s5 =	sadd.s32 s21, s3  }
0x9d: {  	[timem:s7], [sflag:s22] =	dma.local [hbm:s5], s20  }
0x9e: {  	_ =	swait.ge [sflag:s22], s20  }
0x9f: {  	s4 =	ssub.s32 $0x0, s20;
	[sflag:s22] =	ssyncset.done $0x0  }
0xa0: {  	[sflag:s22] =	ssyncadd.s32 s4;
	_ =	sdelay $0x1  }
0xa1: {  	s23 =	simm.s32 $0x1B8B  }
0xa2: {  	_ =	swait.ge [sflag:s23], $0x1  }
0xa3: {  	[sflag:s23] =	ssyncset.done $0x0  }
0xa4: {  	s25 =	simm.s32 $0x1B8E;
	s24 =	sld [smem:$0x3FFE];
	[sflag:s23] =	ssyncadd.s32 $0xFFFFFFFF  }
0xa5: {  	s26 =	simm.s32 $execute0_lowered;
	[smem:$0x3FD2] =	sst s25  }
0xa6: {  	s5 =	sshll.u32 s26, $0x1;
	_ =	strace $0x80000046;
	[dreg:$0x1] =	wrdreg $0xFFFFFFFF  }
0xa7: {  	s28 =	simm.s32 $_size_execute0_lowered;
	s3 =	sadd.s32 s3, s5;
	[dreg:$0x0] =	wrdreg $0x0  }
0xa8: {  	s5 =	sshll.u32 s28, $0x1;
	[dreg:$0x2] =	wrdreg s3  }
0xa9: {  	[dreg:$0x3] =	wrdreg s5  }
0xaa: {  	[dreg:$0x4] =	wrdreg $0xC0  }
0xab: {  	_ =	task [dreg:s7], $0x5FFFF  }
0xac: {  	[dreg:$0x1] =	wrdreg $0xFFFFFFFF  }
0xad: {  	[dreg:$0x0] =	wrdreg $0x60  }
0xae: {  	[dreg:$0x2] =	wrdreg s24  }
0xaf: {  	[dreg:$0x3] =	wrdreg s2  }
0xb0: {  	[dreg:$0x4] =	wrdreg $0x9  }
0xb1: {  	_ =	task.clear_ibuf [dreg:s7], $0x5FFFF;
	_ =	strace $0x90000046  }
0xb2: {  	s29 =	simm.s32 $0x9;
	_ =	strace $0x80000048  }
0xb3: {  	_ =	swait.ge [sflag:s29], $0x1  }
0xb4: {  	[sflag:s29] =	ssyncadd.s32 $0xFFFFFFFF  }
0xb5: {  	_ =	strace $0x90000048  }
0xb6: {  	_ =	sfence  }
0xb7: {  	s30 =	sld [smem:$0x0];
	_ =	sdelay $0x2  }
0xb8: {  	s31 =	sshll.u32 s1, $0xD;
	s1 =	sshrl.u32 s1, $0x2  }
0xb9: {  	s3 =	sand.u32 $0x4000, s31;
	s1 =	sadd.s32 s1, s30  }
0xba: {  	s0 =	sor.u32 s3, s0;
	s1 =	sshll.u32 s1, $0x11  }
0xbb: {  	s0 =	sor.u32 s1, s0  }
0xbc: {  	s0 =	sadd.s32 $0x8F2B, s0  }
0xbd: {  	[sflag:s0] =	ssyncadd.remote.s32 $0x1  }
0xbe: {  	_ =	sfence.sel $0xFFFF  }
0xbf: {  	[dreg:$0x0] =	wrdreg $0xFFFFFFFF;
	(pc) =	sbr.abs _section_cstart, $3  }
0xc0: {  	[dreg:$0x1] =	wrdreg $0xFFFFFFFF  }
0xc1: {  	_ =	task.clear_ibuf [dreg:s7], $0x2FFFF;
	_ =	strace $0x9FFFFFFF  }
0xc2: {  	(tm) =	ssettm $0x7FFFFFFF  }
0xc3: {  	_ =	shalt  }
tec
execute0_lowered:
.L_overlay_start_1:
0x0: {  	(tag) =	ssettag $0x1  }
0x1: {  	s0 =	rddreg [dreg:$0x0]  }
0x2: {  	s1 =	srdreg.scid;
	s3 =	stileid.u32  }
0x3: {  	s2 =	rddreg [dreg:$0x1];
	s18 =	simm.s32 $0x80;
	s29 =	simm.s32 $0x12400  }
0x4: {  	s30 =	simm.s32 $0x2;
	s31 =	simm.s32 $0x18600;
	s28 =	simm.s32 $0x6  }
0x5: {  	s17 =	simm.s32 $0x7;
	s1 =	sand.u32 $0x1, s1;
	s4 =	sshll.u32 s3, $0x1  }
0x6: {  	s3 =	simm.s32 $0x0;
	s10 =	sadd.s32 $0x10000, s2;
	s5 =	sor.u32 s1, s4  }
0x7: {  	[smem:$0x7FF] =	sst s3;
	s1 =	ssub.s32 $0x2, s1;
	s4 =	sshll.u32 s5, $0x4  }
0x8: {  	_ =	strace $0x80000047;
	s7 =	sshrl.u32 s1, $0x1;
	s21 =	sshll.u32 s5, $0x7  }
0x9: {  	s6 =	sadd.s32 s4, s0;
	s19 =	ssub.s32 s1, s7;
	s1 =	sadd.s32 s21, s10  }
0xa: {  	s7 =	sadd.s32 $0x8000, s2;
	s20 =	sadd.s32 $0x400, s6;
	[dreg:$0x6] =	wrdreg s1  }
0xb: {  	s9 =	simm.s32 $0x0;
	s8 =	sadd.s32 s21, s7;
	[dreg:$0x3] =	wrdreg s20  }
0xc: {  	s6 =	sshll.u32 s5, $0xA;
	s5 =	sadd.s32 s2, s21;
	[dreg:$0x5] =	wrdreg s8  }
0xd: {  	s4 =	sadd.s32 $0x19400, s0;
	s0 =	smax.u32 s19, $0x1;
	[dreg:$0x4] =	wrdreg s5  }
0xe: {  	s1 =	simm.s32 $0x5;
	s22 =	sadd.s32 $0x18000, s5;
	[dreg:$0xc] =	wrdreg s0  }
0xf: {  	s19 =	simm.s32 $0x3;
	s23 =	sadd.s32 $0x620000, s5;
	[dreg:$0x7] =	wrdreg s22  }
0x10: {  	s24 =	sadd.s32 $0x628000, s5;
	s25 =	sadd.s32 $0x630000, s5;
	[dreg:$0x8] =	wrdreg s23  }
0x11: {  	v0 =	vlaneseq.u32;
	s26 =	sadd.s32 $0x638000, s5;
	s0 =	simm.s32 $0x4;
	[dreg:$0x9] =	wrdreg s24  }
0x12: {  	v0 =	vmul.u32 $0x88, v0;
	s5 =	simm.s32 $0x1CA00;
	s20 =	simm.s32 $0x8;
	[dreg:$0xa] =	wrdreg s25  }
0x13: {  	[dreg:$0xb] =	wrdreg s26;
	s22 =	simm.s32 $0xA400;
	s24 =	simm.s32 $0xE400  }
0x14: {  	v1 =	vadd.s32 $0x880, v0;
	v2 =	vadd.s32 $0x1100, v0;
	v3 =	vadd.s32 $0x1980, v0;
	s25 =	simm.s32 $0x1;
	s26 =	simm.s32 $0x16400;
	s23 =	simm.s32 $0x1A800  }
.LBB2_1:
0x15: {  	[dreg:$0xd] =	wrdreg s9  }
0x16: {  	s8 =	rddreg [dreg:$0x3];
	s21 =	simm.s32 $0x1000;
	s9 =	simm.s32 $0x9  }
0x17: {  	[tilespmem:s3], [sflag:$0x9] =	stream.strided.gather [hbm4b:s8+s18], $0x6400, s21, s18, $0x38;
	[tilespmem:$0x1EC00] =	vst v63  }
0x18: {  	_ =	swait.ge [sflag:s9], $0x6400  }
0x19: {  	[sflag:s9] =	ssyncset.done $0x0  }
0x1a: {  	s11 =	simm.s32 $0x6400;
	[sflag:s9] =	ssyncadd.s32 $0xFFFF9C00  }
0x1b: {  	[tilespmem:s11], [sflag:$0x1] =	stream.indirect.gather [hbm4b:s4+s18], $0x80, s3, s18, $0xb8;
	[tilespmem:$0x1EC00] =	vst v63  }
0x1c: {  	_ = 	snop  }
0x1d: {  	[tilespmem:s22], [sflag:$0x2] =	stream.indirect.gather [hbm4b:s4+s18], $0x80, s18, s18, $0xb8;
	[tilespmem:$0x1EC00] =	vst v63  }
0x1e: {  	s12 =	simm.s32 $0x100  }
0x1f: {  	[tilespmem:s24], [sflag:$0x3] =	stream.indirect.gather [hbm4b:s4+s18], $0x80, s12, s18, $0xb8;
	[tilespmem:$0x1EC00] =	vst v63  }
0x20: {  	_ =	swait.ge [sflag:s25], $0x4000  }
0x21: {  	[sflag:s25] =	ssyncset.done $0x0  }
0x22: {  	s13 =	simm.s32 $0x3;
	s8 =	simm.s32 $0x6500;
	[sflag:s25] =	ssyncadd.s32 $0xFFFFC000  }
0x23: {  	v4 =	vmov s13;
	v5 =	vld [tilespmem:s8+$0x80]  }
0x24: {  	v9 =	vand.u32 $0x7F, v4  }
0x25: {  	v6 =	vmov s3;
	v4 =	vadd.s32 v0, v9  }
0x26: {  	s14 =	simm.s32 $0x1;
	v8 =	vand.u32 $0x7C, v6;
	v7 =	vld [tilespmem:s8+$0xFFFFFF00]  }
0x27: {  	v6 =	vmov s14;
	v12 =	vadd.s32 v0, v8;
	s11 =	simm.s32 $0x2;
	v10 =	vld [tilespmem:s8+$0xFFFFFF80]  }
0x28: {  	v15 =	vand.u32 $0x7D, v6;
	v11 =	vmov s11;
	v6 =	vld [tilespmem:s8+$0x0];
	v5 =	vmul.f32 $8.000000000e+00, v5  }
0x29: {  	v13 =	vadd.s32 v0, v15;
	v17 =	vand.u32 $0x7E, v11  }
0x2a: {  	v11 =	vadd.s32 v0, v17;
	[tilespmem:v4+s26+$0x0] =	vst.idx.msk $0xffff, v5  }
0x2b: {  	v4 =	vmul.f32 $8.000000000e+00, v7;
	v5 =	vld [tilespmem:s8+$0x90]  }
0x2c: {  	v7 =	vmul.f32 $8.000000000e+00, v10  }
0x2d: {  	[tilespmem:v12+s26+$0x0] =	vst.idx.msk $0xffff, v4;
	v4 =	vmul.f32 $8.000000000e+00, v6;
	v6 =	vadd.s32 v1, v9  }
0x2e: {  	[tilespmem:v13+s26+$0x0] =	vst.idx.msk $0xffff, v7;
	v10 =	vld [tilespmem:s8+$0xFFFFFF10]  }
0x2f: {  	v7 =	vld [tilespmem:s8+$0xFFFFFF90];
	[tilespmem:v11+s26+$0x0] =	vst.idx.msk $0xffff, v4  }
0x30: {  	v11 =	vld [tilespmem:s8+$0x10];
	v4 =	vmul.f32 $8.000000000e+00, v5  }
0x31: {  	s15 =	simm.s32 $0x4;
	s9 =	simm.s32 $0x6700;
	s12 =	simm.s32 $0x7;
	v12 =	vadd.s32 v1, v15  }
0x32: {  	v14 =	vld [tilespmem:s9+$0x80];
	v13 =	vadd.s32 v1, v17;
	v5 =	vmov s15;
	[tilespmem:v6+s26+$0x0] =	vst.idx.msk $0xffff, v4;
	v6 =	vmov s12  }
0x33: {  	v16 =	vadd.s32 v1, v8;
	v4 =	vand.u32 $0x7C, v5;
	v5 =	vand.u32 $0x7F, v6;
	v18 =	vld [tilespmem:s8+$0xA0]  }
0x34: {  	s16 =	simm.s32 $0x5;
	v22 =	vadd.s32 v2, v9;
	v19 =	vld [tilespmem:s9+$0xFFFFFF00];
	v6 =	vmul.f32 $8.000000000e+00, v7;
	v20 =	vadd.s32 v0, v5  }
0x35: {  	s21 =	simm.s32 $0x6;
	v21 =	vld [tilespmem:s9+$0xFFFFFF80];
	v10 =	vmul.f32 $8.000000000e+00, v10;
	v7 =	vmul.f32 $8.000000000e+00, v11;
	v11 =	vmov s16  }
0x36: {  	v23 =	vadd.s32 v0, v4;
	[tilespmem:v12+s26+$0x0] =	vst.idx.msk $0xffff, v6;
	v12 =	vmov s21;
	v6 =	vand.u32 $0x7D, v11;
	v11 =	vld [tilespmem:s9+$0x0]  }
0x37: {  	[tilespmem:v13+s26+$0x0] =	vst.idx.msk $0xffff, v7;
	v13 =	vadd.s32 v0, v6;
	v7 =	vand.u32 $0x7E, v12;
	v12 =	vmul.f32 $8.000000000e+00, v14;
	v14 =	vld [tilespmem:s8+$0xFFFFFFA0]  }
0x38: {  	[tilespmem:v16+s26+$0x0] =	vst.idx.msk $0xffff, v10;
	v10 =	vadd.s32 v0, v7;
	v16 =	vld [tilespmem:s8+$0x20];
	v18 =	vmul.f32 $8.000000000e+00, v18  }
0x39: {  	v19 =	vmul.f32 $8.000000000e+00, v19;
	[tilespmem:v20+s26+$0x0] =	vst.idx.msk $0xffff, v12;
	v12 =	vld [tilespmem:s8+$0xFFFFFF20];
	v20 =	vadd.s32 v2, v15  }
0x3a: {  	v25 =	vadd.s32 v2, v17;
	v21 =	vmul.f32 $8.000000000e+00, v21;
	v24 =	vld [tilespmem:s9+$0x90];
	[tilespmem:v22+s26+$0x0] =	vst.idx.msk $0xffff, v18  }
0x3b: {  	[tilespmem:v23+s26+$0x0] =	vst.idx.msk $0xffff, v19;
	v19 =	vadd.s32 v2, v8;
	v11 =	vmul.f32 $8.000000000e+00, v11;
	v22 =	vld [tilespmem:s8+$0xB0]  }
0x3c: {  	v23 =	vld [tilespmem:s9+$0xFFFFFF10];
	[tilespmem:v13+s26+$0x0] =	vst.idx.msk $0xffff, v21;
	v21 =	vadd.s32 v1, v5;
	v14 =	vmul.f32 $8.000000000e+00, v14  }
0x3d: {  	v27 =	vadd.s32 v3, v9;
	v26 =	vld [tilespmem:s9+$0xFFFFFF90];
	[tilespmem:v10+s26+$0x0] =	vst.idx.msk $0xffff, v11;
	v10 =	vmul.f32 $8.000000000e+00, v16  }
0x3e: {  	v18 =	vadd.s32 v1, v4;
	v13 =	vld [tilespmem:s9+$0x10];
	v9 =	vmul.f32 $8.000000000e+00, v12;
	[tilespmem:v20+s26+$0x0] =	vst.idx.msk $0xffff, v14  }
0x3f: {  	s12 =	simm.s32 $0x8;
	v16 =	vadd.s32 v1, v6;
	[tilespmem:v25+s26+$0x0] =	vst.idx.msk $0xffff, v10;
	v14 =	vmul.f32 $8.000000000e+00, v24;
	v12 =	vld [tilespmem:s8+$0xFFFFFFB0]  }
0x40: {  	v20 =	vmov s12;
	v10 =	vadd.s32 v1, v7;
	v11 =	vld [tilespmem:s8+$0x30];
	[tilespmem:v19+s26+$0x0] =	vst.idx.msk $0xffff, v9;
	v63 =	vmul.f32 $8.000000000e+00, v22  }
0x41: {  	s13 =	simm.s32 $0xB;
	s11 =	simm.s32 $0x6900;
	v15 =	vadd.s32 v3, v15;
	v9 =	vand.u32 $0x7C, v20;
	v20 =	vmul.f32 $8.000000000e+00, v23;
	[tilespmem:v21+s26+$0x0] =	vst.idx.msk $0xffff, v14;
	v14 =	vld [tilespmem:s8+$0xFFFFFF30]  }
0x42: {  	v17 =	vadd.s32 v3, v17;
	v22 =	vmov s13;
	v19 =	vld [tilespmem:s11+$0x80];
	s8 =	simm.s32 $0xC;
	v21 =	vmul.f32 $8.000000000e+00, v26;
	[tilespmem:v27+s26+$0x0] =	vst.idx.msk $0xffff, v63  }
.LBB2_2:
0x43: {  	p0 =	slt.u32 s8, $0x7C;
	s13 =	sadd.s32 $0x1, s12;
	v22 =	vand.u32 $0x7F, v22;
	[tilespmem:v18+s26+$0x0] =	vst.idx.msk $0xffff, v20;
	v13 =	vmul.f32 $8.000000000e+00, v13;
	v18 =	vld [tilespmem:s9+$0xA0];
	v20 =	vadd.s32 v3, v8;
	v8 =	vmovc v4  }
0x44: {  	v4 =	vmovc v9;
	v23 =	vld [tilespmem:s11+$0xFFFFFF00];
	v24 =	vmov s13;
	s13 =	sadd.s32 $0x2, s12;
	v25 =	vadd.s32 v0, v22;
	[tilespmem:v16+s26+$0x0] =	vst.idx.msk $0xffff, v21;
	v12 =	vmul.f32 $8.000000000e+00, v12;
	s12 =	smov.u32 s8  }
0x45: {  	v9 =	vld [tilespmem:s11+$0xFFFFFF80];
	v16 =	vmov s13;
	[tilespmem:v10+s26+$0x0] =	vst.idx.msk $0xffff, v13;
	v10 =	vadd.s32 v2, v5;
	v11 =	vmul.f32 $8.000000000e+00, v11  }
0x46: {  	v13 =	vadd.s32 v0, v4;
	v21 =	vand.u32 $0x7D, v24;
	v24 =	vld [tilespmem:s11+$0x0];
	v14 =	vmul.f32 $8.000000000e+00, v14;
	[tilespmem:v15+s26+$0x0] =	vst.idx.msk $0xffff, v12  }
0x47: {  	v12 =	vadd.s32 v0, v21;
	v26 =	vand.u32 $0x7E, v16;
	v15 =	vmul.f32 $8.000000000e+00, v19;
	v16 =	vld [tilespmem:s9+$0xFFFFFFA0];
	[tilespmem:v17+s26+$0x0] =	vst.idx.msk $0xffff, v11  }
0x48: {  	v11 =	vadd.s32 v0, v26;
	v17 =	vld [tilespmem:s9+$0x20];
	v18 =	vmul.f32 $8.000000000e+00, v18;
	[tilespmem:v20+s26+$0x0] =	vst.idx.msk $0xffff, v14  }
0x49: {  	v19 =	vadd.s32 v2, v6;
	v14 =	vmul.f32 $8.000000000e+00, v23;
	[tilespmem:v25+s26+$0x0] =	vst.idx.msk $0xffff, v15;
	v15 =	vld [tilespmem:s9+$0xFFFFFF20]  }
0x4a: {  	v23 =	vadd.s32 v2, v7;
	v9 =	vmul.f32 $8.000000000e+00, v9;
	v20 =	vld [tilespmem:s11+$0x90];
	[tilespmem:v10+s26+$0x0] =	vst.idx.msk $0xffff, v18  }
0x4b: {  	[tilespmem:v13+s26+$0x0] =	vst.idx.msk $0xffff, v14;
	v10 =	vmul.f32 $8.000000000e+00, v24;
	v14 =	vadd.s32 v2, v8;
	v24 =	vld [tilespmem:s9+$0xB0]  }
0x4c: {  	v27 =	vadd.s32 v1, v22;
	v25 =	vld [tilespmem:s11+$0xFFFFFF10];
	[tilespmem:v12+s26+$0x0] =	vst.idx.msk $0xffff, v9;
	v9 =	vmul.f32 $8.000000000e+00, v16  }
0x4d: {  	v29 =	vadd.s32 v3, v5;
	v5 =	vmov v22;
	v28 =	vld [tilespmem:s11+$0xFFFFFF90];
	[tilespmem:v11+s26+$0x0] =	vst.idx.msk $0xffff, v10;
	v10 =	vmul.f32 $8.000000000e+00, v17  }
.Ltmp0:
0x4e: {  	v18 =	vadd.s32 v1, v4;
	v13 =	vld [tilespmem:s11+$0x10];
	v11 =	vmul.f32 $8.000000000e+00, v15;
	[tilespmem:v19+s26+$0x0] =	vst.idx.msk $0xffff, v9;
	(pc) =	sbr.rel @p0 .LBB2_2-.Ltmp0, $4  }
0x4f: {  	v16 =	vadd.s32 v1, v21;
	v15 =	vmul.f32 $8.000000000e+00, v20;
	v12 =	vld [tilespmem:s9+$0xFFFFFFB0];
	[tilespmem:v23+s26+$0x0] =	vst.idx.msk $0xffff, v10  }
0x50: {  	v9 =	vmov s8;
	v10 =	vadd.s32 v1, v26;
	[tilespmem:v14+s26+$0x0] =	vst.idx.msk $0xffff, v11;
	v11 =	vld [tilespmem:s9+$0x30];
	v23 =	vmul.f32 $8.000000000e+00, v24  }
0x51: {  	s13 =	sadd.s32 $0x3, s8;
	v9 =	vand.u32 $0x7C, v9;
	v20 =	vmul.f32 $8.000000000e+00, v25;
	[tilespmem:v27+s26+$0x0] =	vst.idx.msk $0xffff, v15;
	v14 =	vld [tilespmem:s9+$0xFFFFFF30];
	v15 =	vadd.s32 v3, v6;
	v6 =	vmovc v21;
	s9 =	smov.u32 s11;
	s11 =	sadd.s32 $0x200, s11  }
0x52: {  	v22 =	vmov s13;
	v17 =	vadd.s32 v3, v7;
	v7 =	vmovc v26;
	s8 =	sadd.s32 $0x4, s8;
	v19 =	vld [tilespmem:s11+$0x80];
	v21 =	vmul.f32 $8.000000000e+00, v28;
	[tilespmem:v29+s26+$0x0] =	vst.idx.msk $0xffff, v23  }
0x53: {  	s8 =	sadd.s32 $0x1, s12;
	v22 =	vand.u32 $0x7F, v22;
	v28 =	vld [tilespmem:s11+$0xFFFFFF00]  }
0x54: {  	s21 =	sadd.s32 $0x2, s12;
	v24 =	vld [tilespmem:s11+$0xFFFFFF80];
	v23 =	vmov s8;
	v25 =	vadd.s32 v0, v22  }
0x55: {  	v27 =	vld [tilespmem:s11+$0x0];
	v51 =	vadd.s32 v0, v9;
	v26 =	vmov s21;
	v23 =	vand.u32 $0x7D, v23  }
0x56: {  	v26 =	vand.u32 $0x7E, v26;
	v29 =	vadd.s32 v0, v23  }
0x57: {  	[tilespmem:v18+s26+$0x0] =	vst.idx.msk $0xffff, v20;
	v30 =	vadd.s32 v0, v26;
	v19 =	vmul.f32 $8.000000000e+00, v19  }
0x58: {  	[tilespmem:v16+s26+$0x0] =	vst.idx.msk $0xffff, v21;
	v54 =	vmul.f32 $8.000000000e+00, v28  }
0x59: {  	v52 =	vmul.f32 $8.000000000e+00, v24;
	[tilespmem:v25+s26+$0x0] =	vst.idx.msk $0xffff, v19  }
0x5a: {  	v53 =	vmul.f32 $8.000000000e+00, v27;
	v55 =	vld [tilespmem:s11+$0x90];
	[tilespmem:v51+s26+$0x0] =	vst.idx.msk $0xffff, v54  }
0x5b: {  	v13 =	vmul.f32 $8.000000000e+00, v13;
	v8 =	vadd.s32 v3, v8;
	[tilespmem:v29+s26+$0x0] =	vst.idx.msk $0xffff, v52;
	v59 =	vld [tilespmem:s11+$0xFFFFFF10]  }
0x5c: {  	v12 =	vmul.f32 $8.000000000e+00, v12;
	v57 =	vadd.s32 v1, v22;
	[tilespmem:v30+s26+$0x0] =	vst.idx.msk $0xffff, v53;
	v56 =	vld [tilespmem:s11+$0xFFFFFF90]  }
0x5d: {  	[tilespmem:v10+s26+$0x0] =	vst.idx.msk $0xffff, v13;
	v58 =	vmul.f32 $8.000000000e+00, v11;
	v28 =	vadd.s32 v1, v9;
	v19 =	vld [tilespmem:s11+$0x10]  }
0x5e: {  	v61 =	vld [tilespmem:s9+$0xA0];
	v60 =	vadd.s32 v1, v23;
	v14 =	vmul.f32 $8.000000000e+00, v14;
	[tilespmem:v15+s26+$0x0] =	vst.idx.msk $0xffff, v12  }
0x5f: {  	v32 =	vld [tilespmem:s9+$0xFFFFFF20];
	v62 =	vadd.s32 v1, v26;
	[tilespmem:v17+s26+$0x0] =	vst.idx.msk $0xffff, v58;
	v16 =	vmul.f32 $8.000000000e+00, v55  }
0x60: {  	[tilespmem:v8+s26+$0x0] =	vst.idx.msk $0xffff, v14;
	v29 =	vadd.s32 v2, v5;
	v30 =	vld [tilespmem:s9+$0x20];
	v11 =	vmul.f32 $8.000000000e+00, v59  }
0x61: {  	v38 =	vadd.s32 v2, v4;
	v63 =	vld [tilespmem:s9+$0xFFFFFFA0];
	v31 =	vmul.f32 $8.000000000e+00, v56;
	[tilespmem:v57+s26+$0x0] =	vst.idx.msk $0xffff, v16  }
0x62: {  	v35 =	vadd.s32 v2, v7;
	v34 =	vmul.f32 $8.000000000e+00, v19;
	v36 =	vld [tilespmem:s11+$0xA0];
	[tilespmem:v28+s26+$0x0] =	vst.idx.msk $0xffff, v11  }
0x63: {  	v33 =	vadd.s32 v2, v6;
	v37 =	vmul.f32 $8.000000000e+00, v61;
	[tilespmem:v60+s26+$0x0] =	vst.idx.msk $0xffff, v31;
	v43 =	vld [tilespmem:s11+$0xFFFFFF20]  }
0x64: {  	v40 =	vadd.s32 v2, v22;
	v14 =	vmul.f32 $8.000000000e+00, v32;
	[tilespmem:v62+s26+$0x0] =	vst.idx.msk $0xffff, v34;
	v39 =	vld [tilespmem:s11+$0xFFFFFFA0]  }
0x65: {  	v48 =	vadd.s32 v2, v9;
	[tilespmem:v29+s26+$0x0] =	vst.idx.msk $0xffff, v37;
	v42 =	vmul.f32 $8.000000000e+00, v30;
	v41 =	vld [tilespmem:s11+$0x20]  }
0x66: {  	v44 =	vadd.s32 v2, v23;
	v15 =	vmul.f32 $8.000000000e+00, v63;
	[tilespmem:v38+s26+$0x0] =	vst.idx.msk $0xffff, v14;
	v45 =	vld [tilespmem:s9+$0xB0]  }
0x67: {  	v46 =	vadd.s32 v2, v26;
	v14 =	vld [tilespmem:s9+$0xFFFFFF30];
	[tilespmem:v35+s26+$0x0] =	vst.idx.msk $0xffff, v42;
	v47 =	vmul.f32 $8.000000000e+00, v36  }
0x68: {  	v5 =	vadd.s32 v3, v5;
	[tilespmem:v33+s26+$0x0] =	vst.idx.msk $0xffff, v15;
	v49 =	vld [tilespmem:s9+$0x30];
	v53 =	vmul.f32 $8.000000000e+00, v43  }
0x69: {  	v4 =	vadd.s32 v3, v4;
	v21 =	vld [tilespmem:s9+$0xFFFFFFB0];
	v12 =	vmul.f32 $8.000000000e+00, v39;
	[tilespmem:v40+s26+$0x0] =	vst.idx.msk $0xffff, v47  }
0x6a: {  	v52 =	vadd.s32 v3, v7;
	v51 =	vmul.f32 $8.000000000e+00, v41;
	v10 =	vld [tilespmem:s11+$0xB0];
	[tilespmem:v48+s26+$0x0] =	vst.idx.msk $0xffff, v53  }
0x6b: {  	v50 =	vadd.s32 v3, v6;
	v54 =	vmul.f32 $8.000000000e+00, v45;
	[tilespmem:v44+s26+$0x0] =	vst.idx.msk $0xffff, v12;
	v59 =	vld [tilespmem:s11+$0xFFFFFF30]  }
0x6c: {  	v57 =	vadd.s32 v3, v22;
	v14 =	vmul.f32 $8.000000000e+00, v14;
	[tilespmem:v46+s26+$0x0] =	vst.idx.msk $0xffff, v51;
	v55 =	vld [tilespmem:s11+$0xFFFFFFB0]  }
0x6d: {  	v62 =	vadd.s32 v3, v9;
	[tilespmem:v5+s26+$0x0] =	vst.idx.msk $0xffff, v54;
	v5 =	vmul.f32 $8.000000000e+00, v49;
	v58 =	vld [tilespmem:s11+$0x30]  }
0x6e: {  	v56 =	vmul.f32 $8.000000000e+00, v21;
	v60 =	vadd.s32 v3, v23;
	[tilespmem:v4+s26+$0x0] =	vst.idx.msk $0xffff, v14  }
0x6f: {  	v61 =	vadd.s32 v3, v26;
	[tilespmem:v52+s26+$0x0] =	vst.idx.msk $0xffff, v5;
	v5 =	vmul.f32 $8.000000000e+00, v10  }
0x70: {  	[tilespmem:v50+s26+$0x0] =	vst.idx.msk $0xffff, v56;
	v63 =	vmul.f32 $8.000000000e+00, v59  }
0x71: {  	v4 =	vmul.f32 $8.000000000e+00, v55;
	[tilespmem:v57+s26+$0x0] =	vst.idx.msk $0xffff, v5  }
0x72: {  	v5 =	vmul.f32 $8.000000000e+00, v58;
	[tilespmem:v62+s26+$0x0] =	vst.idx.msk $0xffff, v63  }
0x73: {  	[tilespmem:v60+s26+$0x0] =	vst.idx.msk $0xffff, v4  }
0x74: {  	[tilespmem:v61+s26+$0x0] =	vst.idx.msk $0xffff, v5  }
0x75: {  	s9 =	simm.s32 $0x16400;
	s14 =	rddreg [dreg:$0x4]  }
0x76: {  	[hbm4b:s14+s3] =	stream.linear.scatter [tilespmem:s9], [sflag:$0x5], $0x80, $0x38;
	[tilespmem:$0x1EC00] =	vst v63  }
0x77: {  	s11 =	simm.s32 $0x16488;
	s12 =	sadd.s32 $0x10, s14  }
0x78: {  	[hbm4b:s12+s3] =	stream.linear.scatter [tilespmem:s11], [sflag:$0x5], $0x80, $0x38;
	[tilespmem:$0x1EC00] =	vst v63  }
0x79: {  	s13 =	simm.s32 $0x16510;
	s16 =	simm.s32 $0x16598;
	s15 =	sadd.s32 $0x20, s14  }
0x7a: {  	[hbm4b:s15+s3] =	stream.linear.scatter [tilespmem:s13], [sflag:$0x5], $0x80, $0x38;
	[tilespmem:$0x1EC00] =	vst v63  }
0x7b: {  	s8 =	simm.s32 $0x440;
	s21 =	sadd.s32 $0x30, s14;
	s9 =	sadd.s32 $0x1000, s14  }
0x7c: {  	[hbm4b:s21+s3] =	stream.linear.scatter [tilespmem:s16], [sflag:$0x5], $0x80, $0x38;
	[tilespmem:$0x1EC00] =	vst v63  }
0x7d: {  	s11 =	simm.s32 $0x16620;
	s12 =	sadd.s32 $0x40, s14;
	s13 =	simm.s32 $0x166A8  }
0x7e: {  	[hbm4b:s12+s3] =	stream.linear.scatter [tilespmem:s11], [sflag:$0x5], $0x80, $0x38;
	[tilespmem:$0x1EC00] =	vst v63  }
0x7f: {  	s15 =	sadd.s32 $0x50, s14;
	s16 =	simm.s32 $0x16730;
	s21 =	sadd.s32 $0x60, s14  }
0x80: {  	[hbm4b:s15+s3] =	stream.linear.scatter [tilespmem:s13], [sflag:$0x5], $0x80, $0x38;
	[tilespmem:$0x1EC00] =	vst v63  }
0x81: {  	s11 =	simm.s32 $0x2200;
	s12 =	simm.s32 $0x167B8;
	s13 =	sadd.s32 $0x70, s14  }
0x82: {  	[hbm4b:s21+s3] =	stream.linear.scatter [tilespmem:s16], [sflag:$0x5], $0x80, $0x38;
	[tilespmem:$0x1EC00] =	vst v63  }
.LBB2_4:
0x83: {  	[hbm4b:s13+s3] =	stream.linear.scatter [tilespmem:s12], [sflag:$0x5], $0x80, $0x38;
	[tilespmem:$0x1EC00] =	vst v63  }
0x84: {  	s12 =	smov.u32 s8;
	s8 =	smov.u32 s11  }
0x85: {  	s14 =	sadd.s32 $0x1100, s11;
	s8 =	sshra.s32 s8, $0x2;
	s13 =	sadd.s32 $0x16400, s12  }
0x86: {  	[hbm4b:s9+s3] =	stream.linear.scatter [tilespmem:s13], [sflag:$0x5], $0x80, $0x38;
	[tilespmem:$0x1EC00] =	vst v63  }
0x87: {  	p0 =	sne.s32 s11, $0x7700;
	s11 =	sadd.s32 $0x16488, s12;
	s13 =	sadd.s32 $0x10, s9  }
0x88: {  	[hbm4b:s13+s3] =	stream.linear.scatter [tilespmem:s11], [sflag:$0x5], $0x80, $0x38;
	[tilespmem:$0x1EC00] =	vst v63  }
0x89: {  	s11 =	sadd.s32 $0x16510, s12;
	s13 =	sadd.s32 $0x20, s9  }
0x8a: {  	[hbm4b:s13+s3] =	stream.linear.scatter [tilespmem:s11], [sflag:$0x5], $0x80, $0x38;
	[tilespmem:$0x1EC00] =	vst v63  }
0x8b: {  	s11 =	sadd.s32 $0x16598, s12;
	s13 =	sadd.s32 $0x30, s9  }
0x8c: {  	[hbm4b:s13+s3] =	stream.linear.scatter [tilespmem:s11], [sflag:$0x5], $0x80, $0x38;
	[tilespmem:$0x1EC00] =	vst v63  }
0x8d: {  	s11 =	sadd.s32 $0x16620, s12;
	s13 =	sadd.s32 $0x40, s9  }
0x8e: {  	[hbm4b:s13+s3] =	stream.linear.scatter [tilespmem:s11], [sflag:$0x5], $0x80, $0x38;
	[tilespmem:$0x1EC00] =	vst v63  }
.Ltmp1:
0x8f: {  	s11 =	sadd.s32 $0x166A8, s12;
	s13 =	sadd.s32 $0x50, s9;
	(pc) =	sbr.rel @p0 .LBB2_4-.Ltmp1, $4  }
0x90: {  	[hbm4b:s13+s3] =	stream.linear.scatter [tilespmem:s11], [sflag:$0x5], $0x80, $0x38;
	[tilespmem:$0x1EC00] =	vst v63  }
0x91: {  	s11 =	sadd.s32 $0x16730, s12;
	s13 =	sadd.s32 $0x60, s9;
	s12 =	sadd.s32 $0x167B8, s12  }
0x92: {  	[hbm4b:s13+s3] =	stream.linear.scatter [tilespmem:s11], [sflag:$0x5], $0x80, $0x38;
	[tilespmem:$0x1EC00] =	vst v63  }
0x93: {  	s13 =	sadd.s32 $0x70, s9;
	s9 =	sadd.s32 $0x1000, s9;
	s11 =	smov.u32 s14  }
0x94: {  	[hbm4b:s13+s3] =	stream.linear.scatter [tilespmem:s12], [sflag:$0x5], $0x80, $0x38;
	[tilespmem:$0x1EC00] =	vst v63  }
0x95: {  	s11 =	sadd.s32 $0x16400, s8  }
0x96: {  	[hbm4b:s9+s3] =	stream.linear.scatter [tilespmem:s11], [sflag:$0x5], $0x80, $0x38;
	[tilespmem:$0x1EC00] =	vst v63  }
0x97: {  	s12 =	sadd.s32 $0x16488, s8;
	s13 =	sadd.s32 $0x10, s9  }
0x98: {  	[hbm4b:s13+s3] =	stream.linear.scatter [tilespmem:s12], [sflag:$0x5], $0x80, $0x38;
	[tilespmem:$0x1EC00] =	vst v63  }
0x99: {  	s14 =	sadd.s32 $0x16510, s8;
	s15 =	sadd.s32 $0x20, s9  }
0x9a: {  	[hbm4b:s15+s3] =	stream.linear.scatter [tilespmem:s14], [sflag:$0x5], $0x80, $0x38;
	[tilespmem:$0x1EC00] =	vst v63  }
0x9b: {  	s16 =	sadd.s32 $0x16598, s8;
	s21 =	sadd.s32 $0x30, s9  }
0x9c: {  	[hbm4b:s21+s3] =	stream.linear.scatter [tilespmem:s16], [sflag:$0x5], $0x80, $0x38;
	[tilespmem:$0x1EC00] =	vst v63  }
0x9d: {  	s12 =	sadd.s32 $0x16620, s8;
	s13 =	sadd.s32 $0x40, s9  }
0x9e: {  	[hbm4b:s13+s3] =	stream.linear.scatter [tilespmem:s12], [sflag:$0x5], $0x80, $0x38;
	[tilespmem:$0x1EC00] =	vst v63  }
0x9f: {  	s14 =	sadd.s32 $0x166A8, s8;
	s15 =	sadd.s32 $0x50, s9  }
0xa0: {  	[hbm4b:s15+s3] =	stream.linear.scatter [tilespmem:s14], [sflag:$0x5], $0x80, $0x38;
	[tilespmem:$0x1EC00] =	vst v63  }
0xa1: {  	s16 =	sadd.s32 $0x16730, s8;
	s21 =	sadd.s32 $0x60, s9  }
0xa2: {  	[hbm4b:s21+s3] =	stream.linear.scatter [tilespmem:s16], [sflag:$0x5], $0x80, $0x38;
	[tilespmem:$0x1EC00] =	vst v63  }
0xa3: {  	s13 =	sadd.s32 $0x167B8, s8;
	s14 =	sadd.s32 $0x70, s9  }
0xa4: {  	[hbm4b:s14+s3] =	stream.linear.scatter [tilespmem:s13], [sflag:$0x5], $0x80, $0x38;
	[tilespmem:$0x1EC00] =	vst v63  }
0xa5: {  	s15 =	simm.s32 $0x180  }
0xa6: {  	[tilespmem:s29], [sflag:$0x4] =	stream.indirect.gather [hbm4b:s4+s18], $0x80, s15, s18, $0xb8;
	[tilespmem:$0x1EC00] =	vst v63  }
0xa7: {  	_ =	swait.ge [sflag:s30], $0x4000  }
0xa8: {  	[sflag:s30] =	ssyncset.done $0x0  }
0xa9: {  	s16 =	simm.s32 $0x3;
	s13 =	simm.s32 $0xA5B0;
	[sflag:s30] =	ssyncadd.s32 $0xFFFFC000  }
0xaa: {  	v4 =	vmov s16;
	v5 =	vld [tilespmem:s13+$0xFFFFFFD0]  }
0xab: {  	v9 =	vand.u32 $0x7F, v4  }
0xac: {  	s21 =	simm.s32 $0x0;
	v4 =	vadd.s32 v0, v9  }
0xad: {  	s11 =	simm.s32 $0x2;
	s9 =	simm.s32 $0x1;
	v6 =	vmov s21;
	v7 =	vld [tilespmem:s13+$0xFFFFFE50]  }
0xae: {  	v11 =	vmov s11;
	v8 =	vand.u32 $0x7C, v6;
	v6 =	vmov s9;
	v10 =	vld [tilespmem:s13+$0xFFFFFED0]  }
0xaf: {  	v12 =	vadd.s32 v0, v8;
	v15 =	vand.u32 $0x7D, v6;
	v6 =	vld [tilespmem:s13+$0xFFFFFF50];
	v5 =	vmul.f32 $8.000000000e+00, v5  }
0xb0: {  	v17 =	vand.u32 $0x7E, v11;
	v13 =	vadd.s32 v0, v15  }
0xb1: {  	v11 =	vadd.s32 v0, v17;
	[tilespmem:v4+s31+$0x0] =	vst.idx.msk $0xffff, v5  }
0xb2: {  	v4 =	vmul.f32 $8.000000000e+00, v7;
	v5 =	vld [tilespmem:s13+$0xFFFFFFE0]  }
0xb3: {  	v7 =	vmul.f32 $8.000000000e+00, v10  }
0xb4: {  	[tilespmem:v12+s31+$0x0] =	vst.idx.msk $0xffff, v4;
	v4 =	vmul.f32 $8.000000000e+00, v6;
	v6 =	vadd.s32 v1, v9  }
0xb5: {  	[tilespmem:v13+s31+$0x0] =	vst.idx.msk $0xffff, v7;
	v10 =	vld [tilespmem:s13+$0xFFFFFE60]  }
0xb6: {  	v7 =	vld [tilespmem:s13+$0xFFFFFEE0];
	[tilespmem:v11+s31+$0x0] =	vst.idx.msk $0xffff, v4  }
0xb7: {  	v11 =	vld [tilespmem:s13+$0xFFFFFF60];
	v4 =	vmul.f32 $8.000000000e+00, v5  }
0xb8: {  	s12 =	simm.s32 $0x4;
	s14 =	simm.s32 $0x7;
	s9 =	simm.s32 $0xA7B0;
	v12 =	vadd.s32 v1, v15  }
0xb9: {  	v14 =	vld [tilespmem:s9+$0xFFFFFFD0];
	v13 =	vadd.s32 v1, v17;
	v5 =	vmov s12;
	[tilespmem:v6+s31+$0x0] =	vst.idx.msk $0xffff, v4;
	v6 =	vmov s14  }
0xba: {  	v16 =	vadd.s32 v1, v8;
	v4 =	vand.u32 $0x7C, v5;
	v5 =	vand.u32 $0x7F, v6;
	v18 =	vld [tilespmem:s13+$0xFFFFFFF0]  }
0xbb: {  	v22 =	vadd.s32 v2, v9;
	s15 =	simm.s32 $0x5;
	v19 =	vld [tilespmem:s9+$0xFFFFFE50];
	v6 =	vmul.f32 $8.000000000e+00, v7;
	v20 =	vadd.s32 v0, v5  }
0xbc: {  	s16 =	simm.s32 $0x6;
	v21 =	vld [tilespmem:s9+$0xFFFFFED0];
	v10 =	vmul.f32 $8.000000000e+00, v10;
	v7 =	vmul.f32 $8.000000000e+00, v11;
	v11 =	vmov s15  }
0xbd: {  	v23 =	vadd.s32 v0, v4;
	[tilespmem:v12+s31+$0x0] =	vst.idx.msk $0xffff, v6;
	v12 =	vmov s16;
	v6 =	vand.u32 $0x7D, v11;
	v11 =	vld [tilespmem:s9+$0xFFFFFF50]  }
0xbe: {  	[tilespmem:v13+s31+$0x0] =	vst.idx.msk $0xffff, v7;
	v13 =	vadd.s32 v0, v6;
	v7 =	vand.u32 $0x7E, v12;
	v12 =	vmul.f32 $8.000000000e+00, v14;
	v14 =	vld [tilespmem:s13+$0xFFFFFEF0]  }
0xbf: {  	[tilespmem:v16+s31+$0x0] =	vst.idx.msk $0xffff, v10;
	v10 =	vadd.s32 v0, v7;
	v16 =	vld [tilespmem:s13+$0xFFFFFF70];
	v18 =	vmul.f32 $8.000000000e+00, v18  }
0xc0: {  	v19 =	vmul.f32 $8.000000000e+00, v19;
	[tilespmem:v20+s31+$0x0] =	vst.idx.msk $0xffff, v12;
	v12 =	vld [tilespmem:s13+$0xFFFFFE70];
	v20 =	vadd.s32 v2, v15  }
0xc1: {  	v25 =	vadd.s32 v2, v17;
	v21 =	vmul.f32 $8.000000000e+00, v21;
	v24 =	vld [tilespmem:s9+$0xFFFFFFE0];
	[tilespmem:v22+s31+$0x0] =	vst.idx.msk $0xffff, v18  }
0xc2: {  	[tilespmem:v23+s31+$0x0] =	vst.idx.msk $0xffff, v19;
	v19 =	vadd.s32 v2, v8;
	v11 =	vmul.f32 $8.000000000e+00, v11;
	v22 =	vld [tilespmem:s13+$0x0]  }
0xc3: {  	v23 =	vld [tilespmem:s9+$0xFFFFFE60];
	[tilespmem:v13+s31+$0x0] =	vst.idx.msk $0xffff, v21;
	v21 =	vadd.s32 v1, v5;
	v14 =	vmul.f32 $8.000000000e+00, v14  }
0xc4: {  	v27 =	vadd.s32 v3, v9;
	v26 =	vld [tilespmem:s9+$0xFFFFFEE0];
	[tilespmem:v10+s31+$0x0] =	vst.idx.msk $0xffff, v11;
	v10 =	vmul.f32 $8.000000000e+00, v16  }
0xc5: {  	v18 =	vadd.s32 v1, v4;
	v13 =	vld [tilespmem:s9+$0xFFFFFF60];
	v9 =	vmul.f32 $8.000000000e+00, v12;
	[tilespmem:v20+s31+$0x0] =	vst.idx.msk $0xffff, v14  }
0xc6: {  	s12 =	simm.s32 $0x8;
	v16 =	vadd.s32 v1, v6;
	[tilespmem:v25+s31+$0x0] =	vst.idx.msk $0xffff, v10;
	v14 =	vmul.f32 $8.000000000e+00, v24;
	v12 =	vld [tilespmem:s13+$0xFFFFFF00]  }
0xc7: {  	v20 =	vmov s12;
	v10 =	vadd.s32 v1, v7;
	v11 =	vld [tilespmem:s13+$0xFFFFFF80];
	[tilespmem:v19+s31+$0x0] =	vst.idx.msk $0xffff, v9;
	v63 =	vmul.f32 $8.000000000e+00, v22  }
0xc8: {  	s11 =	simm.s32 $0xA9B0;
	s21 =	simm.s32 $0xB;
	v15 =	vadd.s32 v3, v15;
	v9 =	vand.u32 $0x7C, v20;
	v20 =	vmul.f32 $8.000000000e+00, v23;
	[tilespmem:v21+s31+$0x0] =	vst.idx.msk $0xffff, v14;
	v14 =	vld [tilespmem:s13+$0xFFFFFE80]  }
0xc9: {  	s8 =	simm.s32 $0xC;
	v17 =	vadd.s32 v3, v17;
	v22 =	vmov s21;
	v19 =	vld [tilespmem:s11+$0xFFFFFFD0];
	v21 =	vmul.f32 $8.000000000e+00, v26;
	[tilespmem:v27+s31+$0x0] =	vst.idx.msk $0xffff, v63  }
.LBB2_6:
0xca: {  	p0 =	slt.u32 s8, $0x7C;
	s13 =	sadd.s32 $0x1, s12;
	v22 =	vand.u32 $0x7F, v22;
	[tilespmem:v18+s31+$0x0] =	vst.idx.msk $0xffff, v20;
	v13 =	vmul.f32 $8.000000000e+00, v13;
	v18 =	vld [tilespmem:s9+$0xFFFFFFF0];
	v20 =	vadd.s32 v3, v8;
	v8 =	vmovc v4  }
0xcb: {  	v4 =	vmovc v9;
	v23 =	vld [tilespmem:s11+$0xFFFFFE50];
	v24 =	vmov s13;
	s13 =	sadd.s32 $0x2, s12;
	v25 =	vadd.s32 v0, v22;
	[tilespmem:v16+s31+$0x0] =	vst.idx.msk $0xffff, v21;
	v12 =	vmul.f32 $8.000000000e+00, v12;
	s12 =	smov.u32 s8  }
0xcc: {  	v9 =	vld [tilespmem:s11+$0xFFFFFED0];
	v16 =	vmov s13;
	[tilespmem:v10+s31+$0x0] =	vst.idx.msk $0xffff, v13;
	v10 =	vadd.s32 v2, v5;
	v11 =	vmul.f32 $8.000000000e+00, v11  }
0xcd: {  	v13 =	vadd.s32 v0, v4;
	v21 =	vand.u32 $0x7D, v24;
	v24 =	vld [tilespmem:s11+$0xFFFFFF50];
	v14 =	vmul.f32 $8.000000000e+00, v14;
	[tilespmem:v15+s31+$0x0] =	vst.idx.msk $0xffff, v12  }
0xce: {  	v12 =	vadd.s32 v0, v21;
	v26 =	vand.u32 $0x7E, v16;
	v15 =	vmul.f32 $8.000000000e+00, v19;
	v16 =	vld [tilespmem:s9+$0xFFFFFEF0];
	[tilespmem:v17+s31+$0x0] =	vst.idx.msk $0xffff, v11  }
0xcf: {  	v11 =	vadd.s32 v0, v26;
	v17 =	vld [tilespmem:s9+$0xFFFFFF70];
	v18 =	vmul.f32 $8.000000000e+00, v18;
	[tilespmem:v20+s31+$0x0] =	vst.idx.msk $0xffff, v14  }
0xd0: {  	v19 =	vadd.s32 v2, v6;
	v14 =	vmul.f32 $8.000000000e+00, v23;
	[tilespmem:v25+s31+$0x0] =	vst.idx.msk $0xffff, v15;
	v15 =	vld [tilespmem:s9+$0xFFFFFE70]  }
0xd1: {  	v23 =	vadd.s32 v2, v7;
	v9 =	vmul.f32 $8.000000000e+00, v9;
	v20 =	vld [tilespmem:s11+$0xFFFFFFE0];
	[tilespmem:v10+s31+$0x0] =	vst.idx.msk $0xffff, v18  }
0xd2: {  	[tilespmem:v13+s31+$0x0] =	vst.idx.msk $0xffff, v14;
	v10 =	vmul.f32 $8.000000000e+00, v24;
	v14 =	vadd.s32 v2, v8;
	v24 =	vld [tilespmem:s9+$0x0]  }
0xd3: {  	v27 =	vadd.s32 v1, v22;
	v25 =	vld [tilespmem:s11+$0xFFFFFE60];
	[tilespmem:v12+s31+$0x0] =	vst.idx.msk $0xffff, v9;
	v9 =	vmul.f32 $8.000000000e+00, v16  }
0xd4: {  	v29 =	vadd.s32 v3, v5;
	v5 =	vmov v22;
	v28 =	vld [tilespmem:s11+$0xFFFFFEE0];
	[tilespmem:v11+s31+$0x0] =	vst.idx.msk $0xffff, v10;
	v10 =	vmul.f32 $8.000000000e+00, v17  }
.Ltmp2:
0xd5: {  	v18 =	vadd.s32 v1, v4;
	v13 =	vld [tilespmem:s11+$0xFFFFFF60];
	v11 =	vmul.f32 $8.000000000e+00, v15;
	[tilespmem:v19+s31+$0x0] =	vst.idx.msk $0xffff, v9;
	(pc) =	sbr.rel @p0 .LBB2_6-.Ltmp2, $4  }
0xd6: {  	v16 =	vadd.s32 v1, v21;
	v15 =	vmul.f32 $8.000000000e+00, v20;
	v12 =	vld [tilespmem:s9+$0xFFFFFF00];
	[tilespmem:v23+s31+$0x0] =	vst.idx.msk $0xffff, v10  }
0xd7: {  	v9 =	vmov s8;
	v10 =	vadd.s32 v1, v26;
	[tilespmem:v14+s31+$0x0] =	vst.idx.msk $0xffff, v11;
	v11 =	vld [tilespmem:s9+$0xFFFFFF80];
	v23 =	vmul.f32 $8.000000000e+00, v24  }
0xd8: {  	s13 =	sadd.s32 $0x3, s8;
	v9 =	vand.u32 $0x7C, v9;
	v20 =	vmul.f32 $8.000000000e+00, v25;
	[tilespmem:v27+s31+$0x0] =	vst.idx.msk $0xffff, v15;
	v14 =	vld [tilespmem:s9+$0xFFFFFE80];
	v15 =	vadd.s32 v3, v6;
	v6 =	vmovc v21;
	s9 =	smov.u32 s11;
	s11 =	sadd.s32 $0x200, s11  }
0xd9: {  	v22 =	vmov s13;
	v17 =	vadd.s32 v3, v7;
	v7 =	vmovc v26;
	s8 =	sadd.s32 $0x4, s8;
	v19 =	vld [tilespmem:s11+$0xFFFFFFD0];
	v21 =	vmul.f32 $8.000000000e+00, v28;
	[tilespmem:v29+s31+$0x0] =	vst.idx.msk $0xffff, v23  }
0xda: {  	s8 =	sadd.s32 $0x1, s12;
	v22 =	vand.u32 $0x7F, v22;
	v28 =	vld [tilespmem:s11+$0xFFFFFE50]  }
0xdb: {  	s21 =	sadd.s32 $0x2, s12;
	v24 =	vld [tilespmem:s11+$0xFFFFFED0];
	v23 =	vmov s8;
	v25 =	vadd.s32 v0, v22  }
0xdc: {  	v27 =	vld [tilespmem:s11+$0xFFFFFF50];
	v51 =	vadd.s32 v0, v9;
	v26 =	vmov s21;
	v23 =	vand.u32 $0x7D, v23  }
0xdd: {  	v26 =	vand.u32 $0x7E, v26;
	v29 =	vadd.s32 v0, v23  }
0xde: {  	[tilespmem:v18+s31+$0x0] =	vst.idx.msk $0xffff, v20;
	v30 =	vadd.s32 v0, v26;
	v19 =	vmul.f32 $8.000000000e+00, v19  }
0xdf: {  	[tilespmem:v16+s31+$0x0] =	vst.idx.msk $0xffff, v21;
	v54 =	vmul.f32 $8.000000000e+00, v28  }
0xe0: {  	v52 =	vmul.f32 $8.000000000e+00, v24;
	[tilespmem:v25+s31+$0x0] =	vst.idx.msk $0xffff, v19  }
0xe1: {  	v53 =	vmul.f32 $8.000000000e+00, v27;
	v55 =	vld [tilespmem:s11+$0xFFFFFFE0];
	[tilespmem:v51+s31+$0x0] =	vst.idx.msk $0xffff, v54  }
0xe2: {  	v13 =	vmul.f32 $8.000000000e+00, v13;
	v8 =	vadd.s32 v3, v8;
	[tilespmem:v29+s31+$0x0] =	vst.idx.msk $0xffff, v52;
	v59 =	vld [tilespmem:s11+$0xFFFFFE60]  }
0xe3: {  	v12 =	vmul.f32 $8.000000000e+00, v12;
	v57 =	vadd.s32 v1, v22;
	[tilespmem:v30+s31+$0x0] =	vst.idx.msk $0xffff, v53;
	v56 =	vld [tilespmem:s11+$0xFFFFFEE0]  }
0xe4: {  	[tilespmem:v10+s31+$0x0] =	vst.idx.msk $0xffff, v13;
	v58 =	vmul.f32 $8.000000000e+00, v11;
	v28 =	vadd.s32 v1, v9;
	v19 =	vld [tilespmem:s11+$0xFFFFFF60]  }
0xe5: {  	v61 =	vld [tilespmem:s9+$0xFFFFFFF0];
	v60 =	vadd.s32 v1, v23;
	v14 =	vmul.f32 $8.000000000e+00, v14;
	[tilespmem:v15+s31+$0x0] =	vst.idx.msk $0xffff, v12  }
0xe6: {  	v32 =	vld [tilespmem:s9+$0xFFFFFE70];
	v62 =	vadd.s32 v1, v26;
	[tilespmem:v17+s31+$0x0] =	vst.idx.msk $0xffff, v58;
	v16 =	vmul.f32 $8.000000000e+00, v55  }
0xe7: {  	[tilespmem:v8+s31+$0x0] =	vst.idx.msk $0xffff, v14;
	v29 =	vadd.s32 v2, v5;
	v30 =	vld [tilespmem:s9+$0xFFFFFF70];
	v11 =	vmul.f32 $8.000000000e+00, v59  }
0xe8: {  	v38 =	vadd.s32 v2, v4;
	v63 =	vld [tilespmem:s9+$0xFFFFFEF0];
	v31 =	vmul.f32 $8.000000000e+00, v56;
	[tilespmem:v57+s31+$0x0] =	vst.idx.msk $0xffff, v16  }
0xe9: {  	v35 =	vadd.s32 v2, v7;
	v34 =	vmul.f32 $8.000000000e+00, v19;
	v36 =	vld [tilespmem:s11+$0xFFFFFFF0];
	[tilespmem:v28+s31+$0x0] =	vst.idx.msk $0xffff, v11  }
0xea: {  	v33 =	vadd.s32 v2, v6;
	v37 =	vmul.f32 $8.000000000e+00, v61;
	[tilespmem:v60+s31+$0x0] =	vst.idx.msk $0xffff, v31;
	v43 =	vld [tilespmem:s11+$0xFFFFFE70]  }
0xeb: {  	v40 =	vadd.s32 v2, v22;
	v14 =	vmul.f32 $8.000000000e+00, v32;
	[tilespmem:v62+s31+$0x0] =	vst.idx.msk $0xffff, v34;
	v39 =	vld [tilespmem:s11+$0xFFFFFEF0]  }
0xec: {  	v48 =	vadd.s32 v2, v9;
	[tilespmem:v29+s31+$0x0] =	vst.idx.msk $0xffff, v37;
	v42 =	vmul.f32 $8.000000000e+00, v30;
	v41 =	vld [tilespmem:s11+$0xFFFFFF70]  }
0xed: {  	v44 =	vadd.s32 v2, v23;
	v15 =	vmul.f32 $8.000000000e+00, v63;
	[tilespmem:v38+s31+$0x0] =	vst.idx.msk $0xffff, v14;
	v45 =	vld [tilespmem:s9+$0x0]  }
0xee: {  	v46 =	vadd.s32 v2, v26;
	v14 =	vld [tilespmem:s9+$0xFFFFFE80];
	[tilespmem:v35+s31+$0x0] =	vst.idx.msk $0xffff, v42;
	v47 =	vmul.f32 $8.000000000e+00, v36  }
0xef: {  	v5 =	vadd.s32 v3, v5;
	[tilespmem:v33+s31+$0x0] =	vst.idx.msk $0xffff, v15;
	v49 =	vld [tilespmem:s9+$0xFFFFFF80];
	v53 =	vmul.f32 $8.000000000e+00, v43  }
0xf0: {  	v4 =	vadd.s32 v3, v4;
	v21 =	vld [tilespmem:s9+$0xFFFFFF00];
	v12 =	vmul.f32 $8.000000000e+00, v39;
	[tilespmem:v40+s31+$0x0] =	vst.idx.msk $0xffff, v47  }
0xf1: {  	v52 =	vadd.s32 v3, v7;
	v51 =	vmul.f32 $8.000000000e+00, v41;
	v10 =	vld [tilespmem:s11+$0x0];
	[tilespmem:v48+s31+$0x0] =	vst.idx.msk $0xffff, v53  }
0xf2: {  	v50 =	vadd.s32 v3, v6;
	v54 =	vmul.f32 $8.000000000e+00, v45;
	[tilespmem:v44+s31+$0x0] =	vst.idx.msk $0xffff, v12;
	v59 =	vld [tilespmem:s11+$0xFFFFFE80]  }
0xf3: {  	v57 =	vadd.s32 v3, v22;
	v14 =	vmul.f32 $8.000000000e+00, v14;
	[tilespmem:v46+s31+$0x0] =	vst.idx.msk $0xffff, v51;
	v55 =	vld [tilespmem:s11+$0xFFFFFF00]  }
0xf4: {  	v62 =	vadd.s32 v3, v9;
	[tilespmem:v5+s31+$0x0] =	vst.idx.msk $0xffff, v54;
	v5 =	vmul.f32 $8.000000000e+00, v49;
	v58 =	vld [tilespmem:s11+$0xFFFFFF80]  }
0xf5: {  	v56 =	vmul.f32 $8.000000000e+00, v21;
	v60 =	vadd.s32 v3, v23;
	[tilespmem:v4+s31+$0x0] =	vst.idx.msk $0xffff, v14  }
0xf6: {  	v61 =	vadd.s32 v3, v26;
	[tilespmem:v52+s31+$0x0] =	vst.idx.msk $0xffff, v5;
	v5 =	vmul.f32 $8.000000000e+00, v10  }
0xf7: {  	[tilespmem:v50+s31+$0x0] =	vst.idx.msk $0xffff, v56;
	v63 =	vmul.f32 $8.000000000e+00, v59  }
0xf8: {  	v4 =	vmul.f32 $8.000000000e+00, v55;
	[tilespmem:v57+s31+$0x0] =	vst.idx.msk $0xffff, v5  }
0xf9: {  	v5 =	vmul.f32 $8.000000000e+00, v58;
	[tilespmem:v62+s31+$0x0] =	vst.idx.msk $0xffff, v63  }
0xfa: {  	[tilespmem:v60+s31+$0x0] =	vst.idx.msk $0xffff, v4  }
0xfb: {  	[tilespmem:v61+s31+$0x0] =	vst.idx.msk $0xffff, v5  }
0xfc: {  	s9 =	simm.s32 $0x18600;
	s14 =	rddreg [dreg:$0x5]  }
0xfd: {  	[hbm4b:s14+s3] =	stream.linear.scatter [tilespmem:s9], [sflag:$0x6], $0x80, $0x38;
	[tilespmem:$0x1EC00] =	vst v63  }
0xfe: {  	s11 =	simm.s32 $0x18688;
	s12 =	sadd.s32 $0x10, s14  }
0xff: {  	[hbm4b:s12+s3] =	stream.linear.scatter [tilespmem:s11], [sflag:$0x6], $0x80, $0x38;
	[tilespmem:$0x1EC00] =	vst v63  }
0x100: {  	s13 =	simm.s32 $0x18710;
	s16 =	simm.s32 $0x18798;
	s15 =	sadd.s32 $0x20, s14  }
0x101: {  	[hbm4b:s15+s3] =	stream.linear.scatter [tilespmem:s13], [sflag:$0x6], $0x80, $0x38;
	[tilespmem:$0x1EC00] =	vst v63  }
0x102: {  	s8 =	simm.s32 $0x440;
	s21 =	sadd.s32 $0x30, s14;
	s9 =	sadd.s32 $0x1000, s14  }
0x103: {  	[hbm4b:s21+s3] =	stream.linear.scatter [tilespmem:s16], [sflag:$0x6], $0x80, $0x38;
	[tilespmem:$0x1EC00] =	vst v63  }
0x104: {  	s11 =	simm.s32 $0x18820;
	s12 =	sadd.s32 $0x40, s14;
	s13 =	simm.s32 $0x188A8  }
0x105: {  	[hbm4b:s12+s3] =	stream.linear.scatter [tilespmem:s11], [sflag:$0x6], $0x80, $0x38;
	[tilespmem:$0x1EC00] =	vst v63  }
0x106: {  	s15 =	sadd.s32 $0x50, s14;
	s16 =	simm.s32 $0x18930;
	s21 =	sadd.s32 $0x60, s14  }
0x107: {  	[hbm4b:s15+s3] =	stream.linear.scatter [tilespmem:s13], [sflag:$0x6], $0x80, $0x38;
	[tilespmem:$0x1EC00] =	vst v63  }
0x108: {  	s11 =	simm.s32 $0x2200;
	s12 =	simm.s32 $0x189B8;
	s13 =	sadd.s32 $0x70, s14  }
0x109: {  	[hbm4b:s21+s3] =	stream.linear.scatter [tilespmem:s16], [sflag:$0x6], $0x80, $0x38;
	[tilespmem:$0x1EC00] =	vst v63  }
.LBB2_8:
0x10a: {  	[hbm4b:s13+s3] =	stream.linear.scatter [tilespmem:s12], [sflag:$0x6], $0x80, $0x38;
	[tilespmem:$0x1EC00] =	vst v63  }
0x10b: {  	s12 =	smov.u32 s8;
	s8 =	smov.u32 s11  }
0x10c: {  	s14 =	sadd.s32 $0x1100, s11;
	s8 =	sshra.s32 s8, $0x2;
	s13 =	sadd.s32 $0x18600, s12  }
0x10d: {  	[hbm4b:s9+s3] =	stream.linear.scatter [tilespmem:s13], [sflag:$0x6], $0x80, $0x38;
	[tilespmem:$0x1EC00] =	vst v63  }
0x10e: {  	p0 =	sne.s32 s11, $0x7700;
	s11 =	sadd.s32 $0x18688, s12;
	s13 =	sadd.s32 $0x10, s9  }
0x10f: {  	[hbm4b:s13+s3] =	stream.linear.scatter [tilespmem:s11], [sflag:$0x6], $0x80, $0x38;
	[tilespmem:$0x1EC00] =	vst v63  }
0x110: {  	s11 =	sadd.s32 $0x18710, s12;
	s13 =	sadd.s32 $0x20, s9  }
0x111: {  	[hbm4b:s13+s3] =	stream.linear.scatter [tilespmem:s11], [sflag:$0x6], $0x80, $0x38;
	[tilespmem:$0x1EC00] =	vst v63  }
0x112: {  	s11 =	sadd.s32 $0x18798, s12;
	s13 =	sadd.s32 $0x30, s9  }
0x113: {  	[hbm4b:s13+s3] =	stream.linear.scatter [tilespmem:s11], [sflag:$0x6], $0x80, $0x38;
	[tilespmem:$0x1EC00] =	vst v63  }
0x114: {  	s11 =	sadd.s32 $0x18820, s12;
	s13 =	sadd.s32 $0x40, s9  }
0x115: {  	[hbm4b:s13+s3] =	stream.linear.scatter [tilespmem:s11], [sflag:$0x6], $0x80, $0x38;
	[tilespmem:$0x1EC00] =	vst v63  }
.Ltmp3:
0x116: {  	s11 =	sadd.s32 $0x188A8, s12;
	s13 =	sadd.s32 $0x50, s9;
	(pc) =	sbr.rel @p0 .LBB2_8-.Ltmp3, $4  }
0x117: {  	[hbm4b:s13+s3] =	stream.linear.scatter [tilespmem:s11], [sflag:$0x6], $0x80, $0x38;
	[tilespmem:$0x1EC00] =	vst v63  }
0x118: {  	s11 =	sadd.s32 $0x18930, s12;
	s13 =	sadd.s32 $0x60, s9;
	s12 =	sadd.s32 $0x189B8, s12  }
0x119: {  	[hbm4b:s13+s3] =	stream.linear.scatter [tilespmem:s11], [sflag:$0x6], $0x80, $0x38;
	[tilespmem:$0x1EC00] =	vst v63  }
0x11a: {  	s13 =	sadd.s32 $0x70, s9;
	s9 =	sadd.s32 $0x1000, s9;
	s11 =	smov.u32 s14  }
0x11b: {  	[hbm4b:s13+s3] =	stream.linear.scatter [tilespmem:s12], [sflag:$0x6], $0x80, $0x38;
	[tilespmem:$0x1EC00] =	vst v63  }
0x11c: {  	s11 =	sadd.s32 $0x18600, s8  }
0x11d: {  	[hbm4b:s9+s3] =	stream.linear.scatter [tilespmem:s11], [sflag:$0x6], $0x80, $0x38;
	[tilespmem:$0x1EC00] =	vst v63  }
0x11e: {  	s12 =	sadd.s32 $0x18688, s8;
	s13 =	sadd.s32 $0x10, s9  }
0x11f: {  	[hbm4b:s13+s3] =	stream.linear.scatter [tilespmem:s12], [sflag:$0x6], $0x80, $0x38;
	[tilespmem:$0x1EC00] =	vst v63  }
0x120: {  	s14 =	sadd.s32 $0x18710, s8;
	s15 =	sadd.s32 $0x20, s9  }
0x121: {  	[hbm4b:s15+s3] =	stream.linear.scatter [tilespmem:s14], [sflag:$0x6], $0x80, $0x38;
	[tilespmem:$0x1EC00] =	vst v63  }
0x122: {  	s16 =	sadd.s32 $0x18798, s8;
	s21 =	sadd.s32 $0x30, s9  }
0x123: {  	[hbm4b:s21+s3] =	stream.linear.scatter [tilespmem:s16], [sflag:$0x6], $0x80, $0x38;
	[tilespmem:$0x1EC00] =	vst v63  }
0x124: {  	s12 =	sadd.s32 $0x18820, s8;
	s13 =	sadd.s32 $0x40, s9  }
0x125: {  	[hbm4b:s13+s3] =	stream.linear.scatter [tilespmem:s12], [sflag:$0x6], $0x80, $0x38;
	[tilespmem:$0x1EC00] =	vst v63  }
0x126: {  	s14 =	sadd.s32 $0x188A8, s8;
	s15 =	sadd.s32 $0x50, s9  }
0x127: {  	[hbm4b:s15+s3] =	stream.linear.scatter [tilespmem:s14], [sflag:$0x6], $0x80, $0x38;
	[tilespmem:$0x1EC00] =	vst v63  }
0x128: {  	s16 =	sadd.s32 $0x18930, s8;
	s21 =	sadd.s32 $0x60, s9  }
0x129: {  	[hbm4b:s21+s3] =	stream.linear.scatter [tilespmem:s16], [sflag:$0x6], $0x80, $0x38;
	[tilespmem:$0x1EC00] =	vst v63  }
0x12a: {  	s12 =	sadd.s32 $0x189B8, s8;
	s13 =	sadd.s32 $0x70, s9  }
0x12b: {  	[hbm4b:s13+s3] =	stream.linear.scatter [tilespmem:s12], [sflag:$0x6], $0x80, $0x38;
	[tilespmem:$0x1EC00] =	vst v63  }
0x12c: {  	_ =	swait.ge [sflag:s1], $0x2000  }
0x12d: {  	[sflag:s1] =	ssyncset.done $0x0  }
0x12e: {  	s14 =	simm.s32 $0x6400;
	s15 =	simm.s32 $0x200;
	[sflag:s1] =	ssyncadd.s32 $0xFFFFE000  }
0x12f: {  	[tilespmem:s14], [sflag:$0x1] =	stream.indirect.gather [hbm4b:s4+s18], $0x80, s15, s18, $0xb8;
	[tilespmem:$0x1EC00] =	vst v63  }
0x130: {  	_ =	swait.ge [sflag:s19], $0x4000  }
0x131: {  	[sflag:s19] =	ssyncset.done $0x0  }
0x132: {  	s16 =	simm.s32 $0x3;
	s13 =	simm.s32 $0xE5B0;
	[sflag:s19] =	ssyncadd.s32 $0xFFFFC000  }
0x133: {  	v4 =	vmov s16;
	v5 =	vld [tilespmem:s13+$0xFFFFFFD0]  }
0x134: {  	v9 =	vand.u32 $0x7F, v4  }
0x135: {  	s21 =	simm.s32 $0x0;
	v4 =	vadd.s32 v0, v9  }
0x136: {  	s11 =	simm.s32 $0x2;
	s9 =	simm.s32 $0x1;
	v6 =	vmov s21;
	v7 =	vld [tilespmem:s13+$0xFFFFFE50]  }
0x137: {  	v11 =	vmov s11;
	v8 =	vand.u32 $0x7C, v6;
	v6 =	vmov s9;
	v10 =	vld [tilespmem:s13+$0xFFFFFED0]  }
0x138: {  	v12 =	vadd.s32 v0, v8;
	v15 =	vand.u32 $0x7D, v6;
	v6 =	vld [tilespmem:s13+$0xFFFFFF50];
	v5 =	vmul.f32 $8.000000000e+00, v5  }
0x139: {  	v17 =	vand.u32 $0x7E, v11;
	v13 =	vadd.s32 v0, v15  }
0x13a: {  	v11 =	vadd.s32 v0, v17;
	[tilespmem:v4+s23+$0x0] =	vst.idx.msk $0xffff, v5  }
0x13b: {  	v4 =	vmul.f32 $8.000000000e+00, v7;
	v5 =	vld [tilespmem:s13+$0xFFFFFFE0]  }
0x13c: {  	v7 =	vmul.f32 $8.000000000e+00, v10  }
0x13d: {  	[tilespmem:v12+s23+$0x0] =	vst.idx.msk $0xffff, v4;
	v4 =	vmul.f32 $8.000000000e+00, v6;
	v6 =	vadd.s32 v1, v9  }
0x13e: {  	[tilespmem:v13+s23+$0x0] =	vst.idx.msk $0xffff, v7;
	v10 =	vld [tilespmem:s13+$0xFFFFFE60]  }
0x13f: {  	v7 =	vld [tilespmem:s13+$0xFFFFFEE0];
	[tilespmem:v11+s23+$0x0] =	vst.idx.msk $0xffff, v4  }
0x140: {  	v11 =	vld [tilespmem:s13+$0xFFFFFF60];
	v4 =	vmul.f32 $8.000000000e+00, v5  }
0x141: {  	s12 =	simm.s32 $0x4;
	s9 =	simm.s32 $0xE7B0;
	s14 =	simm.s32 $0x7;
	v12 =	vadd.s32 v1, v15  }
0x142: {  	v14 =	vld [tilespmem:s9+$0xFFFFFFD0];
	v13 =	vadd.s32 v1, v17;
	v5 =	vmov s12;
	[tilespmem:v6+s23+$0x0] =	vst.idx.msk $0xffff, v4;
	v6 =	vmov s14  }
0x143: {  	v16 =	vadd.s32 v1, v8;
	v4 =	vand.u32 $0x7C, v5;
	v5 =	vand.u32 $0x7F, v6;
	v18 =	vld [tilespmem:s13+$0xFFFFFFF0]  }
0x144: {  	v22 =	vadd.s32 v2, v9;
	s15 =	simm.s32 $0x5;
	v19 =	vld [tilespmem:s9+$0xFFFFFE50];
	v6 =	vmul.f32 $8.000000000e+00, v7;
	v20 =	vadd.s32 v0, v5  }
0x145: {  	s16 =	simm.s32 $0x6;
	v21 =	vld [tilespmem:s9+$0xFFFFFED0];
	v10 =	vmul.f32 $8.000000000e+00, v10;
	v7 =	vmul.f32 $8.000000000e+00, v11;
	v11 =	vmov s15  }
0x146: {  	v23 =	vadd.s32 v0, v4;
	[tilespmem:v12+s23+$0x0] =	vst.idx.msk $0xffff, v6;
	v12 =	vmov s16;
	v6 =	vand.u32 $0x7D, v11;
	v11 =	vld [tilespmem:s9+$0xFFFFFF50]  }
0x147: {  	[tilespmem:v13+s23+$0x0] =	vst.idx.msk $0xffff, v7;
	v13 =	vadd.s32 v0, v6;
	v7 =	vand.u32 $0x7E, v12;
	v12 =	vmul.f32 $8.000000000e+00, v14;
	v14 =	vld [tilespmem:s13+$0xFFFFFEF0]  }
0x148: {  	[tilespmem:v16+s23+$0x0] =	vst.idx.msk $0xffff, v10;
	v10 =	vadd.s32 v0, v7;
	v16 =	vld [tilespmem:s13+$0xFFFFFF70];
	v18 =	vmul.f32 $8.000000000e+00, v18  }
0x149: {  	v19 =	vmul.f32 $8.000000000e+00, v19;
	[tilespmem:v20+s23+$0x0] =	vst.idx.msk $0xffff, v12;
	v12 =	vld [tilespmem:s13+$0xFFFFFE70];
	v20 =	vadd.s32 v2, v15  }
0x14a: {  	v25 =	vadd.s32 v2, v17;
	v21 =	vmul.f32 $8.000000000e+00, v21;
	v24 =	vld [tilespmem:s9+$0xFFFFFFE0];
	[tilespmem:v22+s23+$0x0] =	vst.idx.msk $0xffff, v18  }
0x14b: {  	[tilespmem:v23+s23+$0x0] =	vst.idx.msk $0xffff, v19;
	v19 =	vadd.s32 v2, v8;
	v11 =	vmul.f32 $8.000000000e+00, v11;
	v22 =	vld [tilespmem:s13+$0x0]  }
0x14c: {  	v23 =	vld [tilespmem:s9+$0xFFFFFE60];
	[tilespmem:v13+s23+$0x0] =	vst.idx.msk $0xffff, v21;
	v21 =	vadd.s32 v1, v5;
	v14 =	vmul.f32 $8.000000000e+00, v14  }
0x14d: {  	v27 =	vadd.s32 v3, v9;
	v26 =	vld [tilespmem:s9+$0xFFFFFEE0];
	[tilespmem:v10+s23+$0x0] =	vst.idx.msk $0xffff, v11;
	v10 =	vmul.f32 $8.000000000e+00, v16  }
0x14e: {  	v18 =	vadd.s32 v1, v4;
	v13 =	vld [tilespmem:s9+$0xFFFFFF60];
	v9 =	vmul.f32 $8.000000000e+00, v12;
	[tilespmem:v20+s23+$0x0] =	vst.idx.msk $0xffff, v14  }
0x14f: {  	s12 =	simm.s32 $0x8;
	v16 =	vadd.s32 v1, v6;
	[tilespmem:v25+s23+$0x0] =	vst.idx.msk $0xffff, v10;
	v14 =	vmul.f32 $8.000000000e+00, v24;
	v12 =	vld [tilespmem:s13+$0xFFFFFF00]  }
0x150: {  	v20 =	vmov s12;
	v10 =	vadd.s32 v1, v7;
	v11 =	vld [tilespmem:s13+$0xFFFFFF80];
	[tilespmem:v19+s23+$0x0] =	vst.idx.msk $0xffff, v9;
	v63 =	vmul.f32 $8.000000000e+00, v22  }
0x151: {  	s11 =	simm.s32 $0xE9B0;
	s21 =	simm.s32 $0xB;
	v15 =	vadd.s32 v3, v15;
	v9 =	vand.u32 $0x7C, v20;
	v20 =	vmul.f32 $8.000000000e+00, v23;
	[tilespmem:v21+s23+$0x0] =	vst.idx.msk $0xffff, v14;
	v14 =	vld [tilespmem:s13+$0xFFFFFE80]  }
0x152: {  	s8 =	simm.s32 $0xC;
	v17 =	vadd.s32 v3, v17;
	v22 =	vmov s21;
	v19 =	vld [tilespmem:s11+$0xFFFFFFD0];
	v21 =	vmul.f32 $8.000000000e+00, v26;
	[tilespmem:v27+s23+$0x0] =	vst.idx.msk $0xffff, v63  }
.LBB2_10:
0x153: {  	p0 =	slt.u32 s8, $0x7C;
	s13 =	sadd.s32 $0x1, s12;
	v22 =	vand.u32 $0x7F, v22;
	[tilespmem:v18+s23+$0x0] =	vst.idx.msk $0xffff, v20;
	v13 =	vmul.f32 $8.000000000e+00, v13;
	v18 =	vld [tilespmem:s9+$0xFFFFFFF0];
	v20 =	vadd.s32 v3, v8;
	v8 =	vmovc v4  }
0x154: {  	v4 =	vmovc v9;
	v23 =	vld [tilespmem:s11+$0xFFFFFE50];
	v24 =	vmov s13;
	s13 =	sadd.s32 $0x2, s12;
	v25 =	vadd.s32 v0, v22;
	[tilespmem:v16+s23+$0x0] =	vst.idx.msk $0xffff, v21;
	v12 =	vmul.f32 $8.000000000e+00, v12;
	s12 =	smov.u32 s8  }
0x155: {  	v9 =	vld [tilespmem:s11+$0xFFFFFED0];
	v16 =	vmov s13;
	[tilespmem:v10+s23+$0x0] =	vst.idx.msk $0xffff, v13;
	v10 =	vadd.s32 v2, v5;
	v11 =	vmul.f32 $8.000000000e+00, v11  }
0x156: {  	v13 =	vadd.s32 v0, v4;
	v21 =	vand.u32 $0x7D, v24;
	v24 =	vld [tilespmem:s11+$0xFFFFFF50];
	v14 =	vmul.f32 $8.000000000e+00, v14;
	[tilespmem:v15+s23+$0x0] =	vst.idx.msk $0xffff, v12  }
0x157: {  	v12 =	vadd.s32 v0, v21;
	v26 =	vand.u32 $0x7E, v16;
	v15 =	vmul.f32 $8.000000000e+00, v19;
	v16 =	vld [tilespmem:s9+$0xFFFFFEF0];
	[tilespmem:v17+s23+$0x0] =	vst.idx.msk $0xffff, v11  }
0x158: {  	v11 =	vadd.s32 v0, v26;
	v17 =	vld [tilespmem:s9+$0xFFFFFF70];
	v18 =	vmul.f32 $8.000000000e+00, v18;
	[tilespmem:v20+s23+$0x0] =	vst.idx.msk $0xffff, v14  }
0x159: {  	v19 =	vadd.s32 v2, v6;
	v14 =	vmul.f32 $8.000000000e+00, v23;
	[tilespmem:v25+s23+$0x0] =	vst.idx.msk $0xffff, v15;
	v15 =	vld [tilespmem:s9+$0xFFFFFE70]  }
0x15a: {  	v23 =	vadd.s32 v2, v7;
	v9 =	vmul.f32 $8.000000000e+00, v9;
	v20 =	vld [tilespmem:s11+$0xFFFFFFE0];
	[tilespmem:v10+s23+$0x0] =	vst.idx.msk $0xffff, v18  }
0x15b: {  	[tilespmem:v13+s23+$0x0] =	vst.idx.msk $0xffff, v14;
	v10 =	vmul.f32 $8.000000000e+00, v24;
	v14 =	vadd.s32 v2, v8;
	v24 =	vld [tilespmem:s9+$0x0]  }
0x15c: {  	v27 =	vadd.s32 v1, v22;
	v25 =	vld [tilespmem:s11+$0xFFFFFE60];
	[tilespmem:v12+s23+$0x0] =	vst.idx.msk $0xffff, v9;
	v9 =	vmul.f32 $8.000000000e+00, v16  }
0x15d: {  	v29 =	vadd.s32 v3, v5;
	v5 =	vmov v22;
	v28 =	vld [tilespmem:s11+$0xFFFFFEE0];
	[tilespmem:v11+s23+$0x0] =	vst.idx.msk $0xffff, v10;
	v10 =	vmul.f32 $8.000000000e+00, v17  }
.Ltmp4:
0x15e: {  	v18 =	vadd.s32 v1, v4;
	v13 =	vld [tilespmem:s11+$0xFFFFFF60];
	v11 =	vmul.f32 $8.000000000e+00, v15;
	[tilespmem:v19+s23+$0x0] =	vst.idx.msk $0xffff, v9;
	(pc) =	sbr.rel @p0 .LBB2_10-.Ltmp4, $4  }
0x15f: {  	v16 =	vadd.s32 v1, v21;
	v15 =	vmul.f32 $8.000000000e+00, v20;
	v12 =	vld [tilespmem:s9+$0xFFFFFF00];
	[tilespmem:v23+s23+$0x0] =	vst.idx.msk $0xffff, v10  }
0x160: {  	v9 =	vmov s8;
	v10 =	vadd.s32 v1, v26;
	[tilespmem:v14+s23+$0x0] =	vst.idx.msk $0xffff, v11;
	v11 =	vld [tilespmem:s9+$0xFFFFFF80];
	v23 =	vmul.f32 $8.000000000e+00, v24  }
0x161: {  	s13 =	sadd.s32 $0x3, s8;
	v9 =	vand.u32 $0x7C, v9;
	v20 =	vmul.f32 $8.000000000e+00, v25;
	[tilespmem:v27+s23+$0x0] =	vst.idx.msk $0xffff, v15;
	v14 =	vld [tilespmem:s9+$0xFFFFFE80];
	v15 =	vadd.s32 v3, v6;
	v6 =	vmovc v21;
	s9 =	smov.u32 s11;
	s11 =	sadd.s32 $0x200, s11  }
0x162: {  	v22 =	vmov s13;
	v17 =	vadd.s32 v3, v7;
	v7 =	vmovc v26;
	s8 =	sadd.s32 $0x4, s8;
	v19 =	vld [tilespmem:s11+$0xFFFFFFD0];
	v21 =	vmul.f32 $8.000000000e+00, v28;
	[tilespmem:v29+s23+$0x0] =	vst.idx.msk $0xffff, v23  }
0x163: {  	s8 =	sadd.s32 $0x1, s12;
	v22 =	vand.u32 $0x7F, v22;
	v28 =	vld [tilespmem:s11+$0xFFFFFE50]  }
0x164: {  	s21 =	sadd.s32 $0x2, s12;
	v24 =	vld [tilespmem:s11+$0xFFFFFED0];
	v23 =	vmov s8;
	v25 =	vadd.s32 v0, v22  }
0x165: {  	v27 =	vld [tilespmem:s11+$0xFFFFFF50];
	v51 =	vadd.s32 v0, v9;
	v26 =	vmov s21;
	v23 =	vand.u32 $0x7D, v23  }
0x166: {  	v26 =	vand.u32 $0x7E, v26;
	v29 =	vadd.s32 v0, v23  }
0x167: {  	[tilespmem:v18+s23+$0x0] =	vst.idx.msk $0xffff, v20;
	v30 =	vadd.s32 v0, v26;
	v19 =	vmul.f32 $8.000000000e+00, v19  }
0x168: {  	[tilespmem:v16+s23+$0x0] =	vst.idx.msk $0xffff, v21;
	v54 =	vmul.f32 $8.000000000e+00, v28  }
0x169: {  	v52 =	vmul.f32 $8.000000000e+00, v24;
	[tilespmem:v25+s23+$0x0] =	vst.idx.msk $0xffff, v19  }
0x16a: {  	v53 =	vmul.f32 $8.000000000e+00, v27;
	v55 =	vld [tilespmem:s11+$0xFFFFFFE0];
	[tilespmem:v51+s23+$0x0] =	vst.idx.msk $0xffff, v54  }
0x16b: {  	v13 =	vmul.f32 $8.000000000e+00, v13;
	v8 =	vadd.s32 v3, v8;
	[tilespmem:v29+s23+$0x0] =	vst.idx.msk $0xffff, v52;
	v59 =	vld [tilespmem:s11+$0xFFFFFE60]  }
0x16c: {  	v12 =	vmul.f32 $8.000000000e+00, v12;
	v57 =	vadd.s32 v1, v22;
	[tilespmem:v30+s23+$0x0] =	vst.idx.msk $0xffff, v53;
	v56 =	vld [tilespmem:s11+$0xFFFFFEE0]  }
0x16d: {  	[tilespmem:v10+s23+$0x0] =	vst.idx.msk $0xffff, v13;
	v58 =	vmul.f32 $8.000000000e+00, v11;
	v28 =	vadd.s32 v1, v9;
	v19 =	vld [tilespmem:s11+$0xFFFFFF60]  }
0x16e: {  	v61 =	vld [tilespmem:s9+$0xFFFFFFF0];
	v60 =	vadd.s32 v1, v23;
	v14 =	vmul.f32 $8.000000000e+00, v14;
	[tilespmem:v15+s23+$0x0] =	vst.idx.msk $0xffff, v12  }
0x16f: {  	v32 =	vld [tilespmem:s9+$0xFFFFFE70];
	v62 =	vadd.s32 v1, v26;
	[tilespmem:v17+s23+$0x0] =	vst.idx.msk $0xffff, v58;
	v16 =	vmul.f32 $8.000000000e+00, v55  }
0x170: {  	[tilespmem:v8+s23+$0x0] =	vst.idx.msk $0xffff, v14;
	v29 =	vadd.s32 v2, v5;
	v30 =	vld [tilespmem:s9+$0xFFFFFF70];
	v11 =	vmul.f32 $8.000000000e+00, v59  }
0x171: {  	v38 =	vadd.s32 v2, v4;
	v63 =	vld [tilespmem:s9+$0xFFFFFEF0];
	v31 =	vmul.f32 $8.000000000e+00, v56;
	[tilespmem:v57+s23+$0x0] =	vst.idx.msk $0xffff, v16  }
0x172: {  	v35 =	vadd.s32 v2, v7;
	v34 =	vmul.f32 $8.000000000e+00, v19;
	v36 =	vld [tilespmem:s11+$0xFFFFFFF0];
	[tilespmem:v28+s23+$0x0] =	vst.idx.msk $0xffff, v11  }
0x173: {  	v33 =	vadd.s32 v2, v6;
	v37 =	vmul.f32 $8.000000000e+00, v61;
	[tilespmem:v60+s23+$0x0] =	vst.idx.msk $0xffff, v31;
	v43 =	vld [tilespmem:s11+$0xFFFFFE70]  }
0x174: {  	v40 =	vadd.s32 v2, v22;
	v14 =	vmul.f32 $8.000000000e+00, v32;
	[tilespmem:v62+s23+$0x0] =	vst.idx.msk $0xffff, v34;
	v39 =	vld [tilespmem:s11+$0xFFFFFEF0]  }
0x175: {  	v48 =	vadd.s32 v2, v9;
	[tilespmem:v29+s23+$0x0] =	vst.idx.msk $0xffff, v37;
	v42 =	vmul.f32 $8.000000000e+00, v30;
	v41 =	vld [tilespmem:s11+$0xFFFFFF70]  }
0x176: {  	v44 =	vadd.s32 v2, v23;
	v15 =	vmul.f32 $8.000000000e+00, v63;
	[tilespmem:v38+s23+$0x0] =	vst.idx.msk $0xffff, v14;
	v45 =	vld [tilespmem:s9+$0x0]  }
0x177: {  	v46 =	vadd.s32 v2, v26;
	v14 =	vld [tilespmem:s9+$0xFFFFFE80];
	[tilespmem:v35+s23+$0x0] =	vst.idx.msk $0xffff, v42;
	v47 =	vmul.f32 $8.000000000e+00, v36  }
0x178: {  	v5 =	vadd.s32 v3, v5;
	[tilespmem:v33+s23+$0x0] =	vst.idx.msk $0xffff, v15;
	v49 =	vld [tilespmem:s9+$0xFFFFFF80];
	v53 =	vmul.f32 $8.000000000e+00, v43  }
0x179: {  	v4 =	vadd.s32 v3, v4;
	v21 =	vld [tilespmem:s9+$0xFFFFFF00];
	v12 =	vmul.f32 $8.000000000e+00, v39;
	[tilespmem:v40+s23+$0x0] =	vst.idx.msk $0xffff, v47  }
0x17a: {  	v52 =	vadd.s32 v3, v7;
	v51 =	vmul.f32 $8.000000000e+00, v41;
	v10 =	vld [tilespmem:s11+$0x0];
	[tilespmem:v48+s23+$0x0] =	vst.idx.msk $0xffff, v53  }
0x17b: {  	v50 =	vadd.s32 v3, v6;
	v54 =	vmul.f32 $8.000000000e+00, v45;
	[tilespmem:v44+s23+$0x0] =	vst.idx.msk $0xffff, v12;
	v59 =	vld [tilespmem:s11+$0xFFFFFE80]  }
0x17c: {  	v57 =	vadd.s32 v3, v22;
	v14 =	vmul.f32 $8.000000000e+00, v14;
	[tilespmem:v46+s23+$0x0] =	vst.idx.msk $0xffff, v51;
	v55 =	vld [tilespmem:s11+$0xFFFFFF00]  }
0x17d: {  	v62 =	vadd.s32 v3, v9;
	[tilespmem:v5+s23+$0x0] =	vst.idx.msk $0xffff, v54;
	v5 =	vmul.f32 $8.000000000e+00, v49;
	v58 =	vld [tilespmem:s11+$0xFFFFFF80]  }
0x17e: {  	v56 =	vmul.f32 $8.000000000e+00, v21;
	v60 =	vadd.s32 v3, v23;
	[tilespmem:v4+s23+$0x0] =	vst.idx.msk $0xffff, v14  }
0x17f: {  	v61 =	vadd.s32 v3, v26;
	[tilespmem:v52+s23+$0x0] =	vst.idx.msk $0xffff, v5;
	v5 =	vmul.f32 $8.000000000e+00, v10  }
0x180: {  	[tilespmem:v50+s23+$0x0] =	vst.idx.msk $0xffff, v56;
	v63 =	vmul.f32 $8.000000000e+00, v59  }
0x181: {  	v4 =	vmul.f32 $8.000000000e+00, v55;
	[tilespmem:v57+s23+$0x0] =	vst.idx.msk $0xffff, v5  }
0x182: {  	v5 =	vmul.f32 $8.000000000e+00, v58;
	[tilespmem:v62+s23+$0x0] =	vst.idx.msk $0xffff, v63  }
0x183: {  	[tilespmem:v60+s23+$0x0] =	vst.idx.msk $0xffff, v4  }
0x184: {  	[tilespmem:v61+s23+$0x0] =	vst.idx.msk $0xffff, v5  }
0x185: {  	s9 =	simm.s32 $0x1A800;
	s14 =	rddreg [dreg:$0x6]  }
0x186: {  	[hbm4b:s14+s3] =	stream.linear.scatter [tilespmem:s9], [sflag:$0x7], $0x80, $0x38;
	[tilespmem:$0x1EC00] =	vst v63  }
0x187: {  	s11 =	simm.s32 $0x1A888;
	s12 =	sadd.s32 $0x10, s14  }
0x188: {  	[hbm4b:s12+s3] =	stream.linear.scatter [tilespmem:s11], [sflag:$0x7], $0x80, $0x38;
	[tilespmem:$0x1EC00] =	vst v63  }
0x189: {  	s13 =	simm.s32 $0x1A910;
	s16 =	simm.s32 $0x1A998;
	s15 =	sadd.s32 $0x20, s14  }
0x18a: {  	[hbm4b:s15+s3] =	stream.linear.scatter [tilespmem:s13], [sflag:$0x7], $0x80, $0x38;
	[tilespmem:$0x1EC00] =	vst v63  }
0x18b: {  	s8 =	simm.s32 $0x440;
	s21 =	sadd.s32 $0x30, s14;
	s9 =	sadd.s32 $0x1000, s14  }
0x18c: {  	[hbm4b:s21+s3] =	stream.linear.scatter [tilespmem:s16], [sflag:$0x7], $0x80, $0x38;
	[tilespmem:$0x1EC00] =	vst v63  }
0x18d: {  	s11 =	simm.s32 $0x1AA20;
	s12 =	sadd.s32 $0x40, s14;
	s13 =	simm.s32 $0x1AAA8  }
0x18e: {  	[hbm4b:s12+s3] =	stream.linear.scatter [tilespmem:s11], [sflag:$0x7], $0x80, $0x38;
	[tilespmem:$0x1EC00] =	vst v63  }
0x18f: {  	s15 =	sadd.s32 $0x50, s14;
	s16 =	simm.s32 $0x1AB30;
	s21 =	sadd.s32 $0x60, s14  }
0x190: {  	[hbm4b:s15+s3] =	stream.linear.scatter [tilespmem:s13], [sflag:$0x7], $0x80, $0x38;
	[tilespmem:$0x1EC00] =	vst v63  }
0x191: {  	s11 =	simm.s32 $0x2200;
	s12 =	simm.s32 $0x1ABB8;
	s13 =	sadd.s32 $0x70, s14  }
0x192: {  	[hbm4b:s21+s3] =	stream.linear.scatter [tilespmem:s16], [sflag:$0x7], $0x80, $0x38;
	[tilespmem:$0x1EC00] =	vst v63  }
.LBB2_12:
0x193: {  	[hbm4b:s13+s3] =	stream.linear.scatter [tilespmem:s12], [sflag:$0x7], $0x80, $0x38;
	[tilespmem:$0x1EC00] =	vst v63  }
0x194: {  	s12 =	smov.u32 s8;
	s8 =	smov.u32 s11  }
0x195: {  	s14 =	sadd.s32 $0x1100, s11;
	s8 =	sshra.s32 s8, $0x2;
	s13 =	sadd.s32 $0x1A800, s12  }
0x196: {  	[hbm4b:s9+s3] =	stream.linear.scatter [tilespmem:s13], [sflag:$0x7], $0x80, $0x38;
	[tilespmem:$0x1EC00] =	vst v63  }
0x197: {  	p0 =	sne.s32 s11, $0x7700;
	s11 =	sadd.s32 $0x1A888, s12;
	s13 =	sadd.s32 $0x10, s9  }
0x198: {  	[hbm4b:s13+s3] =	stream.linear.scatter [tilespmem:s11], [sflag:$0x7], $0x80, $0x38;
	[tilespmem:$0x1EC00] =	vst v63  }
0x199: {  	s11 =	sadd.s32 $0x1A910, s12;
	s13 =	sadd.s32 $0x20, s9  }
0x19a: {  	[hbm4b:s13+s3] =	stream.linear.scatter [tilespmem:s11], [sflag:$0x7], $0x80, $0x38;
	[tilespmem:$0x1EC00] =	vst v63  }
0x19b: {  	s11 =	sadd.s32 $0x1A998, s12;
	s13 =	sadd.s32 $0x30, s9  }
0x19c: {  	[hbm4b:s13+s3] =	stream.linear.scatter [tilespmem:s11], [sflag:$0x7], $0x80, $0x38;
	[tilespmem:$0x1EC00] =	vst v63  }
0x19d: {  	s11 =	sadd.s32 $0x1AA20, s12;
	s13 =	sadd.s32 $0x40, s9  }
0x19e: {  	[hbm4b:s13+s3] =	stream.linear.scatter [tilespmem:s11], [sflag:$0x7], $0x80, $0x38;
	[tilespmem:$0x1EC00] =	vst v63  }
.Ltmp5:
0x19f: {  	s11 =	sadd.s32 $0x1AAA8, s12;
	s13 =	sadd.s32 $0x50, s9;
	(pc) =	sbr.rel @p0 .LBB2_12-.Ltmp5, $4  }
0x1a0: {  	[hbm4b:s13+s3] =	stream.linear.scatter [tilespmem:s11], [sflag:$0x7], $0x80, $0x38;
	[tilespmem:$0x1EC00] =	vst v63  }
0x1a1: {  	s11 =	sadd.s32 $0x1AB30, s12;
	s13 =	sadd.s32 $0x60, s9;
	s12 =	sadd.s32 $0x1ABB8, s12  }
0x1a2: {  	[hbm4b:s13+s3] =	stream.linear.scatter [tilespmem:s11], [sflag:$0x7], $0x80, $0x38;
	[tilespmem:$0x1EC00] =	vst v63  }
0x1a3: {  	s13 =	sadd.s32 $0x70, s9;
	s9 =	sadd.s32 $0x1000, s9;
	s11 =	smov.u32 s14  }
0x1a4: {  	[hbm4b:s13+s3] =	stream.linear.scatter [tilespmem:s12], [sflag:$0x7], $0x80, $0x38;
	[tilespmem:$0x1EC00] =	vst v63  }
0x1a5: {  	s11 =	sadd.s32 $0x1A800, s8  }
0x1a6: {  	[hbm4b:s9+s3] =	stream.linear.scatter [tilespmem:s11], [sflag:$0x7], $0x80, $0x38;
	[tilespmem:$0x1EC00] =	vst v63  }
0x1a7: {  	s12 =	sadd.s32 $0x1A888, s8;
	s13 =	sadd.s32 $0x10, s9  }
0x1a8: {  	[hbm4b:s13+s3] =	stream.linear.scatter [tilespmem:s12], [sflag:$0x7], $0x80, $0x38;
	[tilespmem:$0x1EC00] =	vst v63  }
0x1a9: {  	s14 =	sadd.s32 $0x1A910, s8;
	s15 =	sadd.s32 $0x20, s9  }
0x1aa: {  	[hbm4b:s15+s3] =	stream.linear.scatter [tilespmem:s14], [sflag:$0x7], $0x80, $0x38;
	[tilespmem:$0x1EC00] =	vst v63  }
0x1ab: {  	s16 =	sadd.s32 $0x1A998, s8;
	s21 =	sadd.s32 $0x30, s9  }
0x1ac: {  	[hbm4b:s21+s3] =	stream.linear.scatter [tilespmem:s16], [sflag:$0x7], $0x80, $0x38;
	[tilespmem:$0x1EC00] =	vst v63  }
0x1ad: {  	s12 =	sadd.s32 $0x1AA20, s8;
	s13 =	sadd.s32 $0x40, s9  }
0x1ae: {  	[hbm4b:s13+s3] =	stream.linear.scatter [tilespmem:s12], [sflag:$0x7], $0x80, $0x38;
	[tilespmem:$0x1EC00] =	vst v63  }
0x1af: {  	s14 =	sadd.s32 $0x1AAA8, s8;
	s15 =	sadd.s32 $0x50, s9  }
0x1b0: {  	[hbm4b:s15+s3] =	stream.linear.scatter [tilespmem:s14], [sflag:$0x7], $0x80, $0x38;
	[tilespmem:$0x1EC00] =	vst v63  }
0x1b1: {  	s16 =	sadd.s32 $0x1AB30, s8;
	s21 =	sadd.s32 $0x60, s9  }
0x1b2: {  	[hbm4b:s21+s3] =	stream.linear.scatter [tilespmem:s16], [sflag:$0x7], $0x80, $0x38;
	[tilespmem:$0x1EC00] =	vst v63  }
0x1b3: {  	s13 =	sadd.s32 $0x1ABB8, s8;
	s14 =	sadd.s32 $0x70, s9  }
0x1b4: {  	[hbm4b:s14+s3] =	stream.linear.scatter [tilespmem:s13], [sflag:$0x7], $0x80, $0x38;
	[tilespmem:$0x1EC00] =	vst v63  }
0x1b5: {  	_ =	swait.ge [sflag:s28], $0x2000  }
0x1b6: {  	[sflag:s28] =	ssyncset.done $0x0  }
0x1b7: {  	s15 =	simm.s32 $0x280;
	[sflag:s28] =	ssyncadd.s32 $0xFFFFE000  }
0x1b8: {  	[tilespmem:s22], [sflag:$0x2] =	stream.indirect.gather [hbm4b:s4+s18], $0x80, s15, s18, $0xb8;
	[tilespmem:$0x1EC00] =	vst v63  }
0x1b9: {  	_ =	swait.ge [sflag:s0], $0x4000  }
0x1ba: {  	[sflag:s0] =	ssyncset.done $0x0  }
0x1bb: {  	s16 =	simm.s32 $0x3;
	s13 =	simm.s32 $0x125B0;
	[sflag:s0] =	ssyncadd.s32 $0xFFFFC000  }
0x1bc: {  	v4 =	vmov s16;
	v5 =	vld [tilespmem:s13+$0xFFFFFFD0]  }
0x1bd: {  	v9 =	vand.u32 $0x7F, v4  }
0x1be: {  	s21 =	simm.s32 $0x0;
	v4 =	vadd.s32 v0, v9  }
0x1bf: {  	s11 =	simm.s32 $0x2;
	s9 =	simm.s32 $0x1;
	v6 =	vmov s21;
	v7 =	vld [tilespmem:s13+$0xFFFFFE50]  }
0x1c0: {  	v11 =	vmov s11;
	v8 =	vand.u32 $0x7C, v6;
	v6 =	vmov s9;
	v10 =	vld [tilespmem:s13+$0xFFFFFED0]  }
0x1c1: {  	v12 =	vadd.s32 v0, v8;
	v15 =	vand.u32 $0x7D, v6;
	v6 =	vld [tilespmem:s13+$0xFFFFFF50];
	v5 =	vmul.f32 $8.000000000e+00, v5  }
0x1c2: {  	v17 =	vand.u32 $0x7E, v11;
	v13 =	vadd.s32 v0, v15  }
0x1c3: {  	v11 =	vadd.s32 v0, v17;
	[tilespmem:v4+s5+$0x0] =	vst.idx.msk $0xffff, v5  }
0x1c4: {  	v4 =	vmul.f32 $8.000000000e+00, v7;
	v5 =	vld [tilespmem:s13+$0xFFFFFFE0]  }
0x1c5: {  	v7 =	vmul.f32 $8.000000000e+00, v10  }
0x1c6: {  	[tilespmem:v12+s5+$0x0] =	vst.idx.msk $0xffff, v4;
	v4 =	vmul.f32 $8.000000000e+00, v6;
	v6 =	vadd.s32 v1, v9  }
0x1c7: {  	[tilespmem:v13+s5+$0x0] =	vst.idx.msk $0xffff, v7;
	v10 =	vld [tilespmem:s13+$0xFFFFFE60]  }
0x1c8: {  	v7 =	vld [tilespmem:s13+$0xFFFFFEE0];
	[tilespmem:v11+s5+$0x0] =	vst.idx.msk $0xffff, v4  }
0x1c9: {  	v11 =	vld [tilespmem:s13+$0xFFFFFF60];
	v4 =	vmul.f32 $8.000000000e+00, v5  }
0x1ca: {  	s12 =	simm.s32 $0x4;
	s14 =	simm.s32 $0x7;
	s9 =	simm.s32 $0x127B0;
	v12 =	vadd.s32 v1, v15  }
0x1cb: {  	v14 =	vld [tilespmem:s9+$0xFFFFFFD0];
	v13 =	vadd.s32 v1, v17;
	v5 =	vmov s12;
	[tilespmem:v6+s5+$0x0] =	vst.idx.msk $0xffff, v4;
	v6 =	vmov s14  }
0x1cc: {  	v16 =	vadd.s32 v1, v8;
	v4 =	vand.u32 $0x7C, v5;
	v5 =	vand.u32 $0x7F, v6;
	v18 =	vld [tilespmem:s13+$0xFFFFFFF0]  }
0x1cd: {  	v22 =	vadd.s32 v2, v9;
	s15 =	simm.s32 $0x5;
	v19 =	vld [tilespmem:s9+$0xFFFFFE50];
	v6 =	vmul.f32 $8.000000000e+00, v7;
	v20 =	vadd.s32 v0, v5  }
0x1ce: {  	s16 =	simm.s32 $0x6;
	v21 =	vld [tilespmem:s9+$0xFFFFFED0];
	v10 =	vmul.f32 $8.000000000e+00, v10;
	v7 =	vmul.f32 $8.000000000e+00, v11;
	v11 =	vmov s15  }
0x1cf: {  	v23 =	vadd.s32 v0, v4;
	[tilespmem:v12+s5+$0x0] =	vst.idx.msk $0xffff, v6;
	v12 =	vmov s16;
	v6 =	vand.u32 $0x7D, v11;
	v11 =	vld [tilespmem:s9+$0xFFFFFF50]  }
0x1d0: {  	[tilespmem:v13+s5+$0x0] =	vst.idx.msk $0xffff, v7;
	v13 =	vadd.s32 v0, v6;
	v7 =	vand.u32 $0x7E, v12;
	v12 =	vmul.f32 $8.000000000e+00, v14;
	v14 =	vld [tilespmem:s13+$0xFFFFFEF0]  }
0x1d1: {  	[tilespmem:v16+s5+$0x0] =	vst.idx.msk $0xffff, v10;
	v10 =	vadd.s32 v0, v7;
	v16 =	vld [tilespmem:s13+$0xFFFFFF70];
	v18 =	vmul.f32 $8.000000000e+00, v18  }
0x1d2: {  	v19 =	vmul.f32 $8.000000000e+00, v19;
	[tilespmem:v20+s5+$0x0] =	vst.idx.msk $0xffff, v12;
	v12 =	vld [tilespmem:s13+$0xFFFFFE70];
	v20 =	vadd.s32 v2, v15  }
0x1d3: {  	v25 =	vadd.s32 v2, v17;
	v21 =	vmul.f32 $8.000000000e+00, v21;
	v24 =	vld [tilespmem:s9+$0xFFFFFFE0];
	[tilespmem:v22+s5+$0x0] =	vst.idx.msk $0xffff, v18  }
0x1d4: {  	[tilespmem:v23+s5+$0x0] =	vst.idx.msk $0xffff, v19;
	v19 =	vadd.s32 v2, v8;
	v11 =	vmul.f32 $8.000000000e+00, v11;
	v22 =	vld [tilespmem:s13+$0x0]  }
0x1d5: {  	v23 =	vld [tilespmem:s9+$0xFFFFFE60];
	[tilespmem:v13+s5+$0x0] =	vst.idx.msk $0xffff, v21;
	v21 =	vadd.s32 v1, v5;
	v14 =	vmul.f32 $8.000000000e+00, v14  }
0x1d6: {  	v27 =	vadd.s32 v3, v9;
	v26 =	vld [tilespmem:s9+$0xFFFFFEE0];
	[tilespmem:v10+s5+$0x0] =	vst.idx.msk $0xffff, v11;
	v10 =	vmul.f32 $8.000000000e+00, v16  }
0x1d7: {  	v18 =	vadd.s32 v1, v4;
	v13 =	vld [tilespmem:s9+$0xFFFFFF60];
	v9 =	vmul.f32 $8.000000000e+00, v12;
	[tilespmem:v20+s5+$0x0] =	vst.idx.msk $0xffff, v14  }
0x1d8: {  	s12 =	simm.s32 $0x8;
	v16 =	vadd.s32 v1, v6;
	[tilespmem:v25+s5+$0x0] =	vst.idx.msk $0xffff, v10;
	v14 =	vmul.f32 $8.000000000e+00, v24;
	v12 =	vld [tilespmem:s13+$0xFFFFFF00]  }
0x1d9: {  	v20 =	vmov s12;
	v10 =	vadd.s32 v1, v7;
	v11 =	vld [tilespmem:s13+$0xFFFFFF80];
	[tilespmem:v19+s5+$0x0] =	vst.idx.msk $0xffff, v9;
	v63 =	vmul.f32 $8.000000000e+00, v22  }
0x1da: {  	s11 =	simm.s32 $0x129B0;
	s21 =	simm.s32 $0xB;
	v15 =	vadd.s32 v3, v15;
	v9 =	vand.u32 $0x7C, v20;
	v20 =	vmul.f32 $8.000000000e+00, v23;
	[tilespmem:v21+s5+$0x0] =	vst.idx.msk $0xffff, v14;
	v14 =	vld [tilespmem:s13+$0xFFFFFE80]  }
0x1db: {  	s8 =	simm.s32 $0xC;
	v17 =	vadd.s32 v3, v17;
	v22 =	vmov s21;
	v19 =	vld [tilespmem:s11+$0xFFFFFFD0];
	v21 =	vmul.f32 $8.000000000e+00, v26;
	[tilespmem:v27+s5+$0x0] =	vst.idx.msk $0xffff, v63  }
.LBB2_14:
0x1dc: {  	p0 =	slt.u32 s8, $0x7C;
	s13 =	sadd.s32 $0x1, s12;
	v22 =	vand.u32 $0x7F, v22;
	[tilespmem:v18+s5+$0x0] =	vst.idx.msk $0xffff, v20;
	v13 =	vmul.f32 $8.000000000e+00, v13;
	v18 =	vld [tilespmem:s9+$0xFFFFFFF0];
	v20 =	vadd.s32 v3, v8;
	v8 =	vmovc v4  }
0x1dd: {  	v4 =	vmovc v9;
	v23 =	vld [tilespmem:s11+$0xFFFFFE50];
	v24 =	vmov s13;
	s13 =	sadd.s32 $0x2, s12;
	v25 =	vadd.s32 v0, v22;
	[tilespmem:v16+s5+$0x0] =	vst.idx.msk $0xffff, v21;
	v12 =	vmul.f32 $8.000000000e+00, v12;
	s12 =	smov.u32 s8  }
0x1de: {  	v9 =	vld [tilespmem:s11+$0xFFFFFED0];
	v16 =	vmov s13;
	[tilespmem:v10+s5+$0x0] =	vst.idx.msk $0xffff, v13;
	v10 =	vadd.s32 v2, v5;
	v11 =	vmul.f32 $8.000000000e+00, v11  }
0x1df: {  	v13 =	vadd.s32 v0, v4;
	v21 =	vand.u32 $0x7D, v24;
	v24 =	vld [tilespmem:s11+$0xFFFFFF50];
	v14 =	vmul.f32 $8.000000000e+00, v14;
	[tilespmem:v15+s5+$0x0] =	vst.idx.msk $0xffff, v12  }
0x1e0: {  	v12 =	vadd.s32 v0, v21;
	v26 =	vand.u32 $0x7E, v16;
	v15 =	vmul.f32 $8.000000000e+00, v19;
	v16 =	vld [tilespmem:s9+$0xFFFFFEF0];
	[tilespmem:v17+s5+$0x0] =	vst.idx.msk $0xffff, v11  }
0x1e1: {  	v11 =	vadd.s32 v0, v26;
	v17 =	vld [tilespmem:s9+$0xFFFFFF70];
	v18 =	vmul.f32 $8.000000000e+00, v18;
	[tilespmem:v20+s5+$0x0] =	vst.idx.msk $0xffff, v14  }
0x1e2: {  	v19 =	vadd.s32 v2, v6;
	v14 =	vmul.f32 $8.000000000e+00, v23;
	[tilespmem:v25+s5+$0x0] =	vst.idx.msk $0xffff, v15;
	v15 =	vld [tilespmem:s9+$0xFFFFFE70]  }
0x1e3: {  	v23 =	vadd.s32 v2, v7;
	v9 =	vmul.f32 $8.000000000e+00, v9;
	v20 =	vld [tilespmem:s11+$0xFFFFFFE0];
	[tilespmem:v10+s5+$0x0] =	vst.idx.msk $0xffff, v18  }
0x1e4: {  	[tilespmem:v13+s5+$0x0] =	vst.idx.msk $0xffff, v14;
	v10 =	vmul.f32 $8.000000000e+00, v24;
	v14 =	vadd.s32 v2, v8;
	v24 =	vld [tilespmem:s9+$0x0]  }
0x1e5: {  	v27 =	vadd.s32 v1, v22;
	v25 =	vld [tilespmem:s11+$0xFFFFFE60];
	[tilespmem:v12+s5+$0x0] =	vst.idx.msk $0xffff, v9;
	v9 =	vmul.f32 $8.000000000e+00, v16  }
0x1e6: {  	v29 =	vadd.s32 v3, v5;
	v5 =	vmov v22;
	v28 =	vld [tilespmem:s11+$0xFFFFFEE0];
	[tilespmem:v11+s5+$0x0] =	vst.idx.msk $0xffff, v10;
	v10 =	vmul.f32 $8.000000000e+00, v17  }
.Ltmp6:
0x1e7: {  	v18 =	vadd.s32 v1, v4;
	v13 =	vld [tilespmem:s11+$0xFFFFFF60];
	v11 =	vmul.f32 $8.000000000e+00, v15;
	[tilespmem:v19+s5+$0x0] =	vst.idx.msk $0xffff, v9;
	(pc) =	sbr.rel @p0 .LBB2_14-.Ltmp6, $4  }
0x1e8: {  	v16 =	vadd.s32 v1, v21;
	v15 =	vmul.f32 $8.000000000e+00, v20;
	v12 =	vld [tilespmem:s9+$0xFFFFFF00];
	[tilespmem:v23+s5+$0x0] =	vst.idx.msk $0xffff, v10  }
0x1e9: {  	v9 =	vmov s8;
	v10 =	vadd.s32 v1, v26;
	[tilespmem:v14+s5+$0x0] =	vst.idx.msk $0xffff, v11;
	v11 =	vld [tilespmem:s9+$0xFFFFFF80];
	v23 =	vmul.f32 $8.000000000e+00, v24  }
0x1ea: {  	s13 =	sadd.s32 $0x3, s8;
	v9 =	vand.u32 $0x7C, v9;
	v20 =	vmul.f32 $8.000000000e+00, v25;
	[tilespmem:v27+s5+$0x0] =	vst.idx.msk $0xffff, v15;
	v14 =	vld [tilespmem:s9+$0xFFFFFE80];
	v15 =	vadd.s32 v3, v6;
	v6 =	vmovc v21;
	s9 =	smov.u32 s11;
	s11 =	sadd.s32 $0x200, s11  }
0x1eb: {  	v22 =	vmov s13;
	v17 =	vadd.s32 v3, v7;
	v7 =	vmovc v26;
	s8 =	sadd.s32 $0x4, s8;
	v19 =	vld [tilespmem:s11+$0xFFFFFFD0];
	v21 =	vmul.f32 $8.000000000e+00, v28;
	[tilespmem:v29+s5+$0x0] =	vst.idx.msk $0xffff, v23  }
0x1ec: {  	s8 =	sadd.s32 $0x1, s12;
	v22 =	vand.u32 $0x7F, v22;
	v28 =	vld [tilespmem:s11+$0xFFFFFE50]  }
0x1ed: {  	s21 =	sadd.s32 $0x2, s12;
	v24 =	vld [tilespmem:s11+$0xFFFFFED0];
	v23 =	vmov s8;
	v25 =	vadd.s32 v0, v22  }
0x1ee: {  	v27 =	vld [tilespmem:s11+$0xFFFFFF50];
	v51 =	vadd.s32 v0, v9;
	v26 =	vmov s21;
	v23 =	vand.u32 $0x7D, v23  }
0x1ef: {  	v26 =	vand.u32 $0x7E, v26;
	v29 =	vadd.s32 v0, v23  }
0x1f0: {  	[tilespmem:v18+s5+$0x0] =	vst.idx.msk $0xffff, v20;
	v30 =	vadd.s32 v0, v26;
	v19 =	vmul.f32 $8.000000000e+00, v19  }
0x1f1: {  	[tilespmem:v16+s5+$0x0] =	vst.idx.msk $0xffff, v21;
	v54 =	vmul.f32 $8.000000000e+00, v28  }
0x1f2: {  	v52 =	vmul.f32 $8.000000000e+00, v24;
	[tilespmem:v25+s5+$0x0] =	vst.idx.msk $0xffff, v19  }
0x1f3: {  	v53 =	vmul.f32 $8.000000000e+00, v27;
	v55 =	vld [tilespmem:s11+$0xFFFFFFE0];
	[tilespmem:v51+s5+$0x0] =	vst.idx.msk $0xffff, v54  }
0x1f4: {  	v13 =	vmul.f32 $8.000000000e+00, v13;
	v8 =	vadd.s32 v3, v8;
	[tilespmem:v29+s5+$0x0] =	vst.idx.msk $0xffff, v52;
	v59 =	vld [tilespmem:s11+$0xFFFFFE60]  }
0x1f5: {  	v12 =	vmul.f32 $8.000000000e+00, v12;
	v57 =	vadd.s32 v1, v22;
	[tilespmem:v30+s5+$0x0] =	vst.idx.msk $0xffff, v53;
	v56 =	vld [tilespmem:s11+$0xFFFFFEE0]  }
0x1f6: {  	[tilespmem:v10+s5+$0x0] =	vst.idx.msk $0xffff, v13;
	v58 =	vmul.f32 $8.000000000e+00, v11;
	v28 =	vadd.s32 v1, v9;
	v19 =	vld [tilespmem:s11+$0xFFFFFF60]  }
0x1f7: {  	v61 =	vld [tilespmem:s9+$0xFFFFFFF0];
	v60 =	vadd.s32 v1, v23;
	v14 =	vmul.f32 $8.000000000e+00, v14;
	[tilespmem:v15+s5+$0x0] =	vst.idx.msk $0xffff, v12  }
0x1f8: {  	v32 =	vld [tilespmem:s9+$0xFFFFFE70];
	v62 =	vadd.s32 v1, v26;
	[tilespmem:v17+s5+$0x0] =	vst.idx.msk $0xffff, v58;
	v16 =	vmul.f32 $8.000000000e+00, v55  }
0x1f9: {  	[tilespmem:v8+s5+$0x0] =	vst.idx.msk $0xffff, v14;
	v29 =	vadd.s32 v2, v5;
	v30 =	vld [tilespmem:s9+$0xFFFFFF70];
	v11 =	vmul.f32 $8.000000000e+00, v59  }
0x1fa: {  	v38 =	vadd.s32 v2, v4;
	v63 =	vld [tilespmem:s9+$0xFFFFFEF0];
	v31 =	vmul.f32 $8.000000000e+00, v56;
	[tilespmem:v57+s5+$0x0] =	vst.idx.msk $0xffff, v16  }
0x1fb: {  	v35 =	vadd.s32 v2, v7;
	v34 =	vmul.f32 $8.000000000e+00, v19;
	v36 =	vld [tilespmem:s11+$0xFFFFFFF0];
	[tilespmem:v28+s5+$0x0] =	vst.idx.msk $0xffff, v11  }
0x1fc: {  	v33 =	vadd.s32 v2, v6;
	v37 =	vmul.f32 $8.000000000e+00, v61;
	[tilespmem:v60+s5+$0x0] =	vst.idx.msk $0xffff, v31;
	v43 =	vld [tilespmem:s11+$0xFFFFFE70]  }
0x1fd: {  	v40 =	vadd.s32 v2, v22;
	v14 =	vmul.f32 $8.000000000e+00, v32;
	[tilespmem:v62+s5+$0x0] =	vst.idx.msk $0xffff, v34;
	v39 =	vld [tilespmem:s11+$0xFFFFFEF0]  }
0x1fe: {  	v48 =	vadd.s32 v2, v9;
	[tilespmem:v29+s5+$0x0] =	vst.idx.msk $0xffff, v37;
	v42 =	vmul.f32 $8.000000000e+00, v30;
	v41 =	vld [tilespmem:s11+$0xFFFFFF70]  }
0x1ff: {  	v44 =	vadd.s32 v2, v23;
	v15 =	vmul.f32 $8.000000000e+00, v63;
	[tilespmem:v38+s5+$0x0] =	vst.idx.msk $0xffff, v14;
	v45 =	vld [tilespmem:s9+$0x0]  }
0x200: {  	v46 =	vadd.s32 v2, v26;
	v14 =	vld [tilespmem:s9+$0xFFFFFE80];
	[tilespmem:v35+s5+$0x0] =	vst.idx.msk $0xffff, v42;
	v47 =	vmul.f32 $8.000000000e+00, v36  }
0x201: {  	v5 =	vadd.s32 v3, v5;
	[tilespmem:v33+s5+$0x0] =	vst.idx.msk $0xffff, v15;
	v49 =	vld [tilespmem:s9+$0xFFFFFF80];
	v53 =	vmul.f32 $8.000000000e+00, v43  }
0x202: {  	v4 =	vadd.s32 v3, v4;
	v21 =	vld [tilespmem:s9+$0xFFFFFF00];
	v12 =	vmul.f32 $8.000000000e+00, v39;
	[tilespmem:v40+s5+$0x0] =	vst.idx.msk $0xffff, v47  }
0x203: {  	v52 =	vadd.s32 v3, v7;
	v51 =	vmul.f32 $8.000000000e+00, v41;
	v10 =	vld [tilespmem:s11+$0x0];
	[tilespmem:v48+s5+$0x0] =	vst.idx.msk $0xffff, v53  }
0x204: {  	v50 =	vadd.s32 v3, v6;
	v54 =	vmul.f32 $8.000000000e+00, v45;
	[tilespmem:v44+s5+$0x0] =	vst.idx.msk $0xffff, v12;
	v59 =	vld [tilespmem:s11+$0xFFFFFE80]  }
0x205: {  	v57 =	vadd.s32 v3, v22;
	v14 =	vmul.f32 $8.000000000e+00, v14;
	[tilespmem:v46+s5+$0x0] =	vst.idx.msk $0xffff, v51;
	v55 =	vld [tilespmem:s11+$0xFFFFFF00]  }
0x206: {  	v62 =	vadd.s32 v3, v9;
	[tilespmem:v5+s5+$0x0] =	vst.idx.msk $0xffff, v54;
	v5 =	vmul.f32 $8.000000000e+00, v49;
	v58 =	vld [tilespmem:s11+$0xFFFFFF80]  }
0x207: {  	v56 =	vmul.f32 $8.000000000e+00, v21;
	v60 =	vadd.s32 v3, v23;
	[tilespmem:v4+s5+$0x0] =	vst.idx.msk $0xffff, v14  }
0x208: {  	v61 =	vadd.s32 v3, v26;
	[tilespmem:v52+s5+$0x0] =	vst.idx.msk $0xffff, v5;
	v5 =	vmul.f32 $8.000000000e+00, v10  }
0x209: {  	[tilespmem:v50+s5+$0x0] =	vst.idx.msk $0xffff, v56;
	v63 =	vmul.f32 $8.000000000e+00, v59  }
0x20a: {  	v4 =	vmul.f32 $8.000000000e+00, v55;
	[tilespmem:v57+s5+$0x0] =	vst.idx.msk $0xffff, v5  }
0x20b: {  	v5 =	vmul.f32 $8.000000000e+00, v58;
	[tilespmem:v62+s5+$0x0] =	vst.idx.msk $0xffff, v63  }
0x20c: {  	[tilespmem:v60+s5+$0x0] =	vst.idx.msk $0xffff, v4  }
0x20d: {  	[tilespmem:v61+s5+$0x0] =	vst.idx.msk $0xffff, v5  }
0x20e: {  	s9 =	simm.s32 $0x1CA00;
	s14 =	rddreg [dreg:$0x7]  }
0x20f: {  	[hbm4b:s14+s3] =	stream.linear.scatter [tilespmem:s9], [sflag:$0x8], $0x80, $0x38;
	[tilespmem:$0x1EC00] =	vst v63  }
0x210: {  	s11 =	simm.s32 $0x1CA88;
	s12 =	sadd.s32 $0x10, s14  }
0x211: {  	[hbm4b:s12+s3] =	stream.linear.scatter [tilespmem:s11], [sflag:$0x8], $0x80, $0x38;
	[tilespmem:$0x1EC00] =	vst v63  }
0x212: {  	s13 =	simm.s32 $0x1CB10;
	s16 =	simm.s32 $0x1CB98;
	s15 =	sadd.s32 $0x20, s14  }
0x213: {  	[hbm4b:s15+s3] =	stream.linear.scatter [tilespmem:s13], [sflag:$0x8], $0x80, $0x38;
	[tilespmem:$0x1EC00] =	vst v63  }
0x214: {  	s8 =	simm.s32 $0x440;
	s21 =	sadd.s32 $0x30, s14;
	s9 =	sadd.s32 $0x1000, s14  }
0x215: {  	[hbm4b:s21+s3] =	stream.linear.scatter [tilespmem:s16], [sflag:$0x8], $0x80, $0x38;
	[tilespmem:$0x1EC00] =	vst v63  }
0x216: {  	s11 =	simm.s32 $0x1CC20;
	s12 =	sadd.s32 $0x40, s14;
	s13 =	simm.s32 $0x1CCA8  }
0x217: {  	[hbm4b:s12+s3] =	stream.linear.scatter [tilespmem:s11], [sflag:$0x8], $0x80, $0x38;
	[tilespmem:$0x1EC00] =	vst v63  }
0x218: {  	s15 =	sadd.s32 $0x50, s14;
	s16 =	simm.s32 $0x1CD30;
	s21 =	sadd.s32 $0x60, s14  }
0x219: {  	[hbm4b:s15+s3] =	stream.linear.scatter [tilespmem:s13], [sflag:$0x8], $0x80, $0x38;
	[tilespmem:$0x1EC00] =	vst v63  }
0x21a: {  	s11 =	simm.s32 $0x2200;
	s12 =	simm.s32 $0x1CDB8;
	s13 =	sadd.s32 $0x70, s14  }
0x21b: {  	[hbm4b:s21+s3] =	stream.linear.scatter [tilespmem:s16], [sflag:$0x8], $0x80, $0x38;
	[tilespmem:$0x1EC00] =	vst v63  }
.LBB2_16:
0x21c: {  	[hbm4b:s13+s3] =	stream.linear.scatter [tilespmem:s12], [sflag:$0x8], $0x80, $0x38;
	[tilespmem:$0x1EC00] =	vst v63  }
0x21d: {  	s12 =	smov.u32 s8;
	s8 =	smov.u32 s11  }
0x21e: {  	s14 =	sadd.s32 $0x1100, s11;
	s8 =	sshra.s32 s8, $0x2;
	s13 =	sadd.s32 $0x1CA00, s12  }
0x21f: {  	[hbm4b:s9+s3] =	stream.linear.scatter [tilespmem:s13], [sflag:$0x8], $0x80, $0x38;
	[tilespmem:$0x1EC00] =	vst v63  }
0x220: {  	p0 =	sne.s32 s11, $0x7700;
	s11 =	sadd.s32 $0x1CA88, s12;
	s13 =	sadd.s32 $0x10, s9  }
0x221: {  	[hbm4b:s13+s3] =	stream.linear.scatter [tilespmem:s11], [sflag:$0x8], $0x80, $0x38;
	[tilespmem:$0x1EC00] =	vst v63  }
0x222: {  	s11 =	sadd.s32 $0x1CB10, s12;
	s13 =	sadd.s32 $0x20, s9  }
0x223: {  	[hbm4b:s13+s3] =	stream.linear.scatter [tilespmem:s11], [sflag:$0x8], $0x80, $0x38;
	[tilespmem:$0x1EC00] =	vst v63  }
0x224: {  	s11 =	sadd.s32 $0x1CB98, s12;
	s13 =	sadd.s32 $0x30, s9  }
0x225: {  	[hbm4b:s13+s3] =	stream.linear.scatter [tilespmem:s11], [sflag:$0x8], $0x80, $0x38;
	[tilespmem:$0x1EC00] =	vst v63  }
0x226: {  	s11 =	sadd.s32 $0x1CC20, s12;
	s13 =	sadd.s32 $0x40, s9  }
0x227: {  	[hbm4b:s13+s3] =	stream.linear.scatter [tilespmem:s11], [sflag:$0x8], $0x80, $0x38;
	[tilespmem:$0x1EC00] =	vst v63  }
.Ltmp7:
0x228: {  	s11 =	sadd.s32 $0x1CCA8, s12;
	s13 =	sadd.s32 $0x50, s9;
	(pc) =	sbr.rel @p0 .LBB2_16-.Ltmp7, $4  }
0x229: {  	[hbm4b:s13+s3] =	stream.linear.scatter [tilespmem:s11], [sflag:$0x8], $0x80, $0x38;
	[tilespmem:$0x1EC00] =	vst v63  }
0x22a: {  	s11 =	sadd.s32 $0x1CD30, s12;
	s13 =	sadd.s32 $0x60, s9;
	s12 =	sadd.s32 $0x1CDB8, s12  }
0x22b: {  	[hbm4b:s13+s3] =	stream.linear.scatter [tilespmem:s11], [sflag:$0x8], $0x80, $0x38;
	[tilespmem:$0x1EC00] =	vst v63  }
0x22c: {  	s13 =	sadd.s32 $0x70, s9;
	s9 =	sadd.s32 $0x1000, s9;
	s11 =	smov.u32 s14  }
0x22d: {  	[hbm4b:s13+s3] =	stream.linear.scatter [tilespmem:s12], [sflag:$0x8], $0x80, $0x38;
	[tilespmem:$0x1EC00] =	vst v63  }
0x22e: {  	s11 =	sadd.s32 $0x1CA00, s8  }
0x22f: {  	[hbm4b:s9+s3] =	stream.linear.scatter [tilespmem:s11], [sflag:$0x8], $0x80, $0x38;
	[tilespmem:$0x1EC00] =	vst v63  }
0x230: {  	s14 =	sadd.s32 $0x1CA88, s8;
	s15 =	sadd.s32 $0x10, s9  }
0x231: {  	[hbm4b:s15+s3] =	stream.linear.scatter [tilespmem:s14], [sflag:$0x8], $0x80, $0x38;
	[tilespmem:$0x1EC00] =	vst v63  }
0x232: {  	s16 =	sadd.s32 $0x1CB10, s8;
	s21 =	sadd.s32 $0x20, s9  }
0x233: {  	[hbm4b:s21+s3] =	stream.linear.scatter [tilespmem:s16], [sflag:$0x8], $0x80, $0x38;
	[tilespmem:$0x1EC00] =	vst v63  }
0x234: {  	s12 =	sadd.s32 $0x1CB98, s8;
	s13 =	sadd.s32 $0x30, s9  }
0x235: {  	[hbm4b:s13+s3] =	stream.linear.scatter [tilespmem:s12], [sflag:$0x8], $0x80, $0x38;
	[tilespmem:$0x1EC00] =	vst v63  }
0x236: {  	s14 =	sadd.s32 $0x1CC20, s8;
	s15 =	sadd.s32 $0x40, s9  }
0x237: {  	[hbm4b:s15+s3] =	stream.linear.scatter [tilespmem:s14], [sflag:$0x8], $0x80, $0x38;
	[tilespmem:$0x1EC00] =	vst v63  }
0x238: {  	s16 =	sadd.s32 $0x1CCA8, s8;
	s21 =	sadd.s32 $0x50, s9  }
0x239: {  	[hbm4b:s21+s3] =	stream.linear.scatter [tilespmem:s16], [sflag:$0x8], $0x80, $0x38;
	[tilespmem:$0x1EC00] =	vst v63  }
0x23a: {  	s13 =	sadd.s32 $0x1CD30, s8;
	s14 =	sadd.s32 $0x60, s9  }
0x23b: {  	[hbm4b:s14+s3] =	stream.linear.scatter [tilespmem:s13], [sflag:$0x8], $0x80, $0x38;
	[tilespmem:$0x1EC00] =	vst v63  }
0x23c: {  	s15 =	sadd.s32 $0x1CDB8, s8;
	s16 =	sadd.s32 $0x70, s9  }
0x23d: {  	[hbm4b:s16+s3] =	stream.linear.scatter [tilespmem:s15], [sflag:$0x8], $0x80, $0x38;
	[tilespmem:$0x1EC00] =	vst v63  }
0x23e: {  	_ =	swait.ge [sflag:s17], $0x2000  }
0x23f: {  	[sflag:s17] =	ssyncset.done $0x0  }
0x240: {  	s21 =	simm.s32 $0x300;
	s9 =	simm.s32 $0x1;
	[sflag:s17] =	ssyncadd.s32 $0xFFFFE000  }
0x241: {  	[tilespmem:s24], [sflag:$0x3] =	stream.indirect.gather [hbm4b:s4+s18], $0x80, s21, s18, $0xb8;
	[tilespmem:$0x1EC00] =	vst v63  }
.LBB2_18:
0x242: {  	_ =	swait.ge [sflag:s25], $0x4000  }
0x243: {  	[sflag:s25] =	ssyncset.done $0x0  }
0x244: {  	s14 =	simm.s32 $0x6500;
	s8 =	simm.s32 $0x3;
	[sflag:s25] =	ssyncadd.s32 $0xFFFFC000  }
0x245: {  	v4 =	vmov s8;
	v5 =	vld [tilespmem:s14+$0x80]  }
0x246: {  	v9 =	vand.u32 $0x7F, v4  }
0x247: {  	s11 =	simm.s32 $0x0;
	v4 =	vadd.s32 v0, v9  }
0x248: {  	s12 =	simm.s32 $0x1;
	v6 =	vmov s11;
	s11 =	simm.s32 $0x2;
	v7 =	vld [tilespmem:s14+$0xFFFFFF00]  }
0x249: {  	v8 =	vand.u32 $0x7C, v6;
	v6 =	vmov s12;
	v11 =	vmov s11;
	v10 =	vld [tilespmem:s14+$0xFFFFFF80]  }
0x24a: {  	v12 =	vadd.s32 v0, v8;
	v15 =	vand.u32 $0x7D, v6;
	v6 =	vld [tilespmem:s14+$0x0];
	v5 =	vmul.f32 $8.000000000e+00, v5  }
0x24b: {  	v17 =	vand.u32 $0x7E, v11;
	v13 =	vadd.s32 v0, v15  }
0x24c: {  	v11 =	vadd.s32 v0, v17;
	[tilespmem:v4+s26+$0x0] =	vst.idx.msk $0xffff, v5  }
0x24d: {  	v4 =	vmul.f32 $8.000000000e+00, v7;
	v5 =	vld [tilespmem:s14+$0x90]  }
0x24e: {  	v7 =	vmul.f32 $8.000000000e+00, v10  }
0x24f: {  	[tilespmem:v12+s26+$0x0] =	vst.idx.msk $0xffff, v4;
	v4 =	vmul.f32 $8.000000000e+00, v6;
	v6 =	vadd.s32 v1, v9  }
0x250: {  	[tilespmem:v13+s26+$0x0] =	vst.idx.msk $0xffff, v7;
	v10 =	vld [tilespmem:s14+$0xFFFFFF10]  }
0x251: {  	v7 =	vld [tilespmem:s14+$0xFFFFFF90];
	[tilespmem:v11+s26+$0x0] =	vst.idx.msk $0xffff, v4  }
0x252: {  	v11 =	vld [tilespmem:s14+$0x10];
	v4 =	vmul.f32 $8.000000000e+00, v5  }
0x253: {  	s13 =	simm.s32 $0x4;
	s12 =	simm.s32 $0x7;
	s11 =	simm.s32 $0x6700;
	v12 =	vadd.s32 v1, v15  }
0x254: {  	v14 =	vld [tilespmem:s11+$0x80];
	v13 =	vadd.s32 v1, v17;
	v5 =	vmov s13;
	[tilespmem:v6+s26+$0x0] =	vst.idx.msk $0xffff, v4;
	v6 =	vmov s12  }
0x255: {  	v16 =	vadd.s32 v1, v8;
	v4 =	vand.u32 $0x7C, v5;
	v5 =	vand.u32 $0x7F, v6;
	v18 =	vld [tilespmem:s14+$0xA0]  }
0x256: {  	s15 =	simm.s32 $0x5;
	v19 =	vld [tilespmem:s11+$0xFFFFFF00];
	v22 =	vadd.s32 v2, v9;
	v6 =	vmul.f32 $8.000000000e+00, v7;
	v20 =	vadd.s32 v0, v5  }
0x257: {  	s16 =	simm.s32 $0x6;
	v21 =	vld [tilespmem:s11+$0xFFFFFF80];
	v10 =	vmul.f32 $8.000000000e+00, v10;
	v7 =	vmul.f32 $8.000000000e+00, v11;
	v11 =	vmov s15  }
0x258: {  	v23 =	vadd.s32 v0, v4;
	[tilespmem:v12+s26+$0x0] =	vst.idx.msk $0xffff, v6;
	v12 =	vmov s16;
	v6 =	vand.u32 $0x7D, v11;
	v11 =	vld [tilespmem:s11+$0x0]  }
0x259: {  	[tilespmem:v13+s26+$0x0] =	vst.idx.msk $0xffff, v7;
	v13 =	vadd.s32 v0, v6;
	v7 =	vand.u32 $0x7E, v12;
	v12 =	vmul.f32 $8.000000000e+00, v14;
	v14 =	vld [tilespmem:s14+$0xFFFFFFA0]  }
0x25a: {  	[tilespmem:v16+s26+$0x0] =	vst.idx.msk $0xffff, v10;
	v10 =	vadd.s32 v0, v7;
	v16 =	vld [tilespmem:s14+$0x20];
	v18 =	vmul.f32 $8.000000000e+00, v18  }
0x25b: {  	v19 =	vmul.f32 $8.000000000e+00, v19;
	[tilespmem:v20+s26+$0x0] =	vst.idx.msk $0xffff, v12;
	v12 =	vld [tilespmem:s14+$0xFFFFFF20];
	v20 =	vadd.s32 v2, v15  }
0x25c: {  	v25 =	vadd.s32 v2, v17;
	v21 =	vmul.f32 $8.000000000e+00, v21;
	v24 =	vld [tilespmem:s11+$0x90];
	[tilespmem:v22+s26+$0x0] =	vst.idx.msk $0xffff, v18  }
0x25d: {  	[tilespmem:v23+s26+$0x0] =	vst.idx.msk $0xffff, v19;
	v19 =	vadd.s32 v2, v8;
	v11 =	vmul.f32 $8.000000000e+00, v11;
	v22 =	vld [tilespmem:s14+$0xB0]  }
0x25e: {  	v23 =	vld [tilespmem:s11+$0xFFFFFF10];
	[tilespmem:v13+s26+$0x0] =	vst.idx.msk $0xffff, v21;
	v21 =	vadd.s32 v1, v5;
	v14 =	vmul.f32 $8.000000000e+00, v14  }
0x25f: {  	v27 =	vadd.s32 v3, v9;
	v26 =	vld [tilespmem:s11+$0xFFFFFF90];
	[tilespmem:v10+s26+$0x0] =	vst.idx.msk $0xffff, v11;
	v10 =	vmul.f32 $8.000000000e+00, v16  }
0x260: {  	v18 =	vadd.s32 v1, v4;
	v13 =	vld [tilespmem:s11+$0x10];
	v9 =	vmul.f32 $8.000000000e+00, v12;
	[tilespmem:v20+s26+$0x0] =	vst.idx.msk $0xffff, v14  }
0x261: {  	s13 =	simm.s32 $0x8;
	v16 =	vadd.s32 v1, v6;
	[tilespmem:v25+s26+$0x0] =	vst.idx.msk $0xffff, v10;
	v14 =	vmul.f32 $8.000000000e+00, v24;
	v12 =	vld [tilespmem:s14+$0xFFFFFFB0]  }
0x262: {  	v20 =	vmov s13;
	v10 =	vadd.s32 v1, v7;
	v11 =	vld [tilespmem:s14+$0x30];
	[tilespmem:v19+s26+$0x0] =	vst.idx.msk $0xffff, v9;
	v63 =	vmul.f32 $8.000000000e+00, v22  }
0x263: {  	s21 =	simm.s32 $0xB;
	s12 =	simm.s32 $0x6900;
	v15 =	vadd.s32 v3, v15;
	v9 =	vand.u32 $0x7C, v20;
	v20 =	vmul.f32 $8.000000000e+00, v23;
	[tilespmem:v21+s26+$0x0] =	vst.idx.msk $0xffff, v14;
	v14 =	vld [tilespmem:s14+$0xFFFFFF30]  }
0x264: {  	s8 =	simm.s32 $0xC;
	v17 =	vadd.s32 v3, v17;
	v22 =	vmov s21;
	v19 =	vld [tilespmem:s12+$0x80];
	v21 =	vmul.f32 $8.000000000e+00, v26;
	[tilespmem:v27+s26+$0x0] =	vst.idx.msk $0xffff, v63  }
.LBB2_19:
0x265: {  	p0 =	slt.u32 s8, $0x7C;
	s14 =	sadd.s32 $0x1, s13;
	v22 =	vand.u32 $0x7F, v22;
	[tilespmem:v18+s26+$0x0] =	vst.idx.msk $0xffff, v20;
	v13 =	vmul.f32 $8.000000000e+00, v13;
	v18 =	vld [tilespmem:s11+$0xA0];
	v20 =	vadd.s32 v3, v8;
	v8 =	vmovc v4  }
0x266: {  	v4 =	vmovc v9;
	v23 =	vld [tilespmem:s12+$0xFFFFFF00];
	v24 =	vmov s14;
	s14 =	sadd.s32 $0x2, s13;
	v25 =	vadd.s32 v0, v22;
	[tilespmem:v16+s26+$0x0] =	vst.idx.msk $0xffff, v21;
	v12 =	vmul.f32 $8.000000000e+00, v12;
	s13 =	smov.u32 s8  }
0x267: {  	v9 =	vld [tilespmem:s12+$0xFFFFFF80];
	v16 =	vmov s14;
	[tilespmem:v10+s26+$0x0] =	vst.idx.msk $0xffff, v13;
	v10 =	vadd.s32 v2, v5;
	v11 =	vmul.f32 $8.000000000e+00, v11  }
0x268: {  	v13 =	vadd.s32 v0, v4;
	v21 =	vand.u32 $0x7D, v24;
	v24 =	vld [tilespmem:s12+$0x0];
	v14 =	vmul.f32 $8.000000000e+00, v14;
	[tilespmem:v15+s26+$0x0] =	vst.idx.msk $0xffff, v12  }
0x269: {  	v12 =	vadd.s32 v0, v21;
	v26 =	vand.u32 $0x7E, v16;
	v15 =	vmul.f32 $8.000000000e+00, v19;
	v16 =	vld [tilespmem:s11+$0xFFFFFFA0];
	[tilespmem:v17+s26+$0x0] =	vst.idx.msk $0xffff, v11  }
0x26a: {  	v11 =	vadd.s32 v0, v26;
	v17 =	vld [tilespmem:s11+$0x20];
	v18 =	vmul.f32 $8.000000000e+00, v18;
	[tilespmem:v20+s26+$0x0] =	vst.idx.msk $0xffff, v14  }
0x26b: {  	v19 =	vadd.s32 v2, v6;
	v14 =	vmul.f32 $8.000000000e+00, v23;
	[tilespmem:v25+s26+$0x0] =	vst.idx.msk $0xffff, v15;
	v15 =	vld [tilespmem:s11+$0xFFFFFF20]  }
0x26c: {  	v23 =	vadd.s32 v2, v7;
	v9 =	vmul.f32 $8.000000000e+00, v9;
	v20 =	vld [tilespmem:s12+$0x90];
	[tilespmem:v10+s26+$0x0] =	vst.idx.msk $0xffff, v18  }
0x26d: {  	[tilespmem:v13+s26+$0x0] =	vst.idx.msk $0xffff, v14;
	v10 =	vmul.f32 $8.000000000e+00, v24;
	v14 =	vadd.s32 v2, v8;
	v24 =	vld [tilespmem:s11+$0xB0]  }
0x26e: {  	v27 =	vadd.s32 v1, v22;
	v25 =	vld [tilespmem:s12+$0xFFFFFF10];
	[tilespmem:v12+s26+$0x0] =	vst.idx.msk $0xffff, v9;
	v9 =	vmul.f32 $8.000000000e+00, v16  }
0x26f: {  	v29 =	vadd.s32 v3, v5;
	v5 =	vmov v22;
	v28 =	vld [tilespmem:s12+$0xFFFFFF90];
	[tilespmem:v11+s26+$0x0] =	vst.idx.msk $0xffff, v10;
	v10 =	vmul.f32 $8.000000000e+00, v17  }
.Ltmp8:
0x270: {  	v18 =	vadd.s32 v1, v4;
	v13 =	vld [tilespmem:s12+$0x10];
	v11 =	vmul.f32 $8.000000000e+00, v15;
	[tilespmem:v19+s26+$0x0] =	vst.idx.msk $0xffff, v9;
	(pc) =	sbr.rel @p0 .LBB2_19-.Ltmp8, $4  }
0x271: {  	v16 =	vadd.s32 v1, v21;
	v15 =	vmul.f32 $8.000000000e+00, v20;
	v12 =	vld [tilespmem:s11+$0xFFFFFFB0];
	[tilespmem:v23+s26+$0x0] =	vst.idx.msk $0xffff, v10  }
0x272: {  	v9 =	vmov s8;
	v10 =	vadd.s32 v1, v26;
	[tilespmem:v14+s26+$0x0] =	vst.idx.msk $0xffff, v11;
	v11 =	vld [tilespmem:s11+$0x30];
	v23 =	vmul.f32 $8.000000000e+00, v24  }
0x273: {  	s14 =	sadd.s32 $0x3, s8;
	v9 =	vand.u32 $0x7C, v9;
	v20 =	vmul.f32 $8.000000000e+00, v25;
	[tilespmem:v27+s26+$0x0] =	vst.idx.msk $0xffff, v15;
	v14 =	vld [tilespmem:s11+$0xFFFFFF30];
	v15 =	vadd.s32 v3, v6;
	v6 =	vmovc v21;
	s11 =	smov.u32 s12;
	s12 =	sadd.s32 $0x200, s12  }
0x274: {  	v22 =	vmov s14;
	v17 =	vadd.s32 v3, v7;
	v7 =	vmovc v26;
	s8 =	sadd.s32 $0x4, s8;
	v19 =	vld [tilespmem:s12+$0x80];
	v21 =	vmul.f32 $8.000000000e+00, v28;
	[tilespmem:v29+s26+$0x0] =	vst.idx.msk $0xffff, v23  }
0x275: {  	s8 =	sadd.s32 $0x1, s13;
	v22 =	vand.u32 $0x7F, v22;
	v28 =	vld [tilespmem:s12+$0xFFFFFF00]  }
0x276: {  	s21 =	sadd.s32 $0x2, s13;
	v24 =	vld [tilespmem:s12+$0xFFFFFF80];
	v23 =	vmov s8;
	v25 =	vadd.s32 v0, v22  }
0x277: {  	v27 =	vld [tilespmem:s12+$0x0];
	v51 =	vadd.s32 v0, v9;
	v26 =	vmov s21;
	v23 =	vand.u32 $0x7D, v23  }
0x278: {  	v26 =	vand.u32 $0x7E, v26;
	v29 =	vadd.s32 v0, v23  }
0x279: {  	[tilespmem:v18+s26+$0x0] =	vst.idx.msk $0xffff, v20;
	v30 =	vadd.s32 v0, v26;
	v19 =	vmul.f32 $8.000000000e+00, v19  }
0x27a: {  	[tilespmem:v16+s26+$0x0] =	vst.idx.msk $0xffff, v21;
	v54 =	vmul.f32 $8.000000000e+00, v28  }
0x27b: {  	v52 =	vmul.f32 $8.000000000e+00, v24;
	[tilespmem:v25+s26+$0x0] =	vst.idx.msk $0xffff, v19  }
0x27c: {  	v53 =	vmul.f32 $8.000000000e+00, v27;
	v55 =	vld [tilespmem:s12+$0x90];
	[tilespmem:v51+s26+$0x0] =	vst.idx.msk $0xffff, v54  }
0x27d: {  	v13 =	vmul.f32 $8.000000000e+00, v13;
	v8 =	vadd.s32 v3, v8;
	[tilespmem:v29+s26+$0x0] =	vst.idx.msk $0xffff, v52;
	v59 =	vld [tilespmem:s12+$0xFFFFFF10]  }
0x27e: {  	v12 =	vmul.f32 $8.000000000e+00, v12;
	v57 =	vadd.s32 v1, v22;
	[tilespmem:v30+s26+$0x0] =	vst.idx.msk $0xffff, v53;
	v56 =	vld [tilespmem:s12+$0xFFFFFF90]  }
0x27f: {  	[tilespmem:v10+s26+$0x0] =	vst.idx.msk $0xffff, v13;
	v58 =	vmul.f32 $8.000000000e+00, v11;
	v28 =	vadd.s32 v1, v9;
	v19 =	vld [tilespmem:s12+$0x10]  }
0x280: {  	v61 =	vld [tilespmem:s11+$0xA0];
	v60 =	vadd.s32 v1, v23;
	v14 =	vmul.f32 $8.000000000e+00, v14;
	[tilespmem:v15+s26+$0x0] =	vst.idx.msk $0xffff, v12  }
0x281: {  	v32 =	vld [tilespmem:s11+$0xFFFFFF20];
	v62 =	vadd.s32 v1, v26;
	[tilespmem:v17+s26+$0x0] =	vst.idx.msk $0xffff, v58;
	v16 =	vmul.f32 $8.000000000e+00, v55  }
0x282: {  	[tilespmem:v8+s26+$0x0] =	vst.idx.msk $0xffff, v14;
	v29 =	vadd.s32 v2, v5;
	v30 =	vld [tilespmem:s11+$0x20];
	v11 =	vmul.f32 $8.000000000e+00, v59  }
0x283: {  	v38 =	vadd.s32 v2, v4;
	v63 =	vld [tilespmem:s11+$0xFFFFFFA0];
	v31 =	vmul.f32 $8.000000000e+00, v56;
	[tilespmem:v57+s26+$0x0] =	vst.idx.msk $0xffff, v16  }
0x284: {  	v35 =	vadd.s32 v2, v7;
	v34 =	vmul.f32 $8.000000000e+00, v19;
	v36 =	vld [tilespmem:s12+$0xA0];
	[tilespmem:v28+s26+$0x0] =	vst.idx.msk $0xffff, v11  }
0x285: {  	v33 =	vadd.s32 v2, v6;
	v37 =	vmul.f32 $8.000000000e+00, v61;
	[tilespmem:v60+s26+$0x0] =	vst.idx.msk $0xffff, v31;
	v43 =	vld [tilespmem:s12+$0xFFFFFF20]  }
0x286: {  	v40 =	vadd.s32 v2, v22;
	v14 =	vmul.f32 $8.000000000e+00, v32;
	[tilespmem:v62+s26+$0x0] =	vst.idx.msk $0xffff, v34;
	v39 =	vld [tilespmem:s12+$0xFFFFFFA0]  }
0x287: {  	v48 =	vadd.s32 v2, v9;
	[tilespmem:v29+s26+$0x0] =	vst.idx.msk $0xffff, v37;
	v42 =	vmul.f32 $8.000000000e+00, v30;
	v41 =	vld [tilespmem:s12+$0x20]  }
0x288: {  	v44 =	vadd.s32 v2, v23;
	v15 =	vmul.f32 $8.000000000e+00, v63;
	[tilespmem:v38+s26+$0x0] =	vst.idx.msk $0xffff, v14;
	v45 =	vld [tilespmem:s11+$0xB0]  }
0x289: {  	v46 =	vadd.s32 v2, v26;
	v14 =	vld [tilespmem:s11+$0xFFFFFF30];
	[tilespmem:v35+s26+$0x0] =	vst.idx.msk $0xffff, v42;
	v47 =	vmul.f32 $8.000000000e+00, v36  }
0x28a: {  	v5 =	vadd.s32 v3, v5;
	[tilespmem:v33+s26+$0x0] =	vst.idx.msk $0xffff, v15;
	v49 =	vld [tilespmem:s11+$0x30];
	v53 =	vmul.f32 $8.000000000e+00, v43  }
0x28b: {  	v4 =	vadd.s32 v3, v4;
	v21 =	vld [tilespmem:s11+$0xFFFFFFB0];
	v12 =	vmul.f32 $8.000000000e+00, v39;
	[tilespmem:v40+s26+$0x0] =	vst.idx.msk $0xffff, v47  }
0x28c: {  	v52 =	vadd.s32 v3, v7;
	v51 =	vmul.f32 $8.000000000e+00, v41;
	v10 =	vld [tilespmem:s12+$0xB0];
	[tilespmem:v48+s26+$0x0] =	vst.idx.msk $0xffff, v53  }
0x28d: {  	v50 =	vadd.s32 v3, v6;
	v54 =	vmul.f32 $8.000000000e+00, v45;
	[tilespmem:v44+s26+$0x0] =	vst.idx.msk $0xffff, v12;
	v59 =	vld [tilespmem:s12+$0xFFFFFF30]  }
0x28e: {  	v57 =	vadd.s32 v3, v22;
	v14 =	vmul.f32 $8.000000000e+00, v14;
	[tilespmem:v46+s26+$0x0] =	vst.idx.msk $0xffff, v51;
	v55 =	vld [tilespmem:s12+$0xFFFFFFB0]  }
0x28f: {  	v62 =	vadd.s32 v3, v9;
	[tilespmem:v5+s26+$0x0] =	vst.idx.msk $0xffff, v54;
	v5 =	vmul.f32 $8.000000000e+00, v49;
	v58 =	vld [tilespmem:s12+$0x30]  }
0x290: {  	v56 =	vmul.f32 $8.000000000e+00, v21;
	v60 =	vadd.s32 v3, v23;
	[tilespmem:v4+s26+$0x0] =	vst.idx.msk $0xffff, v14  }
0x291: {  	v61 =	vadd.s32 v3, v26;
	[tilespmem:v52+s26+$0x0] =	vst.idx.msk $0xffff, v5;
	v5 =	vmul.f32 $8.000000000e+00, v10  }
0x292: {  	[tilespmem:v50+s26+$0x0] =	vst.idx.msk $0xffff, v56;
	v63 =	vmul.f32 $8.000000000e+00, v59  }
0x293: {  	s12 =	sshll.u32 s9, $0x14;
	v4 =	vmul.f32 $8.000000000e+00, v55;
	[tilespmem:v57+s26+$0x0] =	vst.idx.msk $0xffff, v5  }
0x294: {  	s8 =	sor.u32 s6, s12;
	v5 =	vmul.f32 $8.000000000e+00, v58;
	[tilespmem:v62+s26+$0x0] =	vst.idx.msk $0xffff, v63  }
0x295: {  	s12 =	sshrl.u32 s8, $0x3;
	[tilespmem:v60+s26+$0x0] =	vst.idx.msk $0xffff, v4  }
0x296: {  	s13 =	simm.s32 $0x16400;
	s11 =	sadd.s32 s2, s12;
	[tilespmem:v61+s26+$0x0] =	vst.idx.msk $0xffff, v5  }
0x297: {  	[hbm4b:s11+s3] =	stream.linear.scatter [tilespmem:s13], [sflag:$0x5], $0x80, $0x38;
	[tilespmem:$0x1EC00] =	vst v63  }
0x298: {  	s14 =	simm.s32 $0x16488;
	s15 =	sadd.s32 $0x10, s11  }
0x299: {  	[hbm4b:s15+s3] =	stream.linear.scatter [tilespmem:s14], [sflag:$0x5], $0x80, $0x38;
	[tilespmem:$0x1EC00] =	vst v63  }
0x29a: {  	s16 =	simm.s32 $0x16510;
	s8 =	simm.s32 $0x440;
	s21 =	sadd.s32 $0x20, s11  }
0x29b: {  	[hbm4b:s21+s3] =	stream.linear.scatter [tilespmem:s16], [sflag:$0x5], $0x80, $0x38;
	[tilespmem:$0x1EC00] =	vst v63  }
0x29c: {  	s13 =	simm.s32 $0x2200;
	s14 =	simm.s32 $0x16598;
	s15 =	sadd.s32 $0x30, s11  }
0x29d: {  	[hbm4b:s15+s3] =	stream.linear.scatter [tilespmem:s14], [sflag:$0x5], $0x80, $0x38;
	[tilespmem:$0x1EC00] =	vst v63  }
0x29e: {  	s16 =	simm.s32 $0x16620;
	s21 =	sadd.s32 $0x40, s11;
	s14 =	simm.s32 $0x166A8  }
0x29f: {  	[hbm4b:s21+s3] =	stream.linear.scatter [tilespmem:s16], [sflag:$0x5], $0x80, $0x38;
	[tilespmem:$0x1EC00] =	vst v63  }
0x2a0: {  	s15 =	sadd.s32 $0x50, s11;
	s16 =	simm.s32 $0x16730;
	s21 =	sadd.s32 $0x60, s11  }
0x2a1: {  	[hbm4b:s15+s3] =	stream.linear.scatter [tilespmem:s14], [sflag:$0x5], $0x80, $0x38;
	[tilespmem:$0x1EC00] =	vst v63  }
0x2a2: {  	s14 =	simm.s32 $0x167B8;
	s15 =	sadd.s32 $0x70, s11;
	s11 =	sadd.s32 $0x1000, s11  }
0x2a3: {  	[hbm4b:s21+s3] =	stream.linear.scatter [tilespmem:s16], [sflag:$0x5], $0x80, $0x38;
	[tilespmem:$0x1EC00] =	vst v63  }
.LBB2_21:
0x2a4: {  	[hbm4b:s15+s3] =	stream.linear.scatter [tilespmem:s14], [sflag:$0x5], $0x80, $0x38;
	[tilespmem:$0x1EC00] =	vst v63  }
0x2a5: {  	s14 =	smov.u32 s8;
	s8 =	smov.u32 s13  }
0x2a6: {  	s16 =	sadd.s32 $0x1100, s13;
	s8 =	sshra.s32 s8, $0x2;
	s15 =	sadd.s32 $0x16400, s14  }
0x2a7: {  	[hbm4b:s11+s3] =	stream.linear.scatter [tilespmem:s15], [sflag:$0x5], $0x80, $0x38;
	[tilespmem:$0x1EC00] =	vst v63  }
0x2a8: {  	p0 =	sne.s32 s13, $0x7700;
	s13 =	sadd.s32 $0x16488, s14;
	s15 =	sadd.s32 $0x10, s11  }
0x2a9: {  	[hbm4b:s15+s3] =	stream.linear.scatter [tilespmem:s13], [sflag:$0x5], $0x80, $0x38;
	[tilespmem:$0x1EC00] =	vst v63  }
0x2aa: {  	s13 =	sadd.s32 $0x16510, s14;
	s15 =	sadd.s32 $0x20, s11  }
0x2ab: {  	[hbm4b:s15+s3] =	stream.linear.scatter [tilespmem:s13], [sflag:$0x5], $0x80, $0x38;
	[tilespmem:$0x1EC00] =	vst v63  }
0x2ac: {  	s13 =	sadd.s32 $0x16598, s14;
	s15 =	sadd.s32 $0x30, s11  }
0x2ad: {  	[hbm4b:s15+s3] =	stream.linear.scatter [tilespmem:s13], [sflag:$0x5], $0x80, $0x38;
	[tilespmem:$0x1EC00] =	vst v63  }
0x2ae: {  	s13 =	sadd.s32 $0x16620, s14;
	s15 =	sadd.s32 $0x40, s11  }
0x2af: {  	[hbm4b:s15+s3] =	stream.linear.scatter [tilespmem:s13], [sflag:$0x5], $0x80, $0x38;
	[tilespmem:$0x1EC00] =	vst v63  }
.Ltmp9:
0x2b0: {  	s13 =	sadd.s32 $0x166A8, s14;
	s15 =	sadd.s32 $0x50, s11;
	(pc) =	sbr.rel @p0 .LBB2_21-.Ltmp9, $4  }
0x2b1: {  	[hbm4b:s15+s3] =	stream.linear.scatter [tilespmem:s13], [sflag:$0x5], $0x80, $0x38;
	[tilespmem:$0x1EC00] =	vst v63  }
0x2b2: {  	s13 =	sadd.s32 $0x16730, s14;
	s15 =	sadd.s32 $0x60, s11;
	s14 =	sadd.s32 $0x167B8, s14  }
0x2b3: {  	[hbm4b:s15+s3] =	stream.linear.scatter [tilespmem:s13], [sflag:$0x5], $0x80, $0x38;
	[tilespmem:$0x1EC00] =	vst v63  }
0x2b4: {  	s15 =	sadd.s32 $0x70, s11;
	s11 =	sadd.s32 $0x1000, s11;
	s13 =	smov.u32 s16  }
0x2b5: {  	[hbm4b:s15+s3] =	stream.linear.scatter [tilespmem:s14], [sflag:$0x5], $0x80, $0x38;
	[tilespmem:$0x1EC00] =	vst v63  }
0x2b6: {  	s13 =	sadd.s32 $0x16400, s8  }
0x2b7: {  	[hbm4b:s11+s3] =	stream.linear.scatter [tilespmem:s13], [sflag:$0x5], $0x80, $0x38;
	[tilespmem:$0x1EC00] =	vst v63  }
0x2b8: {  	s16 =	sadd.s32 $0x16488, s8;
	s21 =	sadd.s32 $0x10, s11  }
0x2b9: {  	[hbm4b:s21+s3] =	stream.linear.scatter [tilespmem:s16], [sflag:$0x5], $0x80, $0x38;
	[tilespmem:$0x1EC00] =	vst v63  }
0x2ba: {  	s14 =	sadd.s32 $0x16510, s8;
	s15 =	sadd.s32 $0x20, s11  }
0x2bb: {  	[hbm4b:s15+s3] =	stream.linear.scatter [tilespmem:s14], [sflag:$0x5], $0x80, $0x38;
	[tilespmem:$0x1EC00] =	vst v63  }
0x2bc: {  	s16 =	sadd.s32 $0x16598, s8;
	s21 =	sadd.s32 $0x30, s11  }
0x2bd: {  	[hbm4b:s21+s3] =	stream.linear.scatter [tilespmem:s16], [sflag:$0x5], $0x80, $0x38;
	[tilespmem:$0x1EC00] =	vst v63  }
0x2be: {  	s14 =	sadd.s32 $0x16620, s8;
	s15 =	sadd.s32 $0x40, s11  }
0x2bf: {  	[hbm4b:s15+s3] =	stream.linear.scatter [tilespmem:s14], [sflag:$0x5], $0x80, $0x38;
	[tilespmem:$0x1EC00] =	vst v63  }
0x2c0: {  	s16 =	sadd.s32 $0x166A8, s8;
	s21 =	sadd.s32 $0x50, s11  }
0x2c1: {  	[hbm4b:s21+s3] =	stream.linear.scatter [tilespmem:s16], [sflag:$0x5], $0x80, $0x38;
	[tilespmem:$0x1EC00] =	vst v63  }
0x2c2: {  	s15 =	sadd.s32 $0x16730, s8;
	s16 =	sadd.s32 $0x60, s11  }
0x2c3: {  	[hbm4b:s16+s3] =	stream.linear.scatter [tilespmem:s15], [sflag:$0x5], $0x80, $0x38;
	[tilespmem:$0x1EC00] =	vst v63  }
0x2c4: {  	s13 =	sadd.s32 $0x70, s11;
	s21 =	sadd.s32 $0x167B8, s8  }
0x2c5: {  	[hbm4b:s13+s3] =	stream.linear.scatter [tilespmem:s21], [sflag:$0x5], $0x80, $0x38;
	[tilespmem:$0x1EC00] =	vst v63  }
0x2c6: {  	s11 =	sshllo.u32 s9, $0x2;
	_ =	swait.ge [sflag:s20], $0x2000  }
0x2c7: {  	s14 =	sshll.u32 s11, $0x7;
	[sflag:s20] =	ssyncset.done $0x0  }
0x2c8: {  	s8 =	sand.u32 $0x3FFFFF80, s14;
	[sflag:s20] =	ssyncadd.s32 $0xFFFFE000  }
0x2c9: {  	[tilespmem:s29], [sflag:$0x4] =	stream.indirect.gather [hbm4b:s4+s18], $0x80, s8, s18, $0xb8;
	[tilespmem:$0x1EC00] =	vst v63  }
0x2ca: {  	_ =	swait.ge [sflag:s30], $0x4000  }
0x2cb: {  	[sflag:s30] =	ssyncset.done $0x0  }
0x2cc: {  	s16 =	simm.s32 $0xA5B0;
	s15 =	simm.s32 $0x3;
	[sflag:s30] =	ssyncadd.s32 $0xFFFFC000  }
0x2cd: {  	v4 =	vmov s15;
	v5 =	vld [tilespmem:s16+$0xFFFFFFD0]  }
0x2ce: {  	v9 =	vand.u32 $0x7F, v4  }
0x2cf: {  	s21 =	simm.s32 $0x0;
	v4 =	vadd.s32 v0, v9  }
0x2d0: {  	s14 =	simm.s32 $0x2;
	s13 =	simm.s32 $0x1;
	v6 =	vmov s21;
	v7 =	vld [tilespmem:s16+$0xFFFFFE50]  }
0x2d1: {  	v11 =	vmov s14;
	v8 =	vand.u32 $0x7C, v6;
	v6 =	vmov s13;
	v10 =	vld [tilespmem:s16+$0xFFFFFED0]  }
0x2d2: {  	v12 =	vadd.s32 v0, v8;
	v15 =	vand.u32 $0x7D, v6;
	v6 =	vld [tilespmem:s16+$0xFFFFFF50];
	v5 =	vmul.f32 $8.000000000e+00, v5  }
0x2d3: {  	v17 =	vand.u32 $0x7E, v11;
	v13 =	vadd.s32 v0, v15  }
0x2d4: {  	v11 =	vadd.s32 v0, v17;
	[tilespmem:v4+s31+$0x0] =	vst.idx.msk $0xffff, v5  }
0x2d5: {  	v4 =	vmul.f32 $8.000000000e+00, v7;
	v5 =	vld [tilespmem:s16+$0xFFFFFFE0]  }
0x2d6: {  	v7 =	vmul.f32 $8.000000000e+00, v10  }
0x2d7: {  	[tilespmem:v12+s31+$0x0] =	vst.idx.msk $0xffff, v4;
	v4 =	vmul.f32 $8.000000000e+00, v6;
	v6 =	vadd.s32 v1, v9  }
0x2d8: {  	[tilespmem:v13+s31+$0x0] =	vst.idx.msk $0xffff, v7;
	v10 =	vld [tilespmem:s16+$0xFFFFFE60]  }
0x2d9: {  	v7 =	vld [tilespmem:s16+$0xFFFFFEE0];
	[tilespmem:v11+s31+$0x0] =	vst.idx.msk $0xffff, v4  }
0x2da: {  	v11 =	vld [tilespmem:s16+$0xFFFFFF60];
	v4 =	vmul.f32 $8.000000000e+00, v5  }
0x2db: {  	s15 =	simm.s32 $0x4;
	s21 =	simm.s32 $0x7;
	s13 =	simm.s32 $0xA7B0;
	v12 =	vadd.s32 v1, v15  }
0x2dc: {  	v14 =	vld [tilespmem:s13+$0xFFFFFFD0];
	v13 =	vadd.s32 v1, v17;
	v5 =	vmov s15;
	[tilespmem:v6+s31+$0x0] =	vst.idx.msk $0xffff, v4;
	v6 =	vmov s21  }
0x2dd: {  	v16 =	vadd.s32 v1, v8;
	v4 =	vand.u32 $0x7C, v5;
	v5 =	vand.u32 $0x7F, v6;
	v18 =	vld [tilespmem:s16+$0xFFFFFFF0]  }
0x2de: {  	s14 =	simm.s32 $0x5;
	v22 =	vadd.s32 v2, v9;
	v19 =	vld [tilespmem:s13+$0xFFFFFE50];
	v6 =	vmul.f32 $8.000000000e+00, v7;
	v20 =	vadd.s32 v0, v5  }
0x2df: {  	v21 =	vld [tilespmem:s13+$0xFFFFFED0];
	s15 =	simm.s32 $0x6;
	v10 =	vmul.f32 $8.000000000e+00, v10;
	v7 =	vmul.f32 $8.000000000e+00, v11;
	v11 =	vmov s14  }
0x2e0: {  	v23 =	vadd.s32 v0, v4;
	[tilespmem:v12+s31+$0x0] =	vst.idx.msk $0xffff, v6;
	v12 =	vmov s15;
	v6 =	vand.u32 $0x7D, v11;
	v11 =	vld [tilespmem:s13+$0xFFFFFF50]  }
0x2e1: {  	[tilespmem:v13+s31+$0x0] =	vst.idx.msk $0xffff, v7;
	v13 =	vadd.s32 v0, v6;
	v7 =	vand.u32 $0x7E, v12;
	v12 =	vmul.f32 $8.000000000e+00, v14;
	v14 =	vld [tilespmem:s16+$0xFFFFFEF0]  }
0x2e2: {  	[tilespmem:v16+s31+$0x0] =	vst.idx.msk $0xffff, v10;
	v10 =	vadd.s32 v0, v7;
	v16 =	vld [tilespmem:s16+$0xFFFFFF70];
	v18 =	vmul.f32 $8.000000000e+00, v18  }
0x2e3: {  	v19 =	vmul.f32 $8.000000000e+00, v19;
	[tilespmem:v20+s31+$0x0] =	vst.idx.msk $0xffff, v12;
	v12 =	vld [tilespmem:s16+$0xFFFFFE70];
	v20 =	vadd.s32 v2, v15  }
0x2e4: {  	v25 =	vadd.s32 v2, v17;
	v21 =	vmul.f32 $8.000000000e+00, v21;
	v24 =	vld [tilespmem:s13+$0xFFFFFFE0];
	[tilespmem:v22+s31+$0x0] =	vst.idx.msk $0xffff, v18  }
0x2e5: {  	[tilespmem:v23+s31+$0x0] =	vst.idx.msk $0xffff, v19;
	v19 =	vadd.s32 v2, v8;
	v11 =	vmul.f32 $8.000000000e+00, v11;
	v22 =	vld [tilespmem:s16+$0x0]  }
0x2e6: {  	v23 =	vld [tilespmem:s13+$0xFFFFFE60];
	[tilespmem:v13+s31+$0x0] =	vst.idx.msk $0xffff, v21;
	v21 =	vadd.s32 v1, v5;
	v14 =	vmul.f32 $8.000000000e+00, v14  }
0x2e7: {  	v27 =	vadd.s32 v3, v9;
	v26 =	vld [tilespmem:s13+$0xFFFFFEE0];
	[tilespmem:v10+s31+$0x0] =	vst.idx.msk $0xffff, v11;
	v10 =	vmul.f32 $8.000000000e+00, v16  }
0x2e8: {  	v18 =	vadd.s32 v1, v4;
	v13 =	vld [tilespmem:s13+$0xFFFFFF60];
	v9 =	vmul.f32 $8.000000000e+00, v12;
	[tilespmem:v20+s31+$0x0] =	vst.idx.msk $0xffff, v14  }
0x2e9: {  	s15 =	simm.s32 $0x8;
	v16 =	vadd.s32 v1, v6;
	[tilespmem:v25+s31+$0x0] =	vst.idx.msk $0xffff, v10;
	v14 =	vmul.f32 $8.000000000e+00, v24;
	v12 =	vld [tilespmem:s16+$0xFFFFFF00]  }
0x2ea: {  	v20 =	vmov s15;
	v10 =	vadd.s32 v1, v7;
	v11 =	vld [tilespmem:s16+$0xFFFFFF80];
	[tilespmem:v19+s31+$0x0] =	vst.idx.msk $0xffff, v9;
	v63 =	vmul.f32 $8.000000000e+00, v22  }
0x2eb: {  	s21 =	simm.s32 $0xB;
	s14 =	simm.s32 $0xA9B0;
	v15 =	vadd.s32 v3, v15;
	v9 =	vand.u32 $0x7C, v20;
	v20 =	vmul.f32 $8.000000000e+00, v23;
	[tilespmem:v21+s31+$0x0] =	vst.idx.msk $0xffff, v14;
	v14 =	vld [tilespmem:s16+$0xFFFFFE80]  }
0x2ec: {  	s8 =	simm.s32 $0xC;
	v17 =	vadd.s32 v3, v17;
	v22 =	vmov s21;
	v19 =	vld [tilespmem:s14+$0xFFFFFFD0];
	v21 =	vmul.f32 $8.000000000e+00, v26;
	[tilespmem:v27+s31+$0x0] =	vst.idx.msk $0xffff, v63  }
.LBB2_23:
0x2ed: {  	p0 =	slt.u32 s8, $0x7C;
	s16 =	sadd.s32 $0x1, s15;
	v22 =	vand.u32 $0x7F, v22;
	[tilespmem:v18+s31+$0x0] =	vst.idx.msk $0xffff, v20;
	v13 =	vmul.f32 $8.000000000e+00, v13;
	v18 =	vld [tilespmem:s13+$0xFFFFFFF0];
	v20 =	vadd.s32 v3, v8;
	v8 =	vmovc v4  }
0x2ee: {  	v4 =	vmovc v9;
	v23 =	vld [tilespmem:s14+$0xFFFFFE50];
	v24 =	vmov s16;
	s16 =	sadd.s32 $0x2, s15;
	v25 =	vadd.s32 v0, v22;
	[tilespmem:v16+s31+$0x0] =	vst.idx.msk $0xffff, v21;
	v12 =	vmul.f32 $8.000000000e+00, v12;
	s15 =	smov.u32 s8  }
0x2ef: {  	v9 =	vld [tilespmem:s14+$0xFFFFFED0];
	v16 =	vmov s16;
	[tilespmem:v10+s31+$0x0] =	vst.idx.msk $0xffff, v13;
	v10 =	vadd.s32 v2, v5;
	v11 =	vmul.f32 $8.000000000e+00, v11  }
0x2f0: {  	v13 =	vadd.s32 v0, v4;
	v21 =	vand.u32 $0x7D, v24;
	v24 =	vld [tilespmem:s14+$0xFFFFFF50];
	v14 =	vmul.f32 $8.000000000e+00, v14;
	[tilespmem:v15+s31+$0x0] =	vst.idx.msk $0xffff, v12  }
0x2f1: {  	v12 =	vadd.s32 v0, v21;
	v26 =	vand.u32 $0x7E, v16;
	v15 =	vmul.f32 $8.000000000e+00, v19;
	v16 =	vld [tilespmem:s13+$0xFFFFFEF0];
	[tilespmem:v17+s31+$0x0] =	vst.idx.msk $0xffff, v11  }
0x2f2: {  	v11 =	vadd.s32 v0, v26;
	v17 =	vld [tilespmem:s13+$0xFFFFFF70];
	v18 =	vmul.f32 $8.000000000e+00, v18;
	[tilespmem:v20+s31+$0x0] =	vst.idx.msk $0xffff, v14  }
0x2f3: {  	v19 =	vadd.s32 v2, v6;
	v14 =	vmul.f32 $8.000000000e+00, v23;
	[tilespmem:v25+s31+$0x0] =	vst.idx.msk $0xffff, v15;
	v15 =	vld [tilespmem:s13+$0xFFFFFE70]  }
0x2f4: {  	v23 =	vadd.s32 v2, v7;
	v9 =	vmul.f32 $8.000000000e+00, v9;
	v20 =	vld [tilespmem:s14+$0xFFFFFFE0];
	[tilespmem:v10+s31+$0x0] =	vst.idx.msk $0xffff, v18  }
0x2f5: {  	[tilespmem:v13+s31+$0x0] =	vst.idx.msk $0xffff, v14;
	v10 =	vmul.f32 $8.000000000e+00, v24;
	v14 =	vadd.s32 v2, v8;
	v24 =	vld [tilespmem:s13+$0x0]  }
0x2f6: {  	v27 =	vadd.s32 v1, v22;
	v25 =	vld [tilespmem:s14+$0xFFFFFE60];
	[tilespmem:v12+s31+$0x0] =	vst.idx.msk $0xffff, v9;
	v9 =	vmul.f32 $8.000000000e+00, v16  }
0x2f7: {  	v29 =	vadd.s32 v3, v5;
	v5 =	vmov v22;
	v28 =	vld [tilespmem:s14+$0xFFFFFEE0];
	[tilespmem:v11+s31+$0x0] =	vst.idx.msk $0xffff, v10;
	v10 =	vmul.f32 $8.000000000e+00, v17  }
.Ltmp10:
0x2f8: {  	v18 =	vadd.s32 v1, v4;
	v13 =	vld [tilespmem:s14+$0xFFFFFF60];
	v11 =	vmul.f32 $8.000000000e+00, v15;
	[tilespmem:v19+s31+$0x0] =	vst.idx.msk $0xffff, v9;
	(pc) =	sbr.rel @p0 .LBB2_23-.Ltmp10, $4  }
0x2f9: {  	v16 =	vadd.s32 v1, v21;
	v15 =	vmul.f32 $8.000000000e+00, v20;
	v12 =	vld [tilespmem:s13+$0xFFFFFF00];
	[tilespmem:v23+s31+$0x0] =	vst.idx.msk $0xffff, v10  }
0x2fa: {  	v9 =	vmov s8;
	v10 =	vadd.s32 v1, v26;
	[tilespmem:v14+s31+$0x0] =	vst.idx.msk $0xffff, v11;
	v11 =	vld [tilespmem:s13+$0xFFFFFF80];
	v23 =	vmul.f32 $8.000000000e+00, v24  }
0x2fb: {  	s16 =	sadd.s32 $0x3, s8;
	v9 =	vand.u32 $0x7C, v9;
	v20 =	vmul.f32 $8.000000000e+00, v25;
	[tilespmem:v27+s31+$0x0] =	vst.idx.msk $0xffff, v15;
	v14 =	vld [tilespmem:s13+$0xFFFFFE80];
	v15 =	vadd.s32 v3, v6;
	v6 =	vmovc v21;
	s13 =	smov.u32 s14;
	s14 =	sadd.s32 $0x200, s14  }
0x2fc: {  	v22 =	vmov s16;
	v17 =	vadd.s32 v3, v7;
	v7 =	vmovc v26;
	s8 =	sadd.s32 $0x4, s8;
	v19 =	vld [tilespmem:s14+$0xFFFFFFD0];
	v21 =	vmul.f32 $8.000000000e+00, v28;
	[tilespmem:v29+s31+$0x0] =	vst.idx.msk $0xffff, v23  }
0x2fd: {  	s8 =	sadd.s32 $0x1, s15;
	v22 =	vand.u32 $0x7F, v22;
	v28 =	vld [tilespmem:s14+$0xFFFFFE50]  }
0x2fe: {  	s16 =	sadd.s32 $0x2, s15;
	v24 =	vld [tilespmem:s14+$0xFFFFFED0];
	v23 =	vmov s8;
	v25 =	vadd.s32 v0, v22  }
0x2ff: {  	v27 =	vld [tilespmem:s14+$0xFFFFFF50];
	v51 =	vadd.s32 v0, v9;
	v26 =	vmov s16;
	v23 =	vand.u32 $0x7D, v23  }
0x300: {  	v26 =	vand.u32 $0x7E, v26;
	v29 =	vadd.s32 v0, v23  }
0x301: {  	[tilespmem:v18+s31+$0x0] =	vst.idx.msk $0xffff, v20;
	v30 =	vadd.s32 v0, v26;
	v19 =	vmul.f32 $8.000000000e+00, v19  }
0x302: {  	[tilespmem:v16+s31+$0x0] =	vst.idx.msk $0xffff, v21;
	v54 =	vmul.f32 $8.000000000e+00, v28  }
0x303: {  	v52 =	vmul.f32 $8.000000000e+00, v24;
	[tilespmem:v25+s31+$0x0] =	vst.idx.msk $0xffff, v19  }
0x304: {  	v53 =	vmul.f32 $8.000000000e+00, v27;
	v55 =	vld [tilespmem:s14+$0xFFFFFFE0];
	[tilespmem:v51+s31+$0x0] =	vst.idx.msk $0xffff, v54  }
0x305: {  	v13 =	vmul.f32 $8.000000000e+00, v13;
	v8 =	vadd.s32 v3, v8;
	[tilespmem:v29+s31+$0x0] =	vst.idx.msk $0xffff, v52;
	v59 =	vld [tilespmem:s14+$0xFFFFFE60]  }
0x306: {  	v12 =	vmul.f32 $8.000000000e+00, v12;
	v57 =	vadd.s32 v1, v22;
	[tilespmem:v30+s31+$0x0] =	vst.idx.msk $0xffff, v53;
	v56 =	vld [tilespmem:s14+$0xFFFFFEE0]  }
0x307: {  	[tilespmem:v10+s31+$0x0] =	vst.idx.msk $0xffff, v13;
	v58 =	vmul.f32 $8.000000000e+00, v11;
	v28 =	vadd.s32 v1, v9;
	v19 =	vld [tilespmem:s14+$0xFFFFFF60]  }
0x308: {  	v61 =	vld [tilespmem:s13+$0xFFFFFFF0];
	v60 =	vadd.s32 v1, v23;
	v14 =	vmul.f32 $8.000000000e+00, v14;
	[tilespmem:v15+s31+$0x0] =	vst.idx.msk $0xffff, v12  }
0x309: {  	v32 =	vld [tilespmem:s13+$0xFFFFFE70];
	v62 =	vadd.s32 v1, v26;
	[tilespmem:v17+s31+$0x0] =	vst.idx.msk $0xffff, v58;
	v16 =	vmul.f32 $8.000000000e+00, v55  }
0x30a: {  	[tilespmem:v8+s31+$0x0] =	vst.idx.msk $0xffff, v14;
	v29 =	vadd.s32 v2, v5;
	v30 =	vld [tilespmem:s13+$0xFFFFFF70];
	v11 =	vmul.f32 $8.000000000e+00, v59  }
0x30b: {  	v38 =	vadd.s32 v2, v4;
	v63 =	vld [tilespmem:s13+$0xFFFFFEF0];
	v31 =	vmul.f32 $8.000000000e+00, v56;
	[tilespmem:v57+s31+$0x0] =	vst.idx.msk $0xffff, v16  }
0x30c: {  	v35 =	vadd.s32 v2, v7;
	v34 =	vmul.f32 $8.000000000e+00, v19;
	v36 =	vld [tilespmem:s14+$0xFFFFFFF0];
	[tilespmem:v28+s31+$0x0] =	vst.idx.msk $0xffff, v11  }
0x30d: {  	v33 =	vadd.s32 v2, v6;
	v37 =	vmul.f32 $8.000000000e+00, v61;
	[tilespmem:v60+s31+$0x0] =	vst.idx.msk $0xffff, v31;
	v43 =	vld [tilespmem:s14+$0xFFFFFE70]  }
0x30e: {  	v40 =	vadd.s32 v2, v22;
	v14 =	vmul.f32 $8.000000000e+00, v32;
	[tilespmem:v62+s31+$0x0] =	vst.idx.msk $0xffff, v34;
	v39 =	vld [tilespmem:s14+$0xFFFFFEF0]  }
0x30f: {  	v48 =	vadd.s32 v2, v9;
	[tilespmem:v29+s31+$0x0] =	vst.idx.msk $0xffff, v37;
	v42 =	vmul.f32 $8.000000000e+00, v30;
	v41 =	vld [tilespmem:s14+$0xFFFFFF70]  }
0x310: {  	v44 =	vadd.s32 v2, v23;
	v15 =	vmul.f32 $8.000000000e+00, v63;
	[tilespmem:v38+s31+$0x0] =	vst.idx.msk $0xffff, v14;
	v45 =	vld [tilespmem:s13+$0x0]  }
0x311: {  	v46 =	vadd.s32 v2, v26;
	v14 =	vld [tilespmem:s13+$0xFFFFFE80];
	[tilespmem:v35+s31+$0x0] =	vst.idx.msk $0xffff, v42;
	v47 =	vmul.f32 $8.000000000e+00, v36  }
0x312: {  	v5 =	vadd.s32 v3, v5;
	[tilespmem:v33+s31+$0x0] =	vst.idx.msk $0xffff, v15;
	v49 =	vld [tilespmem:s13+$0xFFFFFF80];
	v53 =	vmul.f32 $8.000000000e+00, v43  }
0x313: {  	v4 =	vadd.s32 v3, v4;
	v21 =	vld [tilespmem:s13+$0xFFFFFF00];
	v12 =	vmul.f32 $8.000000000e+00, v39;
	[tilespmem:v40+s31+$0x0] =	vst.idx.msk $0xffff, v47  }
0x314: {  	v52 =	vadd.s32 v3, v7;
	v51 =	vmul.f32 $8.000000000e+00, v41;
	v10 =	vld [tilespmem:s14+$0x0];
	[tilespmem:v48+s31+$0x0] =	vst.idx.msk $0xffff, v53  }
0x315: {  	v50 =	vadd.s32 v3, v6;
	v54 =	vmul.f32 $8.000000000e+00, v45;
	[tilespmem:v44+s31+$0x0] =	vst.idx.msk $0xffff, v12;
	v59 =	vld [tilespmem:s14+$0xFFFFFE80]  }
0x316: {  	v57 =	vadd.s32 v3, v22;
	v14 =	vmul.f32 $8.000000000e+00, v14;
	[tilespmem:v46+s31+$0x0] =	vst.idx.msk $0xffff, v51;
	v55 =	vld [tilespmem:s14+$0xFFFFFF00]  }
0x317: {  	v62 =	vadd.s32 v3, v9;
	[tilespmem:v5+s31+$0x0] =	vst.idx.msk $0xffff, v54;
	v5 =	vmul.f32 $8.000000000e+00, v49;
	v58 =	vld [tilespmem:s14+$0xFFFFFF80]  }
0x318: {  	v56 =	vmul.f32 $8.000000000e+00, v21;
	v60 =	vadd.s32 v3, v23;
	[tilespmem:v4+s31+$0x0] =	vst.idx.msk $0xffff, v14  }
0x319: {  	v61 =	vadd.s32 v3, v26;
	[tilespmem:v52+s31+$0x0] =	vst.idx.msk $0xffff, v5;
	v5 =	vmul.f32 $8.000000000e+00, v10  }
0x31a: {  	[tilespmem:v50+s31+$0x0] =	vst.idx.msk $0xffff, v56;
	v63 =	vmul.f32 $8.000000000e+00, v59  }
0x31b: {  	v4 =	vmul.f32 $8.000000000e+00, v55;
	[tilespmem:v57+s31+$0x0] =	vst.idx.msk $0xffff, v5  }
0x31c: {  	v5 =	vmul.f32 $8.000000000e+00, v58;
	[tilespmem:v62+s31+$0x0] =	vst.idx.msk $0xffff, v63  }
0x31d: {  	[tilespmem:v60+s31+$0x0] =	vst.idx.msk $0xffff, v4  }
0x31e: {  	s21 =	simm.s32 $0x18600;
	s13 =	sadd.s32 s12, s7;
	[tilespmem:v61+s31+$0x0] =	vst.idx.msk $0xffff, v5  }
0x31f: {  	[hbm4b:s13+s3] =	stream.linear.scatter [tilespmem:s21], [sflag:$0x6], $0x80, $0x38;
	[tilespmem:$0x1EC00] =	vst v63  }
0x320: {  	s15 =	sadd.s32 $0x10, s13;
	s14 =	simm.s32 $0x18688  }
0x321: {  	[hbm4b:s15+s3] =	stream.linear.scatter [tilespmem:s14], [sflag:$0x6], $0x80, $0x38;
	[tilespmem:$0x1EC00] =	vst v63  }
0x322: {  	s16 =	simm.s32 $0x18710;
	s21 =	sadd.s32 $0x20, s13  }
0x323: {  	[hbm4b:s21+s3] =	stream.linear.scatter [tilespmem:s16], [sflag:$0x6], $0x80, $0x38;
	[tilespmem:$0x1EC00] =	vst v63  }
0x324: {  	s14 =	simm.s32 $0x18798;
	s15 =	sadd.s32 $0x30, s13  }
0x325: {  	[hbm4b:s15+s3] =	stream.linear.scatter [tilespmem:s14], [sflag:$0x6], $0x80, $0x38;
	[tilespmem:$0x1EC00] =	vst v63  }
0x326: {  	s16 =	simm.s32 $0x18820;
	s21 =	sadd.s32 $0x40, s13  }
0x327: {  	[hbm4b:s21+s3] =	stream.linear.scatter [tilespmem:s16], [sflag:$0x6], $0x80, $0x38;
	[tilespmem:$0x1EC00] =	vst v63  }
0x328: {  	s8 =	simm.s32 $0x440;
	s14 =	simm.s32 $0x188A8;
	s15 =	sadd.s32 $0x50, s13  }
0x329: {  	[hbm4b:s15+s3] =	stream.linear.scatter [tilespmem:s14], [sflag:$0x6], $0x80, $0x38;
	[tilespmem:$0x1EC00] =	vst v63  }
0x32a: {  	s16 =	simm.s32 $0x18930;
	s21 =	sadd.s32 $0x60, s13;
	s14 =	simm.s32 $0x2200  }
0x32b: {  	[hbm4b:s21+s3] =	stream.linear.scatter [tilespmem:s16], [sflag:$0x6], $0x80, $0x38;
	[tilespmem:$0x1EC00] =	vst v63  }
0x32c: {  	s15 =	simm.s32 $0x189B8;
	s16 =	sadd.s32 $0x70, s13;
	s13 =	sadd.s32 $0x1000, s13  }
.LBB2_25:
0x32d: {  	[hbm4b:s16+s3] =	stream.linear.scatter [tilespmem:s15], [sflag:$0x6], $0x80, $0x38;
	[tilespmem:$0x1EC00] =	vst v63  }
0x32e: {  	s15 =	smov.u32 s8;
	s8 =	smov.u32 s14  }
0x32f: {  	s21 =	sadd.s32 $0x1100, s14;
	s8 =	sshra.s32 s8, $0x2;
	s16 =	sadd.s32 $0x18600, s15  }
0x330: {  	[hbm4b:s13+s3] =	stream.linear.scatter [tilespmem:s16], [sflag:$0x6], $0x80, $0x38;
	[tilespmem:$0x1EC00] =	vst v63  }
0x331: {  	p0 =	sne.s32 s14, $0x7700;
	s14 =	sadd.s32 $0x18688, s15;
	s16 =	sadd.s32 $0x10, s13  }
0x332: {  	[hbm4b:s16+s3] =	stream.linear.scatter [tilespmem:s14], [sflag:$0x6], $0x80, $0x38;
	[tilespmem:$0x1EC00] =	vst v63  }
0x333: {  	s14 =	sadd.s32 $0x18710, s15;
	s16 =	sadd.s32 $0x20, s13  }
0x334: {  	[hbm4b:s16+s3] =	stream.linear.scatter [tilespmem:s14], [sflag:$0x6], $0x80, $0x38;
	[tilespmem:$0x1EC00] =	vst v63  }
0x335: {  	s14 =	sadd.s32 $0x18798, s15;
	s16 =	sadd.s32 $0x30, s13  }
0x336: {  	[hbm4b:s16+s3] =	stream.linear.scatter [tilespmem:s14], [sflag:$0x6], $0x80, $0x38;
	[tilespmem:$0x1EC00] =	vst v63  }
0x337: {  	s14 =	sadd.s32 $0x18820, s15;
	s16 =	sadd.s32 $0x40, s13  }
0x338: {  	[hbm4b:s16+s3] =	stream.linear.scatter [tilespmem:s14], [sflag:$0x6], $0x80, $0x38;
	[tilespmem:$0x1EC00] =	vst v63  }
.Ltmp11:
0x339: {  	s14 =	sadd.s32 $0x188A8, s15;
	s16 =	sadd.s32 $0x50, s13;
	(pc) =	sbr.rel @p0 .LBB2_25-.Ltmp11, $4  }
0x33a: {  	[hbm4b:s16+s3] =	stream.linear.scatter [tilespmem:s14], [sflag:$0x6], $0x80, $0x38;
	[tilespmem:$0x1EC00] =	vst v63  }
0x33b: {  	s14 =	sadd.s32 $0x18930, s15;
	s16 =	sadd.s32 $0x60, s13;
	s15 =	sadd.s32 $0x189B8, s15  }
0x33c: {  	[hbm4b:s16+s3] =	stream.linear.scatter [tilespmem:s14], [sflag:$0x6], $0x80, $0x38;
	[tilespmem:$0x1EC00] =	vst v63  }
0x33d: {  	s16 =	sadd.s32 $0x70, s13;
	s13 =	sadd.s32 $0x1000, s13;
	s14 =	smov.u32 s21  }
0x33e: {  	[hbm4b:s16+s3] =	stream.linear.scatter [tilespmem:s15], [sflag:$0x6], $0x80, $0x38;
	[tilespmem:$0x1EC00] =	vst v63  }
0x33f: {  	s14 =	sadd.s32 $0x18600, s8  }
0x340: {  	[hbm4b:s13+s3] =	stream.linear.scatter [tilespmem:s14], [sflag:$0x6], $0x80, $0x38;
	[tilespmem:$0x1EC00] =	vst v63  }
0x341: {  	s16 =	sadd.s32 $0x18688, s8;
	s21 =	sadd.s32 $0x10, s13  }
0x342: {  	[hbm4b:s21+s3] =	stream.linear.scatter [tilespmem:s16], [sflag:$0x6], $0x80, $0x38;
	[tilespmem:$0x1EC00] =	vst v63  }
0x343: {  	s16 =	sadd.s32 $0x18710, s8;
	s21 =	sadd.s32 $0x20, s13  }
0x344: {  	[hbm4b:s21+s3] =	stream.linear.scatter [tilespmem:s16], [sflag:$0x6], $0x80, $0x38;
	[tilespmem:$0x1EC00] =	vst v63  }
0x345: {  	s16 =	sadd.s32 $0x18798, s8;
	s21 =	sadd.s32 $0x30, s13  }
0x346: {  	[hbm4b:s21+s3] =	stream.linear.scatter [tilespmem:s16], [sflag:$0x6], $0x80, $0x38;
	[tilespmem:$0x1EC00] =	vst v63  }
0x347: {  	s16 =	sadd.s32 $0x18820, s8;
	s21 =	sadd.s32 $0x40, s13  }
0x348: {  	[hbm4b:s21+s3] =	stream.linear.scatter [tilespmem:s16], [sflag:$0x6], $0x80, $0x38;
	[tilespmem:$0x1EC00] =	vst v63  }
0x349: {  	s16 =	sadd.s32 $0x188A8, s8;
	s21 =	sadd.s32 $0x50, s13  }
0x34a: {  	[hbm4b:s21+s3] =	stream.linear.scatter [tilespmem:s16], [sflag:$0x6], $0x80, $0x38;
	[tilespmem:$0x1EC00] =	vst v63  }
0x34b: {  	s15 =	sadd.s32 $0x18930, s8;
	s16 =	sadd.s32 $0x60, s13  }
0x34c: {  	[hbm4b:s16+s3] =	stream.linear.scatter [tilespmem:s15], [sflag:$0x6], $0x80, $0x38;
	[tilespmem:$0x1EC00] =	vst v63  }
0x34d: {  	s14 =	sadd.s32 $0x70, s13;
	s21 =	sadd.s32 $0x189B8, s8  }
0x34e: {  	[hbm4b:s14+s3] =	stream.linear.scatter [tilespmem:s21], [sflag:$0x6], $0x80, $0x38;
	[tilespmem:$0x1EC00] =	vst v63  }
0x34f: {  	s15 =	sshll.u32 s9, $0x9;
	_ =	swait.ge [sflag:s1], $0x2000  }
0x350: {  	s13 =	sand.u32 $0x3FFFFE00, s15;
	[sflag:s1] =	ssyncset.done $0x0  }
0x351: {  	s16 =	simm.s32 $0x6400;
	s8 =	sadd.s32 $0x200, s13;
	[sflag:s1] =	ssyncadd.s32 $0xFFFFE000  }
0x352: {  	[tilespmem:s16], [sflag:$0x1] =	stream.indirect.gather [hbm4b:s4+s18], $0x80, s8, s18, $0xb8;
	[tilespmem:$0x1EC00] =	vst v63  }
0x353: {  	_ =	swait.ge [sflag:s19], $0x4000  }
0x354: {  	[sflag:s19] =	ssyncset.done $0x0  }
0x355: {  	s21 =	simm.s32 $0x3;
	s8 =	simm.s32 $0xE5B0;
	[sflag:s19] =	ssyncadd.s32 $0xFFFFC000  }
0x356: {  	v4 =	vmov s21;
	v5 =	vld [tilespmem:s8+$0xFFFFFFD0]  }
0x357: {  	v9 =	vand.u32 $0x7F, v4  }
0x358: {  	s15 =	simm.s32 $0x0;
	v4 =	vadd.s32 v0, v9  }
0x359: {  	v6 =	vmov s15;
	s21 =	simm.s32 $0x2;
	s16 =	simm.s32 $0x1;
	v7 =	vld [tilespmem:s8+$0xFFFFFE50]  }
0x35a: {  	v8 =	vand.u32 $0x7C, v6;
	v11 =	vmov s21;
	v6 =	vmov s16;
	v10 =	vld [tilespmem:s8+$0xFFFFFED0]  }
0x35b: {  	v12 =	vadd.s32 v0, v8;
	v15 =	vand.u32 $0x7D, v6;
	v6 =	vld [tilespmem:s8+$0xFFFFFF50];
	v5 =	vmul.f32 $8.000000000e+00, v5  }
0x35c: {  	v17 =	vand.u32 $0x7E, v11;
	v13 =	vadd.s32 v0, v15  }
0x35d: {  	v11 =	vadd.s32 v0, v17;
	[tilespmem:v4+s23+$0x0] =	vst.idx.msk $0xffff, v5  }
0x35e: {  	v4 =	vmul.f32 $8.000000000e+00, v7;
	v5 =	vld [tilespmem:s8+$0xFFFFFFE0]  }
0x35f: {  	v7 =	vmul.f32 $8.000000000e+00, v10  }
0x360: {  	[tilespmem:v12+s23+$0x0] =	vst.idx.msk $0xffff, v4;
	v4 =	vmul.f32 $8.000000000e+00, v6;
	v6 =	vadd.s32 v1, v9  }
0x361: {  	[tilespmem:v13+s23+$0x0] =	vst.idx.msk $0xffff, v7;
	v10 =	vld [tilespmem:s8+$0xFFFFFE60]  }
0x362: {  	v7 =	vld [tilespmem:s8+$0xFFFFFEE0];
	[tilespmem:v11+s23+$0x0] =	vst.idx.msk $0xffff, v4  }
0x363: {  	v11 =	vld [tilespmem:s8+$0xFFFFFF60];
	v4 =	vmul.f32 $8.000000000e+00, v5  }
0x364: {  	s14 =	simm.s32 $0xE7B0;
	s21 =	simm.s32 $0x7;
	s16 =	simm.s32 $0x4;
	v12 =	vadd.s32 v1, v15  }
0x365: {  	v14 =	vld [tilespmem:s14+$0xFFFFFFD0];
	v13 =	vadd.s32 v1, v17;
	v5 =	vmov s16;
	[tilespmem:v6+s23+$0x0] =	vst.idx.msk $0xffff, v4;
	v6 =	vmov s21  }
0x366: {  	v16 =	vadd.s32 v1, v8;
	v4 =	vand.u32 $0x7C, v5;
	v5 =	vand.u32 $0x7F, v6;
	v18 =	vld [tilespmem:s8+$0xFFFFFFF0]  }
0x367: {  	v22 =	vadd.s32 v2, v9;
	v19 =	vld [tilespmem:s14+$0xFFFFFE50];
	s16 =	simm.s32 $0x5;
	v6 =	vmul.f32 $8.000000000e+00, v7;
	v20 =	vadd.s32 v0, v5  }
0x368: {  	v21 =	vld [tilespmem:s14+$0xFFFFFED0];
	v10 =	vmul.f32 $8.000000000e+00, v10;
	s21 =	simm.s32 $0x6;
	v7 =	vmul.f32 $8.000000000e+00, v11;
	v11 =	vmov s16  }
0x369: {  	v23 =	vadd.s32 v0, v4;
	[tilespmem:v12+s23+$0x0] =	vst.idx.msk $0xffff, v6;
	v12 =	vmov s21;
	v6 =	vand.u32 $0x7D, v11;
	v11 =	vld [tilespmem:s14+$0xFFFFFF50]  }
0x36a: {  	[tilespmem:v13+s23+$0x0] =	vst.idx.msk $0xffff, v7;
	v13 =	vadd.s32 v0, v6;
	v7 =	vand.u32 $0x7E, v12;
	v12 =	vmul.f32 $8.000000000e+00, v14;
	v14 =	vld [tilespmem:s8+$0xFFFFFEF0]  }
0x36b: {  	[tilespmem:v16+s23+$0x0] =	vst.idx.msk $0xffff, v10;
	v10 =	vadd.s32 v0, v7;
	v16 =	vld [tilespmem:s8+$0xFFFFFF70];
	v18 =	vmul.f32 $8.000000000e+00, v18  }
0x36c: {  	v19 =	vmul.f32 $8.000000000e+00, v19;
	[tilespmem:v20+s23+$0x0] =	vst.idx.msk $0xffff, v12;
	v12 =	vld [tilespmem:s8+$0xFFFFFE70];
	v20 =	vadd.s32 v2, v15  }
0x36d: {  	v25 =	vadd.s32 v2, v17;
	v21 =	vmul.f32 $8.000000000e+00, v21;
	v24 =	vld [tilespmem:s14+$0xFFFFFFE0];
	[tilespmem:v22+s23+$0x0] =	vst.idx.msk $0xffff, v18  }
0x36e: {  	[tilespmem:v23+s23+$0x0] =	vst.idx.msk $0xffff, v19;
	v19 =	vadd.s32 v2, v8;
	v11 =	vmul.f32 $8.000000000e+00, v11;
	v22 =	vld [tilespmem:s8+$0x0]  }
0x36f: {  	v23 =	vld [tilespmem:s14+$0xFFFFFE60];
	[tilespmem:v13+s23+$0x0] =	vst.idx.msk $0xffff, v21;
	v21 =	vadd.s32 v1, v5;
	v14 =	vmul.f32 $8.000000000e+00, v14  }
0x370: {  	v27 =	vadd.s32 v3, v9;
	v26 =	vld [tilespmem:s14+$0xFFFFFEE0];
	[tilespmem:v10+s23+$0x0] =	vst.idx.msk $0xffff, v11;
	v10 =	vmul.f32 $8.000000000e+00, v16  }
0x371: {  	v18 =	vadd.s32 v1, v4;
	v13 =	vld [tilespmem:s14+$0xFFFFFF60];
	v9 =	vmul.f32 $8.000000000e+00, v12;
	[tilespmem:v20+s23+$0x0] =	vst.idx.msk $0xffff, v14  }
0x372: {  	s16 =	simm.s32 $0x8;
	v16 =	vadd.s32 v1, v6;
	[tilespmem:v25+s23+$0x0] =	vst.idx.msk $0xffff, v10;
	v14 =	vmul.f32 $8.000000000e+00, v24;
	v12 =	vld [tilespmem:s8+$0xFFFFFF00]  }
0x373: {  	v20 =	vmov s16;
	v10 =	vadd.s32 v1, v7;
	v11 =	vld [tilespmem:s8+$0xFFFFFF80];
	[tilespmem:v19+s23+$0x0] =	vst.idx.msk $0xffff, v9;
	v63 =	vmul.f32 $8.000000000e+00, v22  }
0x374: {  	s15 =	simm.s32 $0xE9B0;
	s21 =	simm.s32 $0xB;
	v15 =	vadd.s32 v3, v15;
	v9 =	vand.u32 $0x7C, v20;
	v20 =	vmul.f32 $8.000000000e+00, v23;
	[tilespmem:v21+s23+$0x0] =	vst.idx.msk $0xffff, v14;
	v14 =	vld [tilespmem:s8+$0xFFFFFE80]  }
0x375: {  	v17 =	vadd.s32 v3, v17;
	v22 =	vmov s21;
	v19 =	vld [tilespmem:s15+$0xFFFFFFD0];
	s8 =	simm.s32 $0xC;
	v21 =	vmul.f32 $8.000000000e+00, v26;
	[tilespmem:v27+s23+$0x0] =	vst.idx.msk $0xffff, v63  }
.LBB2_27:
0x376: {  	p0 =	slt.u32 s8, $0x7C;
	s21 =	sadd.s32 $0x1, s16;
	v22 =	vand.u32 $0x7F, v22;
	[tilespmem:v18+s23+$0x0] =	vst.idx.msk $0xffff, v20;
	v13 =	vmul.f32 $8.000000000e+00, v13;
	v18 =	vld [tilespmem:s14+$0xFFFFFFF0];
	v20 =	vadd.s32 v3, v8;
	v8 =	vmovc v4  }
0x377: {  	v4 =	vmovc v9;
	v23 =	vld [tilespmem:s15+$0xFFFFFE50];
	v24 =	vmov s21;
	s21 =	sadd.s32 $0x2, s16;
	v25 =	vadd.s32 v0, v22;
	[tilespmem:v16+s23+$0x0] =	vst.idx.msk $0xffff, v21;
	v12 =	vmul.f32 $8.000000000e+00, v12;
	s16 =	smov.u32 s8  }
0x378: {  	v9 =	vld [tilespmem:s15+$0xFFFFFED0];
	v16 =	vmov s21;
	[tilespmem:v10+s23+$0x0] =	vst.idx.msk $0xffff, v13;
	v10 =	vadd.s32 v2, v5;
	v11 =	vmul.f32 $8.000000000e+00, v11  }
0x379: {  	v13 =	vadd.s32 v0, v4;
	v21 =	vand.u32 $0x7D, v24;
	v24 =	vld [tilespmem:s15+$0xFFFFFF50];
	v14 =	vmul.f32 $8.000000000e+00, v14;
	[tilespmem:v15+s23+$0x0] =	vst.idx.msk $0xffff, v12  }
0x37a: {  	v12 =	vadd.s32 v0, v21;
	v26 =	vand.u32 $0x7E, v16;
	v15 =	vmul.f32 $8.000000000e+00, v19;
	v16 =	vld [tilespmem:s14+$0xFFFFFEF0];
	[tilespmem:v17+s23+$0x0] =	vst.idx.msk $0xffff, v11  }
0x37b: {  	v11 =	vadd.s32 v0, v26;
	v17 =	vld [tilespmem:s14+$0xFFFFFF70];
	v18 =	vmul.f32 $8.000000000e+00, v18;
	[tilespmem:v20+s23+$0x0] =	vst.idx.msk $0xffff, v14  }
0x37c: {  	v19 =	vadd.s32 v2, v6;
	v14 =	vmul.f32 $8.000000000e+00, v23;
	[tilespmem:v25+s23+$0x0] =	vst.idx.msk $0xffff, v15;
	v15 =	vld [tilespmem:s14+$0xFFFFFE70]  }
0x37d: {  	v23 =	vadd.s32 v2, v7;
	v9 =	vmul.f32 $8.000000000e+00, v9;
	v20 =	vld [tilespmem:s15+$0xFFFFFFE0];
	[tilespmem:v10+s23+$0x0] =	vst.idx.msk $0xffff, v18  }
0x37e: {  	[tilespmem:v13+s23+$0x0] =	vst.idx.msk $0xffff, v14;
	v10 =	vmul.f32 $8.000000000e+00, v24;
	v14 =	vadd.s32 v2, v8;
	v24 =	vld [tilespmem:s14+$0x0]  }
0x37f: {  	v27 =	vadd.s32 v1, v22;
	v25 =	vld [tilespmem:s15+$0xFFFFFE60];
	[tilespmem:v12+s23+$0x0] =	vst.idx.msk $0xffff, v9;
	v9 =	vmul.f32 $8.000000000e+00, v16  }
0x380: {  	v29 =	vadd.s32 v3, v5;
	v5 =	vmov v22;
	v28 =	vld [tilespmem:s15+$0xFFFFFEE0];
	[tilespmem:v11+s23+$0x0] =	vst.idx.msk $0xffff, v10;
	v10 =	vmul.f32 $8.000000000e+00, v17  }
.Ltmp12:
0x381: {  	v18 =	vadd.s32 v1, v4;
	v13 =	vld [tilespmem:s15+$0xFFFFFF60];
	v11 =	vmul.f32 $8.000000000e+00, v15;
	[tilespmem:v19+s23+$0x0] =	vst.idx.msk $0xffff, v9;
	(pc) =	sbr.rel @p0 .LBB2_27-.Ltmp12, $4  }
0x382: {  	v16 =	vadd.s32 v1, v21;
	v15 =	vmul.f32 $8.000000000e+00, v20;
	v12 =	vld [tilespmem:s14+$0xFFFFFF00];
	[tilespmem:v23+s23+$0x0] =	vst.idx.msk $0xffff, v10  }
0x383: {  	v9 =	vmov s8;
	v10 =	vadd.s32 v1, v26;
	[tilespmem:v14+s23+$0x0] =	vst.idx.msk $0xffff, v11;
	v11 =	vld [tilespmem:s14+$0xFFFFFF80];
	v23 =	vmul.f32 $8.000000000e+00, v24  }
0x384: {  	s21 =	sadd.s32 $0x3, s8;
	v9 =	vand.u32 $0x7C, v9;
	v20 =	vmul.f32 $8.000000000e+00, v25;
	[tilespmem:v27+s23+$0x0] =	vst.idx.msk $0xffff, v15;
	v14 =	vld [tilespmem:s14+$0xFFFFFE80];
	v15 =	vadd.s32 v3, v6;
	v6 =	vmovc v21;
	s14 =	smov.u32 s15;
	s15 =	sadd.s32 $0x200, s15  }
0x385: {  	v22 =	vmov s21;
	v17 =	vadd.s32 v3, v7;
	v7 =	vmovc v26;
	s8 =	sadd.s32 $0x4, s8;
	v19 =	vld [tilespmem:s15+$0xFFFFFFD0];
	v21 =	vmul.f32 $8.000000000e+00, v28;
	[tilespmem:v29+s23+$0x0] =	vst.idx.msk $0xffff, v23  }
0x386: {  	s8 =	sadd.s32 $0x1, s16;
	v22 =	vand.u32 $0x7F, v22;
	v28 =	vld [tilespmem:s15+$0xFFFFFE50]  }
0x387: {  	s16 =	sadd.s32 $0x2, s16;
	v24 =	vld [tilespmem:s15+$0xFFFFFED0];
	v23 =	vmov s8;
	v25 =	vadd.s32 v0, v22  }
0x388: {  	v27 =	vld [tilespmem:s15+$0xFFFFFF50];
	v51 =	vadd.s32 v0, v9;
	v26 =	vmov s16;
	v23 =	vand.u32 $0x7D, v23  }
0x389: {  	v26 =	vand.u32 $0x7E, v26;
	v29 =	vadd.s32 v0, v23  }
0x38a: {  	[tilespmem:v18+s23+$0x0] =	vst.idx.msk $0xffff, v20;
	v30 =	vadd.s32 v0, v26;
	v19 =	vmul.f32 $8.000000000e+00, v19  }
0x38b: {  	[tilespmem:v16+s23+$0x0] =	vst.idx.msk $0xffff, v21;
	v54 =	vmul.f32 $8.000000000e+00, v28  }
0x38c: {  	v52 =	vmul.f32 $8.000000000e+00, v24;
	[tilespmem:v25+s23+$0x0] =	vst.idx.msk $0xffff, v19  }
0x38d: {  	v53 =	vmul.f32 $8.000000000e+00, v27;
	v55 =	vld [tilespmem:s15+$0xFFFFFFE0];
	[tilespmem:v51+s23+$0x0] =	vst.idx.msk $0xffff, v54  }
0x38e: {  	v13 =	vmul.f32 $8.000000000e+00, v13;
	v8 =	vadd.s32 v3, v8;
	[tilespmem:v29+s23+$0x0] =	vst.idx.msk $0xffff, v52;
	v59 =	vld [tilespmem:s15+$0xFFFFFE60]  }
0x38f: {  	v12 =	vmul.f32 $8.000000000e+00, v12;
	v57 =	vadd.s32 v1, v22;
	[tilespmem:v30+s23+$0x0] =	vst.idx.msk $0xffff, v53;
	v56 =	vld [tilespmem:s15+$0xFFFFFEE0]  }
0x390: {  	[tilespmem:v10+s23+$0x0] =	vst.idx.msk $0xffff, v13;
	v58 =	vmul.f32 $8.000000000e+00, v11;
	v28 =	vadd.s32 v1, v9;
	v19 =	vld [tilespmem:s15+$0xFFFFFF60]  }
0x391: {  	v61 =	vld [tilespmem:s14+$0xFFFFFFF0];
	v60 =	vadd.s32 v1, v23;
	v14 =	vmul.f32 $8.000000000e+00, v14;
	[tilespmem:v15+s23+$0x0] =	vst.idx.msk $0xffff, v12  }
0x392: {  	v32 =	vld [tilespmem:s14+$0xFFFFFE70];
	v62 =	vadd.s32 v1, v26;
	[tilespmem:v17+s23+$0x0] =	vst.idx.msk $0xffff, v58;
	v16 =	vmul.f32 $8.000000000e+00, v55  }
0x393: {  	[tilespmem:v8+s23+$0x0] =	vst.idx.msk $0xffff, v14;
	v29 =	vadd.s32 v2, v5;
	v30 =	vld [tilespmem:s14+$0xFFFFFF70];
	v11 =	vmul.f32 $8.000000000e+00, v59  }
0x394: {  	v38 =	vadd.s32 v2, v4;
	v63 =	vld [tilespmem:s14+$0xFFFFFEF0];
	v31 =	vmul.f32 $8.000000000e+00, v56;
	[tilespmem:v57+s23+$0x0] =	vst.idx.msk $0xffff, v16  }
0x395: {  	v35 =	vadd.s32 v2, v7;
	v34 =	vmul.f32 $8.000000000e+00, v19;
	v36 =	vld [tilespmem:s15+$0xFFFFFFF0];
	[tilespmem:v28+s23+$0x0] =	vst.idx.msk $0xffff, v11  }
0x396: {  	v33 =	vadd.s32 v2, v6;
	v37 =	vmul.f32 $8.000000000e+00, v61;
	[tilespmem:v60+s23+$0x0] =	vst.idx.msk $0xffff, v31;
	v43 =	vld [tilespmem:s15+$0xFFFFFE70]  }
0x397: {  	v40 =	vadd.s32 v2, v22;
	v14 =	vmul.f32 $8.000000000e+00, v32;
	[tilespmem:v62+s23+$0x0] =	vst.idx.msk $0xffff, v34;
	v39 =	vld [tilespmem:s15+$0xFFFFFEF0]  }
0x398: {  	v48 =	vadd.s32 v2, v9;
	[tilespmem:v29+s23+$0x0] =	vst.idx.msk $0xffff, v37;
	v42 =	vmul.f32 $8.000000000e+00, v30;
	v41 =	vld [tilespmem:s15+$0xFFFFFF70]  }
0x399: {  	v44 =	vadd.s32 v2, v23;
	v15 =	vmul.f32 $8.000000000e+00, v63;
	[tilespmem:v38+s23+$0x0] =	vst.idx.msk $0xffff, v14;
	v45 =	vld [tilespmem:s14+$0x0]  }
0x39a: {  	v46 =	vadd.s32 v2, v26;
	v14 =	vld [tilespmem:s14+$0xFFFFFE80];
	[tilespmem:v35+s23+$0x0] =	vst.idx.msk $0xffff, v42;
	v47 =	vmul.f32 $8.000000000e+00, v36  }
0x39b: {  	v5 =	vadd.s32 v3, v5;
	[tilespmem:v33+s23+$0x0] =	vst.idx.msk $0xffff, v15;
	v49 =	vld [tilespmem:s14+$0xFFFFFF80];
	v53 =	vmul.f32 $8.000000000e+00, v43  }
0x39c: {  	v4 =	vadd.s32 v3, v4;
	v21 =	vld [tilespmem:s14+$0xFFFFFF00];
	v12 =	vmul.f32 $8.000000000e+00, v39;
	[tilespmem:v40+s23+$0x0] =	vst.idx.msk $0xffff, v47  }
0x39d: {  	v52 =	vadd.s32 v3, v7;
	v51 =	vmul.f32 $8.000000000e+00, v41;
	v10 =	vld [tilespmem:s15+$0x0];
	[tilespmem:v48+s23+$0x0] =	vst.idx.msk $0xffff, v53  }
0x39e: {  	v50 =	vadd.s32 v3, v6;
	v54 =	vmul.f32 $8.000000000e+00, v45;
	[tilespmem:v44+s23+$0x0] =	vst.idx.msk $0xffff, v12;
	v59 =	vld [tilespmem:s15+$0xFFFFFE80]  }
0x39f: {  	v57 =	vadd.s32 v3, v22;
	v14 =	vmul.f32 $8.000000000e+00, v14;
	[tilespmem:v46+s23+$0x0] =	vst.idx.msk $0xffff, v51;
	v55 =	vld [tilespmem:s15+$0xFFFFFF00]  }
0x3a0: {  	v62 =	vadd.s32 v3, v9;
	[tilespmem:v5+s23+$0x0] =	vst.idx.msk $0xffff, v54;
	v5 =	vmul.f32 $8.000000000e+00, v49;
	v58 =	vld [tilespmem:s15+$0xFFFFFF80]  }
0x3a1: {  	v56 =	vmul.f32 $8.000000000e+00, v21;
	v60 =	vadd.s32 v3, v23;
	[tilespmem:v4+s23+$0x0] =	vst.idx.msk $0xffff, v14  }
0x3a2: {  	v61 =	vadd.s32 v3, v26;
	[tilespmem:v52+s23+$0x0] =	vst.idx.msk $0xffff, v5;
	v5 =	vmul.f32 $8.000000000e+00, v10  }
0x3a3: {  	[tilespmem:v50+s23+$0x0] =	vst.idx.msk $0xffff, v56;
	v63 =	vmul.f32 $8.000000000e+00, v59  }
0x3a4: {  	v4 =	vmul.f32 $8.000000000e+00, v55;
	[tilespmem:v57+s23+$0x0] =	vst.idx.msk $0xffff, v5  }
0x3a5: {  	v5 =	vmul.f32 $8.000000000e+00, v58;
	[tilespmem:v62+s23+$0x0] =	vst.idx.msk $0xffff, v63  }
0x3a6: {  	[tilespmem:v60+s23+$0x0] =	vst.idx.msk $0xffff, v4  }
0x3a7: {  	s12 =	sadd.s32 s12, s10;
	s21 =	simm.s32 $0x1A800;
	[tilespmem:v61+s23+$0x0] =	vst.idx.msk $0xffff, v5  }
0x3a8: {  	[hbm4b:s12+s3] =	stream.linear.scatter [tilespmem:s21], [sflag:$0x7], $0x80, $0x38;
	[tilespmem:$0x1EC00] =	vst v63  }
0x3a9: {  	s14 =	simm.s32 $0x1A888;
	s15 =	sadd.s32 $0x10, s12  }
0x3aa: {  	[hbm4b:s15+s3] =	stream.linear.scatter [tilespmem:s14], [sflag:$0x7], $0x80, $0x38;
	[tilespmem:$0x1EC00] =	vst v63  }
0x3ab: {  	s16 =	simm.s32 $0x1A910;
	s21 =	sadd.s32 $0x20, s12  }
0x3ac: {  	[hbm4b:s21+s3] =	stream.linear.scatter [tilespmem:s16], [sflag:$0x7], $0x80, $0x38;
	[tilespmem:$0x1EC00] =	vst v63  }
0x3ad: {  	s14 =	simm.s32 $0x1A998;
	s15 =	sadd.s32 $0x30, s12  }
0x3ae: {  	[hbm4b:s15+s3] =	stream.linear.scatter [tilespmem:s14], [sflag:$0x7], $0x80, $0x38;
	[tilespmem:$0x1EC00] =	vst v63  }
0x3af: {  	s16 =	simm.s32 $0x1AA20;
	s21 =	sadd.s32 $0x40, s12  }
0x3b0: {  	[hbm4b:s21+s3] =	stream.linear.scatter [tilespmem:s16], [sflag:$0x7], $0x80, $0x38;
	[tilespmem:$0x1EC00] =	vst v63  }
0x3b1: {  	s8 =	simm.s32 $0x440;
	s14 =	simm.s32 $0x1AAA8;
	s15 =	sadd.s32 $0x50, s12  }
0x3b2: {  	[hbm4b:s15+s3] =	stream.linear.scatter [tilespmem:s14], [sflag:$0x7], $0x80, $0x38;
	[tilespmem:$0x1EC00] =	vst v63  }
0x3b3: {  	s16 =	simm.s32 $0x1AB30;
	s21 =	sadd.s32 $0x60, s12;
	s14 =	simm.s32 $0x2200  }
0x3b4: {  	[hbm4b:s21+s3] =	stream.linear.scatter [tilespmem:s16], [sflag:$0x7], $0x80, $0x38;
	[tilespmem:$0x1EC00] =	vst v63  }
0x3b5: {  	s15 =	simm.s32 $0x1ABB8;
	s16 =	sadd.s32 $0x70, s12;
	s12 =	sadd.s32 $0x1000, s12  }
.LBB2_29:
0x3b6: {  	[hbm4b:s16+s3] =	stream.linear.scatter [tilespmem:s15], [sflag:$0x7], $0x80, $0x38;
	[tilespmem:$0x1EC00] =	vst v63  }
0x3b7: {  	s15 =	smov.u32 s8;
	s8 =	smov.u32 s14  }
0x3b8: {  	s21 =	sadd.s32 $0x1100, s14;
	s8 =	sshra.s32 s8, $0x2;
	s16 =	sadd.s32 $0x1A800, s15  }
0x3b9: {  	[hbm4b:s12+s3] =	stream.linear.scatter [tilespmem:s16], [sflag:$0x7], $0x80, $0x38;
	[tilespmem:$0x1EC00] =	vst v63  }
0x3ba: {  	p0 =	sne.s32 s14, $0x7700;
	s14 =	sadd.s32 $0x1A888, s15;
	s16 =	sadd.s32 $0x10, s12  }
0x3bb: {  	[hbm4b:s16+s3] =	stream.linear.scatter [tilespmem:s14], [sflag:$0x7], $0x80, $0x38;
	[tilespmem:$0x1EC00] =	vst v63  }
0x3bc: {  	s14 =	sadd.s32 $0x1A910, s15;
	s16 =	sadd.s32 $0x20, s12  }
0x3bd: {  	[hbm4b:s16+s3] =	stream.linear.scatter [tilespmem:s14], [sflag:$0x7], $0x80, $0x38;
	[tilespmem:$0x1EC00] =	vst v63  }
0x3be: {  	s14 =	sadd.s32 $0x1A998, s15;
	s16 =	sadd.s32 $0x30, s12  }
0x3bf: {  	[hbm4b:s16+s3] =	stream.linear.scatter [tilespmem:s14], [sflag:$0x7], $0x80, $0x38;
	[tilespmem:$0x1EC00] =	vst v63  }
0x3c0: {  	s14 =	sadd.s32 $0x1AA20, s15;
	s16 =	sadd.s32 $0x40, s12  }
0x3c1: {  	[hbm4b:s16+s3] =	stream.linear.scatter [tilespmem:s14], [sflag:$0x7], $0x80, $0x38;
	[tilespmem:$0x1EC00] =	vst v63  }
.Ltmp13:
0x3c2: {  	s14 =	sadd.s32 $0x1AAA8, s15;
	s16 =	sadd.s32 $0x50, s12;
	(pc) =	sbr.rel @p0 .LBB2_29-.Ltmp13, $4  }
0x3c3: {  	[hbm4b:s16+s3] =	stream.linear.scatter [tilespmem:s14], [sflag:$0x7], $0x80, $0x38;
	[tilespmem:$0x1EC00] =	vst v63  }
0x3c4: {  	s14 =	sadd.s32 $0x1AB30, s15;
	s16 =	sadd.s32 $0x60, s12;
	s15 =	sadd.s32 $0x1ABB8, s15  }
0x3c5: {  	[hbm4b:s16+s3] =	stream.linear.scatter [tilespmem:s14], [sflag:$0x7], $0x80, $0x38;
	[tilespmem:$0x1EC00] =	vst v63  }
0x3c6: {  	s16 =	sadd.s32 $0x70, s12;
	s12 =	sadd.s32 $0x1000, s12;
	s14 =	smov.u32 s21  }
0x3c7: {  	[hbm4b:s16+s3] =	stream.linear.scatter [tilespmem:s15], [sflag:$0x7], $0x80, $0x38;
	[tilespmem:$0x1EC00] =	vst v63  }
0x3c8: {  	s14 =	sadd.s32 $0x1A800, s8  }
0x3c9: {  	[hbm4b:s12+s3] =	stream.linear.scatter [tilespmem:s14], [sflag:$0x7], $0x80, $0x38;
	[tilespmem:$0x1EC00] =	vst v63  }
0x3ca: {  	s16 =	sadd.s32 $0x1A888, s8;
	s21 =	sadd.s32 $0x10, s12  }
0x3cb: {  	[hbm4b:s21+s3] =	stream.linear.scatter [tilespmem:s16], [sflag:$0x7], $0x80, $0x38;
	[tilespmem:$0x1EC00] =	vst v63  }
0x3cc: {  	s16 =	sadd.s32 $0x1A910, s8;
	s21 =	sadd.s32 $0x20, s12  }
0x3cd: {  	[hbm4b:s21+s3] =	stream.linear.scatter [tilespmem:s16], [sflag:$0x7], $0x80, $0x38;
	[tilespmem:$0x1EC00] =	vst v63  }
0x3ce: {  	s16 =	sadd.s32 $0x1A998, s8;
	s21 =	sadd.s32 $0x30, s12  }
0x3cf: {  	[hbm4b:s21+s3] =	stream.linear.scatter [tilespmem:s16], [sflag:$0x7], $0x80, $0x38;
	[tilespmem:$0x1EC00] =	vst v63  }
0x3d0: {  	s16 =	sadd.s32 $0x1AA20, s8;
	s21 =	sadd.s32 $0x40, s12  }
0x3d1: {  	[hbm4b:s21+s3] =	stream.linear.scatter [tilespmem:s16], [sflag:$0x7], $0x80, $0x38;
	[tilespmem:$0x1EC00] =	vst v63  }
0x3d2: {  	s16 =	sadd.s32 $0x1AAA8, s8;
	s21 =	sadd.s32 $0x50, s12  }
0x3d3: {  	[hbm4b:s21+s3] =	stream.linear.scatter [tilespmem:s16], [sflag:$0x7], $0x80, $0x38;
	[tilespmem:$0x1EC00] =	vst v63  }
0x3d4: {  	s15 =	sadd.s32 $0x1AB30, s8;
	s16 =	sadd.s32 $0x60, s12  }
0x3d5: {  	[hbm4b:s16+s3] =	stream.linear.scatter [tilespmem:s15], [sflag:$0x7], $0x80, $0x38;
	[tilespmem:$0x1EC00] =	vst v63  }
0x3d6: {  	s14 =	sadd.s32 $0x70, s12;
	s21 =	sadd.s32 $0x1ABB8, s8  }
0x3d7: {  	[hbm4b:s14+s3] =	stream.linear.scatter [tilespmem:s21], [sflag:$0x7], $0x80, $0x38;
	[tilespmem:$0x1EC00] =	vst v63  }
0x3d8: {  	_ =	swait.ge [sflag:s28], $0x2000  }
0x3d9: {  	[sflag:s28] =	ssyncset.done $0x0  }
0x3da: {  	s15 =	sadd.s32 $0x280, s13;
	[sflag:s28] =	ssyncadd.s32 $0xFFFFE000  }
0x3db: {  	[tilespmem:s22], [sflag:$0x2] =	stream.indirect.gather [hbm4b:s4+s18], $0x80, s15, s18, $0xb8;
	[tilespmem:$0x1EC00] =	vst v63  }
0x3dc: {  	_ =	swait.ge [sflag:s0], $0x4000  }
0x3dd: {  	[sflag:s0] =	ssyncset.done $0x0  }
0x3de: {  	s8 =	simm.s32 $0x125B0;
	s16 =	simm.s32 $0x3;
	[sflag:s0] =	ssyncadd.s32 $0xFFFFC000  }
0x3df: {  	v4 =	vmov s16;
	v5 =	vld [tilespmem:s8+$0xFFFFFFD0]  }
0x3e0: {  	v9 =	vand.u32 $0x7F, v4;
	s21 =	simm.s32 $0x0  }
0x3e1: {  	v4 =	vadd.s32 v0, v9;
	v6 =	vmov s21  }
0x3e2: {  	s14 =	simm.s32 $0x1;
	v8 =	vand.u32 $0x7C, v6;
	v7 =	vld [tilespmem:s8+$0xFFFFFE50]  }
0x3e3: {  	v6 =	vmov s14;
	v12 =	vadd.s32 v0, v8;
	s15 =	simm.s32 $0x2;
	v10 =	vld [tilespmem:s8+$0xFFFFFED0]  }
0x3e4: {  	v15 =	vand.u32 $0x7D, v6;
	v11 =	vmov s15;
	v6 =	vld [tilespmem:s8+$0xFFFFFF50];
	v5 =	vmul.f32 $8.000000000e+00, v5  }
0x3e5: {  	v13 =	vadd.s32 v0, v15;
	v17 =	vand.u32 $0x7E, v11  }
0x3e6: {  	v11 =	vadd.s32 v0, v17;
	[tilespmem:v4+s5+$0x0] =	vst.idx.msk $0xffff, v5  }
0x3e7: {  	v4 =	vmul.f32 $8.000000000e+00, v7;
	v5 =	vld [tilespmem:s8+$0xFFFFFFE0]  }
0x3e8: {  	v7 =	vmul.f32 $8.000000000e+00, v10  }
0x3e9: {  	[tilespmem:v12+s5+$0x0] =	vst.idx.msk $0xffff, v4;
	v4 =	vmul.f32 $8.000000000e+00, v6;
	v6 =	vadd.s32 v1, v9  }
0x3ea: {  	[tilespmem:v13+s5+$0x0] =	vst.idx.msk $0xffff, v7;
	v10 =	vld [tilespmem:s8+$0xFFFFFE60]  }
0x3eb: {  	v7 =	vld [tilespmem:s8+$0xFFFFFEE0];
	[tilespmem:v11+s5+$0x0] =	vst.idx.msk $0xffff, v4  }
0x3ec: {  	v11 =	vld [tilespmem:s8+$0xFFFFFF60];
	v4 =	vmul.f32 $8.000000000e+00, v5  }
0x3ed: {  	s12 =	simm.s32 $0x127B0;
	s16 =	simm.s32 $0x4;
	s21 =	simm.s32 $0x7;
	v12 =	vadd.s32 v1, v15  }
0x3ee: {  	v14 =	vld [tilespmem:s12+$0xFFFFFFD0];
	v13 =	vadd.s32 v1, v17;
	v5 =	vmov s16;
	[tilespmem:v6+s5+$0x0] =	vst.idx.msk $0xffff, v4;
	v6 =	vmov s21  }
0x3ef: {  	v16 =	vadd.s32 v1, v8;
	v4 =	vand.u32 $0x7C, v5;
	v5 =	vand.u32 $0x7F, v6;
	v18 =	vld [tilespmem:s8+$0xFFFFFFF0]  }
0x3f0: {  	v22 =	vadd.s32 v2, v9;
	s15 =	simm.s32 $0x5;
	v19 =	vld [tilespmem:s12+$0xFFFFFE50];
	v6 =	vmul.f32 $8.000000000e+00, v7;
	v20 =	vadd.s32 v0, v5  }
0x3f1: {  	v21 =	vld [tilespmem:s12+$0xFFFFFED0];
	s16 =	simm.s32 $0x6;
	v10 =	vmul.f32 $8.000000000e+00, v10;
	v7 =	vmul.f32 $8.000000000e+00, v11;
	v11 =	vmov s15  }
0x3f2: {  	v23 =	vadd.s32 v0, v4;
	[tilespmem:v12+s5+$0x0] =	vst.idx.msk $0xffff, v6;
	v12 =	vmov s16;
	v6 =	vand.u32 $0x7D, v11;
	v11 =	vld [tilespmem:s12+$0xFFFFFF50]  }
0x3f3: {  	[tilespmem:v13+s5+$0x0] =	vst.idx.msk $0xffff, v7;
	v13 =	vadd.s32 v0, v6;
	v7 =	vand.u32 $0x7E, v12;
	v12 =	vmul.f32 $8.000000000e+00, v14;
	v14 =	vld [tilespmem:s8+$0xFFFFFEF0]  }
0x3f4: {  	[tilespmem:v16+s5+$0x0] =	vst.idx.msk $0xffff, v10;
	v10 =	vadd.s32 v0, v7;
	v16 =	vld [tilespmem:s8+$0xFFFFFF70];
	v18 =	vmul.f32 $8.000000000e+00, v18  }
0x3f5: {  	v19 =	vmul.f32 $8.000000000e+00, v19;
	[tilespmem:v20+s5+$0x0] =	vst.idx.msk $0xffff, v12;
	v12 =	vld [tilespmem:s8+$0xFFFFFE70];
	v20 =	vadd.s32 v2, v15  }
0x3f6: {  	v25 =	vadd.s32 v2, v17;
	v21 =	vmul.f32 $8.000000000e+00, v21;
	v24 =	vld [tilespmem:s12+$0xFFFFFFE0];
	[tilespmem:v22+s5+$0x0] =	vst.idx.msk $0xffff, v18  }
0x3f7: {  	[tilespmem:v23+s5+$0x0] =	vst.idx.msk $0xffff, v19;
	v19 =	vadd.s32 v2, v8;
	v11 =	vmul.f32 $8.000000000e+00, v11;
	v22 =	vld [tilespmem:s8+$0x0]  }
0x3f8: {  	v23 =	vld [tilespmem:s12+$0xFFFFFE60];
	[tilespmem:v13+s5+$0x0] =	vst.idx.msk $0xffff, v21;
	v21 =	vadd.s32 v1, v5;
	v14 =	vmul.f32 $8.000000000e+00, v14  }
0x3f9: {  	v27 =	vadd.s32 v3, v9;
	v26 =	vld [tilespmem:s12+$0xFFFFFEE0];
	[tilespmem:v10+s5+$0x0] =	vst.idx.msk $0xffff, v11;
	v10 =	vmul.f32 $8.000000000e+00, v16  }
0x3fa: {  	v18 =	vadd.s32 v1, v4;
	v13 =	vld [tilespmem:s12+$0xFFFFFF60];
	v9 =	vmul.f32 $8.000000000e+00, v12;
	[tilespmem:v20+s5+$0x0] =	vst.idx.msk $0xffff, v14  }
0x3fb: {  	s15 =	simm.s32 $0x8;
	v16 =	vadd.s32 v1, v6;
	[tilespmem:v25+s5+$0x0] =	vst.idx.msk $0xffff, v10;
	v14 =	vmul.f32 $8.000000000e+00, v24;
	v12 =	vld [tilespmem:s8+$0xFFFFFF00]  }
0x3fc: {  	v20 =	vmov s15;
	v10 =	vadd.s32 v1, v7;
	v11 =	vld [tilespmem:s8+$0xFFFFFF80];
	[tilespmem:v19+s5+$0x0] =	vst.idx.msk $0xffff, v9;
	v63 =	vmul.f32 $8.000000000e+00, v22  }
0x3fd: {  	s14 =	simm.s32 $0x129B0;
	s21 =	simm.s32 $0xB;
	v15 =	vadd.s32 v3, v15;
	v9 =	vand.u32 $0x7C, v20;
	v20 =	vmul.f32 $8.000000000e+00, v23;
	[tilespmem:v21+s5+$0x0] =	vst.idx.msk $0xffff, v14;
	v14 =	vld [tilespmem:s8+$0xFFFFFE80]  }
0x3fe: {  	v17 =	vadd.s32 v3, v17;
	v22 =	vmov s21;
	v19 =	vld [tilespmem:s14+$0xFFFFFFD0];
	s8 =	simm.s32 $0xC;
	v21 =	vmul.f32 $8.000000000e+00, v26;
	[tilespmem:v27+s5+$0x0] =	vst.idx.msk $0xffff, v63  }
.LBB2_31:
0x3ff: {  	p0 =	slt.u32 s8, $0x7C;
	s16 =	sadd.s32 $0x1, s15;
	v22 =	vand.u32 $0x7F, v22;
	[tilespmem:v18+s5+$0x0] =	vst.idx.msk $0xffff, v20;
	v13 =	vmul.f32 $8.000000000e+00, v13;
	v18 =	vld [tilespmem:s12+$0xFFFFFFF0];
	v20 =	vadd.s32 v3, v8;
	v8 =	vmovc v4  }
0x400: {  	v4 =	vmovc v9;
	v23 =	vld [tilespmem:s14+$0xFFFFFE50];
	v24 =	vmov s16;
	s16 =	sadd.s32 $0x2, s15;
	v25 =	vadd.s32 v0, v22;
	[tilespmem:v16+s5+$0x0] =	vst.idx.msk $0xffff, v21;
	v12 =	vmul.f32 $8.000000000e+00, v12;
	s15 =	smov.u32 s8  }
0x401: {  	v9 =	vld [tilespmem:s14+$0xFFFFFED0];
	v16 =	vmov s16;
	[tilespmem:v10+s5+$0x0] =	vst.idx.msk $0xffff, v13;
	v10 =	vadd.s32 v2, v5;
	v11 =	vmul.f32 $8.000000000e+00, v11  }
0x402: {  	v13 =	vadd.s32 v0, v4;
	v21 =	vand.u32 $0x7D, v24;
	v24 =	vld [tilespmem:s14+$0xFFFFFF50];
	v14 =	vmul.f32 $8.000000000e+00, v14;
	[tilespmem:v15+s5+$0x0] =	vst.idx.msk $0xffff, v12  }
0x403: {  	v12 =	vadd.s32 v0, v21;
	v26 =	vand.u32 $0x7E, v16;
	v15 =	vmul.f32 $8.000000000e+00, v19;
	v16 =	vld [tilespmem:s12+$0xFFFFFEF0];
	[tilespmem:v17+s5+$0x0] =	vst.idx.msk $0xffff, v11  }
0x404: {  	v11 =	vadd.s32 v0, v26;
	v17 =	vld [tilespmem:s12+$0xFFFFFF70];
	v18 =	vmul.f32 $8.000000000e+00, v18;
	[tilespmem:v20+s5+$0x0] =	vst.idx.msk $0xffff, v14  }
0x405: {  	v19 =	vadd.s32 v2, v6;
	v14 =	vmul.f32 $8.000000000e+00, v23;
	[tilespmem:v25+s5+$0x0] =	vst.idx.msk $0xffff, v15;
	v15 =	vld [tilespmem:s12+$0xFFFFFE70]  }
0x406: {  	v23 =	vadd.s32 v2, v7;
	v9 =	vmul.f32 $8.000000000e+00, v9;
	v20 =	vld [tilespmem:s14+$0xFFFFFFE0];
	[tilespmem:v10+s5+$0x0] =	vst.idx.msk $0xffff, v18  }
0x407: {  	[tilespmem:v13+s5+$0x0] =	vst.idx.msk $0xffff, v14;
	v10 =	vmul.f32 $8.000000000e+00, v24;
	v14 =	vadd.s32 v2, v8;
	v24 =	vld [tilespmem:s12+$0x0]  }
0x408: {  	v27 =	vadd.s32 v1, v22;
	v25 =	vld [tilespmem:s14+$0xFFFFFE60];
	[tilespmem:v12+s5+$0x0] =	vst.idx.msk $0xffff, v9;
	v9 =	vmul.f32 $8.000000000e+00, v16  }
0x409: {  	v29 =	vadd.s32 v3, v5;
	v5 =	vmov v22;
	v28 =	vld [tilespmem:s14+$0xFFFFFEE0];
	[tilespmem:v11+s5+$0x0] =	vst.idx.msk $0xffff, v10;
	v10 =	vmul.f32 $8.000000000e+00, v17  }
.Ltmp14:
0x40a: {  	v18 =	vadd.s32 v1, v4;
	v13 =	vld [tilespmem:s14+$0xFFFFFF60];
	v11 =	vmul.f32 $8.000000000e+00, v15;
	[tilespmem:v19+s5+$0x0] =	vst.idx.msk $0xffff, v9;
	(pc) =	sbr.rel @p0 .LBB2_31-.Ltmp14, $4  }
0x40b: {  	v16 =	vadd.s32 v1, v21;
	v15 =	vmul.f32 $8.000000000e+00, v20;
	v12 =	vld [tilespmem:s12+$0xFFFFFF00];
	[tilespmem:v23+s5+$0x0] =	vst.idx.msk $0xffff, v10  }
0x40c: {  	v9 =	vmov s8;
	v10 =	vadd.s32 v1, v26;
	[tilespmem:v14+s5+$0x0] =	vst.idx.msk $0xffff, v11;
	v11 =	vld [tilespmem:s12+$0xFFFFFF80];
	v23 =	vmul.f32 $8.000000000e+00, v24  }
0x40d: {  	s16 =	sadd.s32 $0x3, s8;
	v9 =	vand.u32 $0x7C, v9;
	v20 =	vmul.f32 $8.000000000e+00, v25;
	[tilespmem:v27+s5+$0x0] =	vst.idx.msk $0xffff, v15;
	v14 =	vld [tilespmem:s12+$0xFFFFFE80];
	v15 =	vadd.s32 v3, v6;
	v6 =	vmovc v21;
	s12 =	smov.u32 s14;
	s14 =	sadd.s32 $0x200, s14  }
0x40e: {  	v22 =	vmov s16;
	v17 =	vadd.s32 v3, v7;
	v7 =	vmovc v26;
	s8 =	sadd.s32 $0x4, s8;
	v19 =	vld [tilespmem:s14+$0xFFFFFFD0];
	v21 =	vmul.f32 $8.000000000e+00, v28;
	[tilespmem:v29+s5+$0x0] =	vst.idx.msk $0xffff, v23  }
0x40f: {  	s8 =	sadd.s32 $0x1, s15;
	v22 =	vand.u32 $0x7F, v22;
	v28 =	vld [tilespmem:s14+$0xFFFFFE50]  }
0x410: {  	s21 =	sadd.s32 $0x2, s15;
	v24 =	vld [tilespmem:s14+$0xFFFFFED0];
	v23 =	vmov s8;
	v25 =	vadd.s32 v0, v22  }
0x411: {  	v27 =	vld [tilespmem:s14+$0xFFFFFF50];
	v51 =	vadd.s32 v0, v9;
	v26 =	vmov s21;
	v23 =	vand.u32 $0x7D, v23  }
0x412: {  	v26 =	vand.u32 $0x7E, v26;
	v29 =	vadd.s32 v0, v23  }
0x413: {  	[tilespmem:v18+s5+$0x0] =	vst.idx.msk $0xffff, v20;
	v30 =	vadd.s32 v0, v26;
	v19 =	vmul.f32 $8.000000000e+00, v19  }
0x414: {  	[tilespmem:v16+s5+$0x0] =	vst.idx.msk $0xffff, v21;
	v54 =	vmul.f32 $8.000000000e+00, v28  }
0x415: {  	v52 =	vmul.f32 $8.000000000e+00, v24;
	[tilespmem:v25+s5+$0x0] =	vst.idx.msk $0xffff, v19  }
0x416: {  	v53 =	vmul.f32 $8.000000000e+00, v27;
	v55 =	vld [tilespmem:s14+$0xFFFFFFE0];
	[tilespmem:v51+s5+$0x0] =	vst.idx.msk $0xffff, v54  }
0x417: {  	v13 =	vmul.f32 $8.000000000e+00, v13;
	v8 =	vadd.s32 v3, v8;
	[tilespmem:v29+s5+$0x0] =	vst.idx.msk $0xffff, v52;
	v59 =	vld [tilespmem:s14+$0xFFFFFE60]  }
0x418: {  	v12 =	vmul.f32 $8.000000000e+00, v12;
	v57 =	vadd.s32 v1, v22;
	[tilespmem:v30+s5+$0x0] =	vst.idx.msk $0xffff, v53;
	v56 =	vld [tilespmem:s14+$0xFFFFFEE0]  }
0x419: {  	[tilespmem:v10+s5+$0x0] =	vst.idx.msk $0xffff, v13;
	v58 =	vmul.f32 $8.000000000e+00, v11;
	v28 =	vadd.s32 v1, v9;
	v19 =	vld [tilespmem:s14+$0xFFFFFF60]  }
0x41a: {  	v61 =	vld [tilespmem:s12+$0xFFFFFFF0];
	v60 =	vadd.s32 v1, v23;
	v14 =	vmul.f32 $8.000000000e+00, v14;
	[tilespmem:v15+s5+$0x0] =	vst.idx.msk $0xffff, v12  }
0x41b: {  	v32 =	vld [tilespmem:s12+$0xFFFFFE70];
	v62 =	vadd.s32 v1, v26;
	[tilespmem:v17+s5+$0x0] =	vst.idx.msk $0xffff, v58;
	v16 =	vmul.f32 $8.000000000e+00, v55  }
0x41c: {  	[tilespmem:v8+s5+$0x0] =	vst.idx.msk $0xffff, v14;
	v29 =	vadd.s32 v2, v5;
	v30 =	vld [tilespmem:s12+$0xFFFFFF70];
	v11 =	vmul.f32 $8.000000000e+00, v59  }
0x41d: {  	v38 =	vadd.s32 v2, v4;
	v63 =	vld [tilespmem:s12+$0xFFFFFEF0];
	v31 =	vmul.f32 $8.000000000e+00, v56;
	[tilespmem:v57+s5+$0x0] =	vst.idx.msk $0xffff, v16  }
0x41e: {  	v35 =	vadd.s32 v2, v7;
	v34 =	vmul.f32 $8.000000000e+00, v19;
	v36 =	vld [tilespmem:s14+$0xFFFFFFF0];
	[tilespmem:v28+s5+$0x0] =	vst.idx.msk $0xffff, v11  }
0x41f: {  	v33 =	vadd.s32 v2, v6;
	v37 =	vmul.f32 $8.000000000e+00, v61;
	[tilespmem:v60+s5+$0x0] =	vst.idx.msk $0xffff, v31;
	v43 =	vld [tilespmem:s14+$0xFFFFFE70]  }
0x420: {  	v40 =	vadd.s32 v2, v22;
	v14 =	vmul.f32 $8.000000000e+00, v32;
	[tilespmem:v62+s5+$0x0] =	vst.idx.msk $0xffff, v34;
	v39 =	vld [tilespmem:s14+$0xFFFFFEF0]  }
0x421: {  	v48 =	vadd.s32 v2, v9;
	[tilespmem:v29+s5+$0x0] =	vst.idx.msk $0xffff, v37;
	v42 =	vmul.f32 $8.000000000e+00, v30;
	v41 =	vld [tilespmem:s14+$0xFFFFFF70]  }
0x422: {  	v44 =	vadd.s32 v2, v23;
	v15 =	vmul.f32 $8.000000000e+00, v63;
	[tilespmem:v38+s5+$0x0] =	vst.idx.msk $0xffff, v14;
	v45 =	vld [tilespmem:s12+$0x0]  }
0x423: {  	v46 =	vadd.s32 v2, v26;
	v14 =	vld [tilespmem:s12+$0xFFFFFE80];
	[tilespmem:v35+s5+$0x0] =	vst.idx.msk $0xffff, v42;
	v47 =	vmul.f32 $8.000000000e+00, v36  }
0x424: {  	v5 =	vadd.s32 v3, v5;
	[tilespmem:v33+s5+$0x0] =	vst.idx.msk $0xffff, v15;
	v49 =	vld [tilespmem:s12+$0xFFFFFF80];
	v53 =	vmul.f32 $8.000000000e+00, v43  }
0x425: {  	v4 =	vadd.s32 v3, v4;
	v21 =	vld [tilespmem:s12+$0xFFFFFF00];
	v12 =	vmul.f32 $8.000000000e+00, v39;
	[tilespmem:v40+s5+$0x0] =	vst.idx.msk $0xffff, v47  }
0x426: {  	v52 =	vadd.s32 v3, v7;
	v51 =	vmul.f32 $8.000000000e+00, v41;
	v10 =	vld [tilespmem:s14+$0x0];
	[tilespmem:v48+s5+$0x0] =	vst.idx.msk $0xffff, v53  }
0x427: {  	v50 =	vadd.s32 v3, v6;
	v54 =	vmul.f32 $8.000000000e+00, v45;
	[tilespmem:v44+s5+$0x0] =	vst.idx.msk $0xffff, v12;
	v59 =	vld [tilespmem:s14+$0xFFFFFE80]  }
0x428: {  	v57 =	vadd.s32 v3, v22;
	v14 =	vmul.f32 $8.000000000e+00, v14;
	[tilespmem:v46+s5+$0x0] =	vst.idx.msk $0xffff, v51;
	v55 =	vld [tilespmem:s14+$0xFFFFFF00]  }
0x429: {  	v62 =	vadd.s32 v3, v9;
	[tilespmem:v5+s5+$0x0] =	vst.idx.msk $0xffff, v54;
	v5 =	vmul.f32 $8.000000000e+00, v49;
	v58 =	vld [tilespmem:s14+$0xFFFFFF80]  }
0x42a: {  	v56 =	vmul.f32 $8.000000000e+00, v21;
	v60 =	vadd.s32 v3, v23;
	[tilespmem:v4+s5+$0x0] =	vst.idx.msk $0xffff, v14  }
0x42b: {  	v61 =	vadd.s32 v3, v26;
	[tilespmem:v52+s5+$0x0] =	vst.idx.msk $0xffff, v5;
	v5 =	vmul.f32 $8.000000000e+00, v10  }
0x42c: {  	[tilespmem:v50+s5+$0x0] =	vst.idx.msk $0xffff, v56;
	v63 =	vmul.f32 $8.000000000e+00, v59  }
0x42d: {  	s11 =	sshll.u32 s11, $0x12;
	v4 =	vmul.f32 $8.000000000e+00, v55;
	[tilespmem:v57+s5+$0x0] =	vst.idx.msk $0xffff, v5  }
0x42e: {  	s8 =	sor.u32 s6, s11;
	v5 =	vmul.f32 $8.000000000e+00, v58;
	[tilespmem:v62+s5+$0x0] =	vst.idx.msk $0xffff, v63  }
0x42f: {  	s8 =	sshrl.u32 s8, $0x3;
	[tilespmem:v60+s5+$0x0] =	vst.idx.msk $0xffff, v4  }
0x430: {  	s11 =	sadd.s32 s2, s8;
	s12 =	simm.s32 $0x1CA00;
	[tilespmem:v61+s5+$0x0] =	vst.idx.msk $0xffff, v5  }
0x431: {  	[hbm4b:s11+s3] =	stream.linear.scatter [tilespmem:s12], [sflag:$0x8], $0x80, $0x38;
	[tilespmem:$0x1EC00] =	vst v63  }
0x432: {  	s15 =	sadd.s32 $0x10, s11;
	s14 =	simm.s32 $0x1CA88  }
0x433: {  	[hbm4b:s15+s3] =	stream.linear.scatter [tilespmem:s14], [sflag:$0x8], $0x80, $0x38;
	[tilespmem:$0x1EC00] =	vst v63  }
0x434: {  	s16 =	simm.s32 $0x1CB10;
	s8 =	simm.s32 $0x440;
	s21 =	sadd.s32 $0x20, s11  }
0x435: {  	[hbm4b:s21+s3] =	stream.linear.scatter [tilespmem:s16], [sflag:$0x8], $0x80, $0x38;
	[tilespmem:$0x1EC00] =	vst v63  }
0x436: {  	s12 =	simm.s32 $0x2200;
	s14 =	simm.s32 $0x1CB98;
	s15 =	sadd.s32 $0x30, s11  }
0x437: {  	[hbm4b:s15+s3] =	stream.linear.scatter [tilespmem:s14], [sflag:$0x8], $0x80, $0x38;
	[tilespmem:$0x1EC00] =	vst v63  }
0x438: {  	s16 =	simm.s32 $0x1CC20;
	s21 =	sadd.s32 $0x40, s11;
	s14 =	simm.s32 $0x1CCA8  }
0x439: {  	[hbm4b:s21+s3] =	stream.linear.scatter [tilespmem:s16], [sflag:$0x8], $0x80, $0x38;
	[tilespmem:$0x1EC00] =	vst v63  }
0x43a: {  	s15 =	sadd.s32 $0x50, s11;
	s16 =	simm.s32 $0x1CD30;
	s21 =	sadd.s32 $0x60, s11  }
0x43b: {  	[hbm4b:s15+s3] =	stream.linear.scatter [tilespmem:s14], [sflag:$0x8], $0x80, $0x38;
	[tilespmem:$0x1EC00] =	vst v63  }
0x43c: {  	s14 =	simm.s32 $0x1CDB8;
	s15 =	sadd.s32 $0x70, s11;
	s11 =	sadd.s32 $0x1000, s11  }
0x43d: {  	[hbm4b:s21+s3] =	stream.linear.scatter [tilespmem:s16], [sflag:$0x8], $0x80, $0x38;
	[tilespmem:$0x1EC00] =	vst v63  }
.LBB2_33:
0x43e: {  	[hbm4b:s15+s3] =	stream.linear.scatter [tilespmem:s14], [sflag:$0x8], $0x80, $0x38;
	[tilespmem:$0x1EC00] =	vst v63  }
0x43f: {  	s14 =	smov.u32 s8;
	s8 =	smov.u32 s12  }
0x440: {  	s16 =	sadd.s32 $0x1100, s12;
	s8 =	sshra.s32 s8, $0x2;
	s15 =	sadd.s32 $0x1CA00, s14  }
0x441: {  	[hbm4b:s11+s3] =	stream.linear.scatter [tilespmem:s15], [sflag:$0x8], $0x80, $0x38;
	[tilespmem:$0x1EC00] =	vst v63  }
0x442: {  	p0 =	sne.s32 s12, $0x7700;
	s12 =	sadd.s32 $0x1CA88, s14;
	s15 =	sadd.s32 $0x10, s11  }
0x443: {  	[hbm4b:s15+s3] =	stream.linear.scatter [tilespmem:s12], [sflag:$0x8], $0x80, $0x38;
	[tilespmem:$0x1EC00] =	vst v63  }
0x444: {  	s12 =	sadd.s32 $0x1CB10, s14;
	s15 =	sadd.s32 $0x20, s11  }
0x445: {  	[hbm4b:s15+s3] =	stream.linear.scatter [tilespmem:s12], [sflag:$0x8], $0x80, $0x38;
	[tilespmem:$0x1EC00] =	vst v63  }
0x446: {  	s12 =	sadd.s32 $0x1CB98, s14;
	s15 =	sadd.s32 $0x30, s11  }
0x447: {  	[hbm4b:s15+s3] =	stream.linear.scatter [tilespmem:s12], [sflag:$0x8], $0x80, $0x38;
	[tilespmem:$0x1EC00] =	vst v63  }
0x448: {  	s12 =	sadd.s32 $0x1CC20, s14;
	s15 =	sadd.s32 $0x40, s11  }
0x449: {  	[hbm4b:s15+s3] =	stream.linear.scatter [tilespmem:s12], [sflag:$0x8], $0x80, $0x38;
	[tilespmem:$0x1EC00] =	vst v63  }
.Ltmp15:
0x44a: {  	s12 =	sadd.s32 $0x1CCA8, s14;
	s15 =	sadd.s32 $0x50, s11;
	(pc) =	sbr.rel @p0 .LBB2_33-.Ltmp15, $4  }
0x44b: {  	[hbm4b:s15+s3] =	stream.linear.scatter [tilespmem:s12], [sflag:$0x8], $0x80, $0x38;
	[tilespmem:$0x1EC00] =	vst v63  }
0x44c: {  	s12 =	sadd.s32 $0x1CD30, s14;
	s15 =	sadd.s32 $0x60, s11;
	s14 =	sadd.s32 $0x1CDB8, s14  }
0x44d: {  	[hbm4b:s15+s3] =	stream.linear.scatter [tilespmem:s12], [sflag:$0x8], $0x80, $0x38;
	[tilespmem:$0x1EC00] =	vst v63  }
0x44e: {  	s15 =	sadd.s32 $0x70, s11;
	s11 =	sadd.s32 $0x1000, s11;
	s12 =	smov.u32 s16  }
0x44f: {  	[hbm4b:s15+s3] =	stream.linear.scatter [tilespmem:s14], [sflag:$0x8], $0x80, $0x38;
	[tilespmem:$0x1EC00] =	vst v63  }
0x450: {  	s12 =	sadd.s32 $0x1CA00, s8  }
0x451: {  	[hbm4b:s11+s3] =	stream.linear.scatter [tilespmem:s12], [sflag:$0x8], $0x80, $0x38;
	[tilespmem:$0x1EC00] =	vst v63  }
0x452: {  	s14 =	sadd.s32 $0x1CA88, s8;
	s15 =	sadd.s32 $0x10, s11  }
0x453: {  	[hbm4b:s15+s3] =	stream.linear.scatter [tilespmem:s14], [sflag:$0x8], $0x80, $0x38;
	[tilespmem:$0x1EC00] =	vst v63  }
0x454: {  	s16 =	sadd.s32 $0x1CB10, s8;
	s21 =	sadd.s32 $0x20, s11  }
0x455: {  	[hbm4b:s21+s3] =	stream.linear.scatter [tilespmem:s16], [sflag:$0x8], $0x80, $0x38;
	[tilespmem:$0x1EC00] =	vst v63  }
0x456: {  	s14 =	sadd.s32 $0x1CB98, s8;
	s15 =	sadd.s32 $0x30, s11  }
0x457: {  	[hbm4b:s15+s3] =	stream.linear.scatter [tilespmem:s14], [sflag:$0x8], $0x80, $0x38;
	[tilespmem:$0x1EC00] =	vst v63  }
0x458: {  	s16 =	sadd.s32 $0x1CC20, s8;
	s21 =	sadd.s32 $0x40, s11  }
0x459: {  	[hbm4b:s21+s3] =	stream.linear.scatter [tilespmem:s16], [sflag:$0x8], $0x80, $0x38;
	[tilespmem:$0x1EC00] =	vst v63  }
0x45a: {  	s14 =	sadd.s32 $0x1CCA8, s8;
	s15 =	sadd.s32 $0x50, s11  }
0x45b: {  	[hbm4b:s15+s3] =	stream.linear.scatter [tilespmem:s14], [sflag:$0x8], $0x80, $0x38;
	[tilespmem:$0x1EC00] =	vst v63  }
0x45c: {  	s9 =	sadd.s32 $0x1, s9;
	s16 =	sadd.s32 $0x1CD30, s8;
	s21 =	sadd.s32 $0x60, s11  }
0x45d: {  	[hbm4b:s21+s3] =	stream.linear.scatter [tilespmem:s16], [sflag:$0x8], $0x80, $0x38;
	[tilespmem:$0x1EC00] =	vst v63  }
0x45e: {  	p0 =	sne.s32 s9, $0x31;
	s15 =	sadd.s32 $0x1CDB8, s8;
	s16 =	sadd.s32 $0x70, s11  }
0x45f: {  	[hbm4b:s16+s3] =	stream.linear.scatter [tilespmem:s15], [sflag:$0x8], $0x80, $0x38;
	[tilespmem:$0x1EC00] =	vst v63  }
.Ltmp16:
0x460: {  	_ = 	snop;
	(pc) =	sbr.rel @p0 .LBB2_18-.Ltmp16, $4  }
0x461: {  	_ =	swait.ge [sflag:s17], $0x2000  }
0x462: {  	[sflag:s17] =	ssyncset.done $0x0  }
0x463: {  	s21 =	sadd.s32 $0x300, s13;
	[sflag:s17] =	ssyncadd.s32 $0xFFFFE000  }
0x464: {  	[tilespmem:s24], [sflag:$0x3] =	stream.indirect.gather [hbm4b:s4+s18], $0x80, s21, s18, $0xb8;
	[tilespmem:$0x1EC00] =	vst v63  }
0x465: {  	_ =	swait.ge [sflag:s25], $0x4000  }
0x466: {  	[sflag:s25] =	ssyncset.done $0x0  }
0x467: {  	s8 =	simm.s32 $0x6500;
	s9 =	simm.s32 $0x3;
	[sflag:s25] =	ssyncadd.s32 $0xFFFFC000  }
0x468: {  	v4 =	vmov s9;
	v5 =	vld [tilespmem:s8+$0x80]  }
0x469: {  	v9 =	vand.u32 $0x7F, v4  }
0x46a: {  	s13 =	simm.s32 $0x0;
	v4 =	vadd.s32 v0, v9  }
0x46b: {  	s14 =	simm.s32 $0x1;
	s11 =	simm.s32 $0x2;
	v6 =	vmov s13;
	v7 =	vld [tilespmem:s8+$0xFFFFFF00]  }
0x46c: {  	v11 =	vmov s11;
	v8 =	vand.u32 $0x7C, v6;
	v6 =	vmov s14;
	v10 =	vld [tilespmem:s8+$0xFFFFFF80]  }
0x46d: {  	v12 =	vadd.s32 v0, v8;
	v15 =	vand.u32 $0x7D, v6;
	v6 =	vld [tilespmem:s8+$0x0];
	v5 =	vmul.f32 $8.000000000e+00, v5  }
0x46e: {  	v17 =	vand.u32 $0x7E, v11;
	v13 =	vadd.s32 v0, v15  }
0x46f: {  	v11 =	vadd.s32 v0, v17;
	[tilespmem:v4+s26+$0x0] =	vst.idx.msk $0xffff, v5  }
0x470: {  	v4 =	vmul.f32 $8.000000000e+00, v7;
	v5 =	vld [tilespmem:s8+$0x90]  }
0x471: {  	v7 =	vmul.f32 $8.000000000e+00, v10  }
0x472: {  	[tilespmem:v12+s26+$0x0] =	vst.idx.msk $0xffff, v4;
	v4 =	vmul.f32 $8.000000000e+00, v6;
	v6 =	vadd.s32 v1, v9  }
0x473: {  	[tilespmem:v13+s26+$0x0] =	vst.idx.msk $0xffff, v7;
	v10 =	vld [tilespmem:s8+$0xFFFFFF10]  }
0x474: {  	v7 =	vld [tilespmem:s8+$0xFFFFFF90];
	[tilespmem:v11+s26+$0x0] =	vst.idx.msk $0xffff, v4  }
0x475: {  	v11 =	vld [tilespmem:s8+$0x10];
	v4 =	vmul.f32 $8.000000000e+00, v5  }
0x476: {  	s15 =	simm.s32 $0x4;
	s12 =	simm.s32 $0x7;
	s9 =	simm.s32 $0x6700;
	v12 =	vadd.s32 v1, v15  }
0x477: {  	v14 =	vld [tilespmem:s9+$0x80];
	v13 =	vadd.s32 v1, v17;
	v5 =	vmov s15;
	[tilespmem:v6+s26+$0x0] =	vst.idx.msk $0xffff, v4;
	v6 =	vmov s12  }
0x478: {  	v16 =	vadd.s32 v1, v8;
	v4 =	vand.u32 $0x7C, v5;
	v5 =	vand.u32 $0x7F, v6;
	v18 =	vld [tilespmem:s8+$0xA0]  }
0x479: {  	s16 =	simm.s32 $0x5;
	v19 =	vld [tilespmem:s9+$0xFFFFFF00];
	v22 =	vadd.s32 v2, v9;
	v6 =	vmul.f32 $8.000000000e+00, v7;
	v20 =	vadd.s32 v0, v5  }
0x47a: {  	s21 =	simm.s32 $0x6;
	v21 =	vld [tilespmem:s9+$0xFFFFFF80];
	v10 =	vmul.f32 $8.000000000e+00, v10;
	v7 =	vmul.f32 $8.000000000e+00, v11;
	v11 =	vmov s16  }
0x47b: {  	v23 =	vadd.s32 v0, v4;
	[tilespmem:v12+s26+$0x0] =	vst.idx.msk $0xffff, v6;
	v12 =	vmov s21;
	v6 =	vand.u32 $0x7D, v11;
	v11 =	vld [tilespmem:s9+$0x0]  }
0x47c: {  	[tilespmem:v13+s26+$0x0] =	vst.idx.msk $0xffff, v7;
	v13 =	vadd.s32 v0, v6;
	v7 =	vand.u32 $0x7E, v12;
	v12 =	vmul.f32 $8.000000000e+00, v14;
	v14 =	vld [tilespmem:s8+$0xFFFFFFA0]  }
0x47d: {  	[tilespmem:v16+s26+$0x0] =	vst.idx.msk $0xffff, v10;
	v10 =	vadd.s32 v0, v7;
	v16 =	vld [tilespmem:s8+$0x20];
	v18 =	vmul.f32 $8.000000000e+00, v18  }
0x47e: {  	v19 =	vmul.f32 $8.000000000e+00, v19;
	[tilespmem:v20+s26+$0x0] =	vst.idx.msk $0xffff, v12;
	v12 =	vld [tilespmem:s8+$0xFFFFFF20];
	v20 =	vadd.s32 v2, v15  }
0x47f: {  	v25 =	vadd.s32 v2, v17;
	v21 =	vmul.f32 $8.000000000e+00, v21;
	v24 =	vld [tilespmem:s9+$0x90];
	[tilespmem:v22+s26+$0x0] =	vst.idx.msk $0xffff, v18  }
0x480: {  	[tilespmem:v23+s26+$0x0] =	vst.idx.msk $0xffff, v19;
	v19 =	vadd.s32 v2, v8;
	v11 =	vmul.f32 $8.000000000e+00, v11;
	v22 =	vld [tilespmem:s8+$0xB0]  }
0x481: {  	v23 =	vld [tilespmem:s9+$0xFFFFFF10];
	[tilespmem:v13+s26+$0x0] =	vst.idx.msk $0xffff, v21;
	v21 =	vadd.s32 v1, v5;
	v14 =	vmul.f32 $8.000000000e+00, v14  }
0x482: {  	v27 =	vadd.s32 v3, v9;
	v26 =	vld [tilespmem:s9+$0xFFFFFF90];
	[tilespmem:v10+s26+$0x0] =	vst.idx.msk $0xffff, v11;
	v10 =	vmul.f32 $8.000000000e+00, v16  }
0x483: {  	v18 =	vadd.s32 v1, v4;
	v13 =	vld [tilespmem:s9+$0x10];
	v9 =	vmul.f32 $8.000000000e+00, v12;
	[tilespmem:v20+s26+$0x0] =	vst.idx.msk $0xffff, v14  }
0x484: {  	s12 =	simm.s32 $0x8;
	v16 =	vadd.s32 v1, v6;
	[tilespmem:v25+s26+$0x0] =	vst.idx.msk $0xffff, v10;
	v14 =	vmul.f32 $8.000000000e+00, v24;
	v12 =	vld [tilespmem:s8+$0xFFFFFFB0]  }
0x485: {  	v20 =	vmov s12;
	v10 =	vadd.s32 v1, v7;
	v11 =	vld [tilespmem:s8+$0x30];
	[tilespmem:v19+s26+$0x0] =	vst.idx.msk $0xffff, v9;
	v63 =	vmul.f32 $8.000000000e+00, v22  }
0x486: {  	s13 =	simm.s32 $0xB;
	s11 =	simm.s32 $0x6900;
	v15 =	vadd.s32 v3, v15;
	v9 =	vand.u32 $0x7C, v20;
	v20 =	vmul.f32 $8.000000000e+00, v23;
	[tilespmem:v21+s26+$0x0] =	vst.idx.msk $0xffff, v14;
	v14 =	vld [tilespmem:s8+$0xFFFFFF30]  }
0x487: {  	v17 =	vadd.s32 v3, v17;
	v22 =	vmov s13;
	v19 =	vld [tilespmem:s11+$0x80];
	s8 =	simm.s32 $0xC;
	v21 =	vmul.f32 $8.000000000e+00, v26;
	[tilespmem:v27+s26+$0x0] =	vst.idx.msk $0xffff, v63  }
.LBB2_36:
0x488: {  	p0 =	slt.u32 s8, $0x7C;
	s13 =	sadd.s32 $0x1, s12;
	v22 =	vand.u32 $0x7F, v22;
	[tilespmem:v18+s26+$0x0] =	vst.idx.msk $0xffff, v20;
	v13 =	vmul.f32 $8.000000000e+00, v13;
	v18 =	vld [tilespmem:s9+$0xA0];
	v20 =	vadd.s32 v3, v8;
	v8 =	vmovc v4  }
0x489: {  	v4 =	vmovc v9;
	v23 =	vld [tilespmem:s11+$0xFFFFFF00];
	v24 =	vmov s13;
	s13 =	sadd.s32 $0x2, s12;
	v25 =	vadd.s32 v0, v22;
	[tilespmem:v16+s26+$0x0] =	vst.idx.msk $0xffff, v21;
	v12 =	vmul.f32 $8.000000000e+00, v12;
	s12 =	smov.u32 s8  }
0x48a: {  	v9 =	vld [tilespmem:s11+$0xFFFFFF80];
	v16 =	vmov s13;
	[tilespmem:v10+s26+$0x0] =	vst.idx.msk $0xffff, v13;
	v10 =	vadd.s32 v2, v5;
	v11 =	vmul.f32 $8.000000000e+00, v11  }
0x48b: {  	v13 =	vadd.s32 v0, v4;
	v21 =	vand.u32 $0x7D, v24;
	v24 =	vld [tilespmem:s11+$0x0];
	v14 =	vmul.f32 $8.000000000e+00, v14;
	[tilespmem:v15+s26+$0x0] =	vst.idx.msk $0xffff, v12  }
0x48c: {  	v12 =	vadd.s32 v0, v21;
	v26 =	vand.u32 $0x7E, v16;
	v15 =	vmul.f32 $8.000000000e+00, v19;
	v16 =	vld [tilespmem:s9+$0xFFFFFFA0];
	[tilespmem:v17+s26+$0x0] =	vst.idx.msk $0xffff, v11  }
0x48d: {  	v11 =	vadd.s32 v0, v26;
	v17 =	vld [tilespmem:s9+$0x20];
	v18 =	vmul.f32 $8.000000000e+00, v18;
	[tilespmem:v20+s26+$0x0] =	vst.idx.msk $0xffff, v14  }
0x48e: {  	v19 =	vadd.s32 v2, v6;
	v14 =	vmul.f32 $8.000000000e+00, v23;
	[tilespmem:v25+s26+$0x0] =	vst.idx.msk $0xffff, v15;
	v15 =	vld [tilespmem:s9+$0xFFFFFF20]  }
0x48f: {  	v23 =	vadd.s32 v2, v7;
	v9 =	vmul.f32 $8.000000000e+00, v9;
	v20 =	vld [tilespmem:s11+$0x90];
	[tilespmem:v10+s26+$0x0] =	vst.idx.msk $0xffff, v18  }
0x490: {  	[tilespmem:v13+s26+$0x0] =	vst.idx.msk $0xffff, v14;
	v10 =	vmul.f32 $8.000000000e+00, v24;
	v14 =	vadd.s32 v2, v8;
	v24 =	vld [tilespmem:s9+$0xB0]  }
0x491: {  	v27 =	vadd.s32 v1, v22;
	v25 =	vld [tilespmem:s11+$0xFFFFFF10];
	[tilespmem:v12+s26+$0x0] =	vst.idx.msk $0xffff, v9;
	v9 =	vmul.f32 $8.000000000e+00, v16  }
0x492: {  	v29 =	vadd.s32 v3, v5;
	v5 =	vmov v22;
	v28 =	vld [tilespmem:s11+$0xFFFFFF90];
	[tilespmem:v11+s26+$0x0] =	vst.idx.msk $0xffff, v10;
	v10 =	vmul.f32 $8.000000000e+00, v17  }
.Ltmp17:
0x493: {  	v18 =	vadd.s32 v1, v4;
	v13 =	vld [tilespmem:s11+$0x10];
	v11 =	vmul.f32 $8.000000000e+00, v15;
	[tilespmem:v19+s26+$0x0] =	vst.idx.msk $0xffff, v9;
	(pc) =	sbr.rel @p0 .LBB2_36-.Ltmp17, $4  }
0x494: {  	v16 =	vadd.s32 v1, v21;
	v15 =	vmul.f32 $8.000000000e+00, v20;
	v12 =	vld [tilespmem:s9+$0xFFFFFFB0];
	[tilespmem:v23+s26+$0x0] =	vst.idx.msk $0xffff, v10  }
0x495: {  	v9 =	vmov s8;
	v10 =	vadd.s32 v1, v26;
	[tilespmem:v14+s26+$0x0] =	vst.idx.msk $0xffff, v11;
	v11 =	vld [tilespmem:s9+$0x30];
	v23 =	vmul.f32 $8.000000000e+00, v24  }
0x496: {  	s13 =	sadd.s32 $0x3, s8;
	v9 =	vand.u32 $0x7C, v9;
	v20 =	vmul.f32 $8.000000000e+00, v25;
	[tilespmem:v27+s26+$0x0] =	vst.idx.msk $0xffff, v15;
	v14 =	vld [tilespmem:s9+$0xFFFFFF30];
	v15 =	vadd.s32 v3, v6;
	v6 =	vmovc v21;
	s9 =	smov.u32 s11;
	s11 =	sadd.s32 $0x200, s11  }
0x497: {  	v22 =	vmov s13;
	v17 =	vadd.s32 v3, v7;
	v7 =	vmovc v26;
	s8 =	sadd.s32 $0x4, s8;
	v19 =	vld [tilespmem:s11+$0x80];
	v21 =	vmul.f32 $8.000000000e+00, v28;
	[tilespmem:v29+s26+$0x0] =	vst.idx.msk $0xffff, v23  }
0x498: {  	s8 =	sadd.s32 $0x1, s12;
	v22 =	vand.u32 $0x7F, v22;
	v28 =	vld [tilespmem:s11+$0xFFFFFF00]  }
0x499: {  	s21 =	sadd.s32 $0x2, s12;
	v24 =	vld [tilespmem:s11+$0xFFFFFF80];
	v23 =	vmov s8;
	v25 =	vadd.s32 v0, v22  }
0x49a: {  	v27 =	vld [tilespmem:s11+$0x0];
	v51 =	vadd.s32 v0, v9;
	v26 =	vmov s21;
	v23 =	vand.u32 $0x7D, v23  }
0x49b: {  	v26 =	vand.u32 $0x7E, v26;
	v29 =	vadd.s32 v0, v23  }
0x49c: {  	[tilespmem:v18+s26+$0x0] =	vst.idx.msk $0xffff, v20;
	v30 =	vadd.s32 v0, v26;
	v19 =	vmul.f32 $8.000000000e+00, v19  }
0x49d: {  	[tilespmem:v16+s26+$0x0] =	vst.idx.msk $0xffff, v21;
	v54 =	vmul.f32 $8.000000000e+00, v28  }
0x49e: {  	v52 =	vmul.f32 $8.000000000e+00, v24;
	[tilespmem:v25+s26+$0x0] =	vst.idx.msk $0xffff, v19  }
0x49f: {  	v53 =	vmul.f32 $8.000000000e+00, v27;
	v55 =	vld [tilespmem:s11+$0x90];
	[tilespmem:v51+s26+$0x0] =	vst.idx.msk $0xffff, v54  }
0x4a0: {  	v13 =	vmul.f32 $8.000000000e+00, v13;
	v8 =	vadd.s32 v3, v8;
	[tilespmem:v29+s26+$0x0] =	vst.idx.msk $0xffff, v52;
	v59 =	vld [tilespmem:s11+$0xFFFFFF10]  }
0x4a1: {  	v12 =	vmul.f32 $8.000000000e+00, v12;
	v57 =	vadd.s32 v1, v22;
	[tilespmem:v30+s26+$0x0] =	vst.idx.msk $0xffff, v53;
	v56 =	vld [tilespmem:s11+$0xFFFFFF90]  }
0x4a2: {  	[tilespmem:v10+s26+$0x0] =	vst.idx.msk $0xffff, v13;
	v58 =	vmul.f32 $8.000000000e+00, v11;
	v28 =	vadd.s32 v1, v9;
	v19 =	vld [tilespmem:s11+$0x10]  }
0x4a3: {  	v61 =	vld [tilespmem:s9+$0xA0];
	v60 =	vadd.s32 v1, v23;
	v14 =	vmul.f32 $8.000000000e+00, v14;
	[tilespmem:v15+s26+$0x0] =	vst.idx.msk $0xffff, v12  }
0x4a4: {  	v32 =	vld [tilespmem:s9+$0xFFFFFF20];
	v62 =	vadd.s32 v1, v26;
	[tilespmem:v17+s26+$0x0] =	vst.idx.msk $0xffff, v58;
	v16 =	vmul.f32 $8.000000000e+00, v55  }
0x4a5: {  	[tilespmem:v8+s26+$0x0] =	vst.idx.msk $0xffff, v14;
	v29 =	vadd.s32 v2, v5;
	v30 =	vld [tilespmem:s9+$0x20];
	v11 =	vmul.f32 $8.000000000e+00, v59  }
0x4a6: {  	v38 =	vadd.s32 v2, v4;
	v63 =	vld [tilespmem:s9+$0xFFFFFFA0];
	v31 =	vmul.f32 $8.000000000e+00, v56;
	[tilespmem:v57+s26+$0x0] =	vst.idx.msk $0xffff, v16  }
0x4a7: {  	v35 =	vadd.s32 v2, v7;
	v34 =	vmul.f32 $8.000000000e+00, v19;
	v36 =	vld [tilespmem:s11+$0xA0];
	[tilespmem:v28+s26+$0x0] =	vst.idx.msk $0xffff, v11  }
0x4a8: {  	v33 =	vadd.s32 v2, v6;
	v37 =	vmul.f32 $8.000000000e+00, v61;
	[tilespmem:v60+s26+$0x0] =	vst.idx.msk $0xffff, v31;
	v43 =	vld [tilespmem:s11+$0xFFFFFF20]  }
0x4a9: {  	v40 =	vadd.s32 v2, v22;
	v14 =	vmul.f32 $8.000000000e+00, v32;
	[tilespmem:v62+s26+$0x0] =	vst.idx.msk $0xffff, v34;
	v39 =	vld [tilespmem:s11+$0xFFFFFFA0]  }
0x4aa: {  	v48 =	vadd.s32 v2, v9;
	[tilespmem:v29+s26+$0x0] =	vst.idx.msk $0xffff, v37;
	v42 =	vmul.f32 $8.000000000e+00, v30;
	v41 =	vld [tilespmem:s11+$0x20]  }
0x4ab: {  	v44 =	vadd.s32 v2, v23;
	v15 =	vmul.f32 $8.000000000e+00, v63;
	[tilespmem:v38+s26+$0x0] =	vst.idx.msk $0xffff, v14;
	v45 =	vld [tilespmem:s9+$0xB0]  }
0x4ac: {  	v46 =	vadd.s32 v2, v26;
	v14 =	vld [tilespmem:s9+$0xFFFFFF30];
	[tilespmem:v35+s26+$0x0] =	vst.idx.msk $0xffff, v42;
	v47 =	vmul.f32 $8.000000000e+00, v36  }
0x4ad: {  	v5 =	vadd.s32 v3, v5;
	[tilespmem:v33+s26+$0x0] =	vst.idx.msk $0xffff, v15;
	v49 =	vld [tilespmem:s9+$0x30];
	v53 =	vmul.f32 $8.000000000e+00, v43  }
0x4ae: {  	v4 =	vadd.s32 v3, v4;
	v21 =	vld [tilespmem:s9+$0xFFFFFFB0];
	v12 =	vmul.f32 $8.000000000e+00, v39;
	[tilespmem:v40+s26+$0x0] =	vst.idx.msk $0xffff, v47  }
0x4af: {  	v52 =	vadd.s32 v3, v7;
	v51 =	vmul.f32 $8.000000000e+00, v41;
	v10 =	vld [tilespmem:s11+$0xB0];
	[tilespmem:v48+s26+$0x0] =	vst.idx.msk $0xffff, v53  }
0x4b0: {  	v50 =	vadd.s32 v3, v6;
	v54 =	vmul.f32 $8.000000000e+00, v45;
	[tilespmem:v44+s26+$0x0] =	vst.idx.msk $0xffff, v12;
	v59 =	vld [tilespmem:s11+$0xFFFFFF30]  }
0x4b1: {  	v57 =	vadd.s32 v3, v22;
	v14 =	vmul.f32 $8.000000000e+00, v14;
	[tilespmem:v46+s26+$0x0] =	vst.idx.msk $0xffff, v51;
	v55 =	vld [tilespmem:s11+$0xFFFFFFB0]  }
0x4b2: {  	v62 =	vadd.s32 v3, v9;
	[tilespmem:v5+s26+$0x0] =	vst.idx.msk $0xffff, v54;
	v5 =	vmul.f32 $8.000000000e+00, v49;
	v58 =	vld [tilespmem:s11+$0x30]  }
0x4b3: {  	v56 =	vmul.f32 $8.000000000e+00, v21;
	v60 =	vadd.s32 v3, v23;
	[tilespmem:v4+s26+$0x0] =	vst.idx.msk $0xffff, v14  }
0x4b4: {  	v61 =	vadd.s32 v3, v26;
	[tilespmem:v52+s26+$0x0] =	vst.idx.msk $0xffff, v5;
	v5 =	vmul.f32 $8.000000000e+00, v10  }
0x4b5: {  	[tilespmem:v50+s26+$0x0] =	vst.idx.msk $0xffff, v56;
	v63 =	vmul.f32 $8.000000000e+00, v59  }
0x4b6: {  	v4 =	vmul.f32 $8.000000000e+00, v55;
	[tilespmem:v57+s26+$0x0] =	vst.idx.msk $0xffff, v5  }
0x4b7: {  	v5 =	vmul.f32 $8.000000000e+00, v58;
	[tilespmem:v62+s26+$0x0] =	vst.idx.msk $0xffff, v63  }
0x4b8: {  	[tilespmem:v60+s26+$0x0] =	vst.idx.msk $0xffff, v4  }
0x4b9: {  	[tilespmem:v61+s26+$0x0] =	vst.idx.msk $0xffff, v5  }
0x4ba: {  	s9 =	simm.s32 $0x16400;
	s14 =	rddreg [dreg:$0x8]  }
0x4bb: {  	[hbm4b:s14+s3] =	stream.linear.scatter [tilespmem:s9], [sflag:$0x5], $0x80, $0x38;
	[tilespmem:$0x1EC00] =	vst v63  }
0x4bc: {  	s11 =	simm.s32 $0x16488;
	s12 =	sadd.s32 $0x10, s14  }
0x4bd: {  	[hbm4b:s12+s3] =	stream.linear.scatter [tilespmem:s11], [sflag:$0x5], $0x80, $0x38;
	[tilespmem:$0x1EC00] =	vst v63  }
0x4be: {  	s13 =	simm.s32 $0x16510;
	s16 =	simm.s32 $0x16598;
	s15 =	sadd.s32 $0x20, s14  }
0x4bf: {  	[hbm4b:s15+s3] =	stream.linear.scatter [tilespmem:s13], [sflag:$0x5], $0x80, $0x38;
	[tilespmem:$0x1EC00] =	vst v63  }
0x4c0: {  	s8 =	simm.s32 $0x440;
	s21 =	sadd.s32 $0x30, s14;
	s9 =	sadd.s32 $0x1000, s14  }
0x4c1: {  	[hbm4b:s21+s3] =	stream.linear.scatter [tilespmem:s16], [sflag:$0x5], $0x80, $0x38;
	[tilespmem:$0x1EC00] =	vst v63  }
0x4c2: {  	s11 =	simm.s32 $0x16620;
	s12 =	sadd.s32 $0x40, s14;
	s13 =	simm.s32 $0x166A8  }
0x4c3: {  	[hbm4b:s12+s3] =	stream.linear.scatter [tilespmem:s11], [sflag:$0x5], $0x80, $0x38;
	[tilespmem:$0x1EC00] =	vst v63  }
0x4c4: {  	s15 =	sadd.s32 $0x50, s14;
	s16 =	simm.s32 $0x16730;
	s21 =	sadd.s32 $0x60, s14  }
0x4c5: {  	[hbm4b:s15+s3] =	stream.linear.scatter [tilespmem:s13], [sflag:$0x5], $0x80, $0x38;
	[tilespmem:$0x1EC00] =	vst v63  }
0x4c6: {  	s11 =	simm.s32 $0x2200;
	s12 =	simm.s32 $0x167B8;
	s13 =	sadd.s32 $0x70, s14  }
0x4c7: {  	[hbm4b:s21+s3] =	stream.linear.scatter [tilespmem:s16], [sflag:$0x5], $0x80, $0x38;
	[tilespmem:$0x1EC00] =	vst v63  }
.LBB2_38:
0x4c8: {  	[hbm4b:s13+s3] =	stream.linear.scatter [tilespmem:s12], [sflag:$0x5], $0x80, $0x38;
	[tilespmem:$0x1EC00] =	vst v63  }
0x4c9: {  	s12 =	smov.u32 s8;
	s8 =	smov.u32 s11  }
0x4ca: {  	s14 =	sadd.s32 $0x1100, s11;
	s8 =	sshra.s32 s8, $0x2;
	s13 =	sadd.s32 $0x16400, s12  }
0x4cb: {  	[hbm4b:s9+s3] =	stream.linear.scatter [tilespmem:s13], [sflag:$0x5], $0x80, $0x38;
	[tilespmem:$0x1EC00] =	vst v63  }
0x4cc: {  	p0 =	sne.s32 s11, $0x7700;
	s11 =	sadd.s32 $0x16488, s12;
	s13 =	sadd.s32 $0x10, s9  }
0x4cd: {  	[hbm4b:s13+s3] =	stream.linear.scatter [tilespmem:s11], [sflag:$0x5], $0x80, $0x38;
	[tilespmem:$0x1EC00] =	vst v63  }
0x4ce: {  	s11 =	sadd.s32 $0x16510, s12;
	s13 =	sadd.s32 $0x20, s9  }
0x4cf: {  	[hbm4b:s13+s3] =	stream.linear.scatter [tilespmem:s11], [sflag:$0x5], $0x80, $0x38;
	[tilespmem:$0x1EC00] =	vst v63  }
0x4d0: {  	s11 =	sadd.s32 $0x16598, s12;
	s13 =	sadd.s32 $0x30, s9  }
0x4d1: {  	[hbm4b:s13+s3] =	stream.linear.scatter [tilespmem:s11], [sflag:$0x5], $0x80, $0x38;
	[tilespmem:$0x1EC00] =	vst v63  }
0x4d2: {  	s11 =	sadd.s32 $0x16620, s12;
	s13 =	sadd.s32 $0x40, s9  }
0x4d3: {  	[hbm4b:s13+s3] =	stream.linear.scatter [tilespmem:s11], [sflag:$0x5], $0x80, $0x38;
	[tilespmem:$0x1EC00] =	vst v63  }
.Ltmp18:
0x4d4: {  	s11 =	sadd.s32 $0x166A8, s12;
	s13 =	sadd.s32 $0x50, s9;
	(pc) =	sbr.rel @p0 .LBB2_38-.Ltmp18, $4  }
0x4d5: {  	[hbm4b:s13+s3] =	stream.linear.scatter [tilespmem:s11], [sflag:$0x5], $0x80, $0x38;
	[tilespmem:$0x1EC00] =	vst v63  }
0x4d6: {  	s11 =	sadd.s32 $0x16730, s12;
	s13 =	sadd.s32 $0x60, s9;
	s12 =	sadd.s32 $0x167B8, s12  }
0x4d7: {  	[hbm4b:s13+s3] =	stream.linear.scatter [tilespmem:s11], [sflag:$0x5], $0x80, $0x38;
	[tilespmem:$0x1EC00] =	vst v63  }
0x4d8: {  	s13 =	sadd.s32 $0x70, s9;
	s9 =	sadd.s32 $0x1000, s9;
	s11 =	smov.u32 s14  }
0x4d9: {  	[hbm4b:s13+s3] =	stream.linear.scatter [tilespmem:s12], [sflag:$0x5], $0x80, $0x38;
	[tilespmem:$0x1EC00] =	vst v63  }
0x4da: {  	s11 =	sadd.s32 $0x16400, s8  }
0x4db: {  	[hbm4b:s9+s3] =	stream.linear.scatter [tilespmem:s11], [sflag:$0x5], $0x80, $0x38;
	[tilespmem:$0x1EC00] =	vst v63  }
0x4dc: {  	s12 =	sadd.s32 $0x16488, s8;
	s13 =	sadd.s32 $0x10, s9  }
0x4dd: {  	[hbm4b:s13+s3] =	stream.linear.scatter [tilespmem:s12], [sflag:$0x5], $0x80, $0x38;
	[tilespmem:$0x1EC00] =	vst v63  }
0x4de: {  	s14 =	sadd.s32 $0x16510, s8;
	s15 =	sadd.s32 $0x20, s9  }
0x4df: {  	[hbm4b:s15+s3] =	stream.linear.scatter [tilespmem:s14], [sflag:$0x5], $0x80, $0x38;
	[tilespmem:$0x1EC00] =	vst v63  }
0x4e0: {  	s16 =	sadd.s32 $0x16598, s8;
	s21 =	sadd.s32 $0x30, s9  }
0x4e1: {  	[hbm4b:s21+s3] =	stream.linear.scatter [tilespmem:s16], [sflag:$0x5], $0x80, $0x38;
	[tilespmem:$0x1EC00] =	vst v63  }
0x4e2: {  	s12 =	sadd.s32 $0x16620, s8;
	s13 =	sadd.s32 $0x40, s9  }
0x4e3: {  	[hbm4b:s13+s3] =	stream.linear.scatter [tilespmem:s12], [sflag:$0x5], $0x80, $0x38;
	[tilespmem:$0x1EC00] =	vst v63  }
0x4e4: {  	s14 =	sadd.s32 $0x166A8, s8;
	s15 =	sadd.s32 $0x50, s9  }
0x4e5: {  	[hbm4b:s15+s3] =	stream.linear.scatter [tilespmem:s14], [sflag:$0x5], $0x80, $0x38;
	[tilespmem:$0x1EC00] =	vst v63  }
0x4e6: {  	s16 =	sadd.s32 $0x16730, s8;
	s21 =	sadd.s32 $0x60, s9  }
0x4e7: {  	[hbm4b:s21+s3] =	stream.linear.scatter [tilespmem:s16], [sflag:$0x5], $0x80, $0x38;
	[tilespmem:$0x1EC00] =	vst v63  }
0x4e8: {  	s13 =	sadd.s32 $0x167B8, s8;
	s14 =	sadd.s32 $0x70, s9  }
0x4e9: {  	[hbm4b:s14+s3] =	stream.linear.scatter [tilespmem:s13], [sflag:$0x5], $0x80, $0x38;
	[tilespmem:$0x1EC00] =	vst v63  }
0x4ea: {  	_ =	swait.ge [sflag:s20], $0x2000  }
0x4eb: {  	[sflag:s20] =	ssyncset.done $0x0  }
0x4ec: {  	s15 =	simm.s32 $0x6380;
	[sflag:s20] =	ssyncadd.s32 $0xFFFFE000  }
0x4ed: {  	[tilespmem:s29], [sflag:$0x4] =	stream.indirect.gather [hbm4b:s4+s18], $0x80, s15, s18, $0xb8;
	[tilespmem:$0x1EC00] =	vst v63  }
0x4ee: {  	_ =	swait.ge [sflag:s30], $0x4000  }
0x4ef: {  	[sflag:s30] =	ssyncset.done $0x0  }
0x4f0: {  	s8 =	simm.s32 $0xA5B0;
	s16 =	simm.s32 $0x3;
	[sflag:s30] =	ssyncadd.s32 $0xFFFFC000  }
0x4f1: {  	v4 =	vmov s16;
	v5 =	vld [tilespmem:s8+$0xFFFFFFD0]  }
0x4f2: {  	v9 =	vand.u32 $0x7F, v4  }
0x4f3: {  	s21 =	simm.s32 $0x0;
	v4 =	vadd.s32 v0, v9  }
0x4f4: {  	s11 =	simm.s32 $0x1;
	s12 =	simm.s32 $0x2;
	v6 =	vmov s21;
	v7 =	vld [tilespmem:s8+$0xFFFFFE50]  }
0x4f5: {  	v11 =	vmov s12;
	v8 =	vand.u32 $0x7C, v6;
	v6 =	vmov s11;
	v10 =	vld [tilespmem:s8+$0xFFFFFED0]  }
0x4f6: {  	v12 =	vadd.s32 v0, v8;
	v15 =	vand.u32 $0x7D, v6;
	v6 =	vld [tilespmem:s8+$0xFFFFFF50];
	v5 =	vmul.f32 $8.000000000e+00, v5  }
0x4f7: {  	v17 =	vand.u32 $0x7E, v11;
	v13 =	vadd.s32 v0, v15  }
0x4f8: {  	v11 =	vadd.s32 v0, v17;
	[tilespmem:v4+s31+$0x0] =	vst.idx.msk $0xffff, v5  }
0x4f9: {  	v4 =	vmul.f32 $8.000000000e+00, v7;
	v5 =	vld [tilespmem:s8+$0xFFFFFFE0]  }
0x4fa: {  	v7 =	vmul.f32 $8.000000000e+00, v10  }
0x4fb: {  	[tilespmem:v12+s31+$0x0] =	vst.idx.msk $0xffff, v4;
	v4 =	vmul.f32 $8.000000000e+00, v6;
	v6 =	vadd.s32 v1, v9  }
0x4fc: {  	[tilespmem:v13+s31+$0x0] =	vst.idx.msk $0xffff, v7;
	v10 =	vld [tilespmem:s8+$0xFFFFFE60]  }
0x4fd: {  	v7 =	vld [tilespmem:s8+$0xFFFFFEE0];
	[tilespmem:v11+s31+$0x0] =	vst.idx.msk $0xffff, v4  }
0x4fe: {  	v11 =	vld [tilespmem:s8+$0xFFFFFF60];
	v4 =	vmul.f32 $8.000000000e+00, v5  }
0x4ff: {  	s9 =	simm.s32 $0xA7B0;
	s13 =	simm.s32 $0x4;
	s14 =	simm.s32 $0x7;
	v12 =	vadd.s32 v1, v15  }
0x500: {  	v14 =	vld [tilespmem:s9+$0xFFFFFFD0];
	v13 =	vadd.s32 v1, v17;
	v5 =	vmov s13;
	[tilespmem:v6+s31+$0x0] =	vst.idx.msk $0xffff, v4;
	v6 =	vmov s14  }
0x501: {  	v16 =	vadd.s32 v1, v8;
	v4 =	vand.u32 $0x7C, v5;
	v5 =	vand.u32 $0x7F, v6;
	v18 =	vld [tilespmem:s8+$0xFFFFFFF0]  }
0x502: {  	v22 =	vadd.s32 v2, v9;
	s15 =	simm.s32 $0x5;
	v19 =	vld [tilespmem:s9+$0xFFFFFE50];
	v6 =	vmul.f32 $8.000000000e+00, v7;
	v20 =	vadd.s32 v0, v5  }
0x503: {  	s16 =	simm.s32 $0x6;
	v21 =	vld [tilespmem:s9+$0xFFFFFED0];
	v10 =	vmul.f32 $8.000000000e+00, v10;
	v7 =	vmul.f32 $8.000000000e+00, v11;
	v11 =	vmov s15  }
0x504: {  	v23 =	vadd.s32 v0, v4;
	[tilespmem:v12+s31+$0x0] =	vst.idx.msk $0xffff, v6;
	v12 =	vmov s16;
	v6 =	vand.u32 $0x7D, v11;
	v11 =	vld [tilespmem:s9+$0xFFFFFF50]  }
0x505: {  	[tilespmem:v13+s31+$0x0] =	vst.idx.msk $0xffff, v7;
	v13 =	vadd.s32 v0, v6;
	v7 =	vand.u32 $0x7E, v12;
	v12 =	vmul.f32 $8.000000000e+00, v14;
	v14 =	vld [tilespmem:s8+$0xFFFFFEF0]  }
0x506: {  	[tilespmem:v16+s31+$0x0] =	vst.idx.msk $0xffff, v10;
	v10 =	vadd.s32 v0, v7;
	v16 =	vld [tilespmem:s8+$0xFFFFFF70];
	v18 =	vmul.f32 $8.000000000e+00, v18  }
0x507: {  	v19 =	vmul.f32 $8.000000000e+00, v19;
	[tilespmem:v20+s31+$0x0] =	vst.idx.msk $0xffff, v12;
	v12 =	vld [tilespmem:s8+$0xFFFFFE70];
	v20 =	vadd.s32 v2, v15  }
0x508: {  	v25 =	vadd.s32 v2, v17;
	v21 =	vmul.f32 $8.000000000e+00, v21;
	v24 =	vld [tilespmem:s9+$0xFFFFFFE0];
	[tilespmem:v22+s31+$0x0] =	vst.idx.msk $0xffff, v18  }
0x509: {  	[tilespmem:v23+s31+$0x0] =	vst.idx.msk $0xffff, v19;
	v19 =	vadd.s32 v2, v8;
	v11 =	vmul.f32 $8.000000000e+00, v11;
	v22 =	vld [tilespmem:s8+$0x0]  }
0x50a: {  	v23 =	vld [tilespmem:s9+$0xFFFFFE60];
	[tilespmem:v13+s31+$0x0] =	vst.idx.msk $0xffff, v21;
	v21 =	vadd.s32 v1, v5;
	v14 =	vmul.f32 $8.000000000e+00, v14  }
0x50b: {  	v27 =	vadd.s32 v3, v9;
	v26 =	vld [tilespmem:s9+$0xFFFFFEE0];
	[tilespmem:v10+s31+$0x0] =	vst.idx.msk $0xffff, v11;
	v10 =	vmul.f32 $8.000000000e+00, v16  }
0x50c: {  	v18 =	vadd.s32 v1, v4;
	v13 =	vld [tilespmem:s9+$0xFFFFFF60];
	v9 =	vmul.f32 $8.000000000e+00, v12;
	[tilespmem:v20+s31+$0x0] =	vst.idx.msk $0xffff, v14  }
0x50d: {  	s12 =	simm.s32 $0x8;
	v16 =	vadd.s32 v1, v6;
	[tilespmem:v25+s31+$0x0] =	vst.idx.msk $0xffff, v10;
	v14 =	vmul.f32 $8.000000000e+00, v24;
	v12 =	vld [tilespmem:s8+$0xFFFFFF00]  }
0x50e: {  	v20 =	vmov s12;
	v10 =	vadd.s32 v1, v7;
	v11 =	vld [tilespmem:s8+$0xFFFFFF80];
	[tilespmem:v19+s31+$0x0] =	vst.idx.msk $0xffff, v9;
	v63 =	vmul.f32 $8.000000000e+00, v22  }
0x50f: {  	s21 =	simm.s32 $0xB;
	s11 =	simm.s32 $0xA9B0;
	v15 =	vadd.s32 v3, v15;
	v9 =	vand.u32 $0x7C, v20;
	v20 =	vmul.f32 $8.000000000e+00, v23;
	[tilespmem:v21+s31+$0x0] =	vst.idx.msk $0xffff, v14;
	v14 =	vld [tilespmem:s8+$0xFFFFFE80]  }
0x510: {  	v17 =	vadd.s32 v3, v17;
	v22 =	vmov s21;
	v19 =	vld [tilespmem:s11+$0xFFFFFFD0];
	s8 =	simm.s32 $0xC;
	v21 =	vmul.f32 $8.000000000e+00, v26;
	[tilespmem:v27+s31+$0x0] =	vst.idx.msk $0xffff, v63  }
.LBB2_40:
0x511: {  	p0 =	slt.u32 s8, $0x7C;
	s13 =	sadd.s32 $0x1, s12;
	v22 =	vand.u32 $0x7F, v22;
	[tilespmem:v18+s31+$0x0] =	vst.idx.msk $0xffff, v20;
	v13 =	vmul.f32 $8.000000000e+00, v13;
	v18 =	vld [tilespmem:s9+$0xFFFFFFF0];
	v20 =	vadd.s32 v3, v8;
	v8 =	vmovc v4  }
0x512: {  	v4 =	vmovc v9;
	v23 =	vld [tilespmem:s11+$0xFFFFFE50];
	v24 =	vmov s13;
	s13 =	sadd.s32 $0x2, s12;
	v25 =	vadd.s32 v0, v22;
	[tilespmem:v16+s31+$0x0] =	vst.idx.msk $0xffff, v21;
	v12 =	vmul.f32 $8.000000000e+00, v12;
	s12 =	smov.u32 s8  }
0x513: {  	v9 =	vld [tilespmem:s11+$0xFFFFFED0];
	v16 =	vmov s13;
	[tilespmem:v10+s31+$0x0] =	vst.idx.msk $0xffff, v13;
	v10 =	vadd.s32 v2, v5;
	v11 =	vmul.f32 $8.000000000e+00, v11  }
0x514: {  	v13 =	vadd.s32 v0, v4;
	v21 =	vand.u32 $0x7D, v24;
	v24 =	vld [tilespmem:s11+$0xFFFFFF50];
	v14 =	vmul.f32 $8.000000000e+00, v14;
	[tilespmem:v15+s31+$0x0] =	vst.idx.msk $0xffff, v12  }
0x515: {  	v12 =	vadd.s32 v0, v21;
	v26 =	vand.u32 $0x7E, v16;
	v15 =	vmul.f32 $8.000000000e+00, v19;
	v16 =	vld [tilespmem:s9+$0xFFFFFEF0];
	[tilespmem:v17+s31+$0x0] =	vst.idx.msk $0xffff, v11  }
0x516: {  	v11 =	vadd.s32 v0, v26;
	v17 =	vld [tilespmem:s9+$0xFFFFFF70];
	v18 =	vmul.f32 $8.000000000e+00, v18;
	[tilespmem:v20+s31+$0x0] =	vst.idx.msk $0xffff, v14  }
0x517: {  	v19 =	vadd.s32 v2, v6;
	v14 =	vmul.f32 $8.000000000e+00, v23;
	[tilespmem:v25+s31+$0x0] =	vst.idx.msk $0xffff, v15;
	v15 =	vld [tilespmem:s9+$0xFFFFFE70]  }
0x518: {  	v23 =	vadd.s32 v2, v7;
	v9 =	vmul.f32 $8.000000000e+00, v9;
	v20 =	vld [tilespmem:s11+$0xFFFFFFE0];
	[tilespmem:v10+s31+$0x0] =	vst.idx.msk $0xffff, v18  }
0x519: {  	[tilespmem:v13+s31+$0x0] =	vst.idx.msk $0xffff, v14;
	v10 =	vmul.f32 $8.000000000e+00, v24;
	v14 =	vadd.s32 v2, v8;
	v24 =	vld [tilespmem:s9+$0x0]  }
0x51a: {  	v27 =	vadd.s32 v1, v22;
	v25 =	vld [tilespmem:s11+$0xFFFFFE60];
	[tilespmem:v12+s31+$0x0] =	vst.idx.msk $0xffff, v9;
	v9 =	vmul.f32 $8.000000000e+00, v16  }
0x51b: {  	v29 =	vadd.s32 v3, v5;
	v5 =	vmov v22;
	v28 =	vld [tilespmem:s11+$0xFFFFFEE0];
	[tilespmem:v11+s31+$0x0] =	vst.idx.msk $0xffff, v10;
	v10 =	vmul.f32 $8.000000000e+00, v17  }
.Ltmp19:
0x51c: {  	v18 =	vadd.s32 v1, v4;
	v13 =	vld [tilespmem:s11+$0xFFFFFF60];
	v11 =	vmul.f32 $8.000000000e+00, v15;
	[tilespmem:v19+s31+$0x0] =	vst.idx.msk $0xffff, v9;
	(pc) =	sbr.rel @p0 .LBB2_40-.Ltmp19, $4  }
0x51d: {  	v16 =	vadd.s32 v1, v21;
	v15 =	vmul.f32 $8.000000000e+00, v20;
	v12 =	vld [tilespmem:s9+$0xFFFFFF00];
	[tilespmem:v23+s31+$0x0] =	vst.idx.msk $0xffff, v10  }
0x51e: {  	v9 =	vmov s8;
	v10 =	vadd.s32 v1, v26;
	[tilespmem:v14+s31+$0x0] =	vst.idx.msk $0xffff, v11;
	v11 =	vld [tilespmem:s9+$0xFFFFFF80];
	v23 =	vmul.f32 $8.000000000e+00, v24  }
0x51f: {  	s13 =	sadd.s32 $0x3, s8;
	v9 =	vand.u32 $0x7C, v9;
	v20 =	vmul.f32 $8.000000000e+00, v25;
	[tilespmem:v27+s31+$0x0] =	vst.idx.msk $0xffff, v15;
	v14 =	vld [tilespmem:s9+$0xFFFFFE80];
	v15 =	vadd.s32 v3, v6;
	v6 =	vmovc v21;
	s9 =	smov.u32 s11;
	s11 =	sadd.s32 $0x200, s11  }
0x520: {  	v22 =	vmov s13;
	v17 =	vadd.s32 v3, v7;
	v7 =	vmovc v26;
	s8 =	sadd.s32 $0x4, s8;
	v19 =	vld [tilespmem:s11+$0xFFFFFFD0];
	v21 =	vmul.f32 $8.000000000e+00, v28;
	[tilespmem:v29+s31+$0x0] =	vst.idx.msk $0xffff, v23  }
0x521: {  	s8 =	sadd.s32 $0x1, s12;
	v22 =	vand.u32 $0x7F, v22;
	v28 =	vld [tilespmem:s11+$0xFFFFFE50]  }
0x522: {  	s21 =	sadd.s32 $0x2, s12;
	v24 =	vld [tilespmem:s11+$0xFFFFFED0];
	v23 =	vmov s8;
	v25 =	vadd.s32 v0, v22  }
0x523: {  	v27 =	vld [tilespmem:s11+$0xFFFFFF50];
	v51 =	vadd.s32 v0, v9;
	v26 =	vmov s21;
	v23 =	vand.u32 $0x7D, v23  }
0x524: {  	v26 =	vand.u32 $0x7E, v26;
	v29 =	vadd.s32 v0, v23  }
0x525: {  	[tilespmem:v18+s31+$0x0] =	vst.idx.msk $0xffff, v20;
	v30 =	vadd.s32 v0, v26;
	v19 =	vmul.f32 $8.000000000e+00, v19  }
0x526: {  	[tilespmem:v16+s31+$0x0] =	vst.idx.msk $0xffff, v21;
	v54 =	vmul.f32 $8.000000000e+00, v28  }
0x527: {  	v52 =	vmul.f32 $8.000000000e+00, v24;
	[tilespmem:v25+s31+$0x0] =	vst.idx.msk $0xffff, v19  }
0x528: {  	v53 =	vmul.f32 $8.000000000e+00, v27;
	v55 =	vld [tilespmem:s11+$0xFFFFFFE0];
	[tilespmem:v51+s31+$0x0] =	vst.idx.msk $0xffff, v54  }
0x529: {  	v13 =	vmul.f32 $8.000000000e+00, v13;
	v8 =	vadd.s32 v3, v8;
	[tilespmem:v29+s31+$0x0] =	vst.idx.msk $0xffff, v52;
	v59 =	vld [tilespmem:s11+$0xFFFFFE60]  }
0x52a: {  	v12 =	vmul.f32 $8.000000000e+00, v12;
	v57 =	vadd.s32 v1, v22;
	[tilespmem:v30+s31+$0x0] =	vst.idx.msk $0xffff, v53;
	v56 =	vld [tilespmem:s11+$0xFFFFFEE0]  }
0x52b: {  	[tilespmem:v10+s31+$0x0] =	vst.idx.msk $0xffff, v13;
	v58 =	vmul.f32 $8.000000000e+00, v11;
	v28 =	vadd.s32 v1, v9;
	v19 =	vld [tilespmem:s11+$0xFFFFFF60]  }
0x52c: {  	v61 =	vld [tilespmem:s9+$0xFFFFFFF0];
	v60 =	vadd.s32 v1, v23;
	v14 =	vmul.f32 $8.000000000e+00, v14;
	[tilespmem:v15+s31+$0x0] =	vst.idx.msk $0xffff, v12  }
0x52d: {  	v32 =	vld [tilespmem:s9+$0xFFFFFE70];
	v62 =	vadd.s32 v1, v26;
	[tilespmem:v17+s31+$0x0] =	vst.idx.msk $0xffff, v58;
	v16 =	vmul.f32 $8.000000000e+00, v55  }
0x52e: {  	[tilespmem:v8+s31+$0x0] =	vst.idx.msk $0xffff, v14;
	v29 =	vadd.s32 v2, v5;
	v30 =	vld [tilespmem:s9+$0xFFFFFF70];
	v11 =	vmul.f32 $8.000000000e+00, v59  }
0x52f: {  	v38 =	vadd.s32 v2, v4;
	v63 =	vld [tilespmem:s9+$0xFFFFFEF0];
	v31 =	vmul.f32 $8.000000000e+00, v56;
	[tilespmem:v57+s31+$0x0] =	vst.idx.msk $0xffff, v16  }
0x530: {  	v35 =	vadd.s32 v2, v7;
	v34 =	vmul.f32 $8.000000000e+00, v19;
	v36 =	vld [tilespmem:s11+$0xFFFFFFF0];
	[tilespmem:v28+s31+$0x0] =	vst.idx.msk $0xffff, v11  }
0x531: {  	v33 =	vadd.s32 v2, v6;
	v37 =	vmul.f32 $8.000000000e+00, v61;
	[tilespmem:v60+s31+$0x0] =	vst.idx.msk $0xffff, v31;
	v43 =	vld [tilespmem:s11+$0xFFFFFE70]  }
0x532: {  	v40 =	vadd.s32 v2, v22;
	v14 =	vmul.f32 $8.000000000e+00, v32;
	[tilespmem:v62+s31+$0x0] =	vst.idx.msk $0xffff, v34;
	v39 =	vld [tilespmem:s11+$0xFFFFFEF0]  }
0x533: {  	v48 =	vadd.s32 v2, v9;
	[tilespmem:v29+s31+$0x0] =	vst.idx.msk $0xffff, v37;
	v42 =	vmul.f32 $8.000000000e+00, v30;
	v41 =	vld [tilespmem:s11+$0xFFFFFF70]  }
0x534: {  	v44 =	vadd.s32 v2, v23;
	v15 =	vmul.f32 $8.000000000e+00, v63;
	[tilespmem:v38+s31+$0x0] =	vst.idx.msk $0xffff, v14;
	v45 =	vld [tilespmem:s9+$0x0]  }
0x535: {  	v46 =	vadd.s32 v2, v26;
	v14 =	vld [tilespmem:s9+$0xFFFFFE80];
	[tilespmem:v35+s31+$0x0] =	vst.idx.msk $0xffff, v42;
	v47 =	vmul.f32 $8.000000000e+00, v36  }
0x536: {  	v5 =	vadd.s32 v3, v5;
	[tilespmem:v33+s31+$0x0] =	vst.idx.msk $0xffff, v15;
	v49 =	vld [tilespmem:s9+$0xFFFFFF80];
	v53 =	vmul.f32 $8.000000000e+00, v43  }
0x537: {  	v4 =	vadd.s32 v3, v4;
	v21 =	vld [tilespmem:s9+$0xFFFFFF00];
	v12 =	vmul.f32 $8.000000000e+00, v39;
	[tilespmem:v40+s31+$0x0] =	vst.idx.msk $0xffff, v47  }
0x538: {  	v52 =	vadd.s32 v3, v7;
	v51 =	vmul.f32 $8.000000000e+00, v41;
	v10 =	vld [tilespmem:s11+$0x0];
	[tilespmem:v48+s31+$0x0] =	vst.idx.msk $0xffff, v53  }
0x539: {  	v50 =	vadd.s32 v3, v6;
	v54 =	vmul.f32 $8.000000000e+00, v45;
	[tilespmem:v44+s31+$0x0] =	vst.idx.msk $0xffff, v12;
	v59 =	vld [tilespmem:s11+$0xFFFFFE80]  }
0x53a: {  	v57 =	vadd.s32 v3, v22;
	v14 =	vmul.f32 $8.000000000e+00, v14;
	[tilespmem:v46+s31+$0x0] =	vst.idx.msk $0xffff, v51;
	v55 =	vld [tilespmem:s11+$0xFFFFFF00]  }
0x53b: {  	v62 =	vadd.s32 v3, v9;
	[tilespmem:v5+s31+$0x0] =	vst.idx.msk $0xffff, v54;
	v5 =	vmul.f32 $8.000000000e+00, v49;
	v58 =	vld [tilespmem:s11+$0xFFFFFF80]  }
0x53c: {  	v56 =	vmul.f32 $8.000000000e+00, v21;
	v60 =	vadd.s32 v3, v23;
	[tilespmem:v4+s31+$0x0] =	vst.idx.msk $0xffff, v14  }
0x53d: {  	v61 =	vadd.s32 v3, v26;
	[tilespmem:v52+s31+$0x0] =	vst.idx.msk $0xffff, v5;
	v5 =	vmul.f32 $8.000000000e+00, v10  }
0x53e: {  	[tilespmem:v50+s31+$0x0] =	vst.idx.msk $0xffff, v56;
	v63 =	vmul.f32 $8.000000000e+00, v59  }
0x53f: {  	v4 =	vmul.f32 $8.000000000e+00, v55;
	[tilespmem:v57+s31+$0x0] =	vst.idx.msk $0xffff, v5  }
0x540: {  	v5 =	vmul.f32 $8.000000000e+00, v58;
	[tilespmem:v62+s31+$0x0] =	vst.idx.msk $0xffff, v63  }
0x541: {  	[tilespmem:v60+s31+$0x0] =	vst.idx.msk $0xffff, v4  }
0x542: {  	[tilespmem:v61+s31+$0x0] =	vst.idx.msk $0xffff, v5  }
0x543: {  	s9 =	simm.s32 $0x18600;
	s14 =	rddreg [dreg:$0x9]  }
0x544: {  	[hbm4b:s14+s3] =	stream.linear.scatter [tilespmem:s9], [sflag:$0x6], $0x80, $0x38;
	[tilespmem:$0x1EC00] =	vst v63  }
0x545: {  	s11 =	simm.s32 $0x18688;
	s12 =	sadd.s32 $0x10, s14  }
0x546: {  	[hbm4b:s12+s3] =	stream.linear.scatter [tilespmem:s11], [sflag:$0x6], $0x80, $0x38;
	[tilespmem:$0x1EC00] =	vst v63  }
0x547: {  	s13 =	simm.s32 $0x18710;
	s16 =	simm.s32 $0x18798;
	s15 =	sadd.s32 $0x20, s14  }
0x548: {  	[hbm4b:s15+s3] =	stream.linear.scatter [tilespmem:s13], [sflag:$0x6], $0x80, $0x38;
	[tilespmem:$0x1EC00] =	vst v63  }
0x549: {  	s8 =	simm.s32 $0x440;
	s21 =	sadd.s32 $0x30, s14;
	s9 =	sadd.s32 $0x1000, s14  }
0x54a: {  	[hbm4b:s21+s3] =	stream.linear.scatter [tilespmem:s16], [sflag:$0x6], $0x80, $0x38;
	[tilespmem:$0x1EC00] =	vst v63  }
0x54b: {  	s11 =	simm.s32 $0x18820;
	s12 =	sadd.s32 $0x40, s14;
	s13 =	simm.s32 $0x188A8  }
0x54c: {  	[hbm4b:s12+s3] =	stream.linear.scatter [tilespmem:s11], [sflag:$0x6], $0x80, $0x38;
	[tilespmem:$0x1EC00] =	vst v63  }
0x54d: {  	s15 =	sadd.s32 $0x50, s14;
	s16 =	simm.s32 $0x18930;
	s21 =	sadd.s32 $0x60, s14  }
0x54e: {  	[hbm4b:s15+s3] =	stream.linear.scatter [tilespmem:s13], [sflag:$0x6], $0x80, $0x38;
	[tilespmem:$0x1EC00] =	vst v63  }
0x54f: {  	s11 =	simm.s32 $0x2200;
	s12 =	simm.s32 $0x189B8;
	s13 =	sadd.s32 $0x70, s14  }
0x550: {  	[hbm4b:s21+s3] =	stream.linear.scatter [tilespmem:s16], [sflag:$0x6], $0x80, $0x38;
	[tilespmem:$0x1EC00] =	vst v63  }
.LBB2_42:
0x551: {  	[hbm4b:s13+s3] =	stream.linear.scatter [tilespmem:s12], [sflag:$0x6], $0x80, $0x38;
	[tilespmem:$0x1EC00] =	vst v63  }
0x552: {  	s12 =	smov.u32 s8;
	s8 =	smov.u32 s11  }
0x553: {  	s14 =	sadd.s32 $0x1100, s11;
	s8 =	sshra.s32 s8, $0x2;
	s13 =	sadd.s32 $0x18600, s12  }
0x554: {  	[hbm4b:s9+s3] =	stream.linear.scatter [tilespmem:s13], [sflag:$0x6], $0x80, $0x38;
	[tilespmem:$0x1EC00] =	vst v63  }
0x555: {  	p0 =	sne.s32 s11, $0x7700;
	s11 =	sadd.s32 $0x18688, s12;
	s13 =	sadd.s32 $0x10, s9  }
0x556: {  	[hbm4b:s13+s3] =	stream.linear.scatter [tilespmem:s11], [sflag:$0x6], $0x80, $0x38;
	[tilespmem:$0x1EC00] =	vst v63  }
0x557: {  	s11 =	sadd.s32 $0x18710, s12;
	s13 =	sadd.s32 $0x20, s9  }
0x558: {  	[hbm4b:s13+s3] =	stream.linear.scatter [tilespmem:s11], [sflag:$0x6], $0x80, $0x38;
	[tilespmem:$0x1EC00] =	vst v63  }
0x559: {  	s11 =	sadd.s32 $0x18798, s12;
	s13 =	sadd.s32 $0x30, s9  }
0x55a: {  	[hbm4b:s13+s3] =	stream.linear.scatter [tilespmem:s11], [sflag:$0x6], $0x80, $0x38;
	[tilespmem:$0x1EC00] =	vst v63  }
0x55b: {  	s11 =	sadd.s32 $0x18820, s12;
	s13 =	sadd.s32 $0x40, s9  }
0x55c: {  	[hbm4b:s13+s3] =	stream.linear.scatter [tilespmem:s11], [sflag:$0x6], $0x80, $0x38;
	[tilespmem:$0x1EC00] =	vst v63  }
.Ltmp20:
0x55d: {  	s11 =	sadd.s32 $0x188A8, s12;
	s13 =	sadd.s32 $0x50, s9;
	(pc) =	sbr.rel @p0 .LBB2_42-.Ltmp20, $4  }
0x55e: {  	[hbm4b:s13+s3] =	stream.linear.scatter [tilespmem:s11], [sflag:$0x6], $0x80, $0x38;
	[tilespmem:$0x1EC00] =	vst v63  }
0x55f: {  	s11 =	sadd.s32 $0x18930, s12;
	s13 =	sadd.s32 $0x60, s9;
	s12 =	sadd.s32 $0x189B8, s12  }
0x560: {  	[hbm4b:s13+s3] =	stream.linear.scatter [tilespmem:s11], [sflag:$0x6], $0x80, $0x38;
	[tilespmem:$0x1EC00] =	vst v63  }
0x561: {  	s13 =	sadd.s32 $0x70, s9;
	s9 =	sadd.s32 $0x1000, s9;
	s11 =	smov.u32 s14  }
0x562: {  	[hbm4b:s13+s3] =	stream.linear.scatter [tilespmem:s12], [sflag:$0x6], $0x80, $0x38;
	[tilespmem:$0x1EC00] =	vst v63  }
0x563: {  	s11 =	sadd.s32 $0x18600, s8  }
0x564: {  	[hbm4b:s9+s3] =	stream.linear.scatter [tilespmem:s11], [sflag:$0x6], $0x80, $0x38;
	[tilespmem:$0x1EC00] =	vst v63  }
0x565: {  	s14 =	sadd.s32 $0x18688, s8;
	s15 =	sadd.s32 $0x10, s9  }
0x566: {  	[hbm4b:s15+s3] =	stream.linear.scatter [tilespmem:s14], [sflag:$0x6], $0x80, $0x38;
	[tilespmem:$0x1EC00] =	vst v63  }
0x567: {  	s16 =	sadd.s32 $0x18710, s8;
	s21 =	sadd.s32 $0x20, s9  }
0x568: {  	[hbm4b:s21+s3] =	stream.linear.scatter [tilespmem:s16], [sflag:$0x6], $0x80, $0x38;
	[tilespmem:$0x1EC00] =	vst v63  }
0x569: {  	s12 =	sadd.s32 $0x18798, s8;
	s13 =	sadd.s32 $0x30, s9  }
0x56a: {  	[hbm4b:s13+s3] =	stream.linear.scatter [tilespmem:s12], [sflag:$0x6], $0x80, $0x38;
	[tilespmem:$0x1EC00] =	vst v63  }
0x56b: {  	s14 =	sadd.s32 $0x18820, s8;
	s15 =	sadd.s32 $0x40, s9  }
0x56c: {  	[hbm4b:s15+s3] =	stream.linear.scatter [tilespmem:s14], [sflag:$0x6], $0x80, $0x38;
	[tilespmem:$0x1EC00] =	vst v63  }
0x56d: {  	s16 =	sadd.s32 $0x188A8, s8;
	s21 =	sadd.s32 $0x50, s9  }
0x56e: {  	[hbm4b:s21+s3] =	stream.linear.scatter [tilespmem:s16], [sflag:$0x6], $0x80, $0x38;
	[tilespmem:$0x1EC00] =	vst v63  }
0x56f: {  	s12 =	sadd.s32 $0x18930, s8;
	s13 =	sadd.s32 $0x60, s9  }
0x570: {  	[hbm4b:s13+s3] =	stream.linear.scatter [tilespmem:s12], [sflag:$0x6], $0x80, $0x38;
	[tilespmem:$0x1EC00] =	vst v63  }
0x571: {  	s14 =	sadd.s32 $0x189B8, s8;
	s15 =	sadd.s32 $0x70, s9  }
0x572: {  	[hbm4b:s15+s3] =	stream.linear.scatter [tilespmem:s14], [sflag:$0x6], $0x80, $0x38;
	[tilespmem:$0x1EC00] =	vst v63  }
0x573: {  	_ =	swait.ge [sflag:s19], $0x4000  }
0x574: {  	[sflag:s19] =	ssyncset.done $0x0  }
0x575: {  	s8 =	simm.s32 $0xE5B0;
	s16 =	simm.s32 $0x3;
	[sflag:s19] =	ssyncadd.s32 $0xFFFFC000  }
0x576: {  	v4 =	vmov s16;
	v5 =	vld [tilespmem:s8+$0xFFFFFFD0]  }
0x577: {  	v9 =	vand.u32 $0x7F, v4  }
0x578: {  	s21 =	simm.s32 $0x0;
	v4 =	vadd.s32 v0, v9  }
0x579: {  	s11 =	simm.s32 $0x1;
	v6 =	vmov s21;
	s12 =	simm.s32 $0x2;
	v7 =	vld [tilespmem:s8+$0xFFFFFE50]  }
0x57a: {  	v8 =	vand.u32 $0x7C, v6;
	v6 =	vmov s11;
	v11 =	vmov s12;
	v10 =	vld [tilespmem:s8+$0xFFFFFED0]  }
0x57b: {  	v12 =	vadd.s32 v0, v8;
	v15 =	vand.u32 $0x7D, v6;
	v6 =	vld [tilespmem:s8+$0xFFFFFF50];
	v5 =	vmul.f32 $8.000000000e+00, v5  }
0x57c: {  	v13 =	vadd.s32 v0, v15;
	v17 =	vand.u32 $0x7E, v11  }
0x57d: {  	v11 =	vadd.s32 v0, v17;
	[tilespmem:v4+s23+$0x0] =	vst.idx.msk $0xffff, v5  }
0x57e: {  	v4 =	vmul.f32 $8.000000000e+00, v7;
	v5 =	vld [tilespmem:s8+$0xFFFFFFE0]  }
0x57f: {  	v7 =	vmul.f32 $8.000000000e+00, v10  }
0x580: {  	[tilespmem:v12+s23+$0x0] =	vst.idx.msk $0xffff, v4;
	v4 =	vmul.f32 $8.000000000e+00, v6;
	v6 =	vadd.s32 v1, v9  }
0x581: {  	[tilespmem:v13+s23+$0x0] =	vst.idx.msk $0xffff, v7;
	v10 =	vld [tilespmem:s8+$0xFFFFFE60]  }
0x582: {  	v7 =	vld [tilespmem:s8+$0xFFFFFEE0];
	[tilespmem:v11+s23+$0x0] =	vst.idx.msk $0xffff, v4  }
0x583: {  	v11 =	vld [tilespmem:s8+$0xFFFFFF60];
	v4 =	vmul.f32 $8.000000000e+00, v5  }
0x584: {  	s9 =	simm.s32 $0xE7B0;
	s13 =	simm.s32 $0x4;
	s14 =	simm.s32 $0x7;
	v12 =	vadd.s32 v1, v15  }
0x585: {  	v14 =	vld [tilespmem:s9+$0xFFFFFFD0];
	v13 =	vadd.s32 v1, v17;
	v5 =	vmov s13;
	[tilespmem:v6+s23+$0x0] =	vst.idx.msk $0xffff, v4;
	v6 =	vmov s14  }
0x586: {  	v16 =	vadd.s32 v1, v8;
	v4 =	vand.u32 $0x7C, v5;
	v5 =	vand.u32 $0x7F, v6;
	v18 =	vld [tilespmem:s8+$0xFFFFFFF0]  }
0x587: {  	v22 =	vadd.s32 v2, v9;
	s15 =	simm.s32 $0x5;
	v19 =	vld [tilespmem:s9+$0xFFFFFE50];
	v6 =	vmul.f32 $8.000000000e+00, v7;
	v20 =	vadd.s32 v0, v5  }
0x588: {  	s16 =	simm.s32 $0x6;
	v21 =	vld [tilespmem:s9+$0xFFFFFED0];
	v10 =	vmul.f32 $8.000000000e+00, v10;
	v7 =	vmul.f32 $8.000000000e+00, v11;
	v11 =	vmov s15  }
0x589: {  	v23 =	vadd.s32 v0, v4;
	[tilespmem:v12+s23+$0x0] =	vst.idx.msk $0xffff, v6;
	v12 =	vmov s16;
	v6 =	vand.u32 $0x7D, v11;
	v11 =	vld [tilespmem:s9+$0xFFFFFF50]  }
0x58a: {  	[tilespmem:v13+s23+$0x0] =	vst.idx.msk $0xffff, v7;
	v13 =	vadd.s32 v0, v6;
	v7 =	vand.u32 $0x7E, v12;
	v12 =	vmul.f32 $8.000000000e+00, v14;
	v14 =	vld [tilespmem:s8+$0xFFFFFEF0]  }
0x58b: {  	[tilespmem:v16+s23+$0x0] =	vst.idx.msk $0xffff, v10;
	v10 =	vadd.s32 v0, v7;
	v16 =	vld [tilespmem:s8+$0xFFFFFF70];
	v18 =	vmul.f32 $8.000000000e+00, v18  }
0x58c: {  	v19 =	vmul.f32 $8.000000000e+00, v19;
	[tilespmem:v20+s23+$0x0] =	vst.idx.msk $0xffff, v12;
	v12 =	vld [tilespmem:s8+$0xFFFFFE70];
	v20 =	vadd.s32 v2, v15  }
0x58d: {  	v25 =	vadd.s32 v2, v17;
	v21 =	vmul.f32 $8.000000000e+00, v21;
	v24 =	vld [tilespmem:s9+$0xFFFFFFE0];
	[tilespmem:v22+s23+$0x0] =	vst.idx.msk $0xffff, v18  }
0x58e: {  	[tilespmem:v23+s23+$0x0] =	vst.idx.msk $0xffff, v19;
	v19 =	vadd.s32 v2, v8;
	v11 =	vmul.f32 $8.000000000e+00, v11;
	v22 =	vld [tilespmem:s8+$0x0]  }
0x58f: {  	v23 =	vld [tilespmem:s9+$0xFFFFFE60];
	[tilespmem:v13+s23+$0x0] =	vst.idx.msk $0xffff, v21;
	v21 =	vadd.s32 v1, v5;
	v14 =	vmul.f32 $8.000000000e+00, v14  }
0x590: {  	v27 =	vadd.s32 v3, v9;
	v26 =	vld [tilespmem:s9+$0xFFFFFEE0];
	[tilespmem:v10+s23+$0x0] =	vst.idx.msk $0xffff, v11;
	v10 =	vmul.f32 $8.000000000e+00, v16  }
0x591: {  	v18 =	vadd.s32 v1, v4;
	v13 =	vld [tilespmem:s9+$0xFFFFFF60];
	v9 =	vmul.f32 $8.000000000e+00, v12;
	[tilespmem:v20+s23+$0x0] =	vst.idx.msk $0xffff, v14  }
0x592: {  	s12 =	simm.s32 $0x8;
	v16 =	vadd.s32 v1, v6;
	[tilespmem:v25+s23+$0x0] =	vst.idx.msk $0xffff, v10;
	v14 =	vmul.f32 $8.000000000e+00, v24;
	v12 =	vld [tilespmem:s8+$0xFFFFFF00]  }
0x593: {  	v20 =	vmov s12;
	v10 =	vadd.s32 v1, v7;
	v11 =	vld [tilespmem:s8+$0xFFFFFF80];
	[tilespmem:v19+s23+$0x0] =	vst.idx.msk $0xffff, v9;
	v63 =	vmul.f32 $8.000000000e+00, v22  }
0x594: {  	s21 =	simm.s32 $0xB;
	s11 =	simm.s32 $0xE9B0;
	v15 =	vadd.s32 v3, v15;
	v9 =	vand.u32 $0x7C, v20;
	v20 =	vmul.f32 $8.000000000e+00, v23;
	[tilespmem:v21+s23+$0x0] =	vst.idx.msk $0xffff, v14;
	v14 =	vld [tilespmem:s8+$0xFFFFFE80]  }
0x595: {  	v17 =	vadd.s32 v3, v17;
	v22 =	vmov s21;
	v19 =	vld [tilespmem:s11+$0xFFFFFFD0];
	s8 =	simm.s32 $0xC;
	v21 =	vmul.f32 $8.000000000e+00, v26;
	[tilespmem:v27+s23+$0x0] =	vst.idx.msk $0xffff, v63  }
.LBB2_44:
0x596: {  	p0 =	slt.u32 s8, $0x7C;
	s13 =	sadd.s32 $0x1, s12;
	v22 =	vand.u32 $0x7F, v22;
	[tilespmem:v18+s23+$0x0] =	vst.idx.msk $0xffff, v20;
	v13 =	vmul.f32 $8.000000000e+00, v13;
	v18 =	vld [tilespmem:s9+$0xFFFFFFF0];
	v20 =	vadd.s32 v3, v8;
	v8 =	vmovc v4  }
0x597: {  	v4 =	vmovc v9;
	v23 =	vld [tilespmem:s11+$0xFFFFFE50];
	v24 =	vmov s13;
	s13 =	sadd.s32 $0x2, s12;
	v25 =	vadd.s32 v0, v22;
	[tilespmem:v16+s23+$0x0] =	vst.idx.msk $0xffff, v21;
	v12 =	vmul.f32 $8.000000000e+00, v12;
	s12 =	smov.u32 s8  }
0x598: {  	v9 =	vld [tilespmem:s11+$0xFFFFFED0];
	v16 =	vmov s13;
	[tilespmem:v10+s23+$0x0] =	vst.idx.msk $0xffff, v13;
	v10 =	vadd.s32 v2, v5;
	v11 =	vmul.f32 $8.000000000e+00, v11  }
0x599: {  	v13 =	vadd.s32 v0, v4;
	v21 =	vand.u32 $0x7D, v24;
	v24 =	vld [tilespmem:s11+$0xFFFFFF50];
	v14 =	vmul.f32 $8.000000000e+00, v14;
	[tilespmem:v15+s23+$0x0] =	vst.idx.msk $0xffff, v12  }
0x59a: {  	v12 =	vadd.s32 v0, v21;
	v26 =	vand.u32 $0x7E, v16;
	v15 =	vmul.f32 $8.000000000e+00, v19;
	v16 =	vld [tilespmem:s9+$0xFFFFFEF0];
	[tilespmem:v17+s23+$0x0] =	vst.idx.msk $0xffff, v11  }
0x59b: {  	v11 =	vadd.s32 v0, v26;
	v17 =	vld [tilespmem:s9+$0xFFFFFF70];
	v18 =	vmul.f32 $8.000000000e+00, v18;
	[tilespmem:v20+s23+$0x0] =	vst.idx.msk $0xffff, v14  }
0x59c: {  	v19 =	vadd.s32 v2, v6;
	v14 =	vmul.f32 $8.000000000e+00, v23;
	[tilespmem:v25+s23+$0x0] =	vst.idx.msk $0xffff, v15;
	v15 =	vld [tilespmem:s9+$0xFFFFFE70]  }
0x59d: {  	v23 =	vadd.s32 v2, v7;
	v9 =	vmul.f32 $8.000000000e+00, v9;
	v20 =	vld [tilespmem:s11+$0xFFFFFFE0];
	[tilespmem:v10+s23+$0x0] =	vst.idx.msk $0xffff, v18  }
0x59e: {  	[tilespmem:v13+s23+$0x0] =	vst.idx.msk $0xffff, v14;
	v10 =	vmul.f32 $8.000000000e+00, v24;
	v14 =	vadd.s32 v2, v8;
	v24 =	vld [tilespmem:s9+$0x0]  }
0x59f: {  	v27 =	vadd.s32 v1, v22;
	v25 =	vld [tilespmem:s11+$0xFFFFFE60];
	[tilespmem:v12+s23+$0x0] =	vst.idx.msk $0xffff, v9;
	v9 =	vmul.f32 $8.000000000e+00, v16  }
0x5a0: {  	v29 =	vadd.s32 v3, v5;
	v5 =	vmov v22;
	v28 =	vld [tilespmem:s11+$0xFFFFFEE0];
	[tilespmem:v11+s23+$0x0] =	vst.idx.msk $0xffff, v10;
	v10 =	vmul.f32 $8.000000000e+00, v17  }
.Ltmp21:
0x5a1: {  	v18 =	vadd.s32 v1, v4;
	v13 =	vld [tilespmem:s11+$0xFFFFFF60];
	v11 =	vmul.f32 $8.000000000e+00, v15;
	[tilespmem:v19+s23+$0x0] =	vst.idx.msk $0xffff, v9;
	(pc) =	sbr.rel @p0 .LBB2_44-.Ltmp21, $4  }
0x5a2: {  	v16 =	vadd.s32 v1, v21;
	v15 =	vmul.f32 $8.000000000e+00, v20;
	v12 =	vld [tilespmem:s9+$0xFFFFFF00];
	[tilespmem:v23+s23+$0x0] =	vst.idx.msk $0xffff, v10  }
0x5a3: {  	v9 =	vmov s8;
	v10 =	vadd.s32 v1, v26;
	[tilespmem:v14+s23+$0x0] =	vst.idx.msk $0xffff, v11;
	v11 =	vld [tilespmem:s9+$0xFFFFFF80];
	v23 =	vmul.f32 $8.000000000e+00, v24  }
0x5a4: {  	s13 =	sadd.s32 $0x3, s8;
	v9 =	vand.u32 $0x7C, v9;
	v20 =	vmul.f32 $8.000000000e+00, v25;
	[tilespmem:v27+s23+$0x0] =	vst.idx.msk $0xffff, v15;
	v14 =	vld [tilespmem:s9+$0xFFFFFE80];
	v15 =	vadd.s32 v3, v6;
	v6 =	vmovc v21;
	s9 =	smov.u32 s11;
	s11 =	sadd.s32 $0x200, s11  }
0x5a5: {  	v22 =	vmov s13;
	v17 =	vadd.s32 v3, v7;
	v7 =	vmovc v26;
	s8 =	sadd.s32 $0x4, s8;
	v19 =	vld [tilespmem:s11+$0xFFFFFFD0];
	v21 =	vmul.f32 $8.000000000e+00, v28;
	[tilespmem:v29+s23+$0x0] =	vst.idx.msk $0xffff, v23  }
0x5a6: {  	s8 =	sadd.s32 $0x1, s12;
	v22 =	vand.u32 $0x7F, v22;
	v28 =	vld [tilespmem:s11+$0xFFFFFE50]  }
0x5a7: {  	s21 =	sadd.s32 $0x2, s12;
	v24 =	vld [tilespmem:s11+$0xFFFFFED0];
	v23 =	vmov s8;
	v25 =	vadd.s32 v0, v22  }
0x5a8: {  	v27 =	vld [tilespmem:s11+$0xFFFFFF50];
	v51 =	vadd.s32 v0, v9;
	v26 =	vmov s21;
	v23 =	vand.u32 $0x7D, v23  }
0x5a9: {  	v26 =	vand.u32 $0x7E, v26;
	v29 =	vadd.s32 v0, v23  }
0x5aa: {  	[tilespmem:v18+s23+$0x0] =	vst.idx.msk $0xffff, v20;
	v30 =	vadd.s32 v0, v26;
	v19 =	vmul.f32 $8.000000000e+00, v19  }
0x5ab: {  	[tilespmem:v16+s23+$0x0] =	vst.idx.msk $0xffff, v21;
	v54 =	vmul.f32 $8.000000000e+00, v28  }
0x5ac: {  	v52 =	vmul.f32 $8.000000000e+00, v24;
	[tilespmem:v25+s23+$0x0] =	vst.idx.msk $0xffff, v19  }
0x5ad: {  	v53 =	vmul.f32 $8.000000000e+00, v27;
	v55 =	vld [tilespmem:s11+$0xFFFFFFE0];
	[tilespmem:v51+s23+$0x0] =	vst.idx.msk $0xffff, v54  }
0x5ae: {  	v13 =	vmul.f32 $8.000000000e+00, v13;
	v8 =	vadd.s32 v3, v8;
	[tilespmem:v29+s23+$0x0] =	vst.idx.msk $0xffff, v52;
	v59 =	vld [tilespmem:s11+$0xFFFFFE60]  }
0x5af: {  	v12 =	vmul.f32 $8.000000000e+00, v12;
	v57 =	vadd.s32 v1, v22;
	[tilespmem:v30+s23+$0x0] =	vst.idx.msk $0xffff, v53;
	v56 =	vld [tilespmem:s11+$0xFFFFFEE0]  }
0x5b0: {  	[tilespmem:v10+s23+$0x0] =	vst.idx.msk $0xffff, v13;
	v58 =	vmul.f32 $8.000000000e+00, v11;
	v28 =	vadd.s32 v1, v9;
	v19 =	vld [tilespmem:s11+$0xFFFFFF60]  }
0x5b1: {  	v61 =	vld [tilespmem:s9+$0xFFFFFFF0];
	v60 =	vadd.s32 v1, v23;
	v14 =	vmul.f32 $8.000000000e+00, v14;
	[tilespmem:v15+s23+$0x0] =	vst.idx.msk $0xffff, v12  }
0x5b2: {  	v32 =	vld [tilespmem:s9+$0xFFFFFE70];
	v62 =	vadd.s32 v1, v26;
	[tilespmem:v17+s23+$0x0] =	vst.idx.msk $0xffff, v58;
	v16 =	vmul.f32 $8.000000000e+00, v55  }
0x5b3: {  	[tilespmem:v8+s23+$0x0] =	vst.idx.msk $0xffff, v14;
	v29 =	vadd.s32 v2, v5;
	v30 =	vld [tilespmem:s9+$0xFFFFFF70];
	v11 =	vmul.f32 $8.000000000e+00, v59  }
0x5b4: {  	v38 =	vadd.s32 v2, v4;
	v63 =	vld [tilespmem:s9+$0xFFFFFEF0];
	v31 =	vmul.f32 $8.000000000e+00, v56;
	[tilespmem:v57+s23+$0x0] =	vst.idx.msk $0xffff, v16  }
0x5b5: {  	v35 =	vadd.s32 v2, v7;
	v34 =	vmul.f32 $8.000000000e+00, v19;
	v36 =	vld [tilespmem:s11+$0xFFFFFFF0];
	[tilespmem:v28+s23+$0x0] =	vst.idx.msk $0xffff, v11  }
0x5b6: {  	v33 =	vadd.s32 v2, v6;
	v37 =	vmul.f32 $8.000000000e+00, v61;
	[tilespmem:v60+s23+$0x0] =	vst.idx.msk $0xffff, v31;
	v43 =	vld [tilespmem:s11+$0xFFFFFE70]  }
0x5b7: {  	v40 =	vadd.s32 v2, v22;
	v14 =	vmul.f32 $8.000000000e+00, v32;
	[tilespmem:v62+s23+$0x0] =	vst.idx.msk $0xffff, v34;
	v39 =	vld [tilespmem:s11+$0xFFFFFEF0]  }
0x5b8: {  	v48 =	vadd.s32 v2, v9;
	[tilespmem:v29+s23+$0x0] =	vst.idx.msk $0xffff, v37;
	v42 =	vmul.f32 $8.000000000e+00, v30;
	v41 =	vld [tilespmem:s11+$0xFFFFFF70]  }
0x5b9: {  	v44 =	vadd.s32 v2, v23;
	v15 =	vmul.f32 $8.000000000e+00, v63;
	[tilespmem:v38+s23+$0x0] =	vst.idx.msk $0xffff, v14;
	v45 =	vld [tilespmem:s9+$0x0]  }
0x5ba: {  	v46 =	vadd.s32 v2, v26;
	v14 =	vld [tilespmem:s9+$0xFFFFFE80];
	[tilespmem:v35+s23+$0x0] =	vst.idx.msk $0xffff, v42;
	v47 =	vmul.f32 $8.000000000e+00, v36  }
0x5bb: {  	v5 =	vadd.s32 v3, v5;
	[tilespmem:v33+s23+$0x0] =	vst.idx.msk $0xffff, v15;
	v49 =	vld [tilespmem:s9+$0xFFFFFF80];
	v53 =	vmul.f32 $8.000000000e+00, v43  }
0x5bc: {  	v4 =	vadd.s32 v3, v4;
	v21 =	vld [tilespmem:s9+$0xFFFFFF00];
	v12 =	vmul.f32 $8.000000000e+00, v39;
	[tilespmem:v40+s23+$0x0] =	vst.idx.msk $0xffff, v47  }
0x5bd: {  	v52 =	vadd.s32 v3, v7;
	v51 =	vmul.f32 $8.000000000e+00, v41;
	v10 =	vld [tilespmem:s11+$0x0];
	[tilespmem:v48+s23+$0x0] =	vst.idx.msk $0xffff, v53  }
0x5be: {  	v50 =	vadd.s32 v3, v6;
	v54 =	vmul.f32 $8.000000000e+00, v45;
	[tilespmem:v44+s23+$0x0] =	vst.idx.msk $0xffff, v12;
	v59 =	vld [tilespmem:s11+$0xFFFFFE80]  }
0x5bf: {  	v57 =	vadd.s32 v3, v22;
	v14 =	vmul.f32 $8.000000000e+00, v14;
	[tilespmem:v46+s23+$0x0] =	vst.idx.msk $0xffff, v51;
	v55 =	vld [tilespmem:s11+$0xFFFFFF00]  }
0x5c0: {  	v62 =	vadd.s32 v3, v9;
	[tilespmem:v5+s23+$0x0] =	vst.idx.msk $0xffff, v54;
	v5 =	vmul.f32 $8.000000000e+00, v49;
	v58 =	vld [tilespmem:s11+$0xFFFFFF80]  }
0x5c1: {  	v56 =	vmul.f32 $8.000000000e+00, v21;
	v60 =	vadd.s32 v3, v23;
	[tilespmem:v4+s23+$0x0] =	vst.idx.msk $0xffff, v14  }
0x5c2: {  	v61 =	vadd.s32 v3, v26;
	[tilespmem:v52+s23+$0x0] =	vst.idx.msk $0xffff, v5;
	v5 =	vmul.f32 $8.000000000e+00, v10  }
0x5c3: {  	[tilespmem:v50+s23+$0x0] =	vst.idx.msk $0xffff, v56;
	v63 =	vmul.f32 $8.000000000e+00, v59  }
0x5c4: {  	v4 =	vmul.f32 $8.000000000e+00, v55;
	[tilespmem:v57+s23+$0x0] =	vst.idx.msk $0xffff, v5  }
0x5c5: {  	v5 =	vmul.f32 $8.000000000e+00, v58;
	[tilespmem:v62+s23+$0x0] =	vst.idx.msk $0xffff, v63  }
0x5c6: {  	[tilespmem:v60+s23+$0x0] =	vst.idx.msk $0xffff, v4  }
0x5c7: {  	[tilespmem:v61+s23+$0x0] =	vst.idx.msk $0xffff, v5  }
0x5c8: {  	s9 =	simm.s32 $0x1A800;
	s14 =	rddreg [dreg:$0xa]  }
0x5c9: {  	[hbm4b:s14+s3] =	stream.linear.scatter [tilespmem:s9], [sflag:$0x7], $0x80, $0x38;
	[tilespmem:$0x1EC00] =	vst v63  }
0x5ca: {  	s11 =	simm.s32 $0x1A888;
	s12 =	sadd.s32 $0x10, s14  }
0x5cb: {  	[hbm4b:s12+s3] =	stream.linear.scatter [tilespmem:s11], [sflag:$0x7], $0x80, $0x38;
	[tilespmem:$0x1EC00] =	vst v63  }
0x5cc: {  	s13 =	simm.s32 $0x1A910;
	s16 =	simm.s32 $0x1A998;
	s15 =	sadd.s32 $0x20, s14  }
0x5cd: {  	[hbm4b:s15+s3] =	stream.linear.scatter [tilespmem:s13], [sflag:$0x7], $0x80, $0x38;
	[tilespmem:$0x1EC00] =	vst v63  }
0x5ce: {  	s8 =	simm.s32 $0x440;
	s21 =	sadd.s32 $0x30, s14;
	s9 =	sadd.s32 $0x1000, s14  }
0x5cf: {  	[hbm4b:s21+s3] =	stream.linear.scatter [tilespmem:s16], [sflag:$0x7], $0x80, $0x38;
	[tilespmem:$0x1EC00] =	vst v63  }
0x5d0: {  	s11 =	simm.s32 $0x1AA20;
	s12 =	sadd.s32 $0x40, s14;
	s13 =	simm.s32 $0x1AAA8  }
0x5d1: {  	[hbm4b:s12+s3] =	stream.linear.scatter [tilespmem:s11], [sflag:$0x7], $0x80, $0x38;
	[tilespmem:$0x1EC00] =	vst v63  }
0x5d2: {  	s15 =	sadd.s32 $0x50, s14;
	s16 =	simm.s32 $0x1AB30;
	s21 =	sadd.s32 $0x60, s14  }
0x5d3: {  	[hbm4b:s15+s3] =	stream.linear.scatter [tilespmem:s13], [sflag:$0x7], $0x80, $0x38;
	[tilespmem:$0x1EC00] =	vst v63  }
0x5d4: {  	s11 =	simm.s32 $0x2200;
	s12 =	simm.s32 $0x1ABB8;
	s13 =	sadd.s32 $0x70, s14  }
0x5d5: {  	[hbm4b:s21+s3] =	stream.linear.scatter [tilespmem:s16], [sflag:$0x7], $0x80, $0x38;
	[tilespmem:$0x1EC00] =	vst v63  }
.LBB2_46:
0x5d6: {  	[hbm4b:s13+s3] =	stream.linear.scatter [tilespmem:s12], [sflag:$0x7], $0x80, $0x38;
	[tilespmem:$0x1EC00] =	vst v63  }
0x5d7: {  	s12 =	smov.u32 s8;
	s8 =	smov.u32 s11  }
0x5d8: {  	s14 =	sadd.s32 $0x1100, s11;
	s8 =	sshra.s32 s8, $0x2;
	s13 =	sadd.s32 $0x1A800, s12  }
0x5d9: {  	[hbm4b:s9+s3] =	stream.linear.scatter [tilespmem:s13], [sflag:$0x7], $0x80, $0x38;
	[tilespmem:$0x1EC00] =	vst v63  }
0x5da: {  	p0 =	sne.s32 s11, $0x7700;
	s11 =	sadd.s32 $0x1A888, s12;
	s13 =	sadd.s32 $0x10, s9  }
0x5db: {  	[hbm4b:s13+s3] =	stream.linear.scatter [tilespmem:s11], [sflag:$0x7], $0x80, $0x38;
	[tilespmem:$0x1EC00] =	vst v63  }
0x5dc: {  	s11 =	sadd.s32 $0x1A910, s12;
	s13 =	sadd.s32 $0x20, s9  }
0x5dd: {  	[hbm4b:s13+s3] =	stream.linear.scatter [tilespmem:s11], [sflag:$0x7], $0x80, $0x38;
	[tilespmem:$0x1EC00] =	vst v63  }
0x5de: {  	s11 =	sadd.s32 $0x1A998, s12;
	s13 =	sadd.s32 $0x30, s9  }
0x5df: {  	[hbm4b:s13+s3] =	stream.linear.scatter [tilespmem:s11], [sflag:$0x7], $0x80, $0x38;
	[tilespmem:$0x1EC00] =	vst v63  }
0x5e0: {  	s11 =	sadd.s32 $0x1AA20, s12;
	s13 =	sadd.s32 $0x40, s9  }
0x5e1: {  	[hbm4b:s13+s3] =	stream.linear.scatter [tilespmem:s11], [sflag:$0x7], $0x80, $0x38;
	[tilespmem:$0x1EC00] =	vst v63  }
.Ltmp22:
0x5e2: {  	s11 =	sadd.s32 $0x1AAA8, s12;
	s13 =	sadd.s32 $0x50, s9;
	(pc) =	sbr.rel @p0 .LBB2_46-.Ltmp22, $4  }
0x5e3: {  	[hbm4b:s13+s3] =	stream.linear.scatter [tilespmem:s11], [sflag:$0x7], $0x80, $0x38;
	[tilespmem:$0x1EC00] =	vst v63  }
0x5e4: {  	s11 =	sadd.s32 $0x1AB30, s12;
	s13 =	sadd.s32 $0x60, s9;
	s12 =	sadd.s32 $0x1ABB8, s12  }
0x5e5: {  	[hbm4b:s13+s3] =	stream.linear.scatter [tilespmem:s11], [sflag:$0x7], $0x80, $0x38;
	[tilespmem:$0x1EC00] =	vst v63  }
0x5e6: {  	s13 =	sadd.s32 $0x70, s9;
	s9 =	sadd.s32 $0x1000, s9;
	s11 =	smov.u32 s14  }
0x5e7: {  	[hbm4b:s13+s3] =	stream.linear.scatter [tilespmem:s12], [sflag:$0x7], $0x80, $0x38;
	[tilespmem:$0x1EC00] =	vst v63  }
0x5e8: {  	s11 =	sadd.s32 $0x1A800, s8  }
0x5e9: {  	[hbm4b:s9+s3] =	stream.linear.scatter [tilespmem:s11], [sflag:$0x7], $0x80, $0x38;
	[tilespmem:$0x1EC00] =	vst v63  }
0x5ea: {  	s14 =	sadd.s32 $0x1A888, s8;
	s15 =	sadd.s32 $0x10, s9  }
0x5eb: {  	[hbm4b:s15+s3] =	stream.linear.scatter [tilespmem:s14], [sflag:$0x7], $0x80, $0x38;
	[tilespmem:$0x1EC00] =	vst v63  }
0x5ec: {  	s16 =	sadd.s32 $0x1A910, s8;
	s21 =	sadd.s32 $0x20, s9  }
0x5ed: {  	[hbm4b:s21+s3] =	stream.linear.scatter [tilespmem:s16], [sflag:$0x7], $0x80, $0x38;
	[tilespmem:$0x1EC00] =	vst v63  }
0x5ee: {  	s12 =	sadd.s32 $0x1A998, s8;
	s13 =	sadd.s32 $0x30, s9  }
0x5ef: {  	[hbm4b:s13+s3] =	stream.linear.scatter [tilespmem:s12], [sflag:$0x7], $0x80, $0x38;
	[tilespmem:$0x1EC00] =	vst v63  }
0x5f0: {  	s14 =	sadd.s32 $0x1AA20, s8;
	s15 =	sadd.s32 $0x40, s9  }
0x5f1: {  	[hbm4b:s15+s3] =	stream.linear.scatter [tilespmem:s14], [sflag:$0x7], $0x80, $0x38;
	[tilespmem:$0x1EC00] =	vst v63  }
0x5f2: {  	s16 =	sadd.s32 $0x1AAA8, s8;
	s21 =	sadd.s32 $0x50, s9  }
0x5f3: {  	[hbm4b:s21+s3] =	stream.linear.scatter [tilespmem:s16], [sflag:$0x7], $0x80, $0x38;
	[tilespmem:$0x1EC00] =	vst v63  }
0x5f4: {  	s12 =	sadd.s32 $0x1AB30, s8;
	s13 =	sadd.s32 $0x60, s9  }
0x5f5: {  	[hbm4b:s13+s3] =	stream.linear.scatter [tilespmem:s12], [sflag:$0x7], $0x80, $0x38;
	[tilespmem:$0x1EC00] =	vst v63  }
0x5f6: {  	s14 =	sadd.s32 $0x1ABB8, s8;
	s15 =	sadd.s32 $0x70, s9  }
0x5f7: {  	[hbm4b:s15+s3] =	stream.linear.scatter [tilespmem:s14], [sflag:$0x7], $0x80, $0x38;
	[tilespmem:$0x1EC00] =	vst v63  }
0x5f8: {  	_ =	swait.ge [sflag:s0], $0x4000  }
0x5f9: {  	[sflag:s0] =	ssyncset.done $0x0  }
0x5fa: {  	s8 =	simm.s32 $0x125B0;
	s16 =	simm.s32 $0x3;
	[sflag:s0] =	ssyncadd.s32 $0xFFFFC000  }
0x5fb: {  	v4 =	vmov s16;
	v5 =	vld [tilespmem:s8+$0xFFFFFFD0]  }
0x5fc: {  	v9 =	vand.u32 $0x7F, v4  }
0x5fd: {  	s21 =	simm.s32 $0x0;
	v4 =	vadd.s32 v0, v9  }
0x5fe: {  	s11 =	simm.s32 $0x1;
	v6 =	vmov s21;
	s12 =	simm.s32 $0x2;
	v7 =	vld [tilespmem:s8+$0xFFFFFE50]  }
0x5ff: {  	v8 =	vand.u32 $0x7C, v6;
	v6 =	vmov s11;
	v11 =	vmov s12;
	v10 =	vld [tilespmem:s8+$0xFFFFFED0]  }
0x600: {  	v12 =	vadd.s32 v0, v8;
	v15 =	vand.u32 $0x7D, v6;
	v6 =	vld [tilespmem:s8+$0xFFFFFF50];
	v5 =	vmul.f32 $8.000000000e+00, v5  }
0x601: {  	v13 =	vadd.s32 v0, v15;
	v17 =	vand.u32 $0x7E, v11  }
0x602: {  	v11 =	vadd.s32 v0, v17;
	[tilespmem:v4+s5+$0x0] =	vst.idx.msk $0xffff, v5  }
0x603: {  	v4 =	vmul.f32 $8.000000000e+00, v7;
	v5 =	vld [tilespmem:s8+$0xFFFFFFE0]  }
0x604: {  	v7 =	vmul.f32 $8.000000000e+00, v10  }
0x605: {  	[tilespmem:v12+s5+$0x0] =	vst.idx.msk $0xffff, v4;
	v4 =	vmul.f32 $8.000000000e+00, v6;
	v6 =	vadd.s32 v1, v9  }
0x606: {  	[tilespmem:v13+s5+$0x0] =	vst.idx.msk $0xffff, v7;
	v10 =	vld [tilespmem:s8+$0xFFFFFE60]  }
0x607: {  	v7 =	vld [tilespmem:s8+$0xFFFFFEE0];
	[tilespmem:v11+s5+$0x0] =	vst.idx.msk $0xffff, v4  }
0x608: {  	v11 =	vld [tilespmem:s8+$0xFFFFFF60];
	v4 =	vmul.f32 $8.000000000e+00, v5  }
0x609: {  	s9 =	simm.s32 $0x127B0;
	s13 =	simm.s32 $0x4;
	s14 =	simm.s32 $0x7;
	v12 =	vadd.s32 v1, v15  }
0x60a: {  	v14 =	vld [tilespmem:s9+$0xFFFFFFD0];
	v13 =	vadd.s32 v1, v17;
	v5 =	vmov s13;
	[tilespmem:v6+s5+$0x0] =	vst.idx.msk $0xffff, v4;
	v6 =	vmov s14  }
0x60b: {  	v16 =	vadd.s32 v1, v8;
	v4 =	vand.u32 $0x7C, v5;
	v5 =	vand.u32 $0x7F, v6;
	v18 =	vld [tilespmem:s8+$0xFFFFFFF0]  }
0x60c: {  	v22 =	vadd.s32 v2, v9;
	s15 =	simm.s32 $0x5;
	v19 =	vld [tilespmem:s9+$0xFFFFFE50];
	v6 =	vmul.f32 $8.000000000e+00, v7;
	v20 =	vadd.s32 v0, v5  }
0x60d: {  	s16 =	simm.s32 $0x6;
	v21 =	vld [tilespmem:s9+$0xFFFFFED0];
	v10 =	vmul.f32 $8.000000000e+00, v10;
	v7 =	vmul.f32 $8.000000000e+00, v11;
	v11 =	vmov s15  }
0x60e: {  	v23 =	vadd.s32 v0, v4;
	[tilespmem:v12+s5+$0x0] =	vst.idx.msk $0xffff, v6;
	v12 =	vmov s16;
	v6 =	vand.u32 $0x7D, v11;
	v11 =	vld [tilespmem:s9+$0xFFFFFF50]  }
0x60f: {  	[tilespmem:v13+s5+$0x0] =	vst.idx.msk $0xffff, v7;
	v13 =	vadd.s32 v0, v6;
	v7 =	vand.u32 $0x7E, v12;
	v12 =	vmul.f32 $8.000000000e+00, v14;
	v14 =	vld [tilespmem:s8+$0xFFFFFEF0]  }
0x610: {  	[tilespmem:v16+s5+$0x0] =	vst.idx.msk $0xffff, v10;
	v10 =	vadd.s32 v0, v7;
	v16 =	vld [tilespmem:s8+$0xFFFFFF70];
	v18 =	vmul.f32 $8.000000000e+00, v18  }
0x611: {  	v19 =	vmul.f32 $8.000000000e+00, v19;
	[tilespmem:v20+s5+$0x0] =	vst.idx.msk $0xffff, v12;
	v12 =	vld [tilespmem:s8+$0xFFFFFE70];
	v20 =	vadd.s32 v2, v15  }
0x612: {  	v25 =	vadd.s32 v2, v17;
	v21 =	vmul.f32 $8.000000000e+00, v21;
	v24 =	vld [tilespmem:s9+$0xFFFFFFE0];
	[tilespmem:v22+s5+$0x0] =	vst.idx.msk $0xffff, v18  }
0x613: {  	[tilespmem:v23+s5+$0x0] =	vst.idx.msk $0xffff, v19;
	v19 =	vadd.s32 v2, v8;
	v11 =	vmul.f32 $8.000000000e+00, v11;
	v22 =	vld [tilespmem:s8+$0x0]  }
0x614: {  	v23 =	vld [tilespmem:s9+$0xFFFFFE60];
	[tilespmem:v13+s5+$0x0] =	vst.idx.msk $0xffff, v21;
	v21 =	vadd.s32 v1, v5;
	v14 =	vmul.f32 $8.000000000e+00, v14  }
0x615: {  	v27 =	vadd.s32 v3, v9;
	v26 =	vld [tilespmem:s9+$0xFFFFFEE0];
	[tilespmem:v10+s5+$0x0] =	vst.idx.msk $0xffff, v11;
	v10 =	vmul.f32 $8.000000000e+00, v16  }
0x616: {  	v18 =	vadd.s32 v1, v4;
	v13 =	vld [tilespmem:s9+$0xFFFFFF60];
	v9 =	vmul.f32 $8.000000000e+00, v12;
	[tilespmem:v20+s5+$0x0] =	vst.idx.msk $0xffff, v14  }
0x617: {  	s12 =	simm.s32 $0x8;
	v16 =	vadd.s32 v1, v6;
	[tilespmem:v25+s5+$0x0] =	vst.idx.msk $0xffff, v10;
	v14 =	vmul.f32 $8.000000000e+00, v24;
	v12 =	vld [tilespmem:s8+$0xFFFFFF00]  }
0x618: {  	v20 =	vmov s12;
	v10 =	vadd.s32 v1, v7;
	v11 =	vld [tilespmem:s8+$0xFFFFFF80];
	[tilespmem:v19+s5+$0x0] =	vst.idx.msk $0xffff, v9;
	v63 =	vmul.f32 $8.000000000e+00, v22  }
0x619: {  	s21 =	simm.s32 $0xB;
	s11 =	simm.s32 $0x129B0;
	v15 =	vadd.s32 v3, v15;
	v9 =	vand.u32 $0x7C, v20;
	v20 =	vmul.f32 $8.000000000e+00, v23;
	[tilespmem:v21+s5+$0x0] =	vst.idx.msk $0xffff, v14;
	v14 =	vld [tilespmem:s8+$0xFFFFFE80]  }
0x61a: {  	v17 =	vadd.s32 v3, v17;
	v22 =	vmov s21;
	v19 =	vld [tilespmem:s11+$0xFFFFFFD0];
	s8 =	simm.s32 $0xC;
	v21 =	vmul.f32 $8.000000000e+00, v26;
	[tilespmem:v27+s5+$0x0] =	vst.idx.msk $0xffff, v63  }
.LBB2_48:
0x61b: {  	p0 =	slt.u32 s8, $0x7C;
	s13 =	sadd.s32 $0x1, s12;
	v22 =	vand.u32 $0x7F, v22;
	[tilespmem:v18+s5+$0x0] =	vst.idx.msk $0xffff, v20;
	v13 =	vmul.f32 $8.000000000e+00, v13;
	v18 =	vld [tilespmem:s9+$0xFFFFFFF0];
	v20 =	vadd.s32 v3, v8;
	v8 =	vmovc v4  }
0x61c: {  	v4 =	vmovc v9;
	v23 =	vld [tilespmem:s11+$0xFFFFFE50];
	v24 =	vmov s13;
	s13 =	sadd.s32 $0x2, s12;
	v25 =	vadd.s32 v0, v22;
	[tilespmem:v16+s5+$0x0] =	vst.idx.msk $0xffff, v21;
	v12 =	vmul.f32 $8.000000000e+00, v12;
	s12 =	smov.u32 s8  }
0x61d: {  	v9 =	vld [tilespmem:s11+$0xFFFFFED0];
	v16 =	vmov s13;
	[tilespmem:v10+s5+$0x0] =	vst.idx.msk $0xffff, v13;
	v10 =	vadd.s32 v2, v5;
	v11 =	vmul.f32 $8.000000000e+00, v11  }
0x61e: {  	v13 =	vadd.s32 v0, v4;
	v21 =	vand.u32 $0x7D, v24;
	v24 =	vld [tilespmem:s11+$0xFFFFFF50];
	v14 =	vmul.f32 $8.000000000e+00, v14;
	[tilespmem:v15+s5+$0x0] =	vst.idx.msk $0xffff, v12  }
0x61f: {  	v12 =	vadd.s32 v0, v21;
	v26 =	vand.u32 $0x7E, v16;
	v15 =	vmul.f32 $8.000000000e+00, v19;
	v16 =	vld [tilespmem:s9+$0xFFFFFEF0];
	[tilespmem:v17+s5+$0x0] =	vst.idx.msk $0xffff, v11  }
0x620: {  	v11 =	vadd.s32 v0, v26;
	v17 =	vld [tilespmem:s9+$0xFFFFFF70];
	v18 =	vmul.f32 $8.000000000e+00, v18;
	[tilespmem:v20+s5+$0x0] =	vst.idx.msk $0xffff, v14  }
0x621: {  	v19 =	vadd.s32 v2, v6;
	v14 =	vmul.f32 $8.000000000e+00, v23;
	[tilespmem:v25+s5+$0x0] =	vst.idx.msk $0xffff, v15;
	v15 =	vld [tilespmem:s9+$0xFFFFFE70]  }
0x622: {  	v23 =	vadd.s32 v2, v7;
	v9 =	vmul.f32 $8.000000000e+00, v9;
	v20 =	vld [tilespmem:s11+$0xFFFFFFE0];
	[tilespmem:v10+s5+$0x0] =	vst.idx.msk $0xffff, v18  }
0x623: {  	[tilespmem:v13+s5+$0x0] =	vst.idx.msk $0xffff, v14;
	v10 =	vmul.f32 $8.000000000e+00, v24;
	v14 =	vadd.s32 v2, v8;
	v24 =	vld [tilespmem:s9+$0x0]  }
0x624: {  	v27 =	vadd.s32 v1, v22;
	v25 =	vld [tilespmem:s11+$0xFFFFFE60];
	[tilespmem:v12+s5+$0x0] =	vst.idx.msk $0xffff, v9;
	v9 =	vmul.f32 $8.000000000e+00, v16  }
0x625: {  	v29 =	vadd.s32 v3, v5;
	v5 =	vmov v22;
	v28 =	vld [tilespmem:s11+$0xFFFFFEE0];
	[tilespmem:v11+s5+$0x0] =	vst.idx.msk $0xffff, v10;
	v10 =	vmul.f32 $8.000000000e+00, v17  }
.Ltmp23:
0x626: {  	v18 =	vadd.s32 v1, v4;
	v13 =	vld [tilespmem:s11+$0xFFFFFF60];
	v11 =	vmul.f32 $8.000000000e+00, v15;
	[tilespmem:v19+s5+$0x0] =	vst.idx.msk $0xffff, v9;
	(pc) =	sbr.rel @p0 .LBB2_48-.Ltmp23, $4  }
0x627: {  	v16 =	vadd.s32 v1, v21;
	v15 =	vmul.f32 $8.000000000e+00, v20;
	v12 =	vld [tilespmem:s9+$0xFFFFFF00];
	[tilespmem:v23+s5+$0x0] =	vst.idx.msk $0xffff, v10  }
0x628: {  	v9 =	vmov s8;
	v10 =	vadd.s32 v1, v26;
	[tilespmem:v14+s5+$0x0] =	vst.idx.msk $0xffff, v11;
	v11 =	vld [tilespmem:s9+$0xFFFFFF80];
	v23 =	vmul.f32 $8.000000000e+00, v24  }
0x629: {  	s13 =	sadd.s32 $0x3, s8;
	v9 =	vand.u32 $0x7C, v9;
	v20 =	vmul.f32 $8.000000000e+00, v25;
	[tilespmem:v27+s5+$0x0] =	vst.idx.msk $0xffff, v15;
	v14 =	vld [tilespmem:s9+$0xFFFFFE80];
	v15 =	vadd.s32 v3, v6;
	v6 =	vmovc v21;
	s9 =	smov.u32 s11;
	s11 =	sadd.s32 $0x200, s11  }
0x62a: {  	v22 =	vmov s13;
	v17 =	vadd.s32 v3, v7;
	v7 =	vmovc v26;
	s8 =	sadd.s32 $0x4, s8;
	v19 =	vld [tilespmem:s11+$0xFFFFFFD0];
	v21 =	vmul.f32 $8.000000000e+00, v28;
	[tilespmem:v29+s5+$0x0] =	vst.idx.msk $0xffff, v23  }
0x62b: {  	s8 =	sadd.s32 $0x1, s12;
	v22 =	vand.u32 $0x7F, v22;
	v28 =	vld [tilespmem:s11+$0xFFFFFE50]  }
0x62c: {  	s21 =	sadd.s32 $0x2, s12;
	v24 =	vld [tilespmem:s11+$0xFFFFFED0];
	v23 =	vmov s8;
	v25 =	vadd.s32 v0, v22  }
0x62d: {  	v27 =	vld [tilespmem:s11+$0xFFFFFF50];
	v51 =	vadd.s32 v0, v9;
	v26 =	vmov s21;
	v23 =	vand.u32 $0x7D, v23  }
0x62e: {  	v26 =	vand.u32 $0x7E, v26;
	v29 =	vadd.s32 v0, v23  }
0x62f: {  	[tilespmem:v18+s5+$0x0] =	vst.idx.msk $0xffff, v20;
	v30 =	vadd.s32 v0, v26;
	v19 =	vmul.f32 $8.000000000e+00, v19  }
0x630: {  	[tilespmem:v16+s5+$0x0] =	vst.idx.msk $0xffff, v21;
	v54 =	vmul.f32 $8.000000000e+00, v28  }
0x631: {  	v52 =	vmul.f32 $8.000000000e+00, v24;
	[tilespmem:v25+s5+$0x0] =	vst.idx.msk $0xffff, v19  }
0x632: {  	v53 =	vmul.f32 $8.000000000e+00, v27;
	v55 =	vld [tilespmem:s11+$0xFFFFFFE0];
	[tilespmem:v51+s5+$0x0] =	vst.idx.msk $0xffff, v54  }
0x633: {  	v13 =	vmul.f32 $8.000000000e+00, v13;
	v8 =	vadd.s32 v3, v8;
	[tilespmem:v29+s5+$0x0] =	vst.idx.msk $0xffff, v52;
	v59 =	vld [tilespmem:s11+$0xFFFFFE60]  }
0x634: {  	v12 =	vmul.f32 $8.000000000e+00, v12;
	v57 =	vadd.s32 v1, v22;
	[tilespmem:v30+s5+$0x0] =	vst.idx.msk $0xffff, v53;
	v56 =	vld [tilespmem:s11+$0xFFFFFEE0]  }
0x635: {  	[tilespmem:v10+s5+$0x0] =	vst.idx.msk $0xffff, v13;
	v58 =	vmul.f32 $8.000000000e+00, v11;
	v28 =	vadd.s32 v1, v9;
	v19 =	vld [tilespmem:s11+$0xFFFFFF60]  }
0x636: {  	v61 =	vld [tilespmem:s9+$0xFFFFFFF0];
	v60 =	vadd.s32 v1, v23;
	v14 =	vmul.f32 $8.000000000e+00, v14;
	[tilespmem:v15+s5+$0x0] =	vst.idx.msk $0xffff, v12  }
0x637: {  	v32 =	vld [tilespmem:s9+$0xFFFFFE70];
	v62 =	vadd.s32 v1, v26;
	[tilespmem:v17+s5+$0x0] =	vst.idx.msk $0xffff, v58;
	v16 =	vmul.f32 $8.000000000e+00, v55  }
0x638: {  	[tilespmem:v8+s5+$0x0] =	vst.idx.msk $0xffff, v14;
	v29 =	vadd.s32 v2, v5;
	v30 =	vld [tilespmem:s9+$0xFFFFFF70];
	v11 =	vmul.f32 $8.000000000e+00, v59  }
0x639: {  	v38 =	vadd.s32 v2, v4;
	v63 =	vld [tilespmem:s9+$0xFFFFFEF0];
	v31 =	vmul.f32 $8.000000000e+00, v56;
	[tilespmem:v57+s5+$0x0] =	vst.idx.msk $0xffff, v16  }
0x63a: {  	v35 =	vadd.s32 v2, v7;
	v34 =	vmul.f32 $8.000000000e+00, v19;
	v36 =	vld [tilespmem:s11+$0xFFFFFFF0];
	[tilespmem:v28+s5+$0x0] =	vst.idx.msk $0xffff, v11  }
0x63b: {  	v33 =	vadd.s32 v2, v6;
	v37 =	vmul.f32 $8.000000000e+00, v61;
	[tilespmem:v60+s5+$0x0] =	vst.idx.msk $0xffff, v31;
	v43 =	vld [tilespmem:s11+$0xFFFFFE70]  }
0x63c: {  	v40 =	vadd.s32 v2, v22;
	v14 =	vmul.f32 $8.000000000e+00, v32;
	[tilespmem:v62+s5+$0x0] =	vst.idx.msk $0xffff, v34;
	v39 =	vld [tilespmem:s11+$0xFFFFFEF0]  }
0x63d: {  	v48 =	vadd.s32 v2, v9;
	[tilespmem:v29+s5+$0x0] =	vst.idx.msk $0xffff, v37;
	v42 =	vmul.f32 $8.000000000e+00, v30;
	v41 =	vld [tilespmem:s11+$0xFFFFFF70]  }
0x63e: {  	v44 =	vadd.s32 v2, v23;
	v15 =	vmul.f32 $8.000000000e+00, v63;
	[tilespmem:v38+s5+$0x0] =	vst.idx.msk $0xffff, v14;
	v45 =	vld [tilespmem:s9+$0x0]  }
0x63f: {  	v46 =	vadd.s32 v2, v26;
	v14 =	vld [tilespmem:s9+$0xFFFFFE80];
	[tilespmem:v35+s5+$0x0] =	vst.idx.msk $0xffff, v42;
	v47 =	vmul.f32 $8.000000000e+00, v36  }
0x640: {  	v5 =	vadd.s32 v3, v5;
	[tilespmem:v33+s5+$0x0] =	vst.idx.msk $0xffff, v15;
	v49 =	vld [tilespmem:s9+$0xFFFFFF80];
	v53 =	vmul.f32 $8.000000000e+00, v43  }
0x641: {  	v4 =	vadd.s32 v3, v4;
	v21 =	vld [tilespmem:s9+$0xFFFFFF00];
	v12 =	vmul.f32 $8.000000000e+00, v39;
	[tilespmem:v40+s5+$0x0] =	vst.idx.msk $0xffff, v47  }
0x642: {  	v52 =	vadd.s32 v3, v7;
	v51 =	vmul.f32 $8.000000000e+00, v41;
	v10 =	vld [tilespmem:s11+$0x0];
	[tilespmem:v48+s5+$0x0] =	vst.idx.msk $0xffff, v53  }
0x643: {  	v50 =	vadd.s32 v3, v6;
	v54 =	vmul.f32 $8.000000000e+00, v45;
	[tilespmem:v44+s5+$0x0] =	vst.idx.msk $0xffff, v12;
	v59 =	vld [tilespmem:s11+$0xFFFFFE80]  }
0x644: {  	v57 =	vadd.s32 v3, v22;
	v14 =	vmul.f32 $8.000000000e+00, v14;
	[tilespmem:v46+s5+$0x0] =	vst.idx.msk $0xffff, v51;
	v55 =	vld [tilespmem:s11+$0xFFFFFF00]  }
0x645: {  	v62 =	vadd.s32 v3, v9;
	[tilespmem:v5+s5+$0x0] =	vst.idx.msk $0xffff, v54;
	v5 =	vmul.f32 $8.000000000e+00, v49;
	v58 =	vld [tilespmem:s11+$0xFFFFFF80]  }
0x646: {  	v56 =	vmul.f32 $8.000000000e+00, v21;
	v60 =	vadd.s32 v3, v23;
	[tilespmem:v4+s5+$0x0] =	vst.idx.msk $0xffff, v14  }
0x647: {  	v61 =	vadd.s32 v3, v26;
	[tilespmem:v52+s5+$0x0] =	vst.idx.msk $0xffff, v5;
	v5 =	vmul.f32 $8.000000000e+00, v10  }
0x648: {  	[tilespmem:v50+s5+$0x0] =	vst.idx.msk $0xffff, v56;
	v63 =	vmul.f32 $8.000000000e+00, v59  }
0x649: {  	v4 =	vmul.f32 $8.000000000e+00, v55;
	[tilespmem:v57+s5+$0x0] =	vst.idx.msk $0xffff, v5  }
0x64a: {  	v5 =	vmul.f32 $8.000000000e+00, v58;
	[tilespmem:v62+s5+$0x0] =	vst.idx.msk $0xffff, v63  }
0x64b: {  	[tilespmem:v60+s5+$0x0] =	vst.idx.msk $0xffff, v4  }
0x64c: {  	[tilespmem:v61+s5+$0x0] =	vst.idx.msk $0xffff, v5  }
0x64d: {  	s9 =	simm.s32 $0x1CA00;
	s14 =	rddreg [dreg:$0xb]  }
0x64e: {  	[hbm4b:s14+s3] =	stream.linear.scatter [tilespmem:s9], [sflag:$0x8], $0x80, $0x38;
	[tilespmem:$0x1EC00] =	vst v63  }
0x64f: {  	s11 =	simm.s32 $0x1CA88;
	s12 =	sadd.s32 $0x10, s14  }
0x650: {  	[hbm4b:s12+s3] =	stream.linear.scatter [tilespmem:s11], [sflag:$0x8], $0x80, $0x38;
	[tilespmem:$0x1EC00] =	vst v63  }
0x651: {  	s13 =	simm.s32 $0x1CB10;
	s16 =	simm.s32 $0x1CB98;
	s15 =	sadd.s32 $0x20, s14  }
0x652: {  	[hbm4b:s15+s3] =	stream.linear.scatter [tilespmem:s13], [sflag:$0x8], $0x80, $0x38;
	[tilespmem:$0x1EC00] =	vst v63  }
0x653: {  	s8 =	simm.s32 $0x440;
	s21 =	sadd.s32 $0x30, s14;
	s9 =	sadd.s32 $0x1000, s14  }
0x654: {  	[hbm4b:s21+s3] =	stream.linear.scatter [tilespmem:s16], [sflag:$0x8], $0x80, $0x38;
	[tilespmem:$0x1EC00] =	vst v63  }
0x655: {  	s11 =	simm.s32 $0x1CC20;
	s12 =	sadd.s32 $0x40, s14;
	s13 =	simm.s32 $0x1CCA8  }
0x656: {  	[hbm4b:s12+s3] =	stream.linear.scatter [tilespmem:s11], [sflag:$0x8], $0x80, $0x38;
	[tilespmem:$0x1EC00] =	vst v63  }
0x657: {  	s15 =	sadd.s32 $0x50, s14;
	s16 =	simm.s32 $0x1CD30;
	s21 =	sadd.s32 $0x60, s14  }
0x658: {  	[hbm4b:s15+s3] =	stream.linear.scatter [tilespmem:s13], [sflag:$0x8], $0x80, $0x38;
	[tilespmem:$0x1EC00] =	vst v63  }
0x659: {  	s11 =	simm.s32 $0x2200;
	s12 =	simm.s32 $0x1CDB8;
	s13 =	sadd.s32 $0x70, s14  }
0x65a: {  	[hbm4b:s21+s3] =	stream.linear.scatter [tilespmem:s16], [sflag:$0x8], $0x80, $0x38;
	[tilespmem:$0x1EC00] =	vst v63  }
.LBB2_50:
0x65b: {  	[hbm4b:s13+s3] =	stream.linear.scatter [tilespmem:s12], [sflag:$0x8], $0x80, $0x38;
	[tilespmem:$0x1EC00] =	vst v63  }
0x65c: {  	s12 =	smov.u32 s8;
	s8 =	smov.u32 s11  }
0x65d: {  	s14 =	sadd.s32 $0x1100, s11;
	s8 =	sshra.s32 s8, $0x2;
	s13 =	sadd.s32 $0x1CA00, s12  }
0x65e: {  	[hbm4b:s9+s3] =	stream.linear.scatter [tilespmem:s13], [sflag:$0x8], $0x80, $0x38;
	[tilespmem:$0x1EC00] =	vst v63  }
0x65f: {  	p0 =	sne.s32 s11, $0x7700;
	s11 =	sadd.s32 $0x1CA88, s12;
	s13 =	sadd.s32 $0x10, s9  }
0x660: {  	[hbm4b:s13+s3] =	stream.linear.scatter [tilespmem:s11], [sflag:$0x8], $0x80, $0x38;
	[tilespmem:$0x1EC00] =	vst v63  }
0x661: {  	s11 =	sadd.s32 $0x1CB10, s12;
	s13 =	sadd.s32 $0x20, s9  }
0x662: {  	[hbm4b:s13+s3] =	stream.linear.scatter [tilespmem:s11], [sflag:$0x8], $0x80, $0x38;
	[tilespmem:$0x1EC00] =	vst v63  }
0x663: {  	s11 =	sadd.s32 $0x1CB98, s12;
	s13 =	sadd.s32 $0x30, s9  }
0x664: {  	[hbm4b:s13+s3] =	stream.linear.scatter [tilespmem:s11], [sflag:$0x8], $0x80, $0x38;
	[tilespmem:$0x1EC00] =	vst v63  }
0x665: {  	s11 =	sadd.s32 $0x1CC20, s12;
	s13 =	sadd.s32 $0x40, s9  }
0x666: {  	[hbm4b:s13+s3] =	stream.linear.scatter [tilespmem:s11], [sflag:$0x8], $0x80, $0x38;
	[tilespmem:$0x1EC00] =	vst v63  }
.Ltmp24:
0x667: {  	s11 =	sadd.s32 $0x1CCA8, s12;
	s13 =	sadd.s32 $0x50, s9;
	(pc) =	sbr.rel @p0 .LBB2_50-.Ltmp24, $4  }
0x668: {  	[hbm4b:s13+s3] =	stream.linear.scatter [tilespmem:s11], [sflag:$0x8], $0x80, $0x38;
	[tilespmem:$0x1EC00] =	vst v63  }
0x669: {  	s11 =	sadd.s32 $0x1CD30, s12;
	s13 =	sadd.s32 $0x60, s9;
	s12 =	sadd.s32 $0x1CDB8, s12  }
0x66a: {  	[hbm4b:s13+s3] =	stream.linear.scatter [tilespmem:s11], [sflag:$0x8], $0x80, $0x38;
	[tilespmem:$0x1EC00] =	vst v63  }
0x66b: {  	s13 =	sadd.s32 $0x70, s9;
	s9 =	sadd.s32 $0x1000, s9;
	s11 =	smov.u32 s14  }
0x66c: {  	[hbm4b:s13+s3] =	stream.linear.scatter [tilespmem:s12], [sflag:$0x8], $0x80, $0x38;
	[tilespmem:$0x1EC00] =	vst v63  }
0x66d: {  	s11 =	sadd.s32 $0x1CA00, s8  }
0x66e: {  	[hbm4b:s9+s3] =	stream.linear.scatter [tilespmem:s11], [sflag:$0x8], $0x80, $0x38;
	[tilespmem:$0x1EC00] =	vst v63  }
0x66f: {  	s14 =	sadd.s32 $0x1CA88, s8;
	s15 =	sadd.s32 $0x10, s9  }
0x670: {  	[hbm4b:s15+s3] =	stream.linear.scatter [tilespmem:s14], [sflag:$0x8], $0x80, $0x38;
	[tilespmem:$0x1EC00] =	vst v63  }
0x671: {  	s16 =	sadd.s32 $0x1CB10, s8;
	s21 =	sadd.s32 $0x20, s9  }
0x672: {  	[hbm4b:s21+s3] =	stream.linear.scatter [tilespmem:s16], [sflag:$0x8], $0x80, $0x38;
	[tilespmem:$0x1EC00] =	vst v63  }
0x673: {  	s12 =	sadd.s32 $0x1CB98, s8;
	s13 =	sadd.s32 $0x30, s9  }
0x674: {  	[hbm4b:s13+s3] =	stream.linear.scatter [tilespmem:s12], [sflag:$0x8], $0x80, $0x38;
	[tilespmem:$0x1EC00] =	vst v63  }
0x675: {  	s14 =	sadd.s32 $0x1CC20, s8;
	s15 =	sadd.s32 $0x40, s9  }
0x676: {  	[hbm4b:s15+s3] =	stream.linear.scatter [tilespmem:s14], [sflag:$0x8], $0x80, $0x38;
	[tilespmem:$0x1EC00] =	vst v63  }
0x677: {  	s16 =	sadd.s32 $0x1CCA8, s8;
	s21 =	sadd.s32 $0x50, s9  }
0x678: {  	[hbm4b:s21+s3] =	stream.linear.scatter [tilespmem:s16], [sflag:$0x8], $0x80, $0x38;
	[tilespmem:$0x1EC00] =	vst v63  }
0x679: {  	s12 =	sadd.s32 $0x1CD30, s8;
	s13 =	sadd.s32 $0x60, s9  }
0x67a: {  	[hbm4b:s13+s3] =	stream.linear.scatter [tilespmem:s12], [sflag:$0x8], $0x80, $0x38;
	[tilespmem:$0x1EC00] =	vst v63  }
0x67b: {  	s14 =	sadd.s32 $0x1CDB8, s8;
	s15 =	sadd.s32 $0x70, s9  }
0x67c: {  	[hbm4b:s15+s3] =	stream.linear.scatter [tilespmem:s14], [sflag:$0x8], $0x80, $0x38;
	[tilespmem:$0x1EC00] =	vst v63  }
0x67d: {  	_ =	swait.ge [sflag:s1], $0x2000  }
0x67e: {  	[sflag:s1] =	ssyncset.done $0x0  }
0x67f: {  	[sflag:s1] =	ssyncadd.s32 $0xFFFFE000  }
0x680: {  	_ =	swait.ge [sflag:s28], $0x2000  }
0x681: {  	[sflag:s28] =	ssyncset.done $0x0  }
0x682: {  	[sflag:s28] =	ssyncadd.s32 $0xFFFFE000  }
0x683: {  	_ =	swait.ge [sflag:s17], $0x2000  }
0x684: {  	[sflag:s17] =	ssyncset.done $0x0  }
0x685: {  	[sflag:s17] =	ssyncadd.s32 $0xFFFFE000  }
0x686: {  	_ =	swait.ge [sflag:s20], $0x2000  }
0x687: {  	s16 =	rddreg [dreg:$0xd]  }
0x688: {  	s21 =	rddreg [dreg:$0xc];
	s9 =	sadd.s32 $0x1, s16  }
0x689: {  	p0 =	sne.s32 s9, s21  }
.Ltmp25:
0x68a: {  	_ = 	snop;
	(pc) =	sbr.rel @p0 .LBB2_1-.Ltmp25, $3  }
0x68b: {  	_ =	sdelay $0x1  }
0x68c: {  	[sflag:s20] =	ssyncset.done $0x0  }
0x68d: {  	[sflag:s20] =	ssyncadd.s32 $0xFFFFE000  }
0x68e: {  	_ =	sfence.sel $0x180000  }
0x68f: {  	[bflag:$0x0] =	sbarrier.arrive $0xFFFF  }
0x690: {  	_ =	strace $0x90000047  }
0x691: {  	s0 =	stileid.u32;
	[bflag:$0x2] =	sbarrier.arrive $0xFFFF  }
0x692: {  	p0 =	sne.s32 s0, $0x0;
	s0 =	rddreg [dreg:$0x2]  }
0x693: {  	s0 =	sadd.s32 @!p0 $0x100000, s0  }
0x694: {  	[sflag:s0] =	ssyncadd.tile.s32 @!p0 $0x1;
	_ =	shalt  }
.Lfunc_end2:
_tile_overlayer_lowered:
.L_overlay_start_2:
0x695: {  	(tag) =	ssettag $0x2  }
0x696: {  	s0 =	rddreg [dreg:$0x0];
	s2 =	stileid.u32  }
0x697: {  	s1 =	rddreg [dreg:$0x1];
	p0 =	sne.s32 s2, $0x0  }
0x698: {  	s3 =	rddreg [dreg:$0x2];
	[bflag:$0x3] =	sbarrier.arrive $0xFFFF;
	s2 =	simm.s32 @!p0 $0x1C09  }
0x699: {  	[timem:s3], [sflag:s2] =	dma.local @!p0 [hbm:s0], s1  }
0x69a: {  	s0 =	simm.s32 @!p0 $0x9  }
0x69b: {  	_ =	swait.ge @!p0 [sflag:s0], s1  }
0x69c: {  	s1 =	ssub.s32 @!p0 $0x0, s1;
	[sflag:s0] =	ssyncset.done @!p0 $0x0  }
0x69d: {  	[sflag:s0] =	ssyncadd.s32 @!p0 s1  }
0x69e: {  	[bflag:$0x3] =	sbarrier.arrive $0xFFFF  }
0x69f: {  	_ =	shalt  }

</sc_bundles>
